<compile_context>
chip_gen: v7x
topology: tpu7x:2x2x1
jax: 0.10.2.dev20260603
libtpu: 0.0.44.dev20260713+nightly
codegen_flags: <defaults>
</compile_context>

<pallas_src>
import functools

import jax
import jax.numpy as jnp
from jax import lax
from jax.experimental import pallas as pl
from jax.experimental.pallas import tpu as pltpu
from jax.experimental.pallas import tpu_sc as plsc

_N = 10000
_NP = 10240
_E = 320000
_F = 128
_NC = 2
_NS = 16
_NW = _NC * _NS
_EW = _E // _NW
_C = 80
_NCHUNK = _EW // _C
_RPS = 624
_TAIL0 = _RPS * _NS
_TAILN = _N - _TAIL0
_RB = 1000
_GRID = (_N // _RB,)


def _mesh():
    return plsc.VectorSubcoreMesh(core_axis_name="c", subcore_axis_name="s")


def _shard_copy(sid, src, dst):
    r0 = sid * _RPS
    pltpu.sync_copy(src.at[pl.ds(r0, _RPS)], dst.at[pl.ds(r0, _RPS)])

    @pl.when(sid == _NS - 1)
    def _():
        pltpu.sync_copy(src.at[pl.ds(_TAIL0, _TAILN)], dst.at[pl.ds(_TAIL0, _TAILN)])


def _sc_degree(dst, z80):
    @functools.partial(
        pl.kernel,
        out_type=jax.ShapeDtypeStruct((_NC, _NS, _NP), jnp.float32),
        mesh=_mesh(),
        compiler_params=pltpu.CompilerParams(needs_layout_passes=False),
        scratch_types=[
            pltpu.VMEM((_NCHUNK, _C), jnp.int32),
            pltpu.VMEM((_NP,), jnp.float32),
        ],
    )
    def k(dst_hbm, z_hbm, out_hbm, dstv, dpriv):
        cid = lax.axis_index("c")
        sid = lax.axis_index("s")
        wid = cid * _NS + sid
        pltpu.sync_copy(z_hbm, dpriv)
        pltpu.sync_copy(dst_hbm.at[wid], dstv)
        ones = jnp.ones((16,), jnp.float32)

        def body(g, carry):
            for j in range(_C // 16):
                idx = dstv[g, pl.ds(j * 16, 16)]
                plsc.addupdate_scatter(dpriv, [idx], ones)
            return carry

        lax.fori_loop(0, _NCHUNK, body, 0)
        pltpu.sync_copy(dpriv, out_hbm.at[cid, sid])

    return k(dst, z80)


_SC_C = 40
_NB = 5
_NR = _EW // (_SC_C * _NB)


def _sc_spmm(u, src, dst, zeros):
    f = u.shape[1]
    params = None
    if f != _F:
        params = pltpu.CompilerParams(use_tc_tiling_on_sc=False)

    @functools.partial(
        pl.kernel,
        out_type=jax.ShapeDtypeStruct((_NC, _N, f), jnp.float32),
        mesh=_mesh(),
        compiler_params=params,
        scratch_types=[
            pltpu.VMEM((_EW,), jnp.int32),
            pltpu.VMEM((_NB, _SC_C), jnp.int32),
            pltpu.VMEM((_NB, _SC_C, f), jnp.float32),
            pltpu.SemaphoreType.DMA((_NB,)),
            pltpu.SemaphoreType.DMA((_NB,)),
            pltpu.SemaphoreType.DMA((_NB,)),
            pltpu.VMEM_SHARED((_N, f), jnp.float32),
        ],
    )
    def k(u_hbm, src_hbm, dst_hbm, z_hbm, out_hbm, srcv, d2, rows,
          semg, sems, semi, acc):
        cid = lax.axis_index("c")
        sid = lax.axis_index("s")
        wid = cid * _NS + sid
        e0 = wid * _EW
        pltpu.sync_copy(src_hbm.at[pl.ds(e0, _EW)], srcv)
        _shard_copy(sid, z_hbm, acc)
        plsc.subcore_barrier()

        def round_body(t, carry):
            c0 = t * _NB * _SC_C
            idxd = [
                pltpu.async_copy(
                    dst_hbm.at[pl.ds(e0 + c0 + b * _SC_C, _SC_C)],
                    d2.at[b], semi.at[b],
                )
                for b in range(_NB)
            ]
            gd = [
                pltpu.async_copy(
                    u_hbm.at[srcv.at[pl.ds(c0 + b * _SC_C, _SC_C)]],
                    rows.at[b], semg.at[b],
                )
                for b in range(_NB)
            ]
            sd = []
            for b in range(_NB):
                gd[b].wait()
                idxd[b].wait()
                sd.append(
                    pltpu.async_copy(rows.at[b], acc.at[d2.at[b]], sems.at[b],
                                     add=True)
                )
            for b in range(_NB):
                sd[b].wait()
            return carry

        lax.fori_loop(0, _NR, round_body, 0)
        plsc.subcore_barrier()
        _shard_copy(sid, acc, out_hbm.at[cid])

    return k(u, src, dst, zeros)


def _row_spec(f):
    return pl.BlockSpec((_RB, f), lambda i: (i, 0))


def _full_spec(r, c):
    return pl.BlockSpec((r, c), lambda i: (0, 0))


def _dot(a, b):
    return lax.dot_general(
        a, b, (((1,), (0,)), ((), ())),
        precision=lax.Precision.HIGHEST,
        preferred_element_type=jnp.float32,
    )


def _tc_rsqrt(degp):
    def body(d_ref, o_ref):
        o_ref[...] = lax.rsqrt(jnp.sum(d_ref[...], axis=(0, 1)) + 1.0)

    return pl.pallas_call(
        body,
        in_specs=[pl.BlockSpec((_NC, _NS, _NP), lambda: (0, 0, 0))],
        out_specs=pl.BlockSpec((_NP,), lambda: (0,)),
        out_shape=jax.ShapeDtypeStruct((_NP,), jnp.float32),
    )(degp)


def _tc_mm_scale(x, w, dis):
    kdim, f = w.shape

    def body(x_ref, w_ref, d_ref, o_ref):
        o_ref[...] = _dot(x_ref[...], w_ref[...]) * d_ref[...]

    return pl.pallas_call(
        body,
        grid=_GRID,
        in_specs=[_row_spec(kdim), _full_spec(kdim, f), _row_spec(1)],
        out_specs=_row_spec(f),
        out_shape=jax.ShapeDtypeStruct((_N, f), jnp.float32),
    )(x, w, dis)


def _tc_post1(s0, s1, u1, dis, b, wcat):
    def body(s0_ref, s1_ref, u_ref, d_ref, b_ref, w_ref, o_ref):
        h = d_ref[...] * (s0_ref[...] + s1_ref[...] + u_ref[...]) + b_ref[...]
        o_ref[...] = _dot(h, w_ref[...]) * d_ref[...]

    return pl.pallas_call(
        body,
        grid=_GRID,
        in_specs=[_row_spec(128), _row_spec(128), _row_spec(128), _row_spec(1),
                  _full_spec(1, 128), _full_spec(128, 64)],
        out_specs=_row_spec(64),
        out_shape=jax.ShapeDtypeStruct((_N, 64), jnp.float32),
    )(s0, s1, u1, dis, b, wcat)


def _tc_z(s0, s1, u2, dis, bcat, eps):
    def body(s0_ref, s1_ref, u_ref, d_ref, b_ref, e_ref, ml_ref, u3_ref):
        d = d_ref[...]
        ml = d * (s0_ref[...] + s1_ref[...] + u_ref[...]) + b_ref[...]
        ml_ref[...] = ml
        mu = ml[:, :32]
        lv = ml[:, 32:]
        z = mu + e_ref[...] * jnp.exp(0.5 * lv)
        u3_ref[...] = z * d

    return pl.pallas_call(
        body,
        grid=_GRID,
        in_specs=[_row_spec(64), _row_spec(64), _row_spec(64), _row_spec(1),
                  _full_spec(1, 64), _row_spec(32)],
        out_specs=[_row_spec(64), _row_spec(32)],
        out_shape=[jax.ShapeDtypeStruct((_N, 64), jnp.float32),
                   jax.ShapeDtypeStruct((_N, 32), jnp.float32)],
    )(s0, s1, u2, dis, bcat, eps)


def _tc_dec(s0, s1, u3, dis, w1, b1, w2):
    def body(s0_ref, s1_ref, u_ref, d_ref, w1_ref, b1_ref, w2_ref, o_ref):
        d = d_ref[...]
        az = d * (s0_ref[...] + s1_ref[...] + u_ref[...])
        z1 = jnp.maximum(_dot(az, w1_ref[...]) + b1_ref[...], 0.0)
        o_ref[...] = _dot(z1, w2_ref[...]) * d

    return pl.pallas_call(
        body,
        grid=_GRID,
        in_specs=[_row_spec(32), _row_spec(32), _row_spec(32), _row_spec(1),
                  _full_spec(32, 128), _full_spec(1, 128), _full_spec(128, 128)],
        out_specs=_row_spec(128),
        out_shape=jax.ShapeDtypeStruct((_N, 128), jnp.float32),
    )(s0, s1, u3, dis, w1, b1, w2)


def _tc_post4(s0, s1, u4, dis, b):
    def body(s0_ref, s1_ref, u_ref, d_ref, b_ref, o_ref):
        o_ref[...] = d_ref[...] * (s0_ref[...] + s1_ref[...] + u_ref[...]) + b_ref[...]

    return pl.pallas_call(
        body,
        grid=_GRID,
        in_specs=[_row_spec(128), _row_spec(128), _row_spec(128), _row_spec(1),
                  _full_spec(1, 128)],
        out_specs=_row_spec(128),
        out_shape=jax.ShapeDtypeStruct((_N, 128), jnp.float32),
    )(s0, s1, u4, dis, b)


def kernel(x, edge_index, enc_W, enc_b, mu_W, mu_b, lv_W, lv_b,
           dec1_W, dec1_b, dec2_W, dec2_b):
    src = edge_index[0]
    dst = edge_index[1]
    zf = jnp.zeros((_N, _F), jnp.float32)

    degp = _sc_degree(dst.reshape(_NW, _NCHUNK, _C), jnp.zeros((_NP,), jnp.float32))
    dis = _tc_rsqrt(degp).reshape(_NP, 1)[:_N]

    u1 = _tc_mm_scale(x, enc_W, dis)
    s1 = _sc_spmm(u1, src, dst, zf)

    wcat = jnp.concatenate([mu_W, lv_W], axis=1)
    bcat = jnp.concatenate([mu_b, lv_b]).reshape(1, 64)
    u2 = _tc_post1(s1[0], s1[1], u1, dis, enc_b.reshape(1, 128), wcat)
    s2 = _sc_spmm(u2, src, dst, jnp.zeros((_N, 64), jnp.float32))

    eps = jax.random.normal(jax.random.key(42), (_N, 32), dtype=jnp.float32)
    ml, u3 = _tc_z(s2[0], s2[1], u2, dis, bcat, eps)
    s3 = _sc_spmm(u3, src, dst, jnp.zeros((_N, 32), jnp.float32))

    u4 = _tc_dec(s3[0], s3[1], u3, dis, dec1_W, dec1_b.reshape(1, 128), dec2_W)
    s4 = _sc_spmm(u4, src, dst, zf)

    recon = _tc_post4(s4[0], s4[1], u4, dis, dec2_b.reshape(1, 128))
    return recon, ml[:, :32], ml[:, 32:]

# --- scband reference (transcript-rebuilt; emitter-appended) ---
"""Pipeline reference for scband-enhanced-variational-gnnautoencoder-8890582302924 (READ-ONLY COPY).

The authoritative reference and input builder live on the scoring server;
editing this copy changes nothing except your own understanding.
"""

import jax, jax.numpy as jnp
import numpy as np

N = 10000
E = 320000
D = 128
H = 128
L = 32


def setup_inputs(seed: int = 0):
    key = jax.random.key(seed)
    ks = jax.random.split(key, 12)
    inp = {}
    inp["x"] = jax.random.normal(ks[0], (N, D), dtype=jnp.float32)
    inp["edge_index"] = jax.random.randint(ks[1], (2, E), 0, N, dtype=jnp.int32)
    # GCNConv parameters (encoder 128->128, mu/logvar 128->32, decoder 32->128, 128->128)
    inp["enc_W"] = jax.random.normal(ks[2], (D, H), dtype=jnp.float32) * 0.05
    inp["enc_b"] = jnp.zeros((H,), dtype=jnp.float32)
    inp["mu_W"] = jax.random.normal(ks[3], (H, L), dtype=jnp.float32) * 0.05
    inp["mu_b"] = jnp.zeros((L,), dtype=jnp.float32)
    inp["lv_W"] = jax.random.normal(ks[4], (H, L), dtype=jnp.float32) * 0.05
    inp["lv_b"] = jnp.zeros((L,), dtype=jnp.float32)
    inp["dec1_W"] = jax.random.normal(ks[5], (L, H), dtype=jnp.float32) * 0.05
    inp["dec1_b"] = jnp.zeros((H,), dtype=jnp.float32)
    inp["dec2_W"] = jax.random.normal(ks[6], (H, D), dtype=jnp.float32) * 0.05
    inp["dec2_b"] = jnp.zeros((D,), dtype=jnp.float32)
    return inp


def _gcn(x, src, dst, deg_inv_sqrt, W, b):
    n = x.shape[0]
    xw = x @ W
    norm = deg_inv_sqrt[src] * deg_inv_sqrt[dst]
    msg = jnp.take(xw, src, axis=0) * norm[:, None]
    out = jnp.zeros((n, W.shape[1]), dtype=x.dtype).at[dst].add(msg)
    return out + b


def reference(x, edge_index, enc_W, enc_b, mu_W, mu_b, lv_W, lv_b, dec1_W, dec1_b, dec2_W, dec2_b):
    n = x.shape[0]
    loop = jnp.arange(n, dtype=edge_index.dtype)
    src = jnp.concatenate([edge_index[0], loop])
    dst = jnp.concatenate([edge_index[1], loop])
    deg = jnp.zeros((n,), jnp.float32).at[dst].add(1.0)
    dis = jax.lax.rsqrt(deg)
    # encoder (single layer; no relu after the last encoder layer, matching torch)
    h = _gcn(x, src, dst, dis, enc_W, enc_b)
    mu = _gcn(h, src, dst, dis, mu_W, mu_b)
    logvar = _gcn(h, src, dst, dis, lv_W, lv_b)
    # reparameterize with a fixed key (torch uses randn_like)
    eps = jax.random.normal(jax.random.key(42), mu.shape, dtype=mu.dtype)
    z = mu + eps * jnp.exp(0.5 * logvar)
    # decoder: 32->128 with relu, then 128->128 (last layer, no relu)
    z1 = jax.nn.relu(_gcn(z, src, dst, dis, dec1_W, dec1_b))
    recon = _gcn(z1, src, dst, dis, dec2_W, dec2_b)
    return (recon, mu, logvar)

if __name__ == "__main__":
    import jax
    _d = setup_inputs()
    print(jax.jit(kernel)(*tuple(_d.values())))

</pallas_src>

<mosaic_0001>
#map = affine_map<(d0, d1) -> (0, 0, 0)>
#map1 = affine_map<(d0, d1) -> (0)>
module attributes {stable_mosaic.version = 14 : i64} {
  func.func @k(%arg0: i32, %arg1: i32, %arg2: memref<32x125x80xi32, #tpu.memory_space<hbm>>, %arg3: memref<10240xf32, #tpu.memory_space<hbm>>, %arg4: memref<2x16x10240xf32, #tpu.memory_space<hbm>>, %arg5: memref<125x80xi32, #tpu.memory_space<vmem>>, %arg6: memref<10240xf32, #tpu.memory_space<vmem>>) attributes {dimension_semantics = [#tpu.dimension_semantics<core_parallel>, #tpu.dimension_semantics<subcore_parallel>], iteration_bounds = array<i64: 2, 16>, scalar_prefetch = 0 : i64, scratch_operands = 2 : i64, tpu.core_type = #tpu.core_type<sc_vector_subcore>, window_params = [{transform_indices = #map}, {transform_indices = #map1}, {transform_indices = #map}]} {
    %mul3A = arith.constant 16 : i32
    %mul3A_0 = arith.muli %arg0, %mul3A : i32
    %add3A = arith.addi %mul3A_0, %arg1 : i32
    "tpu.region"() ({
      %run_scoped3A = tpu.sem_alloc : memref<!tpu.dma_semaphore, #tpu.memory_space<semaphore_mem>>
      tpu.enqueue_dma source(%arg3 : memref<10240xf32, #tpu.memory_space<hbm>>) target(%arg6 : memref<10240xf32, #tpu.memory_space<vmem>>) target_semaphore(%run_scoped3A : memref<!tpu.dma_semaphore, #tpu.memory_space<semaphore_mem>>)
      tpu.wait_dma2 semaphore(%run_scoped3A : memref<!tpu.dma_semaphore, #tpu.memory_space<semaphore_mem>>) src(%arg3 : memref<10240xf32, #tpu.memory_space<hbm>>) dst(%arg6 : memref<10240xf32, #tpu.memory_space<vmem>>)
      tpu.yield
    }) : () -> ()
    "tpu.region"() ({
      %run_scoped3A = tpu.sem_alloc : memref<!tpu.dma_semaphore, #tpu.memory_space<semaphore_mem>>
      %dma_start3A = arith.constant 0 : i32
      %dma_start3A_7 = arith.constant 0 : i32
      %dma_start3A_8 = tpu.memref_slice %arg2[%add3A, %dma_start3A, %dma_start3A_7] : memref<32x125x80xi32, #tpu.memory_space<hbm>> -> memref<1x125x80xi32, #tpu.memory_space<hbm>>
      %dma_start3A_9 = tpu.memref_squeeze %dma_start3A_8 : memref<1x125x80xi32, #tpu.memory_space<hbm>> -> memref<125x80xi32, #tpu.memory_space<hbm>>
      %dma_start3A_10 = arith.constant 0 : i32
      %dma_start3A_11 = arith.constant 0 : i32
      %dma_start3A_12 = tpu.memref_slice %arg2[%add3A, %dma_start3A_10, %dma_start3A_11] : memref<32x125x80xi32, #tpu.memory_space<hbm>> -> memref<1x125x80xi32, #tpu.memory_space<hbm>>
      %dma_start3A_13 = tpu.memref_squeeze %dma_start3A_12 : memref<1x125x80xi32, #tpu.memory_space<hbm>> -> memref<125x80xi32, #tpu.memory_space<hbm>>
      tpu.enqueue_dma source(%dma_start3A_13 : memref<125x80xi32, #tpu.memory_space<hbm>>) target(%arg5 : memref<125x80xi32, #tpu.memory_space<vmem>>) target_semaphore(%run_scoped3A : memref<!tpu.dma_semaphore, #tpu.memory_space<semaphore_mem>>)
      %dma_wait3A = arith.constant 0 : i32
      %dma_wait3A_14 = arith.constant 0 : i32
      %dma_wait3A_15 = tpu.memref_slice %arg2[%add3A, %dma_wait3A, %dma_wait3A_14] : memref<32x125x80xi32, #tpu.memory_space<hbm>> -> memref<1x125x80xi32, #tpu.memory_space<hbm>>
      %dma_wait3A_16 = tpu.memref_squeeze %dma_wait3A_15 : memref<1x125x80xi32, #tpu.memory_space<hbm>> -> memref<125x80xi32, #tpu.memory_space<hbm>>
      %dma_wait3A_17 = arith.constant 0 : i32
      %dma_wait3A_18 = arith.constant 0 : i32
      %dma_wait3A_19 = tpu.memref_slice %arg2[%add3A, %dma_wait3A_17, %dma_wait3A_18] : memref<32x125x80xi32, #tpu.memory_space<hbm>> -> memref<1x125x80xi32, #tpu.memory_space<hbm>>
      %dma_wait3A_20 = tpu.memref_squeeze %dma_wait3A_19 : memref<1x125x80xi32, #tpu.memory_space<hbm>> -> memref<125x80xi32, #tpu.memory_space<hbm>>
      tpu.wait_dma2 semaphore(%run_scoped3A : memref<!tpu.dma_semaphore, #tpu.memory_space<semaphore_mem>>) src(%dma_wait3A_20 : memref<125x80xi32, #tpu.memory_space<hbm>>) dst(%arg5 : memref<125x80xi32, #tpu.memory_space<vmem>>)
      tpu.yield
    }) : () -> ()
    %broadcast_in_dim3A = arith.constant 1.000000e+00 : f32
    %broadcast_in_dim3A_1 = vector.broadcast %broadcast_in_dim3A : f32 to vector<16xf32>
    %scan3A = arith.constant 0 : i32
    %scan3A_2 = arith.constant 0 : i32
    %scan3A_3 = arith.constant 125 : i32
    %scan3A_4 = arith.addi %scan3A_2, %scan3A_3 : i32
    %scan3A_5 = arith.constant 1 : i32
    scf.for %scan3A_7 = %scan3A_2 to %scan3A_4 step %scan3A_5  : i32 {
      %get3A = arith.index_cast %scan3A_7 : i32 to index
      %get3A_8 = arith.constant 0 : index
      %get3A_9 = tpu.vector_load %arg5[%get3A, %get3A_8] {strides = array<i32>} : memref<125x80xi32, #tpu.memory_space<vmem>>, vector<16xi32>,
      tpu.vector_store_idx %arg6[%get3A_9], %broadcast_in_dim3A_1 {add = true} : memref<10240xf32, #tpu.memory_space<vmem>>[vector<16xi32>], vector<16xf32>,
      %get3A_10 = arith.index_cast %scan3A_7 : i32 to index
      %get3A_11 = arith.constant 16 : index
      %get3A_12 = tpu.vector_load %arg5[%get3A_10, %get3A_11] {strides = array<i32>} : memref<125x80xi32, #tpu.memory_space<vmem>>, vector<16xi32>,
      tpu.vector_store_idx %arg6[%get3A_12], %broadcast_in_dim3A_1 {add = true} : memref<10240xf32, #tpu.memory_space<vmem>>[vector<16xi32>], vector<16xf32>,
      %get3A_13 = arith.index_cast %scan3A_7 : i32 to index
      %get3A_14 = arith.constant 32 : index
      %get3A_15 = tpu.vector_load %arg5[%get3A_13, %get3A_14] {strides = array<i32>} : memref<125x80xi32, #tpu.memory_space<vmem>>, vector<16xi32>,
      tpu.vector_store_idx %arg6[%get3A_15], %broadcast_in_dim3A_1 {add = true} : memref<10240xf32, #tpu.memory_space<vmem>>[vector<16xi32>], vector<16xf32>,
      %get3A_16 = arith.index_cast %scan3A_7 : i32 to index
      %get3A_17 = arith.constant 48 : index
      %get3A_18 = tpu.vector_load %arg5[%get3A_16, %get3A_17] {strides = array<i32>} : memref<125x80xi32, #tpu.memory_space<vmem>>, vector<16xi32>,
      tpu.vector_store_idx %arg6[%get3A_18], %broadcast_in_dim3A_1 {add = true} : memref<10240xf32, #tpu.memory_space<vmem>>[vector<16xi32>], vector<16xf32>,
      %get3A_19 = arith.index_cast %scan3A_7 : i32 to index
      %get3A_20 = arith.constant 64 : index
      %get3A_21 = tpu.vector_load %arg5[%get3A_19, %get3A_20] {strides = array<i32>} : memref<125x80xi32, #tpu.memory_space<vmem>>, vector<16xi32>,
      tpu.vector_store_idx %arg6[%get3A_21], %broadcast_in_dim3A_1 {add = true} : memref<10240xf32, #tpu.memory_space<vmem>>[vector<16xi32>], vector<16xf32>,
    }
    %scan3A_6 = arith.constant 125 : i32
    "tpu.region"() ({
      %run_scoped3A = tpu.sem_alloc : memref<!tpu.dma_semaphore, #tpu.memory_space<semaphore_mem>>
      %dma_start3A = arith.constant 0 : i32
      %dma_start3A_7 = tpu.memref_slice %arg4[%arg0, %arg1, %dma_start3A] : memref<2x16x10240xf32, #tpu.memory_space<hbm>> -> memref<1x1x10240xf32, #tpu.memory_space<hbm>>
      %dma_start3A_8 = tpu.memref_squeeze %dma_start3A_7 : memref<1x1x10240xf32, #tpu.memory_space<hbm>> -> memref<10240xf32, #tpu.memory_space<hbm>>
      %dma_start3A_9 = arith.constant 0 : i32
      %dma_start3A_10 = tpu.memref_slice %arg4[%arg0, %arg1, %dma_start3A_9] : memref<2x16x10240xf32, #tpu.memory_space<hbm>> -> memref<1x1x10240xf32, #tpu.memory_space<hbm>>
      %dma_start3A_11 = tpu.memref_squeeze %dma_start3A_10 : memref<1x1x10240xf32, #tpu.memory_space<hbm>> -> memref<10240xf32, #tpu.memory_space<hbm>>
      tpu.enqueue_dma source(%arg6 : memref<10240xf32, #tpu.memory_space<vmem>>) target(%dma_start3A_11 : memref<10240xf32, #tpu.memory_space<hbm>>) target_semaphore(%run_scoped3A : memref<!tpu.dma_semaphore, #tpu.memory_space<semaphore_mem>>)
      %dma_wait3A = arith.constant 0 : i32
      %dma_wait3A_12 = tpu.memref_slice %arg4[%arg0, %arg1, %dma_wait3A] : memref<2x16x10240xf32, #tpu.memory_space<hbm>> -> memref<1x1x10240xf32, #tpu.memory_space<hbm>>
      %dma_wait3A_13 = tpu.memref_squeeze %dma_wait3A_12 : memref<1x1x10240xf32, #tpu.memory_space<hbm>> -> memref<10240xf32, #tpu.memory_space<hbm>>
      %dma_wait3A_14 = arith.constant 0 : i32
      %dma_wait3A_15 = tpu.memref_slice %arg4[%arg0, %arg1, %dma_wait3A_14] : memref<2x16x10240xf32, #tpu.memory_space<hbm>> -> memref<1x1x10240xf32, #tpu.memory_space<hbm>>
      %dma_wait3A_16 = tpu.memref_squeeze %dma_wait3A_15 : memref<1x1x10240xf32, #tpu.memory_space<hbm>> -> memref<10240xf32, #tpu.memory_space<hbm>>
      tpu.wait_dma2 semaphore(%run_scoped3A : memref<!tpu.dma_semaphore, #tpu.memory_space<semaphore_mem>>) src(%arg6 : memref<10240xf32, #tpu.memory_space<vmem>>) dst(%dma_wait3A_16 : memref<10240xf32, #tpu.memory_space<hbm>>)
      tpu.yield
    }) : () -> ()
    return
  }
}

#map = affine_map<(d0, d1) -> (0, 0)>
#map1 = affine_map<(d0, d1) -> (0)>
#map2 = affine_map<(d0, d1) -> (0, 0, 0)>
module attributes {stable_mosaic.version = 14 : i64} {
  func.func @k(%arg0: i32, %arg1: i32, %arg2: memref<10000x64xf32, #tpu.memory_space<hbm>>, %arg3: memref<320000xi32, #tpu.memory_space<hbm>>, %arg4: memref<320000xi32, #tpu.memory_space<hbm>>, %arg5: memref<10000x64xf32, #tpu.memory_space<hbm>>, %arg6: memref<2x10000x64xf32, #tpu.memory_space<hbm>>, %arg7: memref<10000xi32, #tpu.memory_space<vmem>>, %arg8: memref<5x40xi32, #tpu.memory_space<vmem>>, %arg9: memref<5x40x64xf32, #tpu.memory_space<vmem>>, %arg10: memref<5x!tpu.dma_semaphore, #tpu.memory_space<semaphore_mem>>, %arg11: memref<5x!tpu.dma_semaphore, #tpu.memory_space<semaphore_mem>>, %arg12: memref<5x!tpu.dma_semaphore, #tpu.memory_space<semaphore_mem>>, %arg13: memref<10000x64xf32, #tpu.memory_space<vmem_shared>>) attributes {dimension_semantics = [#tpu.dimension_semantics<core_parallel>, #tpu.dimension_semantics<subcore_parallel>], iteration_bounds = array<i64: 2, 16>, scalar_prefetch = 0 : i64, scratch_operands = 7 : i64, tpu.core_type = #tpu.core_type<sc_vector_subcore>, window_params = [{transform_indices = #map}, {transform_indices = #map1}, {transform_indices = #map1}, {transform_indices = #map}, {transform_indices = #map2}]} {
    %mul3A = arith.constant 16 : i32
    %mul3A_0 = arith.muli %arg0, %mul3A : i32
    %add3A = arith.addi %mul3A_0, %arg1 : i32
    %mul3A_1 = arith.constant 10000 : i32
    %mul3A_2 = arith.muli %add3A, %mul3A_1 : i32
    "tpu.region"() ({
      %run_scoped3A = tpu.sem_alloc : memref<!tpu.dma_semaphore, #tpu.memory_space<semaphore_mem>>
      %dma_start3A = tpu.memref_slice %arg3[%mul3A_2] : memref<320000xi32, #tpu.memory_space<hbm>> -> memref<10000xi32, #tpu.memory_space<hbm>>
      %dma_start3A_20 = tpu.memref_slice %arg3[%mul3A_2] : memref<320000xi32, #tpu.memory_space<hbm>> -> memref<10000xi32, #tpu.memory_space<hbm>>
      tpu.enqueue_dma source(%dma_start3A_20 : memref<10000xi32, #tpu.memory_space<hbm>>) target(%arg7 : memref<10000xi32, #tpu.memory_space<vmem>>) target_semaphore(%run_scoped3A : memref<!tpu.dma_semaphore, #tpu.memory_space<semaphore_mem>>)
      %dma_wait3A = tpu.memref_slice %arg3[%mul3A_2] : memref<320000xi32, #tpu.memory_space<hbm>> -> memref<10000xi32, #tpu.memory_space<hbm>>
      %dma_wait3A_21 = tpu.memref_slice %arg3[%mul3A_2] : memref<320000xi32, #tpu.memory_space<hbm>> -> memref<10000xi32, #tpu.memory_space<hbm>>
      tpu.wait_dma2 semaphore(%run_scoped3A : memref<!tpu.dma_semaphore, #tpu.memory_space<semaphore_mem>>) src(%dma_wait3A_21 : memref<10000xi32, #tpu.memory_space<hbm>>) dst(%arg7 : memref<10000xi32, #tpu.memory_space<vmem>>)
      tpu.yield
    }) : () -> ()
    %mul3A_3 = arith.constant 624 : i32
    %mul3A_4 = arith.muli %arg1, %mul3A_3 : i32
    "tpu.region"() ({
      %run_scoped3A = tpu.sem_alloc : memref<!tpu.dma_semaphore, #tpu.memory_space<semaphore_mem>>
      %dma_start3A = arith.constant 0 : i32
      %dma_start3A_20 = tpu.memref_slice %arg13[%mul3A_4, %dma_start3A] : memref<10000x64xf32, #tpu.memory_space<vmem_shared>> -> memref<624x64xf32, #tpu.memory_space<vmem_shared>>
      %dma_start3A_21 = arith.constant 0 : i32
      %dma_start3A_22 = tpu.memref_slice %arg5[%mul3A_4, %dma_start3A_21] : memref<10000x64xf32, #tpu.memory_space<hbm>> -> memref<624x64xf32, #tpu.memory_space<hbm>>
      tpu.enqueue_dma source(%dma_start3A_22 : memref<624x64xf32, #tpu.memory_space<hbm>>) target(%dma_start3A_20 : memref<624x64xf32, #tpu.memory_space<vmem_shared>>) target_semaphore(%run_scoped3A : memref<!tpu.dma_semaphore, #tpu.memory_space<semaphore_mem>>)
      %dma_wait3A = arith.constant 0 : i32
      %dma_wait3A_23 = tpu.memref_slice %arg13[%mul3A_4, %dma_wait3A] : memref<10000x64xf32, #tpu.memory_space<vmem_shared>> -> memref<624x64xf32, #tpu.memory_space<vmem_shared>>
      %dma_wait3A_24 = arith.constant 0 : i32
      %dma_wait3A_25 = tpu.memref_slice %arg5[%mul3A_4, %dma_wait3A_24] : memref<10000x64xf32, #tpu.memory_space<hbm>> -> memref<624x64xf32, #tpu.memory_space<hbm>>
      tpu.wait_dma2 semaphore(%run_scoped3A : memref<!tpu.dma_semaphore, #tpu.memory_space<semaphore_mem>>) src(%dma_wait3A_25 : memref<624x64xf32, #tpu.memory_space<hbm>>) dst(%dma_wait3A_23 : memref<624x64xf32, #tpu.memory_space<vmem_shared>>)
      tpu.yield
    }) : () -> ()
    %eq3A = arith.constant 15 : i32
    %eq3A_5 = arith.cmpi eq, %arg1, %eq3A : i32
    %convert_element_type3A = arith.extui %eq3A_5 : i1 to i32
    %cond3A = arith.constant 0 : i32
    %cond3A_6 = arith.cmpi ne, %convert_element_type3A, %cond3A : i32
    scf.if %cond3A_6 {
      "tpu.region"() ({
        %run_scoped3A = tpu.sem_alloc : memref<!tpu.dma_semaphore, #tpu.memory_space<semaphore_mem>>
        %dma_start3A = arith.constant 9984 : i32
        %dma_start3A_20 = arith.constant 0 : i32
        %dma_start3A_21 = tpu.memref_slice %arg13[%dma_start3A, %dma_start3A_20] : memref<10000x64xf32, #tpu.memory_space<vmem_shared>> -> memref<16x64xf32, #tpu.memory_space<vmem_shared>>
        %dma_start3A_22 = arith.constant 9984 : i32
        %dma_start3A_23 = arith.constant 0 : i32
        %dma_start3A_24 = tpu.memref_slice %arg5[%dma_start3A_22, %dma_start3A_23] : memref<10000x64xf32, #tpu.memory_space<hbm>> -> memref<16x64xf32, #tpu.memory_space<hbm>>
        tpu.enqueue_dma source(%dma_start3A_24 : memref<16x64xf32, #tpu.memory_space<hbm>>) target(%dma_start3A_21 : memref<16x64xf32, #tpu.memory_space<vmem_shared>>) target_semaphore(%run_scoped3A : memref<!tpu.dma_semaphore, #tpu.memory_space<semaphore_mem>>)
        %dma_wait3A = arith.constant 9984 : i32
        %dma_wait3A_25 = arith.constant 0 : i32
        %dma_wait3A_26 = tpu.memref_slice %arg13[%dma_wait3A, %dma_wait3A_25] : memref<10000x64xf32, #tpu.memory_space<vmem_shared>> -> memref<16x64xf32, #tpu.memory_space<vmem_shared>>
        %dma_wait3A_27 = arith.constant 9984 : i32
        %dma_wait3A_28 = arith.constant 0 : i32
        %dma_wait3A_29 = tpu.memref_slice %arg5[%dma_wait3A_27, %dma_wait3A_28] : memref<10000x64xf32, #tpu.memory_space<hbm>> -> memref<16x64xf32, #tpu.memory_space<hbm>>
        tpu.wait_dma2 semaphore(%run_scoped3A : memref<!tpu.dma_semaphore, #tpu.memory_space<semaphore_mem>>) src(%dma_wait3A_29 : memref<16x64xf32, #tpu.memory_space<hbm>>) dst(%dma_wait3A_26 : memref<16x64xf32, #tpu.memory_space<vmem_shared>>)
        tpu.yield
      }) : () -> ()
    } else {
    }
    %barrier3A = arith.constant 0 : index
    tpu.barrier barrier_id(%barrier3A)
    %scan3A = arith.constant 0 : i32
    %scan3A_7 = arith.constant 0 : i32
    %scan3A_8 = arith.constant 50 : i32
    %scan3A_9 = arith.addi %scan3A_7, %scan3A_8 : i32
    %scan3A_10 = arith.constant 1 : i32
    scf.for %scan3A_20 = %scan3A_7 to %scan3A_9 step %scan3A_10  : i32 {
      %mul3A_21 = arith.constant 5 : i32
      %mul3A_22 = arith.muli %scan3A_20, %mul3A_21 : i32
      %mul3A_23 = arith.constant 40 : i32
      %mul3A_24 = arith.muli %mul3A_22, %mul3A_23 : i32
      %add3A_25 = arith.addi %mul3A_2, %mul3A_24 : i32
      %add3A_26 = arith.constant 0 : i32
      %add3A_27 = arith.addi %add3A_25, %add3A_26 : i32
      %dma_start3A = arith.constant 0 : i32
      %dma_start3A_28 = arith.constant 0 : i32
      %dma_start3A_29 = arith.constant 0 : i32
      %dma_start3A_30 = tpu.memref_slice %arg8[%dma_start3A, %dma_start3A_29] : memref<5x40xi32, #tpu.memory_space<vmem>> -> memref<1x40xi32, #tpu.memory_space<vmem>>
      %dma_start3A_31 = tpu.memref_squeeze %dma_start3A_30 : memref<1x40xi32, #tpu.memory_space<vmem>> -> memref<40xi32, #tpu.memory_space<vmem>>
      %dma_start3A_32 = tpu.memref_slice %arg4[%add3A_27] : memref<320000xi32, #tpu.memory_space<hbm>> -> memref<40xi32, #tpu.memory_space<hbm>>
      %dma_start3A_33 = tpu.memref_slice %arg12[%dma_start3A_28] : memref<5x!tpu.dma_semaphore, #tpu.memory_space<semaphore_mem>> -> memref<1x!tpu.dma_semaphore, #tpu.memory_space<semaphore_mem>>
      %dma_start3A_34 = tpu.memref_squeeze %dma_start3A_33 : memref<1x!tpu.dma_semaphore, #tpu.memory_space<semaphore_mem>> -> memref<!tpu.dma_semaphore, #tpu.memory_space<semaphore_mem>>
      %dma_start3A_35 = arith.constant 0 : i32
      %dma_start3A_36 = tpu.memref_slice %arg8[%dma_start3A, %dma_start3A_35] : memref<5x40xi32, #tpu.memory_space<vmem>> -> memref<1x40xi32, #tpu.memory_space<vmem>>
      %dma_start3A_37 = tpu.memref_squeeze %dma_start3A_36 : memref<1x40xi32, #tpu.memory_space<vmem>> -> memref<40xi32, #tpu.memory_space<vmem>>
      %dma_start3A_38 = tpu.memref_slice %arg4[%add3A_27] : memref<320000xi32, #tpu.memory_space<hbm>> -> memref<40xi32, #tpu.memory_space<hbm>>
      tpu.enqueue_dma source(%dma_start3A_38 : memref<40xi32, #tpu.memory_space<hbm>>) target(%dma_start3A_37 : memref<40xi32, #tpu.memory_space<vmem>>) target_semaphore(%dma_start3A_34 : memref<!tpu.dma_semaphore, #tpu.memory_space<semaphore_mem>>)
      %add3A_39 = arith.addi %mul3A_2, %mul3A_24 : i32
      %add3A_40 = arith.constant 40 : i32
      %add3A_41 = arith.addi %add3A_39, %add3A_40 : i32
      %dma_start3A_42 = arith.constant 1 : i32
      %dma_start3A_43 = arith.constant 1 : i32
      %dma_start3A_44 = arith.constant 0 : i32
      %dma_start3A_45 = tpu.memref_slice %arg8[%dma_start3A_42, %dma_start3A_44] : memref<5x40xi32, #tpu.memory_space<vmem>> -> memref<1x40xi32, #tpu.memory_space<vmem>>
      %dma_start3A_46 = tpu.memref_squeeze %dma_start3A_45 : memref<1x40xi32, #tpu.memory_space<vmem>> -> memref<40xi32, #tpu.memory_space<vmem>>
      %dma_start3A_47 = tpu.memref_slice %arg4[%add3A_41] : memref<320000xi32, #tpu.memory_space<hbm>> -> memref<40xi32, #tpu.memory_space<hbm>>
      %dma_start3A_48 = tpu.memref_slice %arg12[%dma_start3A_43] : memref<5x!tpu.dma_semaphore, #tpu.memory_space<semaphore_mem>> -> memref<1x!tpu.dma_semaphore, #tpu.memory_space<semaphore_mem>>
      %dma_start3A_49 = tpu.memref_squeeze %dma_start3A_48 : memref<1x!tpu.dma_semaphore, #tpu.memory_space<semaphore_mem>> -> memref<!tpu.dma_semaphore, #tpu.memory_space<semaphore_mem>>
      %dma_start3A_50 = arith.constant 0 : i32
      %dma_start3A_51 = tpu.memref_slice %arg8[%dma_start3A_42, %dma_start3A_50] : memref<5x40xi32, #tpu.memory_space<vmem>> -> memref<1x40xi32, #tpu.memory_space<vmem>>
      %dma_start3A_52 = tpu.memref_squeeze %dma_start3A_51 : memref<1x40xi32, #tpu.memory_space<vmem>> -> memref<40xi32, #tpu.memory_space<vmem>>
      %dma_start3A_53 = tpu.memref_slice %arg4[%add3A_41] : memref<320000xi32, #tpu.memory_space<hbm>> -> memref<40xi32, #tpu.memory_space<hbm>>
      tpu.enqueue_dma source(%dma_start3A_53 : memref<40xi32, #tpu.memory_space<hbm>>) target(%dma_start3A_52 : memref<40xi32, #tpu.memory_space<vmem>>) target_semaphore(%dma_start3A_49 : memref<!tpu.dma_semaphore, #tpu.memory_space<semaphore_mem>>)
      %add3A_54 = arith.addi %mul3A_2, %mul3A_24 : i32
      %add3A_55 = arith.constant 80 : i32
      %add3A_56 = arith.addi %add3A_54, %add3A_55 : i32
      %dma_start3A_57 = arith.constant 2 : i32
      %dma_start3A_58 = arith.constant 2 : i32
      %dma_start3A_59 = arith.constant 0 : i32
      %dma_start3A_60 = tpu.memref_slice %arg8[%dma_start3A_57, %dma_start3A_59] : memref<5x40xi32, #tpu.memory_space<vmem>> -> memref<1x40xi32, #tpu.memory_space<vmem>>
      %dma_start3A_61 = tpu.memref_squeeze %dma_start3A_60 : memref<1x40xi32, #tpu.memory_space<vmem>> -> memref<40xi32, #tpu.memory_space<vmem>>
      %dma_start3A_62 = tpu.memref_slice %arg4[%add3A_56] : memref<320000xi32, #tpu.memory_space<hbm>> -> memref<40xi32, #tpu.memory_space<hbm>>
      %dma_start3A_63 = tpu.memref_slice %arg12[%dma_start3A_58] : memref<5x!tpu.dma_semaphore, #tpu.memory_space<semaphore_mem>> -> memref<1x!tpu.dma_semaphore, #tpu.memory_space<semaphore_mem>>
      %dma_start3A_64 = tpu.memref_squeeze %dma_start3A_63 : memref<1x!tpu.dma_semaphore, #tpu.memory_space<semaphore_mem>> -> memref<!tpu.dma_semaphore, #tpu.memory_space<semaphore_mem>>
      %dma_start3A_65 = arith.constant 0 : i32
      %dma_start3A_66 = tpu.memref_slice %arg8[%dma_start3A_57, %dma_start3A_65] : memref<5x40xi32, #tpu.memory_space<vmem>> -> memref<1x40xi32, #tpu.memory_space<vmem>>
      %dma_start3A_67 = tpu.memref_squeeze %dma_start3A_66 : memref<1x40xi32, #tpu.memory_space<vmem>> -> memref<40xi32, #tpu.memory_space<vmem>>
      %dma_start3A_68 = tpu.memref_slice %arg4[%add3A_56] : memref<320000xi32, #tpu.memory_space<hbm>> -> memref<40xi32, #tpu.memory_space<hbm>>
      tpu.enqueue_dma source(%dma_start3A_68 : memref<40xi32, #tpu.memory_space<hbm>>) target(%dma_start3A_67 : memref<40xi32, #tpu.memory_space<vmem>>) target_semaphore(%dma_start3A_64 : memref<!tpu.dma_semaphore, #tpu.memory_space<semaphore_mem>>)
      %add3A_69 = arith.addi %mul3A_2, %mul3A_24 : i32
      %add3A_70 = arith.constant 120 : i32
      %add3A_71 = arith.addi %add3A_69, %add3A_70 : i32
      %dma_start3A_72 = arith.constant 3 : i32
      %dma_start3A_73 = arith.constant 3 : i32
      %dma_start3A_74 = arith.constant 0 : i32
      %dma_start3A_75 = tpu.memref_slice %arg8[%dma_start3A_72, %dma_start3A_74] : memref<5x40xi32, #tpu.memory_space<vmem>> -> memref<1x40xi32, #tpu.memory_space<vmem>>
      %dma_start3A_76 = tpu.memref_squeeze %dma_start3A_75 : memref<1x40xi32, #tpu.memory_space<vmem>> -> memref<40xi32, #tpu.memory_space<vmem>>
      %dma_start3A_77 = tpu.memref_slice %arg4[%add3A_71] : memref<320000xi32, #tpu.memory_space<hbm>> -> memref<40xi32, #tpu.memory_space<hbm>>
      %dma_start3A_78 = tpu.memref_slice %arg12[%dma_start3A_73] : memref<5x!tpu.dma_semaphore, #tpu.memory_space<semaphore_mem>> -> memref<1x!tpu.dma_semaphore, #tpu.memory_space<semaphore_mem>>
      %dma_start3A_79 = tpu.memref_squeeze %dma_start3A_78 : memref<1x!tpu.dma_semaphore, #tpu.memory_space<semaphore_mem>> -> memref<!tpu.dma_semaphore, #tpu.memory_space<semaphore_mem>>
      %dma_start3A_80 = arith.constant 0 : i32
      %dma_start3A_81 = tpu.memref_slice %arg8[%dma_start3A_72, %dma_start3A_80] : memref<5x40xi32, #tpu.memory_space<vmem>> -> memref<1x40xi32, #tpu.memory_space<vmem>>
      %dma_start3A_82 = tpu.memref_squeeze %dma_start3A_81 : memref<1x40xi32, #tpu.memory_space<vmem>> -> memref<40xi32, #tpu.memory_space<vmem>>
      %dma_start3A_83 = tpu.memref_slice %arg4[%add3A_71] : memref<320000xi32, #tpu.memory_space<hbm>> -> memref<40xi32, #tpu.memory_space<hbm>>
      tpu.enqueue_dma source(%dma_start3A_83 : memref<40xi32, #tpu.memory_space<hbm>>) target(%dma_start3A_82 : memref<40xi32, #tpu.memory_space<vmem>>) target_semaphore(%dma_start3A_79 : memref<!tpu.dma_semaphore, #tpu.memory_space<semaphore_mem>>)
      %add3A_84 = arith.addi %mul3A_2, %mul3A_24 : i32
      %add3A_85 = arith.constant 160 : i32
      %add3A_86 = arith.addi %add3A_84, %add3A_85 : i32
      %dma_start3A_87 = arith.constant 4 : i32
      %dma_start3A_88 = arith.constant 4 : i32
      %dma_start3A_89 = arith.constant 0 : i32
      %dma_start3A_90 = tpu.memref_slice %arg8[%dma_start3A_87, %dma_start3A_89] : memref<5x40xi32, #tpu.memory_space<vmem>> -> memref<1x40xi32, #tpu.memory_space<vmem>>
      %dma_start3A_91 = tpu.memref_squeeze %dma_start3A_90 : memref<1x40xi32, #tpu.memory_space<vmem>> -> memref<40xi32, #tpu.memory_space<vmem>>
      %dma_start3A_92 = tpu.memref_slice %arg4[%add3A_86] : memref<320000xi32, #tpu.memory_space<hbm>> -> memref<40xi32, #tpu.memory_space<hbm>>
      %dma_start3A_93 = tpu.memref_slice %arg12[%dma_start3A_88] : memref<5x!tpu.dma_semaphore, #tpu.memory_space<semaphore_mem>> -> memref<1x!tpu.dma_semaphore, #tpu.memory_space<semaphore_mem>>
      %dma_start3A_94 = tpu.memref_squeeze %dma_start3A_93 : memref<1x!tpu.dma_semaphore, #tpu.memory_space<semaphore_mem>> -> memref<!tpu.dma_semaphore, #tpu.memory_space<semaphore_mem>>
      %dma_start3A_95 = arith.constant 0 : i32
      %dma_start3A_96 = tpu.memref_slice %arg8[%dma_start3A_87, %dma_start3A_95] : memref<5x40xi32, #tpu.memory_space<vmem>> -> memref<1x40xi32, #tpu.memory_space<vmem>>
      %dma_start3A_97 = tpu.memref_squeeze %dma_start3A_96 : memref<1x40xi32, #tpu.memory_space<vmem>> -> memref<40xi32, #tpu.memory_space<vmem>>
      %dma_start3A_98 = tpu.memref_slice %arg4[%add3A_86] : memref<320000xi32, #tpu.memory_space<hbm>> -> memref<40xi32, #tpu.memory_space<hbm>>
      tpu.enqueue_dma source(%dma_start3A_98 : memref<40xi32, #tpu.memory_space<hbm>>) target(%dma_start3A_97 : memref<40xi32, #tpu.memory_space<vmem>>) target_semaphore(%dma_start3A_94 : memref<!tpu.dma_semaphore, #tpu.memory_space<semaphore_mem>>)
      %add3A_99 = arith.constant 0 : i32
      %add3A_100 = arith.addi %mul3A_24, %add3A_99 : i32
      %dma_start3A_101 = arith.constant 0 : i32
      %dma_start3A_102 = arith.constant 0 : i32
      %dma_start3A_103 = arith.constant 0 : i32
      %dma_start3A_104 = arith.constant 0 : i32
      %dma_start3A_105 = tpu.memref_slice %arg9[%dma_start3A_101, %dma_start3A_103, %dma_start3A_104] : memref<5x40x64xf32, #tpu.memory_space<vmem>> -> memref<1x40x64xf32, #tpu.memory_space<vmem>>
      %dma_start3A_106 = tpu.memref_squeeze %dma_start3A_105 : memref<1x40x64xf32, #tpu.memory_space<vmem>> -> memref<40x64xf32, #tpu.memory_space<vmem>>
      %dma_start3A_107 = tpu.memref_slice %arg7[%add3A_100] : memref<10000xi32, #tpu.memory_space<vmem>> -> memref<40xi32, #tpu.memory_space<vmem>>
      %dma_start3A_108 = arith.constant 0 : i32
      %dma_start3A_109 = arith.constant 0 : i32
      %dma_start3A_110 = tpu.memref_slice %arg2[%dma_start3A_108, %dma_start3A_109] : memref<10000x64xf32, #tpu.memory_space<hbm>> -> memref<10000x64xf32, #tpu.memory_space<hbm>>
      %dma_start3A_111 = tpu.memref_slice %arg10[%dma_start3A_102] : memref<5x!tpu.dma_semaphore, #tpu.memory_space<semaphore_mem>> -> memref<1x!tpu.dma_semaphore, #tpu.memory_space<semaphore_mem>>
      %dma_start3A_112 = tpu.memref_squeeze %dma_start3A_111 : memref<1x!tpu.dma_semaphore, #tpu.memory_space<semaphore_mem>> -> memref<!tpu.dma_semaphore, #tpu.memory_space<semaphore_mem>>
      tpu.enqueue_indirect_dma source(%dma_start3A_110 : memref<10000x64xf32, #tpu.memory_space<hbm>>) target(%dma_start3A_106 : memref<40x64xf32, #tpu.memory_space<vmem>>) offsets(%dma_start3A_107 : memref<40xi32, #tpu.memory_space<vmem>>) semaphore(%dma_start3A_112 : memref<!tpu.dma_semaphore, #tpu.memory_space<semaphore_mem>>)
      %add3A_113 = arith.constant 40 : i32
      %add3A_114 = arith.addi %mul3A_24, %add3A_113 : i32
      %dma_start3A_115 = arith.constant 1 : i32
      %dma_start3A_116 = arith.constant 1 : i32
      %dma_start3A_117 = arith.constant 0 : i32
      %dma_start3A_118 = arith.constant 0 : i32
      %dma_start3A_119 = tpu.memref_slice %arg9[%dma_start3A_115, %dma_start3A_117, %dma_start3A_118] : memref<5x40x64xf32, #tpu.memory_space<vmem>> -> memref<1x40x64xf32, #tpu.memory_space<vmem>>
      %dma_start3A_120 = tpu.memref_squeeze %dma_start3A_119 : memref<1x40x64xf32, #tpu.memory_space<vmem>> -> memref<40x64xf32, #tpu.memory_space<vmem>>
      %dma_start3A_121 = tpu.memref_slice %arg7[%add3A_114] : memref<10000xi32, #tpu.memory_space<vmem>> -> memref<40xi32, #tpu.memory_space<vmem>>
      %dma_start3A_122 = arith.constant 0 : i32
      %dma_start3A_123 = arith.constant 0 : i32
      %dma_start3A_124 = tpu.memref_slice %arg2[%dma_start3A_122, %dma_start3A_123] : memref<10000x64xf32, #tpu.memory_space<hbm>> -> memref<10000x64xf32, #tpu.memory_space<hbm>>
      %dma_start3A_125 = tpu.memref_slice %arg10[%dma_start3A_116] : memref<5x!tpu.dma_semaphore, #tpu.memory_space<semaphore_mem>> -> memref<1x!tpu.dma_semaphore, #tpu.memory_space<semaphore_mem>>
      %dma_start3A_126 = tpu.memref_squeeze %dma_start3A_125 : memref<1x!tpu.dma_semaphore, #tpu.memory_space<semaphore_mem>> -> memref<!tpu.dma_semaphore, #tpu.memory_space<semaphore_mem>>
      tpu.enqueue_indirect_dma source(%dma_start3A_124 : memref<10000x64xf32, #tpu.memory_space<hbm>>) target(%dma_start3A_120 : memref<40x64xf32, #tpu.memory_space<vmem>>) offsets(%dma_start3A_121 : memref<40xi32, #tpu.memory_space<vmem>>) semaphore(%dma_start3A_126 : memref<!tpu.dma_semaphore, #tpu.memory_space<semaphore_mem>>)
      %add3A_127 = arith.constant 80 : i32
      %add3A_128 = arith.addi %mul3A_24, %add3A_127 : i32
      %dma_start3A_129 = arith.constant 2 : i32
      %dma_start3A_130 = arith.constant 2 : i32
      %dma_start3A_131 = arith.constant 0 : i32
      %dma_start3A_132 = arith.constant 0 : i32
      %dma_start3A_133 = tpu.memref_slice %arg9[%dma_start3A_129, %dma_start3A_131, %dma_start3A_132] : memref<5x40x64xf32, #tpu.memory_space<vmem>> -> memref<1x40x64xf32, #tpu.memory_space<vmem>>
      %dma_start3A_134 = tpu.memref_squeeze %dma_start3A_133 : memref<1x40x64xf32, #tpu.memory_space<vmem>> -> memref<40x64xf32, #tpu.memory_space<vmem>>
      %dma_start3A_135 = tpu.memref_slice %arg7[%add3A_128] : memref<10000xi32, #tpu.memory_space<vmem>> -> memref<40xi32, #tpu.memory_space<vmem>>
      %dma_start3A_136 = arith.constant 0 : i32
      %dma_start3A_137 = arith.constant 0 : i32
      %dma_start3A_138 = tpu.memref_slice %arg2[%dma_start3A_136, %dma_start3A_137] : memref<10000x64xf32, #tpu.memory_space<hbm>> -> memref<10000x64xf32, #tpu.memory_space<hbm>>
      %dma_start3A_139 = tpu.memref_slice %arg10[%dma_start3A_130] : memref<5x!tpu.dma_semaphore, #tpu.memory_space<semaphore_mem>> -> memref<1x!tpu.dma_semaphore, #tpu.memory_space<semaphore_mem>>
      %dma_start3A_140 = tpu.memref_squeeze %dma_start3A_139 : memref<1x!tpu.dma_semaphore, #tpu.memory_space<semaphore_mem>> -> memref<!tpu.dma_semaphore, #tpu.memory_space<semaphore_mem>>
      tpu.enqueue_indirect_dma source(%dma_start3A_138 : memref<10000x64xf32, #tpu.memory_space<hbm>>) target(%dma_start3A_134 : memref<40x64xf32, #tpu.memory_space<vmem>>) offsets(%dma_start3A_135 : memref<40xi32, #tpu.memory_space<vmem>>) semaphore(%dma_start3A_140 : memref<!tpu.dma_semaphore, #tpu.memory_space<semaphore_mem>>)
      %add3A_141 = arith.constant 120 : i32
      %add3A_142 = arith.addi %mul3A_24, %add3A_141 : i32
      %dma_start3A_143 = arith.constant 3 : i32
      %dma_start3A_144 = arith.constant 3 : i32
      %dma_start3A_145 = arith.constant 0 : i32
      %dma_start3A_146 = arith.constant 0 : i32
      %dma_start3A_147 = tpu.memref_slice %arg9[%dma_start3A_143, %dma_start3A_145, %dma_start3A_146] : memref<5x40x64xf32, #tpu.memory_space<vmem>> -> memref<1x40x64xf32, #tpu.memory_space<vmem>>
      %dma_start3A_148 = tpu.memref_squeeze %dma_start3A_147 : memref<1x40x64xf32, #tpu.memory_space<vmem>> -> memref<40x64xf32, #tpu.memory_space<vmem>>
      %dma_start3A_149 = tpu.memref_slice %arg7[%add3A_142] : memref<10000xi32, #tpu.memory_space<vmem>> -> memref<40xi32, #tpu.memory_space<vmem>>
      %dma_start3A_150 = arith.constant 0 : i32
      %dma_start3A_151 = arith.constant 0 : i32
      %dma_start3A_152 = tpu.memref_slice %arg2[%dma_start3A_150, %dma_start3A_151] : memref<10000x64xf32, #tpu.memory_space<hbm>> -> memref<10000x64xf32, #tpu.memory_space<hbm>>
      %dma_start3A_153 = tpu.memref_slice %arg10[%dma_start3A_144] : memref<5x!tpu.dma_semaphore, #tpu.memory_space<semaphore_mem>> -> memref<1x!tpu.dma_semaphore, #tpu.memory_space<semaphore_mem>>
      %dma_start3A_154 = tpu.memref_squeeze %dma_start3A_153 : memref<1x!tpu.dma_semaphore, #tpu.memory_space<semaphore_mem>> -> memref<!tpu.dma_semaphore, #tpu.memory_space<semaphore_mem>>
      tpu.enqueue_indirect_dma source(%dma_start3A_152 : memref<10000x64xf32, #tpu.memory_space<hbm>>) target(%dma_start3A_148 : memref<40x64xf32, #tpu.memory_space<vmem>>) offsets(%dma_start3A_149 : memref<40xi32, #tpu.memory_space<vmem>>) semaphore(%dma_start3A_154 : memref<!tpu.dma_semaphore, #tpu.memory_space<semaphore_mem>>)
      %add3A_155 = arith.constant 160 : i32
      %add3A_156 = arith.addi %mul3A_24, %add3A_155 : i32
      %dma_start3A_157 = arith.constant 4 : i32
      %dma_start3A_158 = arith.constant 4 : i32
      %dma_start3A_159 = arith.constant 0 : i32
      %dma_start3A_160 = arith.constant 0 : i32
      %dma_start3A_161 = tpu.memref_slice %arg9[%dma_start3A_157, %dma_start3A_159, %dma_start3A_160] : memref<5x40x64xf32, #tpu.memory_space<vmem>> -> memref<1x40x64xf32, #tpu.memory_space<vmem>>
      %dma_start3A_162 = tpu.memref_squeeze %dma_start3A_161 : memref<1x40x64xf32, #tpu.memory_space<vmem>> -> memref<40x64xf32, #tpu.memory_space<vmem>>
      %dma_start3A_163 = tpu.memref_slice %arg7[%add3A_156] : memref<10000xi32, #tpu.memory_space<vmem>> -> memref<40xi32, #tpu.memory_space<vmem>>
      %dma_start3A_164 = arith.constant 0 : i32
      %dma_start3A_165 = arith.constant 0 : i32
      %dma_start3A_166 = tpu.memref_slice %arg2[%dma_start3A_164, %dma_start3A_165] : memref<10000x64xf32, #tpu.memory_space<hbm>> -> memref<10000x64xf32, #tpu.memory_space<hbm>>
      %dma_start3A_167 = tpu.memref_slice %arg10[%dma_start3A_158] : memref<5x!tpu.dma_semaphore, #tpu.memory_space<semaphore_mem>> -> memref<1x!tpu.dma_semaphore, #tpu.memory_space<semaphore_mem>>
      %dma_start3A_168 = tpu.memref_squeeze %dma_start3A_167 : memref<1x!tpu.dma_semaphore, #tpu.memory_space<semaphore_mem>> -> memref<!tpu.dma_semaphore, #tpu.memory_space<semaphore_mem>>
      tpu.enqueue_indirect_dma source(%dma_start3A_166 : memref<10000x64xf32, #tpu.memory_space<hbm>>) target(%dma_start3A_162 : memref<40x64xf32, #tpu.memory_space<vmem>>) offsets(%dma_start3A_163 : memref<40xi32, #tpu.memory_space<vmem>>) semaphore(%dma_start3A_168 : memref<!tpu.dma_semaphore, #tpu.memory_space<semaphore_mem>>)
      %dma_wait3A = arith.constant 0 : i32
      %dma_wait3A_169 = arith.constant 0 : i32
      %dma_wait3A_170 = arith.constant 0 : i32
      %dma_wait3A_171 = arith.constant 0 : i32
      %dma_wait3A_172 = tpu.memref_slice %arg9[%dma_wait3A, %dma_wait3A_170, %dma_wait3A_171] : memref<5x40x64xf32, #tpu.memory_space<vmem>> -> memref<1x40x64xf32, #tpu.memory_space<vmem>>
      %dma_wait3A_173 = tpu.memref_squeeze %dma_wait3A_172 : memref<1x40x64xf32, #tpu.memory_space<vmem>> -> memref<40x64xf32, #tpu.memory_space<vmem>>
      %dma_wait3A_174 = tpu.memref_slice %arg7[%add3A_100] : memref<10000xi32, #tpu.memory_space<vmem>> -> memref<40xi32, #tpu.memory_space<vmem>>
      %dma_wait3A_175 = arith.constant 0 : i32
      %dma_wait3A_176 = arith.constant 0 : i32
      %dma_wait3A_177 = tpu.memref_slice %arg2[%dma_wait3A_175, %dma_wait3A_176] : memref<10000x64xf32, #tpu.memory_space<hbm>> -> memref<10000x64xf32, #tpu.memory_space<hbm>>
      %dma_wait3A_178 = tpu.memref_slice %arg10[%dma_wait3A_169] : memref<5x!tpu.dma_semaphore, #tpu.memory_space<semaphore_mem>> -> memref<1x!tpu.dma_semaphore, #tpu.memory_space<semaphore_mem>>
      %dma_wait3A_179 = tpu.memref_squeeze %dma_wait3A_178 : memref<1x!tpu.dma_semaphore, #tpu.memory_space<semaphore_mem>> -> memref<!tpu.dma_semaphore, #tpu.memory_space<semaphore_mem>>
      tpu.wait_indirect_dma semaphore(%dma_wait3A_179 : memref<!tpu.dma_semaphore, #tpu.memory_space<semaphore_mem>>) src(%dma_wait3A_177 : memref<10000x64xf32, #tpu.memory_space<hbm>>) dst(%dma_wait3A_173 : memref<40x64xf32, #tpu.memory_space<vmem>>)
      %dma_wait3A_180 = arith.constant 0 : i32
      %dma_wait3A_181 = arith.constant 0 : i32
      %dma_wait3A_182 = arith.constant 0 : i32
      %dma_wait3A_183 = tpu.memref_slice %arg8[%dma_wait3A_180, %dma_wait3A_182] : memref<5x40xi32, #tpu.memory_space<vmem>> -> memref<1x40xi32, #tpu.memory_space<vmem>>
      %dma_wait3A_184 = tpu.memref_squeeze %dma_wait3A_183 : memref<1x40xi32, #tpu.memory_space<vmem>> -> memref<40xi32, #tpu.memory_space<vmem>>
      %dma_wait3A_185 = tpu.memref_slice %arg4[%add3A_27] : memref<320000xi32, #tpu.memory_space<hbm>> -> memref<40xi32, #tpu.memory_space<hbm>>
      %dma_wait3A_186 = tpu.memref_slice %arg12[%dma_wait3A_181] : memref<5x!tpu.dma_semaphore, #tpu.memory_space<semaphore_mem>> -> memref<1x!tpu.dma_semaphore, #tpu.memory_space<semaphore_mem>>
      %dma_wait3A_187 = tpu.memref_squeeze %dma_wait3A_186 : memref<1x!tpu.dma_semaphore, #tpu.memory_space<semaphore_mem>> -> memref<!tpu.dma_semaphore, #tpu.memory_space<semaphore_mem>>
      %dma_wait3A_188 = arith.constant 0 : i32
      %dma_wait3A_189 = tpu.memref_slice %arg8[%dma_wait3A_180, %dma_wait3A_188] : memref<5x40xi32, #tpu.memory_space<vmem>> -> memref<1x40xi32, #tpu.memory_space<vmem>>
      %dma_wait3A_190 = tpu.memref_squeeze %dma_wait3A_189 : memref<1x40xi32, #tpu.memory_space<vmem>> -> memref<40xi32, #tpu.memory_space<vmem>>
      %dma_wait3A_191 = tpu.memref_slice %arg4[%add3A_27] : memref<320000xi32, #tpu.memory_space<hbm>> -> memref<40xi32, #tpu.memory_space<hbm>>
      tpu.wait_dma2 semaphore(%dma_wait3A_187 : memref<!tpu.dma_semaphore, #tpu.memory_space<semaphore_mem>>) src(%dma_wait3A_191 : memref<40xi32, #tpu.memory_space<hbm>>) dst(%dma_wait3A_190 : memref<40xi32, #tpu.memory_space<vmem>>)
      %dma_start3A_192 = arith.constant 0 : i32
      %dma_start3A_193 = arith.constant 0 : i32
      %dma_start3A_194 = arith.constant 0 : i32
      %dma_start3A_195 = arith.constant 0 : i32
      %dma_start3A_196 = arith.constant 0 : i32
      %dma_start3A_197 = tpu.memref_slice %arg9[%dma_start3A_192, %dma_start3A_195, %dma_start3A_196] : memref<5x40x64xf32, #tpu.memory_space<vmem>> -> memref<1x40x64xf32, #tpu.memory_space<vmem>>
      %dma_start3A_198 = tpu.memref_squeeze %dma_start3A_197 : memref<1x40x64xf32, #tpu.memory_space<vmem>> -> memref<40x64xf32, #tpu.memory_space<vmem>>
      %dma_start3A_199 = arith.constant 0 : i32
      %dma_start3A_200 = tpu.memref_slice %arg8[%dma_start3A_193, %dma_start3A_199] : memref<5x40xi32, #tpu.memory_space<vmem>> -> memref<1x40xi32, #tpu.memory_space<vmem>>
      %dma_start3A_201 = tpu.memref_squeeze %dma_start3A_200 : memref<1x40xi32, #tpu.memory_space<vmem>> -> memref<40xi32, #tpu.memory_space<vmem>>
      %dma_start3A_202 = arith.constant 0 : i32
      %dma_start3A_203 = arith.constant 0 : i32
      %dma_start3A_204 = tpu.memref_slice %arg13[%dma_start3A_202, %dma_start3A_203] : memref<10000x64xf32, #tpu.memory_space<vmem_shared>> -> memref<10000x64xf32, #tpu.memory_space<vmem_shared>>
      %dma_start3A_205 = tpu.memref_slice %arg11[%dma_start3A_194] : memref<5x!tpu.dma_semaphore, #tpu.memory_space<semaphore_mem>> -> memref<1x!tpu.dma_semaphore, #tpu.memory_space<semaphore_mem>>
      %dma_start3A_206 = tpu.memref_squeeze %dma_start3A_205 : memref<1x!tpu.dma_semaphore, #tpu.memory_space<semaphore_mem>> -> memref<!tpu.dma_semaphore, #tpu.memory_space<semaphore_mem>>
      tpu.enqueue_indirect_dma source(%dma_start3A_198 : memref<40x64xf32, #tpu.memory_space<vmem>>) target(%dma_start3A_204 : memref<10000x64xf32, #tpu.memory_space<vmem_shared>>) offsets(%dma_start3A_201 : memref<40xi32, #tpu.memory_space<vmem>>) semaphore(%dma_start3A_206 : memref<!tpu.dma_semaphore, #tpu.memory_space<semaphore_mem>>) {add = true}
      %dma_wait3A_207 = arith.constant 1 : i32
      %dma_wait3A_208 = arith.constant 1 : i32
      %dma_wait3A_209 = arith.constant 0 : i32
      %dma_wait3A_210 = arith.constant 0 : i32
      %dma_wait3A_211 = tpu.memref_slice %arg9[%dma_wait3A_207, %dma_wait3A_209, %dma_wait3A_210] : memref<5x40x64xf32, #tpu.memory_space<vmem>> -> memref<1x40x64xf32, #tpu.memory_space<vmem>>
      %dma_wait3A_212 = tpu.memref_squeeze %dma_wait3A_211 : memref<1x40x64xf32, #tpu.memory_space<vmem>> -> memref<40x64xf32, #tpu.memory_space<vmem>>
      %dma_wait3A_213 = tpu.memref_slice %arg7[%add3A_114] : memref<10000xi32, #tpu.memory_space<vmem>> -> memref<40xi32, #tpu.memory_space<vmem>>
      %dma_wait3A_214 = arith.constant 0 : i32
      %dma_wait3A_215 = arith.constant 0 : i32
      %dma_wait3A_216 = tpu.memref_slice %arg2[%dma_wait3A_214, %dma_wait3A_215] : memref<10000x64xf32, #tpu.memory_space<hbm>> -> memref<10000x64xf32, #tpu.memory_space<hbm>>
      %dma_wait3A_217 = tpu.memref_slice %arg10[%dma_wait3A_208] : memref<5x!tpu.dma_semaphore, #tpu.memory_space<semaphore_mem>> -> memref<1x!tpu.dma_semaphore, #tpu.memory_space<semaphore_mem>>
      %dma_wait3A_218 = tpu.memref_squeeze %dma_wait3A_217 : memref<1x!tpu.dma_semaphore, #tpu.memory_space<semaphore_mem>> -> memref<!tpu.dma_semaphore, #tpu.memory_space<semaphore_mem>>
      tpu.wait_indirect_dma semaphore(%dma_wait3A_218 : memref<!tpu.dma_semaphore, #tpu.memory_space<semaphore_mem>>) src(%dma_wait3A_216 : memref<10000x64xf32, #tpu.memory_space<hbm>>) dst(%dma_wait3A_212 : memref<40x64xf32, #tpu.memory_space<vmem>>)
      %dma_wait3A_219 = arith.constant 1 : i32
      %dma_wait3A_220 = arith.constant 1 : i32
      %dma_wait3A_221 = arith.constant 0 : i32
      %dma_wait3A_222 = tpu.memref_slice %arg8[%dma_wait3A_219, %dma_wait3A_221] : memref<5x40xi32, #tpu.memory_space<vmem>> -> memref<1x40xi32, #tpu.memory_space<vmem>>
      %dma_wait3A_223 = tpu.memref_squeeze %dma_wait3A_222 : memref<1x40xi32, #tpu.memory_space<vmem>> -> memref<40xi32, #tpu.memory_space<vmem>>
      %dma_wait3A_224 = tpu.memref_slice %arg4[%add3A_41] : memref<320000xi32, #tpu.memory_space<hbm>> -> memref<40xi32, #tpu.memory_space<hbm>>
      %dma_wait3A_225 = tpu.memref_slice %arg12[%dma_wait3A_220] : memref<5x!tpu.dma_semaphore, #tpu.memory_space<semaphore_mem>> -> memref<1x!tpu.dma_semaphore, #tpu.memory_space<semaphore_mem>>
      %dma_wait3A_226 = tpu.memref_squeeze %dma_wait3A_225 : memref<1x!tpu.dma_semaphore, #tpu.memory_space<semaphore_mem>> -> memref<!tpu.dma_semaphore, #tpu.memory_space<semaphore_mem>>
      %dma_wait3A_227 = arith.constant 0 : i32
      %dma_wait3A_228 = tpu.memref_slice %arg8[%dma_wait3A_219, %dma_wait3A_227] : memref<5x40xi32, #tpu.memory_space<vmem>> -> memref<1x40xi32, #tpu.memory_space<vmem>>
      %dma_wait3A_229 = tpu.memref_squeeze %dma_wait3A_228 : memref<1x40xi32, #tpu.memory_space<vmem>> -> memref<40xi32, #tpu.memory_space<vmem>>
      %dma_wait3A_230 = tpu.memref_slice %arg4[%add3A_41] : memref<320000xi32, #tpu.memory_space<hbm>> -> memref<40xi32, #tpu.memory_space<hbm>>
      tpu.wait_dma2 semaphore(%dma_wait3A_226 : memref<!tpu.dma_semaphore, #tpu.memory_space<semaphore_mem>>) src(%dma_wait3A_230 : memref<40xi32, #tpu.memory_space<hbm>>) dst(%dma_wait3A_229 : memref<40xi32, #tpu.memory_space<vmem>>)
      %dma_start3A_231 = arith.constant 1 : i32
      %dma_start3A_232 = arith.constant 1 : i32
      %dma_start3A_233 = arith.constant 1 : i32
      %dma_start3A_234 = arith.constant 0 : i32
      %dma_start3A_235 = arith.constant 0 : i32
      %dma_start3A_236 = tpu.memref_slice %arg9[%dma_start3A_231, %dma_start3A_234, %dma_start3A_235] : memref<5x40x64xf32, #tpu.memory_space<vmem>> -> memref<1x40x64xf32, #tpu.memory_space<vmem>>
      %dma_start3A_237 = tpu.memref_squeeze %dma_start3A_236 : memref<1x40x64xf32, #tpu.memory_space<vmem>> -> memref<40x64xf32, #tpu.memory_space<vmem>>
      %dma_start3A_238 = arith.constant 0 : i32
      %dma_start3A_239 = tpu.memref_slice %arg8[%dma_start3A_232, %dma_start3A_238] : memref<5x40xi32, #tpu.memory_space<vmem>> -> memref<1x40xi32, #tpu.memory_space<vmem>>
      %dma_start3A_240 = tpu.memref_squeeze %dma_start3A_239 : memref<1x40xi32, #tpu.memory_space<vmem>> -> memref<40xi32, #tpu.memory_space<vmem>>
      %dma_start3A_241 = arith.constant 0 : i32
      %dma_start3A_242 = arith.constant 0 : i32
      %dma_start3A_243 = tpu.memref_slice %arg13[%dma_start3A_241, %dma_start3A_242] : memref<10000x64xf32, #tpu.memory_space<vmem_shared>> -> memref<10000x64xf32, #tpu.memory_space<vmem_shared>>
      %dma_start3A_244 = tpu.memref_slice %arg11[%dma_start3A_233] : memref<5x!tpu.dma_semaphore, #tpu.memory_space<semaphore_mem>> -> memref<1x!tpu.dma_semaphore, #tpu.memory_space<semaphore_mem>>
      %dma_start3A_245 = tpu.memref_squeeze %dma_start3A_244 : memref<1x!tpu.dma_semaphore, #tpu.memory_space<semaphore_mem>> -> memref<!tpu.dma_semaphore, #tpu.memory_space<semaphore_mem>>
      tpu.enqueue_indirect_dma source(%dma_start3A_237 : memref<40x64xf32, #tpu.memory_space<vmem>>) target(%dma_start3A_243 : memref<10000x64xf32, #tpu.memory_space<vmem_shared>>) offsets(%dma_start3A_240 : memref<40xi32, #tpu.memory_space<vmem>>) semaphore(%dma_start3A_245 : memref<!tpu.dma_semaphore, #tpu.memory_space<semaphore_mem>>) {add = true}
      %dma_wait3A_246 = arith.constant 2 : i32
      %dma_wait3A_247 = arith.constant 2 : i32
      %dma_wait3A_248 = arith.constant 0 : i32
      %dma_wait3A_249 = arith.constant 0 : i32
      %dma_wait3A_250 = tpu.memref_slice %arg9[%dma_wait3A_246, %dma_wait3A_248, %dma_wait3A_249] : memref<5x40x64xf32, #tpu.memory_space<vmem>> -> memref<1x40x64xf32, #tpu.memory_space<vmem>>
      %dma_wait3A_251 = tpu.memref_squeeze %dma_wait3A_250 : memref<1x40x64xf32, #tpu.memory_space<vmem>> -> memref<40x64xf32, #tpu.memory_space<vmem>>
      %dma_wait3A_252 = tpu.memref_slice %arg7[%add3A_128] : memref<10000xi32, #tpu.memory_space<vmem>> -> memref<40xi32, #tpu.memory_space<vmem>>
      %dma_wait3A_253 = arith.constant 0 : i32
      %dma_wait3A_254 = arith.constant 0 : i32
      %dma_wait3A_255 = tpu.memref_slice %arg2[%dma_wait3A_253, %dma_wait3A_254] : memref<10000x64xf32, #tpu.memory_space<hbm>> -> memref<10000x64xf32, #tpu.memory_space<hbm>>
      %dma_wait3A_256 = tpu.memref_slice %arg10[%dma_wait3A_247] : memref<5x!tpu.dma_semaphore, #tpu.memory_space<semaphore_mem>> -> memref<1x!tpu.dma_semaphore, #tpu.memory_space<semaphore_mem>>
      %dma_wait3A_257 = tpu.memref_squeeze %dma_wait3A_256 : memref<1x!tpu.dma_semaphore, #tpu.memory_space<semaphore_mem>> -> memref<!tpu.dma_semaphore, #tpu.memory_space<semaphore_mem>>
      tpu.wait_indirect_dma semaphore(%dma_wait3A_257 : memref<!tpu.dma_semaphore, #tpu.memory_space<semaphore_mem>>) src(%dma_wait3A_255 : memref<10000x64xf32, #tpu.memory_space<hbm>>) dst(%dma_wait3A_251 : memref<40x64xf32, #tpu.memory_space<vmem>>)
      %dma_wait3A_258 = arith.constant 2 : i32
      %dma_wait3A_259 = arith.constant 2 : i32
      %dma_wait3A_260 = arith.constant 0 : i32
      %dma_wait3A_261 = tpu.memref_slice %arg8[%dma_wait3A_258, %dma_wait3A_260] : memref<5x40xi32, #tpu.memory_space<vmem>> -> memref<1x40xi32, #tpu.memory_space<vmem>>
      %dma_wait3A_262 = tpu.memref_squeeze %dma_wait3A_261 : memref<1x40xi32, #tpu.memory_space<vmem>> -> memref<40xi32, #tpu.memory_space<vmem>>
      %dma_wait3A_263 = tpu.memref_slice %arg4[%add3A_56] : memref<320000xi32, #tpu.memory_space<hbm>> -> memref<40xi32, #tpu.memory_space<hbm>>
      %dma_wait3A_264 = tpu.memref_slice %arg12[%dma_wait3A_259] : memref<5x!tpu.dma_semaphore, #tpu.memory_space<semaphore_mem>> -> memref<1x!tpu.dma_semaphore, #tpu.memory_space<semaphore_mem>>
      %dma_wait3A_265 = tpu.memref_squeeze %dma_wait3A_264 : memref<1x!tpu.dma_semaphore, #tpu.memory_space<semaphore_mem>> -> memref<!tpu.dma_semaphore, #tpu.memory_space<semaphore_mem>>
      %dma_wait3A_266 = arith.constant 0 : i32
      %dma_wait3A_267 = tpu.memref_slice %arg8[%dma_wait3A_258, %dma_wait3A_266] : memref<5x40xi32, #tpu.memory_space<vmem>> -> memref<1x40xi32, #tpu.memory_space<vmem>>
      %dma_wait3A_268 = tpu.memref_squeeze %dma_wait3A_267 : memref<1x40xi32, #tpu.memory_space<vmem>> -> memref<40xi32, #tpu.memory_space<vmem>>
      %dma_wait3A_269 = tpu.memref_slice %arg4[%add3A_56] : memref<320000xi32, #tpu.memory_space<hbm>> -> memref<40xi32, #tpu.memory_space<hbm>>
      tpu.wait_dma2 semaphore(%dma_wait3A_265 : memref<!tpu.dma_semaphore, #tpu.memory_space<semaphore_mem>>) src(%dma_wait3A_269 : memref<40xi32, #tpu.memory_space<hbm>>) dst(%dma_wait3A_268 : memref<40xi32, #tpu.memory_space<vmem>>)
      %dma_start3A_270 = arith.constant 2 : i32
      %dma_start3A_271 = arith.constant 2 : i32
      %dma_start3A_272 = arith.constant 2 : i32
      %dma_start3A_273 = arith.constant 0 : i32
      %dma_start3A_274 = arith.constant 0 : i32
      %dma_start3A_275 = tpu.memref_slice %arg9[%dma_start3A_270, %dma_start3A_273, %dma_start3A_274] : memref<5x40x64xf32, #tpu.memory_space<vmem>> -> memref<1x40x64xf32, #tpu.memory_space<vmem>>
      %dma_start3A_276 = tpu.memref_squeeze %dma_start3A_275 : memref<1x40x64xf32, #tpu.memory_space<vmem>> -> memref<40x64xf32, #tpu.memory_space<vmem>>
      %dma_start3A_277 = arith.constant 0 : i32
      %dma_start3A_278 = tpu.memref_slice %arg8[%dma_start3A_271, %dma_start3A_277] : memref<5x40xi32, #tpu.memory_space<vmem>> -> memref<1x40xi32, #tpu.memory_space<vmem>>
      %dma_start3A_279 = tpu.memref_squeeze %dma_start3A_278 : memref<1x40xi32, #tpu.memory_space<vmem>> -> memref<40xi32, #tpu.memory_space<vmem>>
      %dma_start3A_280 = arith.constant 0 : i32
      %dma_start3A_281 = arith.constant 0 : i32
      %dma_start3A_282 = tpu.memref_slice %arg13[%dma_start3A_280, %dma_start3A_281] : memref<10000x64xf32, #tpu.memory_space<vmem_shared>> -> memref<10000x64xf32, #tpu.memory_space<vmem_shared>>
      %dma_start3A_283 = tpu.memref_slice %arg11[%dma_start3A_272] : memref<5x!tpu.dma_semaphore, #tpu.memory_space<semaphore_mem>> -> memref<1x!tpu.dma_semaphore, #tpu.memory_space<semaphore_mem>>
      %dma_start3A_284 = tpu.memref_squeeze %dma_start3A_283 : memref<1x!tpu.dma_semaphore, #tpu.memory_space<semaphore_mem>> -> memref<!tpu.dma_semaphore, #tpu.memory_space<semaphore_mem>>
      tpu.enqueue_indirect_dma source(%dma_start3A_276 : memref<40x64xf32, #tpu.memory_space<vmem>>) target(%dma_start3A_282 : memref<10000x64xf32, #tpu.memory_space<vmem_shared>>) offsets(%dma_start3A_279 : memref<40xi32, #tpu.memory_space<vmem>>) semaphore(%dma_start3A_284 : memref<!tpu.dma_semaphore, #tpu.memory_space<semaphore_mem>>) {add = true}
      %dma_wait3A_285 = arith.constant 3 : i32
      %dma_wait3A_286 = arith.constant 3 : i32
      %dma_wait3A_287 = arith.constant 0 : i32
      %dma_wait3A_288 = arith.constant 0 : i32
      %dma_wait3A_289 = tpu.memref_slice %arg9[%dma_wait3A_285, %dma_wait3A_287, %dma_wait3A_288] : memref<5x40x64xf32, #tpu.memory_space<vmem>> -> memref<1x40x64xf32, #tpu.memory_space<vmem>>
      %dma_wait3A_290 = tpu.memref_squeeze %dma_wait3A_289 : memref<1x40x64xf32, #tpu.memory_space<vmem>> -> memref<40x64xf32, #tpu.memory_space<vmem>>
      %dma_wait3A_291 = tpu.memref_slice %arg7[%add3A_142] : memref<10000xi32, #tpu.memory_space<vmem>> -> memref<40xi32, #tpu.memory_space<vmem>>
      %dma_wait3A_292 = arith.constant 0 : i32
      %dma_wait3A_293 = arith.constant 0 : i32
      %dma_wait3A_294 = tpu.memref_slice %arg2[%dma_wait3A_292, %dma_wait3A_293] : memref<10000x64xf32, #tpu.memory_space<hbm>> -> memref<10000x64xf32, #tpu.memory_space<hbm>>
      %dma_wait3A_295 = tpu.memref_slice %arg10[%dma_wait3A_286] : memref<5x!tpu.dma_semaphore, #tpu.memory_space<semaphore_mem>> -> memref<1x!tpu.dma_semaphore, #tpu.memory_space<semaphore_mem>>
      %dma_wait3A_296 = tpu.memref_squeeze %dma_wait3A_295 : memref<1x!tpu.dma_semaphore, #tpu.memory_space<semaphore_mem>> -> memref<!tpu.dma_semaphore, #tpu.memory_space<semaphore_mem>>
      tpu.wait_indirect_dma semaphore(%dma_wait3A_296 : memref<!tpu.dma_semaphore, #tpu.memory_space<semaphore_mem>>) src(%dma_wait3A_294 : memref<10000x64xf32, #tpu.memory_space<hbm>>) dst(%dma_wait3A_290 : memref<40x64xf32, #tpu.memory_space<vmem>>)
      %dma_wait3A_297 = arith.constant 3 : i32
      %dma_wait3A_298 = arith.constant 3 : i32
      %dma_wait3A_299 = arith.constant 0 : i32
      %dma_wait3A_300 = tpu.memref_slice %arg8[%dma_wait3A_297, %dma_wait3A_299] : memref<5x40xi32, #tpu.memory_space<vmem>> -> memref<1x40xi32, #tpu.memory_space<vmem>>
      %dma_wait3A_301 = tpu.memref_squeeze %dma_wait3A_300 : memref<1x40xi32, #tpu.memory_space<vmem>> -> memref<40xi32, #tpu.memory_space<vmem>>
      %dma_wait3A_302 = tpu.memref_slice %arg4[%add3A_71] : memref<320000xi32, #tpu.memory_space<hbm>> -> memref<40xi32, #tpu.memory_space<hbm>>
      %dma_wait3A_303 = tpu.memref_slice %arg12[%dma_wait3A_298] : memref<5x!tpu.dma_semaphore, #tpu.memory_space<semaphore_mem>> -> memref<1x!tpu.dma_semaphore, #tpu.memory_space<semaphore_mem>>
      %dma_wait3A_304 = tpu.memref_squeeze %dma_wait3A_303 : memref<1x!tpu.dma_semaphore, #tpu.memory_space<semaphore_mem>> -> memref<!tpu.dma_semaphore, #tpu.memory_space<semaphore_mem>>
      %dma_wait3A_305 = arith.constant 0 : i32
      %dma_wait3A_306 = tpu.memref_slice %arg8[%dma_wait3A_297, %dma_wait3A_305] : memref<5x40xi32, #tpu.memory_space<vmem>> -> memref<1x40xi32, #tpu.memory_space<vmem>>
      %dma_wait3A_307 = tpu.memref_squeeze %dma_wait3A_306 : memref<1x40xi32, #tpu.memory_space<vmem>> -> memref<40xi32, #tpu.memory_space<vmem>>
      %dma_wait3A_308 = tpu.memref_slice %arg4[%add3A_71] : memref<320000xi32, #tpu.memory_space<hbm>> -> memref<40xi32, #tpu.memory_space<hbm>>
      tpu.wait_dma2 semaphore(%dma_wait3A_304 : memref<!tpu.dma_semaphore, #tpu.memory_space<semaphore_mem>>) src(%dma_wait3A_308 : memref<40xi32, #tpu.memory_space<hbm>>) dst(%dma_wait3A_307 : memref<40xi32, #tpu.memory_space<vmem>>)
      %dma_start3A_309 = arith.constant 3 : i32
      %dma_start3A_310 = arith.constant 3 : i32
      %dma_start3A_311 = arith.constant 3 : i32
      %dma_start3A_312 = arith.constant 0 : i32
      %dma_start3A_313 = arith.constant 0 : i32
      %dma_start3A_314 = tpu.memref_slice %arg9[%dma_start3A_309, %dma_start3A_312, %dma_start3A_313] : memref<5x40x64xf32, #tpu.memory_space<vmem>> -> memref<1x40x64xf32, #tpu.memory_space<vmem>>
      %dma_start3A_315 = tpu.memref_squeeze %dma_start3A_314 : memref<1x40x64xf32, #tpu.memory_space<vmem>> -> memref<40x64xf32, #tpu.memory_space<vmem>>
      %dma_start3A_316 = arith.constant 0 : i32
      %dma_start3A_317 = tpu.memref_slice %arg8[%dma_start3A_310, %dma_start3A_316] : memref<5x40xi32, #tpu.memory_space<vmem>> -> memref<1x40xi32, #tpu.memory_space<vmem>>
      %dma_start3A_318 = tpu.memref_squeeze %dma_start3A_317 : memref<1x40xi32, #tpu.memory_space<vmem>> -> memref<40xi32, #tpu.memory_space<vmem>>
      %dma_start3A_319 = arith.constant 0 : i32
      %dma_start3A_320 = arith.constant 0 : i32
      %dma_start3A_321 = tpu.memref_slice %arg13[%dma_start3A_319, %dma_start3A_320] : memref<10000x64xf32, #tpu.memory_space<vmem_shared>> -> memref<10000x64xf32, #tpu.memory_space<vmem_shared>>
      %dma_start3A_322 = tpu.memref_slice %arg11[%dma_start3A_311] : memref<5x!tpu.dma_semaphore, #tpu.memory_space<semaphore_mem>> -> memref<1x!tpu.dma_semaphore, #tpu.memory_space<semaphore_mem>>
      %dma_start3A_323 = tpu.memref_squeeze %dma_start3A_322 : memref<1x!tpu.dma_semaphore, #tpu.memory_space<semaphore_mem>> -> memref<!tpu.dma_semaphore, #tpu.memory_space<semaphore_mem>>
      tpu.enqueue_indirect_dma source(%dma_start3A_315 : memref<40x64xf32, #tpu.memory_space<vmem>>) target(%dma_start3A_321 : memref<10000x64xf32, #tpu.memory_space<vmem_shared>>) offsets(%dma_start3A_318 : memref<40xi32, #tpu.memory_space<vmem>>) semaphore(%dma_start3A_323 : memref<!tpu.dma_semaphore, #tpu.memory_space<semaphore_mem>>) {add = true}
      %dma_wait3A_324 = arith.constant 4 : i32
      %dma_wait3A_325 = arith.constant 4 : i32
      %dma_wait3A_326 = arith.constant 0 : i32
      %dma_wait3A_327 = arith.constant 0 : i32
      %dma_wait3A_328 = tpu.memref_slice %arg9[%dma_wait3A_324, %dma_wait3A_326, %dma_wait3A_327] : memref<5x40x64xf32, #tpu.memory_space<vmem>> -> memref<1x40x64xf32, #tpu.memory_space<vmem>>
      %dma_wait3A_329 = tpu.memref_squeeze %dma_wait3A_328 : memref<1x40x64xf32, #tpu.memory_space<vmem>> -> memref<40x64xf32, #tpu.memory_space<vmem>>
      %dma_wait3A_330 = tpu.memref_slice %arg7[%add3A_156] : memref<10000xi32, #tpu.memory_space<vmem>> -> memref<40xi32, #tpu.memory_space<vmem>>
      %dma_wait3A_331 = arith.constant 0 : i32
      %dma_wait3A_332 = arith.constant 0 : i32
      %dma_wait3A_333 = tpu.memref_slice %arg2[%dma_wait3A_331, %dma_wait3A_332] : memref<10000x64xf32, #tpu.memory_space<hbm>> -> memref<10000x64xf32, #tpu.memory_space<hbm>>
      %dma_wait3A_334 = tpu.memref_slice %arg10[%dma_wait3A_325] : memref<5x!tpu.dma_semaphore, #tpu.memory_space<semaphore_mem>> -> memref<1x!tpu.dma_semaphore, #tpu.memory_space<semaphore_mem>>
      %dma_wait3A_335 = tpu.memref_squeeze %dma_wait3A_334 : memref<1x!tpu.dma_semaphore, #tpu.memory_space<semaphore_mem>> -> memref<!tpu.dma_semaphore, #tpu.memory_space<semaphore_mem>>
      tpu.wait_indirect_dma semaphore(%dma_wait3A_335 : memref<!tpu.dma_semaphore, #tpu.memory_space<semaphore_mem>>) src(%dma_wait3A_333 : memref<10000x64xf32, #tpu.memory_space<hbm>>) dst(%dma_wait3A_329 : memref<40x64xf32, #tpu.memory_space<vmem>>)
      %dma_wait3A_336 = arith.constant 4 : i32
      %dma_wait3A_337 = arith.constant 4 : i32
      %dma_wait3A_338 = arith.constant 0 : i32
      %dma_wait3A_339 = tpu.memref_slice %arg8[%dma_wait3A_336, %dma_wait3A_338] : memref<5x40xi32, #tpu.memory_space<vmem>> -> memref<1x40xi32, #tpu.memory_space<vmem>>
      %dma_wait3A_340 = tpu.memref_squeeze %dma_wait3A_339 : memref<1x40xi32, #tpu.memory_space<vmem>> -> memref<40xi32, #tpu.memory_space<vmem>>
      %dma_wait3A_341 = tpu.memref_slice %arg4[%add3A_86] : memref<320000xi32, #tpu.memory_space<hbm>> -> memref<40xi32, #tpu.memory_space<hbm>>
      %dma_wait3A_342 = tpu.memref_slice %arg12[%dma_wait3A_337] : memref<5x!tpu.dma_semaphore, #tpu.memory_space<semaphore_mem>> -> memref<1x!tpu.dma_semaphore, #tpu.memory_space<semaphore_mem>>
      %dma_wait3A_343 = tpu.memref_squeeze %dma_wait3A_342 : memref<1x!tpu.dma_semaphore, #tpu.memory_space<semaphore_mem>> -> memref<!tpu.dma_semaphore, #tpu.memory_space<semaphore_mem>>
      %dma_wait3A_344 = arith.constant 0 : i32
      %dma_wait3A_345 = tpu.memref_slice %arg8[%dma_wait3A_336, %dma_wait3A_344] : memref<5x40xi32, #tpu.memory_space<vmem>> -> memref<1x40xi32, #tpu.memory_space<vmem>>
      %dma_wait3A_346 = tpu.memref_squeeze %dma_wait3A_345 : memref<1x40xi32, #tpu.memory_space<vmem>> -> memref<40xi32, #tpu.memory_space<vmem>>
      %dma_wait3A_347 = tpu.memref_slice %arg4[%add3A_86] : memref<320000xi32, #tpu.memory_space<hbm>> -> memref<40xi32, #tpu.memory_space<hbm>>
      tpu.wait_dma2 semaphore(%dma_wait3A_343 : memref<!tpu.dma_semaphore, #tpu.memory_space<semaphore_mem>>) src(%dma_wait3A_347 : memref<40xi32, #tpu.memory_space<hbm>>) dst(%dma_wait3A_346 : memref<40xi32, #tpu.memory_space<vmem>>)
      %dma_start3A_348 = arith.constant 4 : i32
      %dma_start3A_349 = arith.constant 4 : i32
      %dma_start3A_350 = arith.constant 4 : i32
      %dma_start3A_351 = arith.constant 0 : i32
      %dma_start3A_352 = arith.constant 0 : i32
      %dma_start3A_353 = tpu.memref_slice %arg9[%dma_start3A_348, %dma_start3A_351, %dma_start3A_352] : memref<5x40x64xf32, #tpu.memory_space<vmem>> -> memref<1x40x64xf32, #tpu.memory_space<vmem>>
      %dma_start3A_354 = tpu.memref_squeeze %dma_start3A_353 : memref<1x40x64xf32, #tpu.memory_space<vmem>> -> memref<40x64xf32, #tpu.memory_space<vmem>>
      %dma_start3A_355 = arith.constant 0 : i32
      %dma_start3A_356 = tpu.memref_slice %arg8[%dma_start3A_349, %dma_start3A_355] : memref<5x40xi32, #tpu.memory_space<vmem>> -> memref<1x40xi32, #tpu.memory_space<vmem>>
      %dma_start3A_357 = tpu.memref_squeeze %dma_start3A_356 : memref<1x40xi32, #tpu.memory_space<vmem>> -> memref<40xi32, #tpu.memory_space<vmem>>
      %dma_start3A_358 = arith.constant 0 : i32
      %dma_start3A_359 = arith.constant 0 : i32
      %dma_start3A_360 = tpu.memref_slice %arg13[%dma_start3A_358, %dma_start3A_359] : memref<10000x64xf32, #tpu.memory_space<vmem_shared>> -> memref<10000x64xf32, #tpu.memory_space<vmem_shared>>
      %dma_start3A_361 = tpu.memref_slice %arg11[%dma_start3A_350] : memref<5x!tpu.dma_semaphore, #tpu.memory_space<semaphore_mem>> -> memref<1x!tpu.dma_semaphore, #tpu.memory_space<semaphore_mem>>
      %dma_start3A_362 = tpu.memref_squeeze %dma_start3A_361 : memref<1x!tpu.dma_semaphore, #tpu.memory_space<semaphore_mem>> -> memref<!tpu.dma_semaphore, #tpu.memory_space<semaphore_mem>>
      tpu.enqueue_indirect_dma source(%dma_start3A_354 : memref<40x64xf32, #tpu.memory_space<vmem>>) target(%dma_start3A_360 : memref<10000x64xf32, #tpu.memory_space<vmem_shared>>) offsets(%dma_start3A_357 : memref<40xi32, #tpu.memory_space<vmem>>) semaphore(%dma_start3A_362 : memref<!tpu.dma_semaphore, #tpu.memory_space<semaphore_mem>>) {add = true}
      %dma_wait3A_363 = arith.constant 0 : i32
      %dma_wait3A_364 = arith.constant 0 : i32
      %dma_wait3A_365 = arith.constant 0 : i32
      %dma_wait3A_366 = arith.constant 0 : i32
      %dma_wait3A_367 = arith.constant 0 : i32
      %dma_wait3A_368 = tpu.memref_slice %arg9[%dma_wait3A_363, %dma_wait3A_366, %dma_wait3A_367] : memref<5x40x64xf32, #tpu.memory_space<vmem>> -> memref<1x40x64xf32, #tpu.memory_space<vmem>>
      %dma_wait3A_369 = tpu.memref_squeeze %dma_wait3A_368 : memref<1x40x64xf32, #tpu.memory_space<vmem>> -> memref<40x64xf32, #tpu.memory_space<vmem>>
      %dma_wait3A_370 = arith.constant 0 : i32
      %dma_wait3A_371 = tpu.memref_slice %arg8[%dma_wait3A_364, %dma_wait3A_370] : memref<5x40xi32, #tpu.memory_space<vmem>> -> memref<1x40xi32, #tpu.memory_space<vmem>>
      %dma_wait3A_372 = tpu.memref_squeeze %dma_wait3A_371 : memref<1x40xi32, #tpu.memory_space<vmem>> -> memref<40xi32, #tpu.memory_space<vmem>>
      %dma_wait3A_373 = arith.constant 0 : i32
      %dma_wait3A_374 = arith.constant 0 : i32
      %dma_wait3A_375 = tpu.memref_slice %arg13[%dma_wait3A_373, %dma_wait3A_374] : memref<10000x64xf32, #tpu.memory_space<vmem_shared>> -> memref<10000x64xf32, #tpu.memory_space<vmem_shared>>
      %dma_wait3A_376 = tpu.memref_slice %arg11[%dma_wait3A_365] : memref<5x!tpu.dma_semaphore, #tpu.memory_space<semaphore_mem>> -> memref<1x!tpu.dma_semaphore, #tpu.memory_space<semaphore_mem>>
      %dma_wait3A_377 = tpu.memref_squeeze %dma_wait3A_376 : memref<1x!tpu.dma_semaphore, #tpu.memory_space<semaphore_mem>> -> memref<!tpu.dma_semaphore, #tpu.memory_space<semaphore_mem>>
      tpu.wait_indirect_dma semaphore(%dma_wait3A_377 : memref<!tpu.dma_semaphore, #tpu.memory_space<semaphore_mem>>) src(%dma_wait3A_369 : memref<40x64xf32, #tpu.memory_space<vmem>>) dst(%dma_wait3A_375 : memref<10000x64xf32, #tpu.memory_space<vmem_shared>>)
      %dma_wait3A_378 = arith.constant 1 : i32
      %dma_wait3A_379 = arith.constant 1 : i32
      %dma_wait3A_380 = arith.constant 1 : i32
      %dma_wait3A_381 = arith.constant 0 : i32
      %dma_wait3A_382 = arith.constant 0 : i32
      %dma_wait3A_383 = tpu.memref_slice %arg9[%dma_wait3A_378, %dma_wait3A_381, %dma_wait3A_382] : memref<5x40x64xf32, #tpu.memory_space<vmem>> -> memref<1x40x64xf32, #tpu.memory_space<vmem>>
      %dma_wait3A_384 = tpu.memref_squeeze %dma_wait3A_383 : memref<1x40x64xf32, #tpu.memory_space<vmem>> -> memref<40x64xf32, #tpu.memory_space<vmem>>
      %dma_wait3A_385 = arith.constant 0 : i32
      %dma_wait3A_386 = tpu.memref_slice %arg8[%dma_wait3A_379, %dma_wait3A_385] : memref<5x40xi32, #tpu.memory_space<vmem>> -> memref<1x40xi32, #tpu.memory_space<vmem>>
      %dma_wait3A_387 = tpu.memref_squeeze %dma_wait3A_386 : memref<1x40xi32, #tpu.memory_space<vmem>> -> memref<40xi32, #tpu.memory_space<vmem>>
      %dma_wait3A_388 = arith.constant 0 : i32
      %dma_wait3A_389 = arith.constant 0 : i32
      %dma_wait3A_390 = tpu.memref_slice %arg13[%dma_wait3A_388, %dma_wait3A_389] : memref<10000x64xf32, #tpu.memory_space<vmem_shared>> -> memref<10000x64xf32, #tpu.memory_space<vmem_shared>>
      %dma_wait3A_391 = tpu.memref_slice %arg11[%dma_wait3A_380] : memref<5x!tpu.dma_semaphore, #tpu.memory_space<semaphore_mem>> -> memref<1x!tpu.dma_semaphore, #tpu.memory_space<semaphore_mem>>
      %dma_wait3A_392 = tpu.memref_squeeze %dma_wait3A_391 : memref<1x!tpu.dma_semaphore, #tpu.memory_space<semaphore_mem>> -> memref<!tpu.dma_semaphore, #tpu.memory_space<semaphore_mem>>
      tpu.wait_indirect_dma semaphore(%dma_wait3A_392 : memref<!tpu.dma_semaphore, #tpu.memory_space<semaphore_mem>>) src(%dma_wait3A_384 : memref<40x64xf32, #tpu.memory_space<vmem>>) dst(%dma_wait3A_390 : memref<10000x64xf32, #tpu.memory_space<vmem_shared>>)
      %dma_wait3A_393 = arith.constant 2 : i32
      %dma_wait3A_394 = arith.constant 2 : i32
      %dma_wait3A_395 = arith.constant 2 : i32
      %dma_wait3A_396 = arith.constant 0 : i32
      %dma_wait3A_397 = arith.constant 0 : i32
      %dma_wait3A_398 = tpu.memref_slice %arg9[%dma_wait3A_393, %dma_wait3A_396, %dma_wait3A_397] : memref<5x40x64xf32, #tpu.memory_space<vmem>> -> memref<1x40x64xf32, #tpu.memory_space<vmem>>
      %dma_wait3A_399 = tpu.memref_squeeze %dma_wait3A_398 : memref<1x40x64xf32, #tpu.memory_space<vmem>> -> memref<40x64xf32, #tpu.memory_space<vmem>>
      %dma_wait3A_400 = arith.constant 0 : i32
      %dma_wait3A_401 = tpu.memref_slice %arg8[%dma_wait3A_394, %dma_wait3A_400] : memref<5x40xi32, #tpu.memory_space<vmem>> -> memref<1x40xi32, #tpu.memory_space<vmem>>
      %dma_wait3A_402 = tpu.memref_squeeze %dma_wait3A_401 : memref<1x40xi32, #tpu.memory_space<vmem>> -> memref<40xi32, #tpu.memory_space<vmem>>
      %dma_wait3A_403 = arith.constant 0 : i32
      %dma_wait3A_404 = arith.constant 0 : i32
      %dma_wait3A_405 = tpu.memref_slice %arg13[%dma_wait3A_403, %dma_wait3A_404] : memref<10000x64xf32, #tpu.memory_space<vmem_shared>> -> memref<10000x64xf32, #tpu.memory_space<vmem_shared>>
      %dma_wait3A_406 = tpu.memref_slice %arg11[%dma_wait3A_395] : memref<5x!tpu.dma_semaphore, #tpu.memory_space<semaphore_mem>> -> memref<1x!tpu.dma_semaphore, #tpu.memory_space<semaphore_mem>>
      %dma_wait3A_407 = tpu.memref_squeeze %dma_wait3A_406 : memref<1x!tpu.dma_semaphore, #tpu.memory_space<semaphore_mem>> -> memref<!tpu.dma_semaphore, #tpu.memory_space<semaphore_mem>>
      tpu.wait_indirect_dma semaphore(%dma_wait3A_407 : memref<!tpu.dma_semaphore, #tpu.memory_space<semaphore_mem>>) src(%dma_wait3A_399 : memref<40x64xf32, #tpu.memory_space<vmem>>) dst(%dma_wait3A_405 : memref<10000x64xf32, #tpu.memory_space<vmem_shared>>)
      %dma_wait3A_408 = arith.constant 3 : i32
      %dma_wait3A_409 = arith.constant 3 : i32
      %dma_wait3A_410 = arith.constant 3 : i32
      %dma_wait3A_411 = arith.constant 0 : i32
      %dma_wait3A_412 = arith.constant 0 : i32
      %dma_wait3A_413 = tpu.memref_slice %arg9[%dma_wait3A_408, %dma_wait3A_411, %dma_wait3A_412] : memref<5x40x64xf32, #tpu.memory_space<vmem>> -> memref<1x40x64xf32, #tpu.memory_space<vmem>>
      %dma_wait3A_414 = tpu.memref_squeeze %dma_wait3A_413 : memref<1x40x64xf32, #tpu.memory_space<vmem>> -> memref<40x64xf32, #tpu.memory_space<vmem>>
      %dma_wait3A_415 = arith.constant 0 : i32
      %dma_wait3A_416 = tpu.memref_slice %arg8[%dma_wait3A_409, %dma_wait3A_415] : memref<5x40xi32, #tpu.memory_space<vmem>> -> memref<1x40xi32, #tpu.memory_space<vmem>>
      %dma_wait3A_417 = tpu.memref_squeeze %dma_wait3A_416 : memref<1x40xi32, #tpu.memory_space<vmem>> -> memref<40xi32, #tpu.memory_space<vmem>>
      %dma_wait3A_418 = arith.constant 0 : i32
      %dma_wait3A_419 = arith.constant 0 : i32
      %dma_wait3A_420 = tpu.memref_slice %arg13[%dma_wait3A_418, %dma_wait3A_419] : memref<10000x64xf32, #tpu.memory_space<vmem_shared>> -> memref<10000x64xf32, #tpu.memory_space<vmem_shared>>
      %dma_wait3A_421 = tpu.memref_slice %arg11[%dma_wait3A_410] : memref<5x!tpu.dma_semaphore, #tpu.memory_space<semaphore_mem>> -> memref<1x!tpu.dma_semaphore, #tpu.memory_space<semaphore_mem>>
      %dma_wait3A_422 = tpu.memref_squeeze %dma_wait3A_421 : memref<1x!tpu.dma_semaphore, #tpu.memory_space<semaphore_mem>> -> memref<!tpu.dma_semaphore, #tpu.memory_space<semaphore_mem>>
      tpu.wait_indirect_dma semaphore(%dma_wait3A_422 : memref<!tpu.dma_semaphore, #tpu.memory_space<semaphore_mem>>) src(%dma_wait3A_414 : memref<40x64xf32, #tpu.memory_space<vmem>>) dst(%dma_wait3A_420 : memref<10000x64xf32, #tpu.memory_space<vmem_shared>>)
      %dma_wait3A_423 = arith.constant 4 : i32
      %dma_wait3A_424 = arith.constant 4 : i32
      %dma_wait3A_425 = arith.constant 4 : i32
      %dma_wait3A_426 = arith.constant 0 : i32
      %dma_wait3A_427 = arith.constant 0 : i32
      %dma_wait3A_428 = tpu.memref_slice %arg9[%dma_wait3A_423, %dma_wait3A_426, %dma_wait3A_427] : memref<5x40x64xf32, #tpu.memory_space<vmem>> -> memref<1x40x64xf32, #tpu.memory_space<vmem>>
      %dma_wait3A_429 = tpu.memref_squeeze %dma_wait3A_428 : memref<1x40x64xf32, #tpu.memory_space<vmem>> -> memref<40x64xf32, #tpu.memory_space<vmem>>
      %dma_wait3A_430 = arith.constant 0 : i32
      %dma_wait3A_431 = tpu.memref_slice %arg8[%dma_wait3A_424, %dma_wait3A_430] : memref<5x40xi32, #tpu.memory_space<vmem>> -> memref<1x40xi32, #tpu.memory_space<vmem>>
      %dma_wait3A_432 = tpu.memref_squeeze %dma_wait3A_431 : memref<1x40xi32, #tpu.memory_space<vmem>> -> memref<40xi32, #tpu.memory_space<vmem>>
      %dma_wait3A_433 = arith.constant 0 : i32
      %dma_wait3A_434 = arith.constant 0 : i32
      %dma_wait3A_435 = tpu.memref_slice %arg13[%dma_wait3A_433, %dma_wait3A_434] : memref<10000x64xf32, #tpu.memory_space<vmem_shared>> -> memref<10000x64xf32, #tpu.memory_space<vmem_shared>>
      %dma_wait3A_436 = tpu.memref_slice %arg11[%dma_wait3A_425] : memref<5x!tpu.dma_semaphore, #tpu.memory_space<semaphore_mem>> -> memref<1x!tpu.dma_semaphore, #tpu.memory_space<semaphore_mem>>
      %dma_wait3A_437 = tpu.memref_squeeze %dma_wait3A_436 : memref<1x!tpu.dma_semaphore, #tpu.memory_space<semaphore_mem>> -> memref<!tpu.dma_semaphore, #tpu.memory_space<semaphore_mem>>
      tpu.wait_indirect_dma semaphore(%dma_wait3A_437 : memref<!tpu.dma_semaphore, #tpu.memory_space<semaphore_mem>>) src(%dma_wait3A_429 : memref<40x64xf32, #tpu.memory_space<vmem>>) dst(%dma_wait3A_435 : memref<10000x64xf32, #tpu.memory_space<vmem_shared>>)
    }
    %scan3A_11 = arith.constant 50 : i32
    %barrier3A_12 = arith.constant 0 : index
    tpu.barrier barrier_id(%barrier3A_12)
    %mul3A_13 = arith.constant 624 : i32
    %mul3A_14 = arith.muli %arg1, %mul3A_13 : i32
    "tpu.region"() ({
      %run_scoped3A = tpu.sem_alloc : memref<!tpu.dma_semaphore, #tpu.memory_space<semaphore_mem>>
      %dma_start3A = arith.constant 0 : i32
      %dma_start3A_20 = arith.constant 0 : i32
      %dma_start3A_21 = tpu.memref_slice %arg6[%arg0, %dma_start3A, %dma_start3A_20] : memref<2x10000x64xf32, #tpu.memory_space<hbm>> -> memref<1x10000x64xf32, #tpu.memory_space<hbm>>
      %dma_start3A_22 = tpu.memref_squeeze %dma_start3A_21 : memref<1x10000x64xf32, #tpu.memory_space<hbm>> -> memref<10000x64xf32, #tpu.memory_space<hbm>>
      %dma_start3A_23 = arith.constant 0 : i32
      %dma_start3A_24 = tpu.memref_slice %dma_start3A_22[%mul3A_14, %dma_start3A_23] : memref<10000x64xf32, #tpu.memory_space<hbm>> -> memref<624x64xf32, #tpu.memory_space<hbm>>
      %dma_start3A_25 = arith.constant 0 : i32
      %dma_start3A_26 = tpu.memref_slice %arg13[%mul3A_14, %dma_start3A_25] : memref<10000x64xf32, #tpu.memory_space<vmem_shared>> -> memref<624x64xf32, #tpu.memory_space<vmem_shared>>
      tpu.enqueue_dma source(%dma_start3A_26 : memref<624x64xf32, #tpu.memory_space<vmem_shared>>) target(%dma_start3A_24 : memref<624x64xf32, #tpu.memory_space<hbm>>) target_semaphore(%run_scoped3A : memref<!tpu.dma_semaphore, #tpu.memory_space<semaphore_mem>>)
      %dma_wait3A = arith.constant 0 : i32
      %dma_wait3A_27 = arith.constant 0 : i32
      %dma_wait3A_28 = tpu.memref_slice %arg6[%arg0, %dma_wait3A, %dma_wait3A_27] : memref<2x10000x64xf32, #tpu.memory_space<hbm>> -> memref<1x10000x64xf32, #tpu.memory_space<hbm>>
      %dma_wait3A_29 = tpu.memref_squeeze %dma_wait3A_28 : memref<1x10000x64xf32, #tpu.memory_space<hbm>> -> memref<10000x64xf32, #tpu.memory_space<hbm>>
      %dma_wait3A_30 = arith.constant 0 : i32
      %dma_wait3A_31 = tpu.memref_slice %dma_wait3A_29[%mul3A_14, %dma_wait3A_30] : memref<10000x64xf32, #tpu.memory_space<hbm>> -> memref<624x64xf32, #tpu.memory_space<hbm>>
      %dma_wait3A_32 = arith.constant 0 : i32
      %dma_wait3A_33 = tpu.memref_slice %arg13[%mul3A_14, %dma_wait3A_32] : memref<10000x64xf32, #tpu.memory_space<vmem_shared>> -> memref<624x64xf32, #tpu.memory_space<vmem_shared>>
      tpu.wait_dma2 semaphore(%run_scoped3A : memref<!tpu.dma_semaphore, #tpu.memory_space<semaphore_mem>>) src(%dma_wait3A_33 : memref<624x64xf32, #tpu.memory_space<vmem_shared>>) dst(%dma_wait3A_31 : memref<624x64xf32, #tpu.memory_space<hbm>>)
      tpu.yield
    }) : () -> ()
    %eq3A_15 = arith.constant 15 : i32
    %eq3A_16 = arith.cmpi eq, %arg1, %eq3A_15 : i32
    %convert_element_type3A_17 = arith.extui %eq3A_16 : i1 to i32
    %cond3A_18 = arith.constant 0 : i32
    %cond3A_19 = arith.cmpi ne, %convert_element_type3A_17, %cond3A_18 : i32
    scf.if %cond3A_19 {
      "tpu.region"() ({
        %run_scoped3A = tpu.sem_alloc : memref<!tpu.dma_semaphore, #tpu.memory_space<semaphore_mem>>
        %dma_start3A = arith.constant 0 : i32
        %dma_start3A_20 = arith.constant 0 : i32
        %dma_start3A_21 = tpu.memref_slice %arg6[%arg0, %dma_start3A, %dma_start3A_20] : memref<2x10000x64xf32, #tpu.memory_space<hbm>> -> memref<1x10000x64xf32, #tpu.memory_space<hbm>>
        %dma_start3A_22 = tpu.memref_squeeze %dma_start3A_21 : memref<1x10000x64xf32, #tpu.memory_space<hbm>> -> memref<10000x64xf32, #tpu.memory_space<hbm>>
        %dma_start3A_23 = arith.constant 9984 : i32
        %dma_start3A_24 = arith.constant 0 : i32
        %dma_start3A_25 = tpu.memref_slice %dma_start3A_22[%dma_start3A_23, %dma_start3A_24] : memref<10000x64xf32, #tpu.memory_space<hbm>> -> memref<16x64xf32, #tpu.memory_space<hbm>>
        %dma_start3A_26 = arith.constant 9984 : i32
        %dma_start3A_27 = arith.constant 0 : i32
        %dma_start3A_28 = tpu.memref_slice %arg13[%dma_start3A_26, %dma_start3A_27] : memref<10000x64xf32, #tpu.memory_space<vmem_shared>> -> memref<16x64xf32, #tpu.memory_space<vmem_shared>>
        tpu.enqueue_dma source(%dma_start3A_28 : memref<16x64xf32, #tpu.memory_space<vmem_shared>>) target(%dma_start3A_25 : memref<16x64xf32, #tpu.memory_space<hbm>>) target_semaphore(%run_scoped3A : memref<!tpu.dma_semaphore, #tpu.memory_space<semaphore_mem>>)
        %dma_wait3A = arith.constant 0 : i32
        %dma_wait3A_29 = arith.constant 0 : i32
        %dma_wait3A_30 = tpu.memref_slice %arg6[%arg0, %dma_wait3A, %dma_wait3A_29] : memref<2x10000x64xf32, #tpu.memory_space<hbm>> -> memref<1x10000x64xf32, #tpu.memory_space<hbm>>
        %dma_wait3A_31 = tpu.memref_squeeze %dma_wait3A_30 : memref<1x10000x64xf32, #tpu.memory_space<hbm>> -> memref<10000x64xf32, #tpu.memory_space<hbm>>
        %dma_wait3A_32 = arith.constant 9984 : i32
        %dma_wait3A_33 = arith.constant 0 : i32
        %dma_wait3A_34 = tpu.memref_slice %dma_wait3A_31[%dma_wait3A_32, %dma_wait3A_33] : memref<10000x64xf32, #tpu.memory_space<hbm>> -> memref<16x64xf32, #tpu.memory_space<hbm>>
        %dma_wait3A_35 = arith.constant 9984 : i32
        %dma_wait3A_36 = arith.constant 0 : i32
        %dma_wait3A_37 = tpu.memref_slice %arg13[%dma_wait3A_35, %dma_wait3A_36] : memref<10000x64xf32, #tpu.memory_space<vmem_shared>> -> memref<16x64xf32, #tpu.memory_space<vmem_shared>>
        tpu.wait_dma2 semaphore(%run_scoped3A : memref<!tpu.dma_semaphore, #tpu.memory_space<semaphore_mem>>) src(%dma_wait3A_37 : memref<16x64xf32, #tpu.memory_space<vmem_shared>>) dst(%dma_wait3A_34 : memref<16x64xf32, #tpu.memory_space<hbm>>)
        tpu.yield
      }) : () -> ()
    } else {
    }
    return
  }
}

#map = affine_map<(d0, d1) -> (0, 0)>
#map1 = affine_map<(d0, d1) -> (0)>
#map2 = affine_map<(d0, d1) -> (0, 0, 0)>
module attributes {stable_mosaic.version = 14 : i64} {
  func.func @k(%arg0: i32, %arg1: i32, %arg2: memref<10000x32xf32, #tpu.memory_space<hbm>>, %arg3: memref<320000xi32, #tpu.memory_space<hbm>>, %arg4: memref<320000xi32, #tpu.memory_space<hbm>>, %arg5: memref<10000x32xf32, #tpu.memory_space<hbm>>, %arg6: memref<2x10000x32xf32, #tpu.memory_space<hbm>>, %arg7: memref<10000xi32, #tpu.memory_space<vmem>>, %arg8: memref<5x40xi32, #tpu.memory_space<vmem>>, %arg9: memref<5x40x32xf32, #tpu.memory_space<vmem>>, %arg10: memref<5x!tpu.dma_semaphore, #tpu.memory_space<semaphore_mem>>, %arg11: memref<5x!tpu.dma_semaphore, #tpu.memory_space<semaphore_mem>>, %arg12: memref<5x!tpu.dma_semaphore, #tpu.memory_space<semaphore_mem>>, %arg13: memref<10000x32xf32, #tpu.memory_space<vmem_shared>>) attributes {dimension_semantics = [#tpu.dimension_semantics<core_parallel>, #tpu.dimension_semantics<subcore_parallel>], iteration_bounds = array<i64: 2, 16>, scalar_prefetch = 0 : i64, scratch_operands = 7 : i64, tpu.core_type = #tpu.core_type<sc_vector_subcore>, window_params = [{transform_indices = #map}, {transform_indices = #map1}, {transform_indices = #map1}, {transform_indices = #map}, {transform_indices = #map2}]} {
    %mul3A = arith.constant 16 : i32
    %mul3A_0 = arith.muli %arg0, %mul3A : i32
    %add3A = arith.addi %mul3A_0, %arg1 : i32
    %mul3A_1 = arith.constant 10000 : i32
    %mul3A_2 = arith.muli %add3A, %mul3A_1 : i32
    "tpu.region"() ({
      %run_scoped3A = tpu.sem_alloc : memref<!tpu.dma_semaphore, #tpu.memory_space<semaphore_mem>>
      %dma_start3A = tpu.memref_slice %arg3[%mul3A_2] : memref<320000xi32, #tpu.memory_space<hbm>> -> memref<10000xi32, #tpu.memory_space<hbm>>
      %dma_start3A_20 = tpu.memref_slice %arg3[%mul3A_2] : memref<320000xi32, #tpu.memory_space<hbm>> -> memref<10000xi32, #tpu.memory_space<hbm>>
      tpu.enqueue_dma source(%dma_start3A_20 : memref<10000xi32, #tpu.memory_space<hbm>>) target(%arg7 : memref<10000xi32, #tpu.memory_space<vmem>>) target_semaphore(%run_scoped3A : memref<!tpu.dma_semaphore, #tpu.memory_space<semaphore_mem>>)
      %dma_wait3A = tpu.memref_slice %arg3[%mul3A_2] : memref<320000xi32, #tpu.memory_space<hbm>> -> memref<10000xi32, #tpu.memory_space<hbm>>
      %dma_wait3A_21 = tpu.memref_slice %arg3[%mul3A_2] : memref<320000xi32, #tpu.memory_space<hbm>> -> memref<10000xi32, #tpu.memory_space<hbm>>
      tpu.wait_dma2 semaphore(%run_scoped3A : memref<!tpu.dma_semaphore, #tpu.memory_space<semaphore_mem>>) src(%dma_wait3A_21 : memref<10000xi32, #tpu.memory_space<hbm>>) dst(%arg7 : memref<10000xi32, #tpu.memory_space<vmem>>)
      tpu.yield
    }) : () -> ()
    %mul3A_3 = arith.constant 624 : i32
    %mul3A_4 = arith.muli %arg1, %mul3A_3 : i32
    "tpu.region"() ({
      %run_scoped3A = tpu.sem_alloc : memref<!tpu.dma_semaphore, #tpu.memory_space<semaphore_mem>>
      %dma_start3A = arith.constant 0 : i32
      %dma_start3A_20 = tpu.memref_slice %arg13[%mul3A_4, %dma_start3A] : memref<10000x32xf32, #tpu.memory_space<vmem_shared>> -> memref<624x32xf32, #tpu.memory_space<vmem_shared>>
      %dma_start3A_21 = arith.constant 0 : i32
      %dma_start3A_22 = tpu.memref_slice %arg5[%mul3A_4, %dma_start3A_21] : memref<10000x32xf32, #tpu.memory_space<hbm>> -> memref<624x32xf32, #tpu.memory_space<hbm>>
      tpu.enqueue_dma source(%dma_start3A_22 : memref<624x32xf32, #tpu.memory_space<hbm>>) target(%dma_start3A_20 : memref<624x32xf32, #tpu.memory_space<vmem_shared>>) target_semaphore(%run_scoped3A : memref<!tpu.dma_semaphore, #tpu.memory_space<semaphore_mem>>)
      %dma_wait3A = arith.constant 0 : i32
      %dma_wait3A_23 = tpu.memref_slice %arg13[%mul3A_4, %dma_wait3A] : memref<10000x32xf32, #tpu.memory_space<vmem_shared>> -> memref<624x32xf32, #tpu.memory_space<vmem_shared>>
      %dma_wait3A_24 = arith.constant 0 : i32
      %dma_wait3A_25 = tpu.memref_slice %arg5[%mul3A_4, %dma_wait3A_24] : memref<10000x32xf32, #tpu.memory_space<hbm>> -> memref<624x32xf32, #tpu.memory_space<hbm>>
      tpu.wait_dma2 semaphore(%run_scoped3A : memref<!tpu.dma_semaphore, #tpu.memory_space<semaphore_mem>>) src(%dma_wait3A_25 : memref<624x32xf32, #tpu.memory_space<hbm>>) dst(%dma_wait3A_23 : memref<624x32xf32, #tpu.memory_space<vmem_shared>>)
      tpu.yield
    }) : () -> ()
    %eq3A = arith.constant 15 : i32
    %eq3A_5 = arith.cmpi eq, %arg1, %eq3A : i32
    %convert_element_type3A = arith.extui %eq3A_5 : i1 to i32
    %cond3A = arith.constant 0 : i32
    %cond3A_6 = arith.cmpi ne, %convert_element_type3A, %cond3A : i32
    scf.if %cond3A_6 {
      "tpu.region"() ({
        %run_scoped3A = tpu.sem_alloc : memref<!tpu.dma_semaphore, #tpu.memory_space<semaphore_mem>>
        %dma_start3A = arith.constant 9984 : i32
        %dma_start3A_20 = arith.constant 0 : i32
        %dma_start3A_21 = tpu.memref_slice %arg13[%dma_start3A, %dma_start3A_20] : memref<10000x32xf32, #tpu.memory_space<vmem_shared>> -> memref<16x32xf32, #tpu.memory_space<vmem_shared>>
        %dma_start3A_22 = arith.constant 9984 : i32
        %dma_start3A_23 = arith.constant 0 : i32
        %dma_start3A_24 = tpu.memref_slice %arg5[%dma_start3A_22, %dma_start3A_23] : memref<10000x32xf32, #tpu.memory_space<hbm>> -> memref<16x32xf32, #tpu.memory_space<hbm>>
        tpu.enqueue_dma source(%dma_start3A_24 : memref<16x32xf32, #tpu.memory_space<hbm>>) target(%dma_start3A_21 : memref<16x32xf32, #tpu.memory_space<vmem_shared>>) target_semaphore(%run_scoped3A : memref<!tpu.dma_semaphore, #tpu.memory_space<semaphore_mem>>)
        %dma_wait3A = arith.constant 9984 : i32
        %dma_wait3A_25 = arith.constant 0 : i32
        %dma_wait3A_26 = tpu.memref_slice %arg13[%dma_wait3A, %dma_wait3A_25] : memref<10000x32xf32, #tpu.memory_space<vmem_shared>> -> memref<16x32xf32, #tpu.memory_space<vmem_shared>>
        %dma_wait3A_27 = arith.constant 9984 : i32
        %dma_wait3A_28 = arith.constant 0 : i32
        %dma_wait3A_29 = tpu.memref_slice %arg5[%dma_wait3A_27, %dma_wait3A_28] : memref<10000x32xf32, #tpu.memory_space<hbm>> -> memref<16x32xf32, #tpu.memory_space<hbm>>
        tpu.wait_dma2 semaphore(%run_scoped3A : memref<!tpu.dma_semaphore, #tpu.memory_space<semaphore_mem>>) src(%dma_wait3A_29 : memref<16x32xf32, #tpu.memory_space<hbm>>) dst(%dma_wait3A_26 : memref<16x32xf32, #tpu.memory_space<vmem_shared>>)
        tpu.yield
      }) : () -> ()
    } else {
    }
    %barrier3A = arith.constant 0 : index
    tpu.barrier barrier_id(%barrier3A)
    %scan3A = arith.constant 0 : i32
    %scan3A_7 = arith.constant 0 : i32
    %scan3A_8 = arith.constant 50 : i32
    %scan3A_9 = arith.addi %scan3A_7, %scan3A_8 : i32
    %scan3A_10 = arith.constant 1 : i32
    scf.for %scan3A_20 = %scan3A_7 to %scan3A_9 step %scan3A_10  : i32 {
      %mul3A_21 = arith.constant 5 : i32
      %mul3A_22 = arith.muli %scan3A_20, %mul3A_21 : i32
      %mul3A_23 = arith.constant 40 : i32
      %mul3A_24 = arith.muli %mul3A_22, %mul3A_23 : i32
      %add3A_25 = arith.addi %mul3A_2, %mul3A_24 : i32
      %add3A_26 = arith.constant 0 : i32
      %add3A_27 = arith.addi %add3A_25, %add3A_26 : i32
      %dma_start3A = arith.constant 0 : i32
      %dma_start3A_28 = arith.constant 0 : i32
      %dma_start3A_29 = arith.constant 0 : i32
      %dma_start3A_30 = tpu.memref_slice %arg8[%dma_start3A, %dma_start3A_29] : memref<5x40xi32, #tpu.memory_space<vmem>> -> memref<1x40xi32, #tpu.memory_space<vmem>>
      %dma_start3A_31 = tpu.memref_squeeze %dma_start3A_30 : memref<1x40xi32, #tpu.memory_space<vmem>> -> memref<40xi32, #tpu.memory_space<vmem>>
      %dma_start3A_32 = tpu.memref_slice %arg4[%add3A_27] : memref<320000xi32, #tpu.memory_space<hbm>> -> memref<40xi32, #tpu.memory_space<hbm>>
      %dma_start3A_33 = tpu.memref_slice %arg12[%dma_start3A_28] : memref<5x!tpu.dma_semaphore, #tpu.memory_space<semaphore_mem>> -> memref<1x!tpu.dma_semaphore, #tpu.memory_space<semaphore_mem>>
      %dma_start3A_34 = tpu.memref_squeeze %dma_start3A_33 : memref<1x!tpu.dma_semaphore, #tpu.memory_space<semaphore_mem>> -> memref<!tpu.dma_semaphore, #tpu.memory_space<semaphore_mem>>
      %dma_start3A_35 = arith.constant 0 : i32
      %dma_start3A_36 = tpu.memref_slice %arg8[%dma_start3A, %dma_start3A_35] : memref<5x40xi32, #tpu.memory_space<vmem>> -> memref<1x40xi32, #tpu.memory_space<vmem>>
      %dma_start3A_37 = tpu.memref_squeeze %dma_start3A_36 : memref<1x40xi32, #tpu.memory_space<vmem>> -> memref<40xi32, #tpu.memory_space<vmem>>
      %dma_start3A_38 = tpu.memref_slice %arg4[%add3A_27] : memref<320000xi32, #tpu.memory_space<hbm>> -> memref<40xi32, #tpu.memory_space<hbm>>
      tpu.enqueue_dma source(%dma_start3A_38 : memref<40xi32, #tpu.memory_space<hbm>>) target(%dma_start3A_37 : memref<40xi32, #tpu.memory_space<vmem>>) target_semaphore(%dma_start3A_34 : memref<!tpu.dma_semaphore, #tpu.memory_space<semaphore_mem>>)
      %add3A_39 = arith.addi %mul3A_2, %mul3A_24 : i32
      %add3A_40 = arith.constant 40 : i32
      %add3A_41 = arith.addi %add3A_39, %add3A_40 : i32
      %dma_start3A_42 = arith.constant 1 : i32
      %dma_start3A_43 = arith.constant 1 : i32
      %dma_start3A_44 = arith.constant 0 : i32
      %dma_start3A_45 = tpu.memref_slice %arg8[%dma_start3A_42, %dma_start3A_44] : memref<5x40xi32, #tpu.memory_space<vmem>> -> memref<1x40xi32, #tpu.memory_space<vmem>>
      %dma_start3A_46 = tpu.memref_squeeze %dma_start3A_45 : memref<1x40xi32, #tpu.memory_space<vmem>> -> memref<40xi32, #tpu.memory_space<vmem>>
      %dma_start3A_47 = tpu.memref_slice %arg4[%add3A_41] : memref<320000xi32, #tpu.memory_space<hbm>> -> memref<40xi32, #tpu.memory_space<hbm>>
      %dma_start3A_48 = tpu.memref_slice %arg12[%dma_start3A_43] : memref<5x!tpu.dma_semaphore, #tpu.memory_space<semaphore_mem>> -> memref<1x!tpu.dma_semaphore, #tpu.memory_space<semaphore_mem>>
      %dma_start3A_49 = tpu.memref_squeeze %dma_start3A_48 : memref<1x!tpu.dma_semaphore, #tpu.memory_space<semaphore_mem>> -> memref<!tpu.dma_semaphore, #tpu.memory_space<semaphore_mem>>
      %dma_start3A_50 = arith.constant 0 : i32
      %dma_start3A_51 = tpu.memref_slice %arg8[%dma_start3A_42, %dma_start3A_50] : memref<5x40xi32, #tpu.memory_space<vmem>> -> memref<1x40xi32, #tpu.memory_space<vmem>>
      %dma_start3A_52 = tpu.memref_squeeze %dma_start3A_51 : memref<1x40xi32, #tpu.memory_space<vmem>> -> memref<40xi32, #tpu.memory_space<vmem>>
      %dma_start3A_53 = tpu.memref_slice %arg4[%add3A_41] : memref<320000xi32, #tpu.memory_space<hbm>> -> memref<40xi32, #tpu.memory_space<hbm>>
      tpu.enqueue_dma source(%dma_start3A_53 : memref<40xi32, #tpu.memory_space<hbm>>) target(%dma_start3A_52 : memref<40xi32, #tpu.memory_space<vmem>>) target_semaphore(%dma_start3A_49 : memref<!tpu.dma_semaphore, #tpu.memory_space<semaphore_mem>>)
      %add3A_54 = arith.addi %mul3A_2, %mul3A_24 : i32
      %add3A_55 = arith.constant 80 : i32
      %add3A_56 = arith.addi %add3A_54, %add3A_55 : i32
      %dma_start3A_57 = arith.constant 2 : i32
      %dma_start3A_58 = arith.constant 2 : i32
      %dma_start3A_59 = arith.constant 0 : i32
      %dma_start3A_60 = tpu.memref_slice %arg8[%dma_start3A_57, %dma_start3A_59] : memref<5x40xi32, #tpu.memory_space<vmem>> -> memref<1x40xi32, #tpu.memory_space<vmem>>
      %dma_start3A_61 = tpu.memref_squeeze %dma_start3A_60 : memref<1x40xi32, #tpu.memory_space<vmem>> -> memref<40xi32, #tpu.memory_space<vmem>>
      %dma_start3A_62 = tpu.memref_slice %arg4[%add3A_56] : memref<320000xi32, #tpu.memory_space<hbm>> -> memref<40xi32, #tpu.memory_space<hbm>>
      %dma_start3A_63 = tpu.memref_slice %arg12[%dma_start3A_58] : memref<5x!tpu.dma_semaphore, #tpu.memory_space<semaphore_mem>> -> memref<1x!tpu.dma_semaphore, #tpu.memory_space<semaphore_mem>>
      %dma_start3A_64 = tpu.memref_squeeze %dma_start3A_63 : memref<1x!tpu.dma_semaphore, #tpu.memory_space<semaphore_mem>> -> memref<!tpu.dma_semaphore, #tpu.memory_space<semaphore_mem>>
      %dma_start3A_65 = arith.constant 0 : i32
      %dma_start3A_66 = tpu.memref_slice %arg8[%dma_start3A_57, %dma_start3A_65] : memref<5x40xi32, #tpu.memory_space<vmem>> -> memref<1x40xi32, #tpu.memory_space<vmem>>
      %dma_start3A_67 = tpu.memref_squeeze %dma_start3A_66 : memref<1x40xi32, #tpu.memory_space<vmem>> -> memref<40xi32, #tpu.memory_space<vmem>>
      %dma_start3A_68 = tpu.memref_slice %arg4[%add3A_56] : memref<320000xi32, #tpu.memory_space<hbm>> -> memref<40xi32, #tpu.memory_space<hbm>>
      tpu.enqueue_dma source(%dma_start3A_68 : memref<40xi32, #tpu.memory_space<hbm>>) target(%dma_start3A_67 : memref<40xi32, #tpu.memory_space<vmem>>) target_semaphore(%dma_start3A_64 : memref<!tpu.dma_semaphore, #tpu.memory_space<semaphore_mem>>)
      %add3A_69 = arith.addi %mul3A_2, %mul3A_24 : i32
      %add3A_70 = arith.constant 120 : i32
      %add3A_71 = arith.addi %add3A_69, %add3A_70 : i32
      %dma_start3A_72 = arith.constant 3 : i32
      %dma_start3A_73 = arith.constant 3 : i32
      %dma_start3A_74 = arith.constant 0 : i32
      %dma_start3A_75 = tpu.memref_slice %arg8[%dma_start3A_72, %dma_start3A_74] : memref<5x40xi32, #tpu.memory_space<vmem>> -> memref<1x40xi32, #tpu.memory_space<vmem>>
      %dma_start3A_76 = tpu.memref_squeeze %dma_start3A_75 : memref<1x40xi32, #tpu.memory_space<vmem>> -> memref<40xi32, #tpu.memory_space<vmem>>
      %dma_start3A_77 = tpu.memref_slice %arg4[%add3A_71] : memref<320000xi32, #tpu.memory_space<hbm>> -> memref<40xi32, #tpu.memory_space<hbm>>
      %dma_start3A_78 = tpu.memref_slice %arg12[%dma_start3A_73] : memref<5x!tpu.dma_semaphore, #tpu.memory_space<semaphore_mem>> -> memref<1x!tpu.dma_semaphore, #tpu.memory_space<semaphore_mem>>
      %dma_start3A_79 = tpu.memref_squeeze %dma_start3A_78 : memref<1x!tpu.dma_semaphore, #tpu.memory_space<semaphore_mem>> -> memref<!tpu.dma_semaphore, #tpu.memory_space<semaphore_mem>>
      %dma_start3A_80 = arith.constant 0 : i32
      %dma_start3A_81 = tpu.memref_slice %arg8[%dma_start3A_72, %dma_start3A_80] : memref<5x40xi32, #tpu.memory_space<vmem>> -> memref<1x40xi32, #tpu.memory_space<vmem>>
      %dma_start3A_82 = tpu.memref_squeeze %dma_start3A_81 : memref<1x40xi32, #tpu.memory_space<vmem>> -> memref<40xi32, #tpu.memory_space<vmem>>
      %dma_start3A_83 = tpu.memref_slice %arg4[%add3A_71] : memref<320000xi32, #tpu.memory_space<hbm>> -> memref<40xi32, #tpu.memory_space<hbm>>
      tpu.enqueue_dma source(%dma_start3A_83 : memref<40xi32, #tpu.memory_space<hbm>>) target(%dma_start3A_82 : memref<40xi32, #tpu.memory_space<vmem>>) target_semaphore(%dma_start3A_79 : memref<!tpu.dma_semaphore, #tpu.memory_space<semaphore_mem>>)
      %add3A_84 = arith.addi %mul3A_2, %mul3A_24 : i32
      %add3A_85 = arith.constant 160 : i32
      %add3A_86 = arith.addi %add3A_84, %add3A_85 : i32
      %dma_start3A_87 = arith.constant 4 : i32
      %dma_start3A_88 = arith.constant 4 : i32
      %dma_start3A_89 = arith.constant 0 : i32
      %dma_start3A_90 = tpu.memref_slice %arg8[%dma_start3A_87, %dma_start3A_89] : memref<5x40xi32, #tpu.memory_space<vmem>> -> memref<1x40xi32, #tpu.memory_space<vmem>>
      %dma_start3A_91 = tpu.memref_squeeze %dma_start3A_90 : memref<1x40xi32, #tpu.memory_space<vmem>> -> memref<40xi32, #tpu.memory_space<vmem>>
      %dma_start3A_92 = tpu.memref_slice %arg4[%add3A_86] : memref<320000xi32, #tpu.memory_space<hbm>> -> memref<40xi32, #tpu.memory_space<hbm>>
      %dma_start3A_93 = tpu.memref_slice %arg12[%dma_start3A_88] : memref<5x!tpu.dma_semaphore, #tpu.memory_space<semaphore_mem>> -> memref<1x!tpu.dma_semaphore, #tpu.memory_space<semaphore_mem>>
      %dma_start3A_94 = tpu.memref_squeeze %dma_start3A_93 : memref<1x!tpu.dma_semaphore, #tpu.memory_space<semaphore_mem>> -> memref<!tpu.dma_semaphore, #tpu.memory_space<semaphore_mem>>
      %dma_start3A_95 = arith.constant 0 : i32
      %dma_start3A_96 = tpu.memref_slice %arg8[%dma_start3A_87, %dma_start3A_95] : memref<5x40xi32, #tpu.memory_space<vmem>> -> memref<1x40xi32, #tpu.memory_space<vmem>>
      %dma_start3A_97 = tpu.memref_squeeze %dma_start3A_96 : memref<1x40xi32, #tpu.memory_space<vmem>> -> memref<40xi32, #tpu.memory_space<vmem>>
      %dma_start3A_98 = tpu.memref_slice %arg4[%add3A_86] : memref<320000xi32, #tpu.memory_space<hbm>> -> memref<40xi32, #tpu.memory_space<hbm>>
      tpu.enqueue_dma source(%dma_start3A_98 : memref<40xi32, #tpu.memory_space<hbm>>) target(%dma_start3A_97 : memref<40xi32, #tpu.memory_space<vmem>>) target_semaphore(%dma_start3A_94 : memref<!tpu.dma_semaphore, #tpu.memory_space<semaphore_mem>>)
      %add3A_99 = arith.constant 0 : i32
      %add3A_100 = arith.addi %mul3A_24, %add3A_99 : i32
      %dma_start3A_101 = arith.constant 0 : i32
      %dma_start3A_102 = arith.constant 0 : i32
      %dma_start3A_103 = arith.constant 0 : i32
      %dma_start3A_104 = arith.constant 0 : i32
      %dma_start3A_105 = tpu.memref_slice %arg9[%dma_start3A_101, %dma_start3A_103, %dma_start3A_104] : memref<5x40x32xf32, #tpu.memory_space<vmem>> -> memref<1x40x32xf32, #tpu.memory_space<vmem>>
      %dma_start3A_106 = tpu.memref_squeeze %dma_start3A_105 : memref<1x40x32xf32, #tpu.memory_space<vmem>> -> memref<40x32xf32, #tpu.memory_space<vmem>>
      %dma_start3A_107 = tpu.memref_slice %arg7[%add3A_100] : memref<10000xi32, #tpu.memory_space<vmem>> -> memref<40xi32, #tpu.memory_space<vmem>>
      %dma_start3A_108 = arith.constant 0 : i32
      %dma_start3A_109 = arith.constant 0 : i32
      %dma_start3A_110 = tpu.memref_slice %arg2[%dma_start3A_108, %dma_start3A_109] : memref<10000x32xf32, #tpu.memory_space<hbm>> -> memref<10000x32xf32, #tpu.memory_space<hbm>>
      %dma_start3A_111 = tpu.memref_slice %arg10[%dma_start3A_102] : memref<5x!tpu.dma_semaphore, #tpu.memory_space<semaphore_mem>> -> memref<1x!tpu.dma_semaphore, #tpu.memory_space<semaphore_mem>>
      %dma_start3A_112 = tpu.memref_squeeze %dma_start3A_111 : memref<1x!tpu.dma_semaphore, #tpu.memory_space<semaphore_mem>> -> memref<!tpu.dma_semaphore, #tpu.memory_space<semaphore_mem>>
      tpu.enqueue_indirect_dma source(%dma_start3A_110 : memref<10000x32xf32, #tpu.memory_space<hbm>>) target(%dma_start3A_106 : memref<40x32xf32, #tpu.memory_space<vmem>>) offsets(%dma_start3A_107 : memref<40xi32, #tpu.memory_space<vmem>>) semaphore(%dma_start3A_112 : memref<!tpu.dma_semaphore, #tpu.memory_space<semaphore_mem>>)
      %add3A_113 = arith.constant 40 : i32
      %add3A_114 = arith.addi %mul3A_24, %add3A_113 : i32
      %dma_start3A_115 = arith.constant 1 : i32
      %dma_start3A_116 = arith.constant 1 : i32
      %dma_start3A_117 = arith.constant 0 : i32
      %dma_start3A_118 = arith.constant 0 : i32
      %dma_start3A_119 = tpu.memref_slice %arg9[%dma_start3A_115, %dma_start3A_117, %dma_start3A_118] : memref<5x40x32xf32, #tpu.memory_space<vmem>> -> memref<1x40x32xf32, #tpu.memory_space<vmem>>
      %dma_start3A_120 = tpu.memref_squeeze %dma_start3A_119 : memref<1x40x32xf32, #tpu.memory_space<vmem>> -> memref<40x32xf32, #tpu.memory_space<vmem>>
      %dma_start3A_121 = tpu.memref_slice %arg7[%add3A_114] : memref<10000xi32, #tpu.memory_space<vmem>> -> memref<40xi32, #tpu.memory_space<vmem>>
      %dma_start3A_122 = arith.constant 0 : i32
      %dma_start3A_123 = arith.constant 0 : i32
      %dma_start3A_124 = tpu.memref_slice %arg2[%dma_start3A_122, %dma_start3A_123] : memref<10000x32xf32, #tpu.memory_space<hbm>> -> memref<10000x32xf32, #tpu.memory_space<hbm>>
      %dma_start3A_125 = tpu.memref_slice %arg10[%dma_start3A_116] : memref<5x!tpu.dma_semaphore, #tpu.memory_space<semaphore_mem>> -> memref<1x!tpu.dma_semaphore, #tpu.memory_space<semaphore_mem>>
      %dma_start3A_126 = tpu.memref_squeeze %dma_start3A_125 : memref<1x!tpu.dma_semaphore, #tpu.memory_space<semaphore_mem>> -> memref<!tpu.dma_semaphore, #tpu.memory_space<semaphore_mem>>
      tpu.enqueue_indirect_dma source(%dma_start3A_124 : memref<10000x32xf32, #tpu.memory_space<hbm>>) target(%dma_start3A_120 : memref<40x32xf32, #tpu.memory_space<vmem>>) offsets(%dma_start3A_121 : memref<40xi32, #tpu.memory_space<vmem>>) semaphore(%dma_start3A_126 : memref<!tpu.dma_semaphore, #tpu.memory_space<semaphore_mem>>)
      %add3A_127 = arith.constant 80 : i32
      %add3A_128 = arith.addi %mul3A_24, %add3A_127 : i32
      %dma_start3A_129 = arith.constant 2 : i32
      %dma_start3A_130 = arith.constant 2 : i32
      %dma_start3A_131 = arith.constant 0 : i32
      %dma_start3A_132 = arith.constant 0 : i32
      %dma_start3A_133 = tpu.memref_slice %arg9[%dma_start3A_129, %dma_start3A_131, %dma_start3A_132] : memref<5x40x32xf32, #tpu.memory_space<vmem>> -> memref<1x40x32xf32, #tpu.memory_space<vmem>>
      %dma_start3A_134 = tpu.memref_squeeze %dma_start3A_133 : memref<1x40x32xf32, #tpu.memory_space<vmem>> -> memref<40x32xf32, #tpu.memory_space<vmem>>
      %dma_start3A_135 = tpu.memref_slice %arg7[%add3A_128] : memref<10000xi32, #tpu.memory_space<vmem>> -> memref<40xi32, #tpu.memory_space<vmem>>
      %dma_start3A_136 = arith.constant 0 : i32
      %dma_start3A_137 = arith.constant 0 : i32
      %dma_start3A_138 = tpu.memref_slice %arg2[%dma_start3A_136, %dma_start3A_137] : memref<10000x32xf32, #tpu.memory_space<hbm>> -> memref<10000x32xf32, #tpu.memory_space<hbm>>
      %dma_start3A_139 = tpu.memref_slice %arg10[%dma_start3A_130] : memref<5x!tpu.dma_semaphore, #tpu.memory_space<semaphore_mem>> -> memref<1x!tpu.dma_semaphore, #tpu.memory_space<semaphore_mem>>
      %dma_start3A_140 = tpu.memref_squeeze %dma_start3A_139 : memref<1x!tpu.dma_semaphore, #tpu.memory_space<semaphore_mem>> -> memref<!tpu.dma_semaphore, #tpu.memory_space<semaphore_mem>>
      tpu.enqueue_indirect_dma source(%dma_start3A_138 : memref<10000x32xf32, #tpu.memory_space<hbm>>) target(%dma_start3A_134 : memref<40x32xf32, #tpu.memory_space<vmem>>) offsets(%dma_start3A_135 : memref<40xi32, #tpu.memory_space<vmem>>) semaphore(%dma_start3A_140 : memref<!tpu.dma_semaphore, #tpu.memory_space<semaphore_mem>>)
      %add3A_141 = arith.constant 120 : i32
      %add3A_142 = arith.addi %mul3A_24, %add3A_141 : i32
      %dma_start3A_143 = arith.constant 3 : i32
      %dma_start3A_144 = arith.constant 3 : i32
      %dma_start3A_145 = arith.constant 0 : i32
      %dma_start3A_146 = arith.constant 0 : i32
      %dma_start3A_147 = tpu.memref_slice %arg9[%dma_start3A_143, %dma_start3A_145, %dma_start3A_146] : memref<5x40x32xf32, #tpu.memory_space<vmem>> -> memref<1x40x32xf32, #tpu.memory_space<vmem>>
      %dma_start3A_148 = tpu.memref_squeeze %dma_start3A_147 : memref<1x40x32xf32, #tpu.memory_space<vmem>> -> memref<40x32xf32, #tpu.memory_space<vmem>>
      %dma_start3A_149 = tpu.memref_slice %arg7[%add3A_142] : memref<10000xi32, #tpu.memory_space<vmem>> -> memref<40xi32, #tpu.memory_space<vmem>>
      %dma_start3A_150 = arith.constant 0 : i32
      %dma_start3A_151 = arith.constant 0 : i32
      %dma_start3A_152 = tpu.memref_slice %arg2[%dma_start3A_150, %dma_start3A_151] : memref<10000x32xf32, #tpu.memory_space<hbm>> -> memref<10000x32xf32, #tpu.memory_space<hbm>>
      %dma_start3A_153 = tpu.memref_slice %arg10[%dma_start3A_144] : memref<5x!tpu.dma_semaphore, #tpu.memory_space<semaphore_mem>> -> memref<1x!tpu.dma_semaphore, #tpu.memory_space<semaphore_mem>>
      %dma_start3A_154 = tpu.memref_squeeze %dma_start3A_153 : memref<1x!tpu.dma_semaphore, #tpu.memory_space<semaphore_mem>> -> memref<!tpu.dma_semaphore, #tpu.memory_space<semaphore_mem>>
      tpu.enqueue_indirect_dma source(%dma_start3A_152 : memref<10000x32xf32, #tpu.memory_space<hbm>>) target(%dma_start3A_148 : memref<40x32xf32, #tpu.memory_space<vmem>>) offsets(%dma_start3A_149 : memref<40xi32, #tpu.memory_space<vmem>>) semaphore(%dma_start3A_154 : memref<!tpu.dma_semaphore, #tpu.memory_space<semaphore_mem>>)
      %add3A_155 = arith.constant 160 : i32
      %add3A_156 = arith.addi %mul3A_24, %add3A_155 : i32
      %dma_start3A_157 = arith.constant 4 : i32
      %dma_start3A_158 = arith.constant 4 : i32
      %dma_start3A_159 = arith.constant 0 : i32
      %dma_start3A_160 = arith.constant 0 : i32
      %dma_start3A_161 = tpu.memref_slice %arg9[%dma_start3A_157, %dma_start3A_159, %dma_start3A_160] : memref<5x40x32xf32, #tpu.memory_space<vmem>> -> memref<1x40x32xf32, #tpu.memory_space<vmem>>
      %dma_start3A_162 = tpu.memref_squeeze %dma_start3A_161 : memref<1x40x32xf32, #tpu.memory_space<vmem>> -> memref<40x32xf32, #tpu.memory_space<vmem>>
      %dma_start3A_163 = tpu.memref_slice %arg7[%add3A_156] : memref<10000xi32, #tpu.memory_space<vmem>> -> memref<40xi32, #tpu.memory_space<vmem>>
      %dma_start3A_164 = arith.constant 0 : i32
      %dma_start3A_165 = arith.constant 0 : i32
      %dma_start3A_166 = tpu.memref_slice %arg2[%dma_start3A_164, %dma_start3A_165] : memref<10000x32xf32, #tpu.memory_space<hbm>> -> memref<10000x32xf32, #tpu.memory_space<hbm>>
      %dma_start3A_167 = tpu.memref_slice %arg10[%dma_start3A_158] : memref<5x!tpu.dma_semaphore, #tpu.memory_space<semaphore_mem>> -> memref<1x!tpu.dma_semaphore, #tpu.memory_space<semaphore_mem>>
      %dma_start3A_168 = tpu.memref_squeeze %dma_start3A_167 : memref<1x!tpu.dma_semaphore, #tpu.memory_space<semaphore_mem>> -> memref<!tpu.dma_semaphore, #tpu.memory_space<semaphore_mem>>
      tpu.enqueue_indirect_dma source(%dma_start3A_166 : memref<10000x32xf32, #tpu.memory_space<hbm>>) target(%dma_start3A_162 : memref<40x32xf32, #tpu.memory_space<vmem>>) offsets(%dma_start3A_163 : memref<40xi32, #tpu.memory_space<vmem>>) semaphore(%dma_start3A_168 : memref<!tpu.dma_semaphore, #tpu.memory_space<semaphore_mem>>)
      %dma_wait3A = arith.constant 0 : i32
      %dma_wait3A_169 = arith.constant 0 : i32
      %dma_wait3A_170 = arith.constant 0 : i32
      %dma_wait3A_171 = arith.constant 0 : i32
      %dma_wait3A_172 = tpu.memref_slice %arg9[%dma_wait3A, %dma_wait3A_170, %dma_wait3A_171] : memref<5x40x32xf32, #tpu.memory_space<vmem>> -> memref<1x40x32xf32, #tpu.memory_space<vmem>>
      %dma_wait3A_173 = tpu.memref_squeeze %dma_wait3A_172 : memref<1x40x32xf32, #tpu.memory_space<vmem>> -> memref<40x32xf32, #tpu.memory_space<vmem>>
      %dma_wait3A_174 = tpu.memref_slice %arg7[%add3A_100] : memref<10000xi32, #tpu.memory_space<vmem>> -> memref<40xi32, #tpu.memory_space<vmem>>
      %dma_wait3A_175 = arith.constant 0 : i32
      %dma_wait3A_176 = arith.constant 0 : i32
      %dma_wait3A_177 = tpu.memref_slice %arg2[%dma_wait3A_175, %dma_wait3A_176] : memref<10000x32xf32, #tpu.memory_space<hbm>> -> memref<10000x32xf32, #tpu.memory_space<hbm>>
      %dma_wait3A_178 = tpu.memref_slice %arg10[%dma_wait3A_169] : memref<5x!tpu.dma_semaphore, #tpu.memory_space<semaphore_mem>> -> memref<1x!tpu.dma_semaphore, #tpu.memory_space<semaphore_mem>>
      %dma_wait3A_179 = tpu.memref_squeeze %dma_wait3A_178 : memref<1x!tpu.dma_semaphore, #tpu.memory_space<semaphore_mem>> -> memref<!tpu.dma_semaphore, #tpu.memory_space<semaphore_mem>>
      tpu.wait_indirect_dma semaphore(%dma_wait3A_179 : memref<!tpu.dma_semaphore, #tpu.memory_space<semaphore_mem>>) src(%dma_wait3A_177 : memref<10000x32xf32, #tpu.memory_space<hbm>>) dst(%dma_wait3A_173 : memref<40x32xf32, #tpu.memory_space<vmem>>)
      %dma_wait3A_180 = arith.constant 0 : i32
      %dma_wait3A_181 = arith.constant 0 : i32
      %dma_wait3A_182 = arith.constant 0 : i32
      %dma_wait3A_183 = tpu.memref_slice %arg8[%dma_wait3A_180, %dma_wait3A_182] : memref<5x40xi32, #tpu.memory_space<vmem>> -> memref<1x40xi32, #tpu.memory_space<vmem>>
      %dma_wait3A_184 = tpu.memref_squeeze %dma_wait3A_183 : memref<1x40xi32, #tpu.memory_space<vmem>> -> memref<40xi32, #tpu.memory_space<vmem>>
      %dma_wait3A_185 = tpu.memref_slice %arg4[%add3A_27] : memref<320000xi32, #tpu.memory_space<hbm>> -> memref<40xi32, #tpu.memory_space<hbm>>
      %dma_wait3A_186 = tpu.memref_slice %arg12[%dma_wait3A_181] : memref<5x!tpu.dma_semaphore, #tpu.memory_space<semaphore_mem>> -> memref<1x!tpu.dma_semaphore, #tpu.memory_space<semaphore_mem>>
      %dma_wait3A_187 = tpu.memref_squeeze %dma_wait3A_186 : memref<1x!tpu.dma_semaphore, #tpu.memory_space<semaphore_mem>> -> memref<!tpu.dma_semaphore, #tpu.memory_space<semaphore_mem>>
      %dma_wait3A_188 = arith.constant 0 : i32
      %dma_wait3A_189 = tpu.memref_slice %arg8[%dma_wait3A_180, %dma_wait3A_188] : memref<5x40xi32, #tpu.memory_space<vmem>> -> memref<1x40xi32, #tpu.memory_space<vmem>>
      %dma_wait3A_190 = tpu.memref_squeeze %dma_wait3A_189 : memref<1x40xi32, #tpu.memory_space<vmem>> -> memref<40xi32, #tpu.memory_space<vmem>>
      %dma_wait3A_191 = tpu.memref_slice %arg4[%add3A_27] : memref<320000xi32, #tpu.memory_space<hbm>> -> memref<40xi32, #tpu.memory_space<hbm>>
      tpu.wait_dma2 semaphore(%dma_wait3A_187 : memref<!tpu.dma_semaphore, #tpu.memory_space<semaphore_mem>>) src(%dma_wait3A_191 : memref<40xi32, #tpu.memory_space<hbm>>) dst(%dma_wait3A_190 : memref<40xi32, #tpu.memory_space<vmem>>)
      %dma_start3A_192 = arith.constant 0 : i32
      %dma_start3A_193 = arith.constant 0 : i32
      %dma_start3A_194 = arith.constant 0 : i32
      %dma_start3A_195 = arith.constant 0 : i32
      %dma_start3A_196 = arith.constant 0 : i32
      %dma_start3A_197 = tpu.memref_slice %arg9[%dma_start3A_192, %dma_start3A_195, %dma_start3A_196] : memref<5x40x32xf32, #tpu.memory_space<vmem>> -> memref<1x40x32xf32, #tpu.memory_space<vmem>>
      %dma_start3A_198 = tpu.memref_squeeze %dma_start3A_197 : memref<1x40x32xf32, #tpu.memory_space<vmem>> -> memref<40x32xf32, #tpu.memory_space<vmem>>
      %dma_start3A_199 = arith.constant 0 : i32
      %dma_start3A_200 = tpu.memref_slice %arg8[%dma_start3A_193, %dma_start3A_199] : memref<5x40xi32, #tpu.memory_space<vmem>> -> memref<1x40xi32, #tpu.memory_space<vmem>>
      %dma_start3A_201 = tpu.memref_squeeze %dma_start3A_200 : memref<1x40xi32, #tpu.memory_space<vmem>> -> memref<40xi32, #tpu.memory_space<vmem>>
      %dma_start3A_202 = arith.constant 0 : i32
      %dma_start3A_203 = arith.constant 0 : i32
      %dma_start3A_204 = tpu.memref_slice %arg13[%dma_start3A_202, %dma_start3A_203] : memref<10000x32xf32, #tpu.memory_space<vmem_shared>> -> memref<10000x32xf32, #tpu.memory_space<vmem_shared>>
      %dma_start3A_205 = tpu.memref_slice %arg11[%dma_start3A_194] : memref<5x!tpu.dma_semaphore, #tpu.memory_space<semaphore_mem>> -> memref<1x!tpu.dma_semaphore, #tpu.memory_space<semaphore_mem>>
      %dma_start3A_206 = tpu.memref_squeeze %dma_start3A_205 : memref<1x!tpu.dma_semaphore, #tpu.memory_space<semaphore_mem>> -> memref<!tpu.dma_semaphore, #tpu.memory_space<semaphore_mem>>
      tpu.enqueue_indirect_dma source(%dma_start3A_198 : memref<40x32xf32, #tpu.memory_space<vmem>>) target(%dma_start3A_204 : memref<10000x32xf32, #tpu.memory_space<vmem_shared>>) offsets(%dma_start3A_201 : memref<40xi32, #tpu.memory_space<vmem>>) semaphore(%dma_start3A_206 : memref<!tpu.dma_semaphore, #tpu.memory_space<semaphore_mem>>) {add = true}
      %dma_wait3A_207 = arith.constant 1 : i32
      %dma_wait3A_208 = arith.constant 1 : i32
      %dma_wait3A_209 = arith.constant 0 : i32
      %dma_wait3A_210 = arith.constant 0 : i32
      %dma_wait3A_211 = tpu.memref_slice %arg9[%dma_wait3A_207, %dma_wait3A_209, %dma_wait3A_210] : memref<5x40x32xf32, #tpu.memory_space<vmem>> -> memref<1x40x32xf32, #tpu.memory_space<vmem>>
      %dma_wait3A_212 = tpu.memref_squeeze %dma_wait3A_211 : memref<1x40x32xf32, #tpu.memory_space<vmem>> -> memref<40x32xf32, #tpu.memory_space<vmem>>
      %dma_wait3A_213 = tpu.memref_slice %arg7[%add3A_114] : memref<10000xi32, #tpu.memory_space<vmem>> -> memref<40xi32, #tpu.memory_space<vmem>>
      %dma_wait3A_214 = arith.constant 0 : i32
      %dma_wait3A_215 = arith.constant 0 : i32
      %dma_wait3A_216 = tpu.memref_slice %arg2[%dma_wait3A_214, %dma_wait3A_215] : memref<10000x32xf32, #tpu.memory_space<hbm>> -> memref<10000x32xf32, #tpu.memory_space<hbm>>
      %dma_wait3A_217 = tpu.memref_slice %arg10[%dma_wait3A_208] : memref<5x!tpu.dma_semaphore, #tpu.memory_space<semaphore_mem>> -> memref<1x!tpu.dma_semaphore, #tpu.memory_space<semaphore_mem>>
      %dma_wait3A_218 = tpu.memref_squeeze %dma_wait3A_217 : memref<1x!tpu.dma_semaphore, #tpu.memory_space<semaphore_mem>> -> memref<!tpu.dma_semaphore, #tpu.memory_space<semaphore_mem>>
      tpu.wait_indirect_dma semaphore(%dma_wait3A_218 : memref<!tpu.dma_semaphore, #tpu.memory_space<semaphore_mem>>) src(%dma_wait3A_216 : memref<10000x32xf32, #tpu.memory_space<hbm>>) dst(%dma_wait3A_212 : memref<40x32xf32, #tpu.memory_space<vmem>>)
      %dma_wait3A_219 = arith.constant 1 : i32
      %dma_wait3A_220 = arith.constant 1 : i32
      %dma_wait3A_221 = arith.constant 0 : i32
      %dma_wait3A_222 = tpu.memref_slice %arg8[%dma_wait3A_219, %dma_wait3A_221] : memref<5x40xi32, #tpu.memory_space<vmem>> -> memref<1x40xi32, #tpu.memory_space<vmem>>
      %dma_wait3A_223 = tpu.memref_squeeze %dma_wait3A_222 : memref<1x40xi32, #tpu.memory_space<vmem>> -> memref<40xi32, #tpu.memory_space<vmem>>
      %dma_wait3A_224 = tpu.memref_slice %arg4[%add3A_41] : memref<320000xi32, #tpu.memory_space<hbm>> -> memref<40xi32, #tpu.memory_space<hbm>>
      %dma_wait3A_225 = tpu.memref_slice %arg12[%dma_wait3A_220] : memref<5x!tpu.dma_semaphore, #tpu.memory_space<semaphore_mem>> -> memref<1x!tpu.dma_semaphore, #tpu.memory_space<semaphore_mem>>
      %dma_wait3A_226 = tpu.memref_squeeze %dma_wait3A_225 : memref<1x!tpu.dma_semaphore, #tpu.memory_space<semaphore_mem>> -> memref<!tpu.dma_semaphore, #tpu.memory_space<semaphore_mem>>
      %dma_wait3A_227 = arith.constant 0 : i32
      %dma_wait3A_228 = tpu.memref_slice %arg8[%dma_wait3A_219, %dma_wait3A_227] : memref<5x40xi32, #tpu.memory_space<vmem>> -> memref<1x40xi32, #tpu.memory_space<vmem>>
      %dma_wait3A_229 = tpu.memref_squeeze %dma_wait3A_228 : memref<1x40xi32, #tpu.memory_space<vmem>> -> memref<40xi32, #tpu.memory_space<vmem>>
      %dma_wait3A_230 = tpu.memref_slice %arg4[%add3A_41] : memref<320000xi32, #tpu.memory_space<hbm>> -> memref<40xi32, #tpu.memory_space<hbm>>
      tpu.wait_dma2 semaphore(%dma_wait3A_226 : memref<!tpu.dma_semaphore, #tpu.memory_space<semaphore_mem>>) src(%dma_wait3A_230 : memref<40xi32, #tpu.memory_space<hbm>>) dst(%dma_wait3A_229 : memref<40xi32, #tpu.memory_space<vmem>>)
      %dma_start3A_231 = arith.constant 1 : i32
      %dma_start3A_232 = arith.constant 1 : i32
      %dma_start3A_233 = arith.constant 1 : i32
      %dma_start3A_234 = arith.constant 0 : i32
      %dma_start3A_235 = arith.constant 0 : i32
      %dma_start3A_236 = tpu.memref_slice %arg9[%dma_start3A_231, %dma_start3A_234, %dma_start3A_235] : memref<5x40x32xf32, #tpu.memory_space<vmem>> -> memref<1x40x32xf32, #tpu.memory_space<vmem>>
      %dma_start3A_237 = tpu.memref_squeeze %dma_start3A_236 : memref<1x40x32xf32, #tpu.memory_space<vmem>> -> memref<40x32xf32, #tpu.memory_space<vmem>>
      %dma_start3A_238 = arith.constant 0 : i32
      %dma_start3A_239 = tpu.memref_slice %arg8[%dma_start3A_232, %dma_start3A_238] : memref<5x40xi32, #tpu.memory_space<vmem>> -> memref<1x40xi32, #tpu.memory_space<vmem>>
      %dma_start3A_240 = tpu.memref_squeeze %dma_start3A_239 : memref<1x40xi32, #tpu.memory_space<vmem>> -> memref<40xi32, #tpu.memory_space<vmem>>
      %dma_start3A_241 = arith.constant 0 : i32
      %dma_start3A_242 = arith.constant 0 : i32
      %dma_start3A_243 = tpu.memref_slice %arg13[%dma_start3A_241, %dma_start3A_242] : memref<10000x32xf32, #tpu.memory_space<vmem_shared>> -> memref<10000x32xf32, #tpu.memory_space<vmem_shared>>
      %dma_start3A_244 = tpu.memref_slice %arg11[%dma_start3A_233] : memref<5x!tpu.dma_semaphore, #tpu.memory_space<semaphore_mem>> -> memref<1x!tpu.dma_semaphore, #tpu.memory_space<semaphore_mem>>
      %dma_start3A_245 = tpu.memref_squeeze %dma_start3A_244 : memref<1x!tpu.dma_semaphore, #tpu.memory_space<semaphore_mem>> -> memref<!tpu.dma_semaphore, #tpu.memory_space<semaphore_mem>>
      tpu.enqueue_indirect_dma source(%dma_start3A_237 : memref<40x32xf32, #tpu.memory_space<vmem>>) target(%dma_start3A_243 : memref<10000x32xf32, #tpu.memory_space<vmem_shared>>) offsets(%dma_start3A_240 : memref<40xi32, #tpu.memory_space<vmem>>) semaphore(%dma_start3A_245 : memref<!tpu.dma_semaphore, #tpu.memory_space<semaphore_mem>>) {add = true}
      %dma_wait3A_246 = arith.constant 2 : i32
      %dma_wait3A_247 = arith.constant 2 : i32
      %dma_wait3A_248 = arith.constant 0 : i32
      %dma_wait3A_249 = arith.constant 0 : i32
      %dma_wait3A_250 = tpu.memref_slice %arg9[%dma_wait3A_246, %dma_wait3A_248, %dma_wait3A_249] : memref<5x40x32xf32, #tpu.memory_space<vmem>> -> memref<1x40x32xf32, #tpu.memory_space<vmem>>
      %dma_wait3A_251 = tpu.memref_squeeze %dma_wait3A_250 : memref<1x40x32xf32, #tpu.memory_space<vmem>> -> memref<40x32xf32, #tpu.memory_space<vmem>>
      %dma_wait3A_252 = tpu.memref_slice %arg7[%add3A_128] : memref<10000xi32, #tpu.memory_space<vmem>> -> memref<40xi32, #tpu.memory_space<vmem>>
      %dma_wait3A_253 = arith.constant 0 : i32
      %dma_wait3A_254 = arith.constant 0 : i32
      %dma_wait3A_255 = tpu.memref_slice %arg2[%dma_wait3A_253, %dma_wait3A_254] : memref<10000x32xf32, #tpu.memory_space<hbm>> -> memref<10000x32xf32, #tpu.memory_space<hbm>>
      %dma_wait3A_256 = tpu.memref_slice %arg10[%dma_wait3A_247] : memref<5x!tpu.dma_semaphore, #tpu.memory_space<semaphore_mem>> -> memref<1x!tpu.dma_semaphore, #tpu.memory_space<semaphore_mem>>
      %dma_wait3A_257 = tpu.memref_squeeze %dma_wait3A_256 : memref<1x!tpu.dma_semaphore, #tpu.memory_space<semaphore_mem>> -> memref<!tpu.dma_semaphore, #tpu.memory_space<semaphore_mem>>
      tpu.wait_indirect_dma semaphore(%dma_wait3A_257 : memref<!tpu.dma_semaphore, #tpu.memory_space<semaphore_mem>>) src(%dma_wait3A_255 : memref<10000x32xf32, #tpu.memory_space<hbm>>) dst(%dma_wait3A_251 : memref<40x32xf32, #tpu.memory_space<vmem>>)
      %dma_wait3A_258 = arith.constant 2 : i32
      %dma_wait3A_259 = arith.constant 2 : i32
      %dma_wait3A_260 = arith.constant 0 : i32
      %dma_wait3A_261 = tpu.memref_slice %arg8[%dma_wait3A_258, %dma_wait3A_260] : memref<5x40xi32, #tpu.memory_space<vmem>> -> memref<1x40xi32, #tpu.memory_space<vmem>>
      %dma_wait3A_262 = tpu.memref_squeeze %dma_wait3A_261 : memref<1x40xi32, #tpu.memory_space<vmem>> -> memref<40xi32, #tpu.memory_space<vmem>>
      %dma_wait3A_263 = tpu.memref_slice %arg4[%add3A_56] : memref<320000xi32, #tpu.memory_space<hbm>> -> memref<40xi32, #tpu.memory_space<hbm>>
      %dma_wait3A_264 = tpu.memref_slice %arg12[%dma_wait3A_259] : memref<5x!tpu.dma_semaphore, #tpu.memory_space<semaphore_mem>> -> memref<1x!tpu.dma_semaphore, #tpu.memory_space<semaphore_mem>>
      %dma_wait3A_265 = tpu.memref_squeeze %dma_wait3A_264 : memref<1x!tpu.dma_semaphore, #tpu.memory_space<semaphore_mem>> -> memref<!tpu.dma_semaphore, #tpu.memory_space<semaphore_mem>>
      %dma_wait3A_266 = arith.constant 0 : i32
      %dma_wait3A_267 = tpu.memref_slice %arg8[%dma_wait3A_258, %dma_wait3A_266] : memref<5x40xi32, #tpu.memory_space<vmem>> -> memref<1x40xi32, #tpu.memory_space<vmem>>
      %dma_wait3A_268 = tpu.memref_squeeze %dma_wait3A_267 : memref<1x40xi32, #tpu.memory_space<vmem>> -> memref<40xi32, #tpu.memory_space<vmem>>
      %dma_wait3A_269 = tpu.memref_slice %arg4[%add3A_56] : memref<320000xi32, #tpu.memory_space<hbm>> -> memref<40xi32, #tpu.memory_space<hbm>>
      tpu.wait_dma2 semaphore(%dma_wait3A_265 : memref<!tpu.dma_semaphore, #tpu.memory_space<semaphore_mem>>) src(%dma_wait3A_269 : memref<40xi32, #tpu.memory_space<hbm>>) dst(%dma_wait3A_268 : memref<40xi32, #tpu.memory_space<vmem>>)
      %dma_start3A_270 = arith.constant 2 : i32
      %dma_start3A_271 = arith.constant 2 : i32
      %dma_start3A_272 = arith.constant 2 : i32
      %dma_start3A_273 = arith.constant 0 : i32
      %dma_start3A_274 = arith.constant 0 : i32
      %dma_start3A_275 = tpu.memref_slice %arg9[%dma_start3A_270, %dma_start3A_273, %dma_start3A_274] : memref<5x40x32xf32, #tpu.memory_space<vmem>> -> memref<1x40x32xf32, #tpu.memory_space<vmem>>
      %dma_start3A_276 = tpu.memref_squeeze %dma_start3A_275 : memref<1x40x32xf32, #tpu.memory_space<vmem>> -> memref<40x32xf32, #tpu.memory_space<vmem>>
      %dma_start3A_277 = arith.constant 0 : i32
      %dma_start3A_278 = tpu.memref_slice %arg8[%dma_start3A_271, %dma_start3A_277] : memref<5x40xi32, #tpu.memory_space<vmem>> -> memref<1x40xi32, #tpu.memory_space<vmem>>
      %dma_start3A_279 = tpu.memref_squeeze %dma_start3A_278 : memref<1x40xi32, #tpu.memory_space<vmem>> -> memref<40xi32, #tpu.memory_space<vmem>>
      %dma_start3A_280 = arith.constant 0 : i32
      %dma_start3A_281 = arith.constant 0 : i32
      %dma_start3A_282 = tpu.memref_slice %arg13[%dma_start3A_280, %dma_start3A_281] : memref<10000x32xf32, #tpu.memory_space<vmem_shared>> -> memref<10000x32xf32, #tpu.memory_space<vmem_shared>>
      %dma_start3A_283 = tpu.memref_slice %arg11[%dma_start3A_272] : memref<5x!tpu.dma_semaphore, #tpu.memory_space<semaphore_mem>> -> memref<1x!tpu.dma_semaphore, #tpu.memory_space<semaphore_mem>>
      %dma_start3A_284 = tpu.memref_squeeze %dma_start3A_283 : memref<1x!tpu.dma_semaphore, #tpu.memory_space<semaphore_mem>> -> memref<!tpu.dma_semaphore, #tpu.memory_space<semaphore_mem>>
      tpu.enqueue_indirect_dma source(%dma_start3A_276 : memref<40x32xf32, #tpu.memory_space<vmem>>) target(%dma_start3A_282 : memref<10000x32xf32, #tpu.memory_space<vmem_shared>>) offsets(%dma_start3A_279 : memref<40xi32, #tpu.memory_space<vmem>>) semaphore(%dma_start3A_284 : memref<!tpu.dma_semaphore, #tpu.memory_space<semaphore_mem>>) {add = true}
      %dma_wait3A_285 = arith.constant 3 : i32
      %dma_wait3A_286 = arith.constant 3 : i32
      %dma_wait3A_287 = arith.constant 0 : i32
      %dma_wait3A_288 = arith.constant 0 : i32
      %dma_wait3A_289 = tpu.memref_slice %arg9[%dma_wait3A_285, %dma_wait3A_287, %dma_wait3A_288] : memref<5x40x32xf32, #tpu.memory_space<vmem>> -> memref<1x40x32xf32, #tpu.memory_space<vmem>>
      %dma_wait3A_290 = tpu.memref_squeeze %dma_wait3A_289 : memref<1x40x32xf32, #tpu.memory_space<vmem>> -> memref<40x32xf32, #tpu.memory_space<vmem>>
      %dma_wait3A_291 = tpu.memref_slice %arg7[%add3A_142] : memref<10000xi32, #tpu.memory_space<vmem>> -> memref<40xi32, #tpu.memory_space<vmem>>
      %dma_wait3A_292 = arith.constant 0 : i32
      %dma_wait3A_293 = arith.constant 0 : i32
      %dma_wait3A_294 = tpu.memref_slice %arg2[%dma_wait3A_292, %dma_wait3A_293] : memref<10000x32xf32, #tpu.memory_space<hbm>> -> memref<10000x32xf32, #tpu.memory_space<hbm>>
      %dma_wait3A_295 = tpu.memref_slice %arg10[%dma_wait3A_286] : memref<5x!tpu.dma_semaphore, #tpu.memory_space<semaphore_mem>> -> memref<1x!tpu.dma_semaphore, #tpu.memory_space<semaphore_mem>>
      %dma_wait3A_296 = tpu.memref_squeeze %dma_wait3A_295 : memref<1x!tpu.dma_semaphore, #tpu.memory_space<semaphore_mem>> -> memref<!tpu.dma_semaphore, #tpu.memory_space<semaphore_mem>>
      tpu.wait_indirect_dma semaphore(%dma_wait3A_296 : memref<!tpu.dma_semaphore, #tpu.memory_space<semaphore_mem>>) src(%dma_wait3A_294 : memref<10000x32xf32, #tpu.memory_space<hbm>>) dst(%dma_wait3A_290 : memref<40x32xf32, #tpu.memory_space<vmem>>)
      %dma_wait3A_297 = arith.constant 3 : i32
      %dma_wait3A_298 = arith.constant 3 : i32
      %dma_wait3A_299 = arith.constant 0 : i32
      %dma_wait3A_300 = tpu.memref_slice %arg8[%dma_wait3A_297, %dma_wait3A_299] : memref<5x40xi32, #tpu.memory_space<vmem>> -> memref<1x40xi32, #tpu.memory_space<vmem>>
      %dma_wait3A_301 = tpu.memref_squeeze %dma_wait3A_300 : memref<1x40xi32, #tpu.memory_space<vmem>> -> memref<40xi32, #tpu.memory_space<vmem>>
      %dma_wait3A_302 = tpu.memref_slice %arg4[%add3A_71] : memref<320000xi32, #tpu.memory_space<hbm>> -> memref<40xi32, #tpu.memory_space<hbm>>
      %dma_wait3A_303 = tpu.memref_slice %arg12[%dma_wait3A_298] : memref<5x!tpu.dma_semaphore, #tpu.memory_space<semaphore_mem>> -> memref<1x!tpu.dma_semaphore, #tpu.memory_space<semaphore_mem>>
      %dma_wait3A_304 = tpu.memref_squeeze %dma_wait3A_303 : memref<1x!tpu.dma_semaphore, #tpu.memory_space<semaphore_mem>> -> memref<!tpu.dma_semaphore, #tpu.memory_space<semaphore_mem>>
      %dma_wait3A_305 = arith.constant 0 : i32
      %dma_wait3A_306 = tpu.memref_slice %arg8[%dma_wait3A_297, %dma_wait3A_305] : memref<5x40xi32, #tpu.memory_space<vmem>> -> memref<1x40xi32, #tpu.memory_space<vmem>>
      %dma_wait3A_307 = tpu.memref_squeeze %dma_wait3A_306 : memref<1x40xi32, #tpu.memory_space<vmem>> -> memref<40xi32, #tpu.memory_space<vmem>>
      %dma_wait3A_308 = tpu.memref_slice %arg4[%add3A_71] : memref<320000xi32, #tpu.memory_space<hbm>> -> memref<40xi32, #tpu.memory_space<hbm>>
      tpu.wait_dma2 semaphore(%dma_wait3A_304 : memref<!tpu.dma_semaphore, #tpu.memory_space<semaphore_mem>>) src(%dma_wait3A_308 : memref<40xi32, #tpu.memory_space<hbm>>) dst(%dma_wait3A_307 : memref<40xi32, #tpu.memory_space<vmem>>)
      %dma_start3A_309 = arith.constant 3 : i32
      %dma_start3A_310 = arith.constant 3 : i32
      %dma_start3A_311 = arith.constant 3 : i32
      %dma_start3A_312 = arith.constant 0 : i32
      %dma_start3A_313 = arith.constant 0 : i32
      %dma_start3A_314 = tpu.memref_slice %arg9[%dma_start3A_309, %dma_start3A_312, %dma_start3A_313] : memref<5x40x32xf32, #tpu.memory_space<vmem>> -> memref<1x40x32xf32, #tpu.memory_space<vmem>>
      %dma_start3A_315 = tpu.memref_squeeze %dma_start3A_314 : memref<1x40x32xf32, #tpu.memory_space<vmem>> -> memref<40x32xf32, #tpu.memory_space<vmem>>
      %dma_start3A_316 = arith.constant 0 : i32
      %dma_start3A_317 = tpu.memref_slice %arg8[%dma_start3A_310, %dma_start3A_316] : memref<5x40xi32, #tpu.memory_space<vmem>> -> memref<1x40xi32, #tpu.memory_space<vmem>>
      %dma_start3A_318 = tpu.memref_squeeze %dma_start3A_317 : memref<1x40xi32, #tpu.memory_space<vmem>> -> memref<40xi32, #tpu.memory_space<vmem>>
      %dma_start3A_319 = arith.constant 0 : i32
      %dma_start3A_320 = arith.constant 0 : i32
      %dma_start3A_321 = tpu.memref_slice %arg13[%dma_start3A_319, %dma_start3A_320] : memref<10000x32xf32, #tpu.memory_space<vmem_shared>> -> memref<10000x32xf32, #tpu.memory_space<vmem_shared>>
      %dma_start3A_322 = tpu.memref_slice %arg11[%dma_start3A_311] : memref<5x!tpu.dma_semaphore, #tpu.memory_space<semaphore_mem>> -> memref<1x!tpu.dma_semaphore, #tpu.memory_space<semaphore_mem>>
      %dma_start3A_323 = tpu.memref_squeeze %dma_start3A_322 : memref<1x!tpu.dma_semaphore, #tpu.memory_space<semaphore_mem>> -> memref<!tpu.dma_semaphore, #tpu.memory_space<semaphore_mem>>
      tpu.enqueue_indirect_dma source(%dma_start3A_315 : memref<40x32xf32, #tpu.memory_space<vmem>>) target(%dma_start3A_321 : memref<10000x32xf32, #tpu.memory_space<vmem_shared>>) offsets(%dma_start3A_318 : memref<40xi32, #tpu.memory_space<vmem>>) semaphore(%dma_start3A_323 : memref<!tpu.dma_semaphore, #tpu.memory_space<semaphore_mem>>) {add = true}
      %dma_wait3A_324 = arith.constant 4 : i32
      %dma_wait3A_325 = arith.constant 4 : i32
      %dma_wait3A_326 = arith.constant 0 : i32
      %dma_wait3A_327 = arith.constant 0 : i32
      %dma_wait3A_328 = tpu.memref_slice %arg9[%dma_wait3A_324, %dma_wait3A_326, %dma_wait3A_327] : memref<5x40x32xf32, #tpu.memory_space<vmem>> -> memref<1x40x32xf32, #tpu.memory_space<vmem>>
      %dma_wait3A_329 = tpu.memref_squeeze %dma_wait3A_328 : memref<1x40x32xf32, #tpu.memory_space<vmem>> -> memref<40x32xf32, #tpu.memory_space<vmem>>
      %dma_wait3A_330 = tpu.memref_slice %arg7[%add3A_156] : memref<10000xi32, #tpu.memory_space<vmem>> -> memref<40xi32, #tpu.memory_space<vmem>>
      %dma_wait3A_331 = arith.constant 0 : i32
      %dma_wait3A_332 = arith.constant 0 : i32
      %dma_wait3A_333 = tpu.memref_slice %arg2[%dma_wait3A_331, %dma_wait3A_332] : memref<10000x32xf32, #tpu.memory_space<hbm>> -> memref<10000x32xf32, #tpu.memory_space<hbm>>
      %dma_wait3A_334 = tpu.memref_slice %arg10[%dma_wait3A_325] : memref<5x!tpu.dma_semaphore, #tpu.memory_space<semaphore_mem>> -> memref<1x!tpu.dma_semaphore, #tpu.memory_space<semaphore_mem>>
      %dma_wait3A_335 = tpu.memref_squeeze %dma_wait3A_334 : memref<1x!tpu.dma_semaphore, #tpu.memory_space<semaphore_mem>> -> memref<!tpu.dma_semaphore, #tpu.memory_space<semaphore_mem>>
      tpu.wait_indirect_dma semaphore(%dma_wait3A_335 : memref<!tpu.dma_semaphore, #tpu.memory_space<semaphore_mem>>) src(%dma_wait3A_333 : memref<10000x32xf32, #tpu.memory_space<hbm>>) dst(%dma_wait3A_329 : memref<40x32xf32, #tpu.memory_space<vmem>>)
      %dma_wait3A_336 = arith.constant 4 : i32
      %dma_wait3A_337 = arith.constant 4 : i32
      %dma_wait3A_338 = arith.constant 0 : i32
      %dma_wait3A_339 = tpu.memref_slice %arg8[%dma_wait3A_336, %dma_wait3A_338] : memref<5x40xi32, #tpu.memory_space<vmem>> -> memref<1x40xi32, #tpu.memory_space<vmem>>
      %dma_wait3A_340 = tpu.memref_squeeze %dma_wait3A_339 : memref<1x40xi32, #tpu.memory_space<vmem>> -> memref<40xi32, #tpu.memory_space<vmem>>
      %dma_wait3A_341 = tpu.memref_slice %arg4[%add3A_86] : memref<320000xi32, #tpu.memory_space<hbm>> -> memref<40xi32, #tpu.memory_space<hbm>>
      %dma_wait3A_342 = tpu.memref_slice %arg12[%dma_wait3A_337] : memref<5x!tpu.dma_semaphore, #tpu.memory_space<semaphore_mem>> -> memref<1x!tpu.dma_semaphore, #tpu.memory_space<semaphore_mem>>
      %dma_wait3A_343 = tpu.memref_squeeze %dma_wait3A_342 : memref<1x!tpu.dma_semaphore, #tpu.memory_space<semaphore_mem>> -> memref<!tpu.dma_semaphore, #tpu.memory_space<semaphore_mem>>
      %dma_wait3A_344 = arith.constant 0 : i32
      %dma_wait3A_345 = tpu.memref_slice %arg8[%dma_wait3A_336, %dma_wait3A_344] : memref<5x40xi32, #tpu.memory_space<vmem>> -> memref<1x40xi32, #tpu.memory_space<vmem>>
      %dma_wait3A_346 = tpu.memref_squeeze %dma_wait3A_345 : memref<1x40xi32, #tpu.memory_space<vmem>> -> memref<40xi32, #tpu.memory_space<vmem>>
      %dma_wait3A_347 = tpu.memref_slice %arg4[%add3A_86] : memref<320000xi32, #tpu.memory_space<hbm>> -> memref<40xi32, #tpu.memory_space<hbm>>
      tpu.wait_dma2 semaphore(%dma_wait3A_343 : memref<!tpu.dma_semaphore, #tpu.memory_space<semaphore_mem>>) src(%dma_wait3A_347 : memref<40xi32, #tpu.memory_space<hbm>>) dst(%dma_wait3A_346 : memref<40xi32, #tpu.memory_space<vmem>>)
      %dma_start3A_348 = arith.constant 4 : i32
      %dma_start3A_349 = arith.constant 4 : i32
      %dma_start3A_350 = arith.constant 4 : i32
      %dma_start3A_351 = arith.constant 0 : i32
      %dma_start3A_352 = arith.constant 0 : i32
      %dma_start3A_353 = tpu.memref_slice %arg9[%dma_start3A_348, %dma_start3A_351, %dma_start3A_352] : memref<5x40x32xf32, #tpu.memory_space<vmem>> -> memref<1x40x32xf32, #tpu.memory_space<vmem>>
      %dma_start3A_354 = tpu.memref_squeeze %dma_start3A_353 : memref<1x40x32xf32, #tpu.memory_space<vmem>> -> memref<40x32xf32, #tpu.memory_space<vmem>>
      %dma_start3A_355 = arith.constant 0 : i32
      %dma_start3A_356 = tpu.memref_slice %arg8[%dma_start3A_349, %dma_start3A_355] : memref<5x40xi32, #tpu.memory_space<vmem>> -> memref<1x40xi32, #tpu.memory_space<vmem>>
      %dma_start3A_357 = tpu.memref_squeeze %dma_start3A_356 : memref<1x40xi32, #tpu.memory_space<vmem>> -> memref<40xi32, #tpu.memory_space<vmem>>
      %dma_start3A_358 = arith.constant 0 : i32
      %dma_start3A_359 = arith.constant 0 : i32
      %dma_start3A_360 = tpu.memref_slice %arg13[%dma_start3A_358, %dma_start3A_359] : memref<10000x32xf32, #tpu.memory_space<vmem_shared>> -> memref<10000x32xf32, #tpu.memory_space<vmem_shared>>
      %dma_start3A_361 = tpu.memref_slice %arg11[%dma_start3A_350] : memref<5x!tpu.dma_semaphore, #tpu.memory_space<semaphore_mem>> -> memref<1x!tpu.dma_semaphore, #tpu.memory_space<semaphore_mem>>
      %dma_start3A_362 = tpu.memref_squeeze %dma_start3A_361 : memref<1x!tpu.dma_semaphore, #tpu.memory_space<semaphore_mem>> -> memref<!tpu.dma_semaphore, #tpu.memory_space<semaphore_mem>>
      tpu.enqueue_indirect_dma source(%dma_start3A_354 : memref<40x32xf32, #tpu.memory_space<vmem>>) target(%dma_start3A_360 : memref<10000x32xf32, #tpu.memory_space<vmem_shared>>) offsets(%dma_start3A_357 : memref<40xi32, #tpu.memory_space<vmem>>) semaphore(%dma_start3A_362 : memref<!tpu.dma_semaphore, #tpu.memory_space<semaphore_mem>>) {add = true}
      %dma_wait3A_363 = arith.constant 0 : i32
      %dma_wait3A_364 = arith.constant 0 : i32
      %dma_wait3A_365 = arith.constant 0 : i32
      %dma_wait3A_366 = arith.constant 0 : i32
      %dma_wait3A_367 = arith.constant 0 : i32
      %dma_wait3A_368 = tpu.memref_slice %arg9[%dma_wait3A_363, %dma_wait3A_366, %dma_wait3A_367] : memref<5x40x32xf32, #tpu.memory_space<vmem>> -> memref<1x40x32xf32, #tpu.memory_space<vmem>>
      %dma_wait3A_369 = tpu.memref_squeeze %dma_wait3A_368 : memref<1x40x32xf32, #tpu.memory_space<vmem>> -> memref<40x32xf32, #tpu.memory_space<vmem>>
      %dma_wait3A_370 = arith.constant 0 : i32
      %dma_wait3A_371 = tpu.memref_slice %arg8[%dma_wait3A_364, %dma_wait3A_370] : memref<5x40xi32, #tpu.memory_space<vmem>> -> memref<1x40xi32, #tpu.memory_space<vmem>>
      %dma_wait3A_372 = tpu.memref_squeeze %dma_wait3A_371 : memref<1x40xi32, #tpu.memory_space<vmem>> -> memref<40xi32, #tpu.memory_space<vmem>>
      %dma_wait3A_373 = arith.constant 0 : i32
      %dma_wait3A_374 = arith.constant 0 : i32
      %dma_wait3A_375 = tpu.memref_slice %arg13[%dma_wait3A_373, %dma_wait3A_374] : memref<10000x32xf32, #tpu.memory_space<vmem_shared>> -> memref<10000x32xf32, #tpu.memory_space<vmem_shared>>
      %dma_wait3A_376 = tpu.memref_slice %arg11[%dma_wait3A_365] : memref<5x!tpu.dma_semaphore, #tpu.memory_space<semaphore_mem>> -> memref<1x!tpu.dma_semaphore, #tpu.memory_space<semaphore_mem>>
      %dma_wait3A_377 = tpu.memref_squeeze %dma_wait3A_376 : memref<1x!tpu.dma_semaphore, #tpu.memory_space<semaphore_mem>> -> memref<!tpu.dma_semaphore, #tpu.memory_space<semaphore_mem>>
      tpu.wait_indirect_dma semaphore(%dma_wait3A_377 : memref<!tpu.dma_semaphore, #tpu.memory_space<semaphore_mem>>) src(%dma_wait3A_369 : memref<40x32xf32, #tpu.memory_space<vmem>>) dst(%dma_wait3A_375 : memref<10000x32xf32, #tpu.memory_space<vmem_shared>>)
      %dma_wait3A_378 = arith.constant 1 : i32
      %dma_wait3A_379 = arith.constant 1 : i32
      %dma_wait3A_380 = arith.constant 1 : i32
      %dma_wait3A_381 = arith.constant 0 : i32
      %dma_wait3A_382 = arith.constant 0 : i32
      %dma_wait3A_383 = tpu.memref_slice %arg9[%dma_wait3A_378, %dma_wait3A_381, %dma_wait3A_382] : memref<5x40x32xf32, #tpu.memory_space<vmem>> -> memref<1x40x32xf32, #tpu.memory_space<vmem>>
      %dma_wait3A_384 = tpu.memref_squeeze %dma_wait3A_383 : memref<1x40x32xf32, #tpu.memory_space<vmem>> -> memref<40x32xf32, #tpu.memory_space<vmem>>
      %dma_wait3A_385 = arith.constant 0 : i32
      %dma_wait3A_386 = tpu.memref_slice %arg8[%dma_wait3A_379, %dma_wait3A_385] : memref<5x40xi32, #tpu.memory_space<vmem>> -> memref<1x40xi32, #tpu.memory_space<vmem>>
      %dma_wait3A_387 = tpu.memref_squeeze %dma_wait3A_386 : memref<1x40xi32, #tpu.memory_space<vmem>> -> memref<40xi32, #tpu.memory_space<vmem>>
      %dma_wait3A_388 = arith.constant 0 : i32
      %dma_wait3A_389 = arith.constant 0 : i32
      %dma_wait3A_390 = tpu.memref_slice %arg13[%dma_wait3A_388, %dma_wait3A_389] : memref<10000x32xf32, #tpu.memory_space<vmem_shared>> -> memref<10000x32xf32, #tpu.memory_space<vmem_shared>>
      %dma_wait3A_391 = tpu.memref_slice %arg11[%dma_wait3A_380] : memref<5x!tpu.dma_semaphore, #tpu.memory_space<semaphore_mem>> -> memref<1x!tpu.dma_semaphore, #tpu.memory_space<semaphore_mem>>
      %dma_wait3A_392 = tpu.memref_squeeze %dma_wait3A_391 : memref<1x!tpu.dma_semaphore, #tpu.memory_space<semaphore_mem>> -> memref<!tpu.dma_semaphore, #tpu.memory_space<semaphore_mem>>
      tpu.wait_indirect_dma semaphore(%dma_wait3A_392 : memref<!tpu.dma_semaphore, #tpu.memory_space<semaphore_mem>>) src(%dma_wait3A_384 : memref<40x32xf32, #tpu.memory_space<vmem>>) dst(%dma_wait3A_390 : memref<10000x32xf32, #tpu.memory_space<vmem_shared>>)
      %dma_wait3A_393 = arith.constant 2 : i32
      %dma_wait3A_394 = arith.constant 2 : i32
      %dma_wait3A_395 = arith.constant 2 : i32
      %dma_wait3A_396 = arith.constant 0 : i32
      %dma_wait3A_397 = arith.constant 0 : i32
      %dma_wait3A_398 = tpu.memref_slice %arg9[%dma_wait3A_393, %dma_wait3A_396, %dma_wait3A_397] : memref<5x40x32xf32, #tpu.memory_space<vmem>> -> memref<1x40x32xf32, #tpu.memory_space<vmem>>
      %dma_wait3A_399 = tpu.memref_squeeze %dma_wait3A_398 : memref<1x40x32xf32, #tpu.memory_space<vmem>> -> memref<40x32xf32, #tpu.memory_space<vmem>>
      %dma_wait3A_400 = arith.constant 0 : i32
      %dma_wait3A_401 = tpu.memref_slice %arg8[%dma_wait3A_394, %dma_wait3A_400] : memref<5x40xi32, #tpu.memory_space<vmem>> -> memref<1x40xi32, #tpu.memory_space<vmem>>
      %dma_wait3A_402 = tpu.memref_squeeze %dma_wait3A_401 : memref<1x40xi32, #tpu.memory_space<vmem>> -> memref<40xi32, #tpu.memory_space<vmem>>
      %dma_wait3A_403 = arith.constant 0 : i32
      %dma_wait3A_404 = arith.constant 0 : i32
      %dma_wait3A_405 = tpu.memref_slice %arg13[%dma_wait3A_403, %dma_wait3A_404] : memref<10000x32xf32, #tpu.memory_space<vmem_shared>> -> memref<10000x32xf32, #tpu.memory_space<vmem_shared>>
      %dma_wait3A_406 = tpu.memref_slice %arg11[%dma_wait3A_395] : memref<5x!tpu.dma_semaphore, #tpu.memory_space<semaphore_mem>> -> memref<1x!tpu.dma_semaphore, #tpu.memory_space<semaphore_mem>>
      %dma_wait3A_407 = tpu.memref_squeeze %dma_wait3A_406 : memref<1x!tpu.dma_semaphore, #tpu.memory_space<semaphore_mem>> -> memref<!tpu.dma_semaphore, #tpu.memory_space<semaphore_mem>>
      tpu.wait_indirect_dma semaphore(%dma_wait3A_407 : memref<!tpu.dma_semaphore, #tpu.memory_space<semaphore_mem>>) src(%dma_wait3A_399 : memref<40x32xf32, #tpu.memory_space<vmem>>) dst(%dma_wait3A_405 : memref<10000x32xf32, #tpu.memory_space<vmem_shared>>)
      %dma_wait3A_408 = arith.constant 3 : i32
      %dma_wait3A_409 = arith.constant 3 : i32
      %dma_wait3A_410 = arith.constant 3 : i32
      %dma_wait3A_411 = arith.constant 0 : i32
      %dma_wait3A_412 = arith.constant 0 : i32
      %dma_wait3A_413 = tpu.memref_slice %arg9[%dma_wait3A_408, %dma_wait3A_411, %dma_wait3A_412] : memref<5x40x32xf32, #tpu.memory_space<vmem>> -> memref<1x40x32xf32, #tpu.memory_space<vmem>>
      %dma_wait3A_414 = tpu.memref_squeeze %dma_wait3A_413 : memref<1x40x32xf32, #tpu.memory_space<vmem>> -> memref<40x32xf32, #tpu.memory_space<vmem>>
      %dma_wait3A_415 = arith.constant 0 : i32
      %dma_wait3A_416 = tpu.memref_slice %arg8[%dma_wait3A_409, %dma_wait3A_415] : memref<5x40xi32, #tpu.memory_space<vmem>> -> memref<1x40xi32, #tpu.memory_space<vmem>>
      %dma_wait3A_417 = tpu.memref_squeeze %dma_wait3A_416 : memref<1x40xi32, #tpu.memory_space<vmem>> -> memref<40xi32, #tpu.memory_space<vmem>>
      %dma_wait3A_418 = arith.constant 0 : i32
      %dma_wait3A_419 = arith.constant 0 : i32
      %dma_wait3A_420 = tpu.memref_slice %arg13[%dma_wait3A_418, %dma_wait3A_419] : memref<10000x32xf32, #tpu.memory_space<vmem_shared>> -> memref<10000x32xf32, #tpu.memory_space<vmem_shared>>
      %dma_wait3A_421 = tpu.memref_slice %arg11[%dma_wait3A_410] : memref<5x!tpu.dma_semaphore, #tpu.memory_space<semaphore_mem>> -> memref<1x!tpu.dma_semaphore, #tpu.memory_space<semaphore_mem>>
      %dma_wait3A_422 = tpu.memref_squeeze %dma_wait3A_421 : memref<1x!tpu.dma_semaphore, #tpu.memory_space<semaphore_mem>> -> memref<!tpu.dma_semaphore, #tpu.memory_space<semaphore_mem>>
      tpu.wait_indirect_dma semaphore(%dma_wait3A_422 : memref<!tpu.dma_semaphore, #tpu.memory_space<semaphore_mem>>) src(%dma_wait3A_414 : memref<40x32xf32, #tpu.memory_space<vmem>>) dst(%dma_wait3A_420 : memref<10000x32xf32, #tpu.memory_space<vmem_shared>>)
      %dma_wait3A_423 = arith.constant 4 : i32
      %dma_wait3A_424 = arith.constant 4 : i32
      %dma_wait3A_425 = arith.constant 4 : i32
      %dma_wait3A_426 = arith.constant 0 : i32
      %dma_wait3A_427 = arith.constant 0 : i32
      %dma_wait3A_428 = tpu.memref_slice %arg9[%dma_wait3A_423, %dma_wait3A_426, %dma_wait3A_427] : memref<5x40x32xf32, #tpu.memory_space<vmem>> -> memref<1x40x32xf32, #tpu.memory_space<vmem>>
      %dma_wait3A_429 = tpu.memref_squeeze %dma_wait3A_428 : memref<1x40x32xf32, #tpu.memory_space<vmem>> -> memref<40x32xf32, #tpu.memory_space<vmem>>
      %dma_wait3A_430 = arith.constant 0 : i32
      %dma_wait3A_431 = tpu.memref_slice %arg8[%dma_wait3A_424, %dma_wait3A_430] : memref<5x40xi32, #tpu.memory_space<vmem>> -> memref<1x40xi32, #tpu.memory_space<vmem>>
      %dma_wait3A_432 = tpu.memref_squeeze %dma_wait3A_431 : memref<1x40xi32, #tpu.memory_space<vmem>> -> memref<40xi32, #tpu.memory_space<vmem>>
      %dma_wait3A_433 = arith.constant 0 : i32
      %dma_wait3A_434 = arith.constant 0 : i32
      %dma_wait3A_435 = tpu.memref_slice %arg13[%dma_wait3A_433, %dma_wait3A_434] : memref<10000x32xf32, #tpu.memory_space<vmem_shared>> -> memref<10000x32xf32, #tpu.memory_space<vmem_shared>>
      %dma_wait3A_436 = tpu.memref_slice %arg11[%dma_wait3A_425] : memref<5x!tpu.dma_semaphore, #tpu.memory_space<semaphore_mem>> -> memref<1x!tpu.dma_semaphore, #tpu.memory_space<semaphore_mem>>
      %dma_wait3A_437 = tpu.memref_squeeze %dma_wait3A_436 : memref<1x!tpu.dma_semaphore, #tpu.memory_space<semaphore_mem>> -> memref<!tpu.dma_semaphore, #tpu.memory_space<semaphore_mem>>
      tpu.wait_indirect_dma semaphore(%dma_wait3A_437 : memref<!tpu.dma_semaphore, #tpu.memory_space<semaphore_mem>>) src(%dma_wait3A_429 : memref<40x32xf32, #tpu.memory_space<vmem>>) dst(%dma_wait3A_435 : memref<10000x32xf32, #tpu.memory_space<vmem_shared>>)
    }
    %scan3A_11 = arith.constant 50 : i32
    %barrier3A_12 = arith.constant 0 : index
    tpu.barrier barrier_id(%barrier3A_12)
    %mul3A_13 = arith.constant 624 : i32
    %mul3A_14 = arith.muli %arg1, %mul3A_13 : i32
    "tpu.region"() ({
      %run_scoped3A = tpu.sem_alloc : memref<!tpu.dma_semaphore, #tpu.memory_space<semaphore_mem>>
      %dma_start3A = arith.constant 0 : i32
      %dma_start3A_20 = arith.constant 0 : i32
      %dma_start3A_21 = tpu.memref_slice %arg6[%arg0, %dma_start3A, %dma_start3A_20] : memref<2x10000x32xf32, #tpu.memory_space<hbm>> -> memref<1x10000x32xf32, #tpu.memory_space<hbm>>
      %dma_start3A_22 = tpu.memref_squeeze %dma_start3A_21 : memref<1x10000x32xf32, #tpu.memory_space<hbm>> -> memref<10000x32xf32, #tpu.memory_space<hbm>>
      %dma_start3A_23 = arith.constant 0 : i32
      %dma_start3A_24 = tpu.memref_slice %dma_start3A_22[%mul3A_14, %dma_start3A_23] : memref<10000x32xf32, #tpu.memory_space<hbm>> -> memref<624x32xf32, #tpu.memory_space<hbm>>
      %dma_start3A_25 = arith.constant 0 : i32
      %dma_start3A_26 = tpu.memref_slice %arg13[%mul3A_14, %dma_start3A_25] : memref<10000x32xf32, #tpu.memory_space<vmem_shared>> -> memref<624x32xf32, #tpu.memory_space<vmem_shared>>
      tpu.enqueue_dma source(%dma_start3A_26 : memref<624x32xf32, #tpu.memory_space<vmem_shared>>) target(%dma_start3A_24 : memref<624x32xf32, #tpu.memory_space<hbm>>) target_semaphore(%run_scoped3A : memref<!tpu.dma_semaphore, #tpu.memory_space<semaphore_mem>>)
      %dma_wait3A = arith.constant 0 : i32
      %dma_wait3A_27 = arith.constant 0 : i32
      %dma_wait3A_28 = tpu.memref_slice %arg6[%arg0, %dma_wait3A, %dma_wait3A_27] : memref<2x10000x32xf32, #tpu.memory_space<hbm>> -> memref<1x10000x32xf32, #tpu.memory_space<hbm>>
      %dma_wait3A_29 = tpu.memref_squeeze %dma_wait3A_28 : memref<1x10000x32xf32, #tpu.memory_space<hbm>> -> memref<10000x32xf32, #tpu.memory_space<hbm>>
      %dma_wait3A_30 = arith.constant 0 : i32
      %dma_wait3A_31 = tpu.memref_slice %dma_wait3A_29[%mul3A_14, %dma_wait3A_30] : memref<10000x32xf32, #tpu.memory_space<hbm>> -> memref<624x32xf32, #tpu.memory_space<hbm>>
      %dma_wait3A_32 = arith.constant 0 : i32
      %dma_wait3A_33 = tpu.memref_slice %arg13[%mul3A_14, %dma_wait3A_32] : memref<10000x32xf32, #tpu.memory_space<vmem_shared>> -> memref<624x32xf32, #tpu.memory_space<vmem_shared>>
      tpu.wait_dma2 semaphore(%run_scoped3A : memref<!tpu.dma_semaphore, #tpu.memory_space<semaphore_mem>>) src(%dma_wait3A_33 : memref<624x32xf32, #tpu.memory_space<vmem_shared>>) dst(%dma_wait3A_31 : memref<624x32xf32, #tpu.memory_space<hbm>>)
      tpu.yield
    }) : () -> ()
    %eq3A_15 = arith.constant 15 : i32
    %eq3A_16 = arith.cmpi eq, %arg1, %eq3A_15 : i32
    %convert_element_type3A_17 = arith.extui %eq3A_16 : i1 to i32
    %cond3A_18 = arith.constant 0 : i32
    %cond3A_19 = arith.cmpi ne, %convert_element_type3A_17, %cond3A_18 : i32
    scf.if %cond3A_19 {
      "tpu.region"() ({
        %run_scoped3A = tpu.sem_alloc : memref<!tpu.dma_semaphore, #tpu.memory_space<semaphore_mem>>
        %dma_start3A = arith.constant 0 : i32
        %dma_start3A_20 = arith.constant 0 : i32
        %dma_start3A_21 = tpu.memref_slice %arg6[%arg0, %dma_start3A, %dma_start3A_20] : memref<2x10000x32xf32, #tpu.memory_space<hbm>> -> memref<1x10000x32xf32, #tpu.memory_space<hbm>>
        %dma_start3A_22 = tpu.memref_squeeze %dma_start3A_21 : memref<1x10000x32xf32, #tpu.memory_space<hbm>> -> memref<10000x32xf32, #tpu.memory_space<hbm>>
        %dma_start3A_23 = arith.constant 9984 : i32
        %dma_start3A_24 = arith.constant 0 : i32
        %dma_start3A_25 = tpu.memref_slice %dma_start3A_22[%dma_start3A_23, %dma_start3A_24] : memref<10000x32xf32, #tpu.memory_space<hbm>> -> memref<16x32xf32, #tpu.memory_space<hbm>>
        %dma_start3A_26 = arith.constant 9984 : i32
        %dma_start3A_27 = arith.constant 0 : i32
        %dma_start3A_28 = tpu.memref_slice %arg13[%dma_start3A_26, %dma_start3A_27] : memref<10000x32xf32, #tpu.memory_space<vmem_shared>> -> memref<16x32xf32, #tpu.memory_space<vmem_shared>>
        tpu.enqueue_dma source(%dma_start3A_28 : memref<16x32xf32, #tpu.memory_space<vmem_shared>>) target(%dma_start3A_25 : memref<16x32xf32, #tpu.memory_space<hbm>>) target_semaphore(%run_scoped3A : memref<!tpu.dma_semaphore, #tpu.memory_space<semaphore_mem>>)
        %dma_wait3A = arith.constant 0 : i32
        %dma_wait3A_29 = arith.constant 0 : i32
        %dma_wait3A_30 = tpu.memref_slice %arg6[%arg0, %dma_wait3A, %dma_wait3A_29] : memref<2x10000x32xf32, #tpu.memory_space<hbm>> -> memref<1x10000x32xf32, #tpu.memory_space<hbm>>
        %dma_wait3A_31 = tpu.memref_squeeze %dma_wait3A_30 : memref<1x10000x32xf32, #tpu.memory_space<hbm>> -> memref<10000x32xf32, #tpu.memory_space<hbm>>
        %dma_wait3A_32 = arith.constant 9984 : i32
        %dma_wait3A_33 = arith.constant 0 : i32
        %dma_wait3A_34 = tpu.memref_slice %dma_wait3A_31[%dma_wait3A_32, %dma_wait3A_33] : memref<10000x32xf32, #tpu.memory_space<hbm>> -> memref<16x32xf32, #tpu.memory_space<hbm>>
        %dma_wait3A_35 = arith.constant 9984 : i32
        %dma_wait3A_36 = arith.constant 0 : i32
        %dma_wait3A_37 = tpu.memref_slice %arg13[%dma_wait3A_35, %dma_wait3A_36] : memref<10000x32xf32, #tpu.memory_space<vmem_shared>> -> memref<16x32xf32, #tpu.memory_space<vmem_shared>>
        tpu.wait_dma2 semaphore(%run_scoped3A : memref<!tpu.dma_semaphore, #tpu.memory_space<semaphore_mem>>) src(%dma_wait3A_37 : memref<16x32xf32, #tpu.memory_space<vmem_shared>>) dst(%dma_wait3A_34 : memref<16x32xf32, #tpu.memory_space<hbm>>)
        tpu.yield
      }) : () -> ()
    } else {
    }
    return
  }
}

#map = affine_map<(d0, d1) -> (0, 0)>
#map1 = affine_map<(d0, d1) -> (0)>
#map2 = affine_map<(d0, d1) -> (0, 0, 0)>
module attributes {stable_mosaic.version = 14 : i64} {
  func.func @k(%arg0: i32, %arg1: i32, %arg2: memref<10000x128xf32, #tpu.memory_space<hbm>>, %arg3: memref<320000xi32, #tpu.memory_space<hbm>>, %arg4: memref<320000xi32, #tpu.memory_space<hbm>>, %arg5: memref<10000x128xf32, #tpu.memory_space<hbm>>, %arg6: memref<2x10000x128xf32, #tpu.memory_space<hbm>>, %arg7: memref<10000xi32, #tpu.memory_space<vmem>>, %arg8: memref<5x40xi32, #tpu.memory_space<vmem>>, %arg9: memref<5x40x128xf32, #tpu.memory_space<vmem>>, %arg10: memref<5x!tpu.dma_semaphore, #tpu.memory_space<semaphore_mem>>, %arg11: memref<5x!tpu.dma_semaphore, #tpu.memory_space<semaphore_mem>>, %arg12: memref<5x!tpu.dma_semaphore, #tpu.memory_space<semaphore_mem>>, %arg13: memref<10000x128xf32, #tpu.memory_space<vmem_shared>>) attributes {dimension_semantics = [#tpu.dimension_semantics<core_parallel>, #tpu.dimension_semantics<subcore_parallel>], iteration_bounds = array<i64: 2, 16>, scalar_prefetch = 0 : i64, scratch_operands = 7 : i64, tpu.core_type = #tpu.core_type<sc_vector_subcore>, window_params = [{transform_indices = #map}, {transform_indices = #map1}, {transform_indices = #map1}, {transform_indices = #map}, {transform_indices = #map2}]} {
    %mul3A = arith.constant 16 : i32
    %mul3A_0 = arith.muli %arg0, %mul3A : i32
    %add3A = arith.addi %mul3A_0, %arg1 : i32
    %mul3A_1 = arith.constant 10000 : i32
    %mul3A_2 = arith.muli %add3A, %mul3A_1 : i32
    "tpu.region"() ({
      %run_scoped3A = tpu.sem_alloc : memref<!tpu.dma_semaphore, #tpu.memory_space<semaphore_mem>>
      %dma_start3A = tpu.memref_slice %arg3[%mul3A_2] : memref<320000xi32, #tpu.memory_space<hbm>> -> memref<10000xi32, #tpu.memory_space<hbm>>
      %dma_start3A_20 = tpu.memref_slice %arg3[%mul3A_2] : memref<320000xi32, #tpu.memory_space<hbm>> -> memref<10000xi32, #tpu.memory_space<hbm>>
      tpu.enqueue_dma source(%dma_start3A_20 : memref<10000xi32, #tpu.memory_space<hbm>>) target(%arg7 : memref<10000xi32, #tpu.memory_space<vmem>>) target_semaphore(%run_scoped3A : memref<!tpu.dma_semaphore, #tpu.memory_space<semaphore_mem>>)
      %dma_wait3A = tpu.memref_slice %arg3[%mul3A_2] : memref<320000xi32, #tpu.memory_space<hbm>> -> memref<10000xi32, #tpu.memory_space<hbm>>
      %dma_wait3A_21 = tpu.memref_slice %arg3[%mul3A_2] : memref<320000xi32, #tpu.memory_space<hbm>> -> memref<10000xi32, #tpu.memory_space<hbm>>
      tpu.wait_dma2 semaphore(%run_scoped3A : memref<!tpu.dma_semaphore, #tpu.memory_space<semaphore_mem>>) src(%dma_wait3A_21 : memref<10000xi32, #tpu.memory_space<hbm>>) dst(%arg7 : memref<10000xi32, #tpu.memory_space<vmem>>)
      tpu.yield
    }) : () -> ()
    %mul3A_3 = arith.constant 624 : i32
    %mul3A_4 = arith.muli %arg1, %mul3A_3 : i32
    "tpu.region"() ({
      %run_scoped3A = tpu.sem_alloc : memref<!tpu.dma_semaphore, #tpu.memory_space<semaphore_mem>>
      %dma_start3A = arith.constant 0 : i32
      %dma_start3A_20 = tpu.memref_slice %arg13[%mul3A_4, %dma_start3A] : memref<10000x128xf32, #tpu.memory_space<vmem_shared>> -> memref<624x128xf32, #tpu.memory_space<vmem_shared>>
      %dma_start3A_21 = arith.constant 0 : i32
      %dma_start3A_22 = tpu.memref_slice %arg5[%mul3A_4, %dma_start3A_21] : memref<10000x128xf32, #tpu.memory_space<hbm>> -> memref<624x128xf32, #tpu.memory_space<hbm>>
      tpu.enqueue_dma source(%dma_start3A_22 : memref<624x128xf32, #tpu.memory_space<hbm>>) target(%dma_start3A_20 : memref<624x128xf32, #tpu.memory_space<vmem_shared>>) target_semaphore(%run_scoped3A : memref<!tpu.dma_semaphore, #tpu.memory_space<semaphore_mem>>)
      %dma_wait3A = arith.constant 0 : i32
      %dma_wait3A_23 = tpu.memref_slice %arg13[%mul3A_4, %dma_wait3A] : memref<10000x128xf32, #tpu.memory_space<vmem_shared>> -> memref<624x128xf32, #tpu.memory_space<vmem_shared>>
      %dma_wait3A_24 = arith.constant 0 : i32
      %dma_wait3A_25 = tpu.memref_slice %arg5[%mul3A_4, %dma_wait3A_24] : memref<10000x128xf32, #tpu.memory_space<hbm>> -> memref<624x128xf32, #tpu.memory_space<hbm>>
      tpu.wait_dma2 semaphore(%run_scoped3A : memref<!tpu.dma_semaphore, #tpu.memory_space<semaphore_mem>>) src(%dma_wait3A_25 : memref<624x128xf32, #tpu.memory_space<hbm>>) dst(%dma_wait3A_23 : memref<624x128xf32, #tpu.memory_space<vmem_shared>>)
      tpu.yield
    }) : () -> ()
    %eq3A = arith.constant 15 : i32
    %eq3A_5 = arith.cmpi eq, %arg1, %eq3A : i32
    %convert_element_type3A = arith.extui %eq3A_5 : i1 to i32
    %cond3A = arith.constant 0 : i32
    %cond3A_6 = arith.cmpi ne, %convert_element_type3A, %cond3A : i32
    scf.if %cond3A_6 {
      "tpu.region"() ({
        %run_scoped3A = tpu.sem_alloc : memref<!tpu.dma_semaphore, #tpu.memory_space<semaphore_mem>>
        %dma_start3A = arith.constant 9984 : i32
        %dma_start3A_20 = arith.constant 0 : i32
        %dma_start3A_21 = tpu.memref_slice %arg13[%dma_start3A, %dma_start3A_20] : memref<10000x128xf32, #tpu.memory_space<vmem_shared>> -> memref<16x128xf32, #tpu.memory_space<vmem_shared>>
        %dma_start3A_22 = arith.constant 9984 : i32
        %dma_start3A_23 = arith.constant 0 : i32
        %dma_start3A_24 = tpu.memref_slice %arg5[%dma_start3A_22, %dma_start3A_23] : memref<10000x128xf32, #tpu.memory_space<hbm>> -> memref<16x128xf32, #tpu.memory_space<hbm>>
        tpu.enqueue_dma source(%dma_start3A_24 : memref<16x128xf32, #tpu.memory_space<hbm>>) target(%dma_start3A_21 : memref<16x128xf32, #tpu.memory_space<vmem_shared>>) target_semaphore(%run_scoped3A : memref<!tpu.dma_semaphore, #tpu.memory_space<semaphore_mem>>)
        %dma_wait3A = arith.constant 9984 : i32
        %dma_wait3A_25 = arith.constant 0 : i32
        %dma_wait3A_26 = tpu.memref_slice %arg13[%dma_wait3A, %dma_wait3A_25] : memref<10000x128xf32, #tpu.memory_space<vmem_shared>> -> memref<16x128xf32, #tpu.memory_space<vmem_shared>>
        %dma_wait3A_27 = arith.constant 9984 : i32
        %dma_wait3A_28 = arith.constant 0 : i32
        %dma_wait3A_29 = tpu.memref_slice %arg5[%dma_wait3A_27, %dma_wait3A_28] : memref<10000x128xf32, #tpu.memory_space<hbm>> -> memref<16x128xf32, #tpu.memory_space<hbm>>
        tpu.wait_dma2 semaphore(%run_scoped3A : memref<!tpu.dma_semaphore, #tpu.memory_space<semaphore_mem>>) src(%dma_wait3A_29 : memref<16x128xf32, #tpu.memory_space<hbm>>) dst(%dma_wait3A_26 : memref<16x128xf32, #tpu.memory_space<vmem_shared>>)
        tpu.yield
      }) : () -> ()
    } else {
    }
    %barrier3A = arith.constant 0 : index
    tpu.barrier barrier_id(%barrier3A)
    %scan3A = arith.constant 0 : i32
    %scan3A_7 = arith.constant 0 : i32
    %scan3A_8 = arith.constant 50 : i32
    %scan3A_9 = arith.addi %scan3A_7, %scan3A_8 : i32
    %scan3A_10 = arith.constant 1 : i32
    scf.for %scan3A_20 = %scan3A_7 to %scan3A_9 step %scan3A_10  : i32 {
      %mul3A_21 = arith.constant 5 : i32
      %mul3A_22 = arith.muli %scan3A_20, %mul3A_21 : i32
      %mul3A_23 = arith.constant 40 : i32
      %mul3A_24 = arith.muli %mul3A_22, %mul3A_23 : i32
      %add3A_25 = arith.addi %mul3A_2, %mul3A_24 : i32
      %add3A_26 = arith.constant 0 : i32
      %add3A_27 = arith.addi %add3A_25, %add3A_26 : i32
      %dma_start3A = arith.constant 0 : i32
      %dma_start3A_28 = arith.constant 0 : i32
      %dma_start3A_29 = arith.constant 0 : i32
      %dma_start3A_30 = tpu.memref_slice %arg8[%dma_start3A, %dma_start3A_29] : memref<5x40xi32, #tpu.memory_space<vmem>> -> memref<1x40xi32, #tpu.memory_space<vmem>>
      %dma_start3A_31 = tpu.memref_squeeze %dma_start3A_30 : memref<1x40xi32, #tpu.memory_space<vmem>> -> memref<40xi32, #tpu.memory_space<vmem>>
      %dma_start3A_32 = tpu.memref_slice %arg4[%add3A_27] : memref<320000xi32, #tpu.memory_space<hbm>> -> memref<40xi32, #tpu.memory_space<hbm>>
      %dma_start3A_33 = tpu.memref_slice %arg12[%dma_start3A_28] : memref<5x!tpu.dma_semaphore, #tpu.memory_space<semaphore_mem>> -> memref<1x!tpu.dma_semaphore, #tpu.memory_space<semaphore_mem>>
      %dma_start3A_34 = tpu.memref_squeeze %dma_start3A_33 : memref<1x!tpu.dma_semaphore, #tpu.memory_space<semaphore_mem>> -> memref<!tpu.dma_semaphore, #tpu.memory_space<semaphore_mem>>
      %dma_start3A_35 = arith.constant 0 : i32
      %dma_start3A_36 = tpu.memref_slice %arg8[%dma_start3A, %dma_start3A_35] : memref<5x40xi32, #tpu.memory_space<vmem>> -> memref<1x40xi32, #tpu.memory_space<vmem>>
      %dma_start3A_37 = tpu.memref_squeeze %dma_start3A_36 : memref<1x40xi32, #tpu.memory_space<vmem>> -> memref<40xi32, #tpu.memory_space<vmem>>
      %dma_start3A_38 = tpu.memref_slice %arg4[%add3A_27] : memref<320000xi32, #tpu.memory_space<hbm>> -> memref<40xi32, #tpu.memory_space<hbm>>
      tpu.enqueue_dma source(%dma_start3A_38 : memref<40xi32, #tpu.memory_space<hbm>>) target(%dma_start3A_37 : memref<40xi32, #tpu.memory_space<vmem>>) target_semaphore(%dma_start3A_34 : memref<!tpu.dma_semaphore, #tpu.memory_space<semaphore_mem>>)
      %add3A_39 = arith.addi %mul3A_2, %mul3A_24 : i32
      %add3A_40 = arith.constant 40 : i32
      %add3A_41 = arith.addi %add3A_39, %add3A_40 : i32
      %dma_start3A_42 = arith.constant 1 : i32
      %dma_start3A_43 = arith.constant 1 : i32
      %dma_start3A_44 = arith.constant 0 : i32
      %dma_start3A_45 = tpu.memref_slice %arg8[%dma_start3A_42, %dma_start3A_44] : memref<5x40xi32, #tpu.memory_space<vmem>> -> memref<1x40xi32, #tpu.memory_space<vmem>>
      %dma_start3A_46 = tpu.memref_squeeze %dma_start3A_45 : memref<1x40xi32, #tpu.memory_space<vmem>> -> memref<40xi32, #tpu.memory_space<vmem>>
      %dma_start3A_47 = tpu.memref_slice %arg4[%add3A_41] : memref<320000xi32, #tpu.memory_space<hbm>> -> memref<40xi32, #tpu.memory_space<hbm>>
      %dma_start3A_48 = tpu.memref_slice %arg12[%dma_start3A_43] : memref<5x!tpu.dma_semaphore, #tpu.memory_space<semaphore_mem>> -> memref<1x!tpu.dma_semaphore, #tpu.memory_space<semaphore_mem>>
      %dma_start3A_49 = tpu.memref_squeeze %dma_start3A_48 : memref<1x!tpu.dma_semaphore, #tpu.memory_space<semaphore_mem>> -> memref<!tpu.dma_semaphore, #tpu.memory_space<semaphore_mem>>
      %dma_start3A_50 = arith.constant 0 : i32
      %dma_start3A_51 = tpu.memref_slice %arg8[%dma_start3A_42, %dma_start3A_50] : memref<5x40xi32, #tpu.memory_space<vmem>> -> memref<1x40xi32, #tpu.memory_space<vmem>>
      %dma_start3A_52 = tpu.memref_squeeze %dma_start3A_51 : memref<1x40xi32, #tpu.memory_space<vmem>> -> memref<40xi32, #tpu.memory_space<vmem>>
      %dma_start3A_53 = tpu.memref_slice %arg4[%add3A_41] : memref<320000xi32, #tpu.memory_space<hbm>> -> memref<40xi32, #tpu.memory_space<hbm>>
      tpu.enqueue_dma source(%dma_start3A_53 : memref<40xi32, #tpu.memory_space<hbm>>) target(%dma_start3A_52 : memref<40xi32, #tpu.memory_space<vmem>>) target_semaphore(%dma_start3A_49 : memref<!tpu.dma_semaphore, #tpu.memory_space<semaphore_mem>>)
      %add3A_54 = arith.addi %mul3A_2, %mul3A_24 : i32
      %add3A_55 = arith.constant 80 : i32
      %add3A_56 = arith.addi %add3A_54, %add3A_55 : i32
      %dma_start3A_57 = arith.constant 2 : i32
      %dma_start3A_58 = arith.constant 2 : i32
      %dma_start3A_59 = arith.constant 0 : i32
      %dma_start3A_60 = tpu.memref_slice %arg8[%dma_start3A_57, %dma_start3A_59] : memref<5x40xi32, #tpu.memory_space<vmem>> -> memref<1x40xi32, #tpu.memory_space<vmem>>
      %dma_start3A_61 = tpu.memref_squeeze %dma_start3A_60 : memref<1x40xi32, #tpu.memory_space<vmem>> -> memref<40xi32, #tpu.memory_space<vmem>>
      %dma_start3A_62 = tpu.memref_slice %arg4[%add3A_56] : memref<320000xi32, #tpu.memory_space<hbm>> -> memref<40xi32, #tpu.memory_space<hbm>>
      %dma_start3A_63 = tpu.memref_slice %arg12[%dma_start3A_58] : memref<5x!tpu.dma_semaphore, #tpu.memory_space<semaphore_mem>> -> memref<1x!tpu.dma_semaphore, #tpu.memory_space<semaphore_mem>>
      %dma_start3A_64 = tpu.memref_squeeze %dma_start3A_63 : memref<1x!tpu.dma_semaphore, #tpu.memory_space<semaphore_mem>> -> memref<!tpu.dma_semaphore, #tpu.memory_space<semaphore_mem>>
      %dma_start3A_65 = arith.constant 0 : i32
      %dma_start3A_66 = tpu.memref_slice %arg8[%dma_start3A_57, %dma_start3A_65] : memref<5x40xi32, #tpu.memory_space<vmem>> -> memref<1x40xi32, #tpu.memory_space<vmem>>
      %dma_start3A_67 = tpu.memref_squeeze %dma_start3A_66 : memref<1x40xi32, #tpu.memory_space<vmem>> -> memref<40xi32, #tpu.memory_space<vmem>>
      %dma_start3A_68 = tpu.memref_slice %arg4[%add3A_56] : memref<320000xi32, #tpu.memory_space<hbm>> -> memref<40xi32, #tpu.memory_space<hbm>>
      tpu.enqueue_dma source(%dma_start3A_68 : memref<40xi32, #tpu.memory_space<hbm>>) target(%dma_start3A_67 : memref<40xi32, #tpu.memory_space<vmem>>) target_semaphore(%dma_start3A_64 : memref<!tpu.dma_semaphore, #tpu.memory_space<semaphore_mem>>)
      %add3A_69 = arith.addi %mul3A_2, %mul3A_24 : i32
      %add3A_70 = arith.constant 120 : i32
      %add3A_71 = arith.addi %add3A_69, %add3A_70 : i32
      %dma_start3A_72 = arith.constant 3 : i32
      %dma_start3A_73 = arith.constant 3 : i32
      %dma_start3A_74 = arith.constant 0 : i32
      %dma_start3A_75 = tpu.memref_slice %arg8[%dma_start3A_72, %dma_start3A_74] : memref<5x40xi32, #tpu.memory_space<vmem>> -> memref<1x40xi32, #tpu.memory_space<vmem>>
      %dma_start3A_76 = tpu.memref_squeeze %dma_start3A_75 : memref<1x40xi32, #tpu.memory_space<vmem>> -> memref<40xi32, #tpu.memory_space<vmem>>
      %dma_start3A_77 = tpu.memref_slice %arg4[%add3A_71] : memref<320000xi32, #tpu.memory_space<hbm>> -> memref<40xi32, #tpu.memory_space<hbm>>
      %dma_start3A_78 = tpu.memref_slice %arg12[%dma_start3A_73] : memref<5x!tpu.dma_semaphore, #tpu.memory_space<semaphore_mem>> -> memref<1x!tpu.dma_semaphore, #tpu.memory_space<semaphore_mem>>
      %dma_start3A_79 = tpu.memref_squeeze %dma_start3A_78 : memref<1x!tpu.dma_semaphore, #tpu.memory_space<semaphore_mem>> -> memref<!tpu.dma_semaphore, #tpu.memory_space<semaphore_mem>>
      %dma_start3A_80 = arith.constant 0 : i32
      %dma_start3A_81 = tpu.memref_slice %arg8[%dma_start3A_72, %dma_start3A_80] : memref<5x40xi32, #tpu.memory_space<vmem>> -> memref<1x40xi32, #tpu.memory_space<vmem>>
      %dma_start3A_82 = tpu.memref_squeeze %dma_start3A_81 : memref<1x40xi32, #tpu.memory_space<vmem>> -> memref<40xi32, #tpu.memory_space<vmem>>
      %dma_start3A_83 = tpu.memref_slice %arg4[%add3A_71] : memref<320000xi32, #tpu.memory_space<hbm>> -> memref<40xi32, #tpu.memory_space<hbm>>
      tpu.enqueue_dma source(%dma_start3A_83 : memref<40xi32, #tpu.memory_space<hbm>>) target(%dma_start3A_82 : memref<40xi32, #tpu.memory_space<vmem>>) target_semaphore(%dma_start3A_79 : memref<!tpu.dma_semaphore, #tpu.memory_space<semaphore_mem>>)
      %add3A_84 = arith.addi %mul3A_2, %mul3A_24 : i32
      %add3A_85 = arith.constant 160 : i32
      %add3A_86 = arith.addi %add3A_84, %add3A_85 : i32
      %dma_start3A_87 = arith.constant 4 : i32
      %dma_start3A_88 = arith.constant 4 : i32
      %dma_start3A_89 = arith.constant 0 : i32
      %dma_start3A_90 = tpu.memref_slice %arg8[%dma_start3A_87, %dma_start3A_89] : memref<5x40xi32, #tpu.memory_space<vmem>> -> memref<1x40xi32, #tpu.memory_space<vmem>>
      %dma_start3A_91 = tpu.memref_squeeze %dma_start3A_90 : memref<1x40xi32, #tpu.memory_space<vmem>> -> memref<40xi32, #tpu.memory_space<vmem>>
      %dma_start3A_92 = tpu.memref_slice %arg4[%add3A_86] : memref<320000xi32, #tpu.memory_space<hbm>> -> memref<40xi32, #tpu.memory_space<hbm>>
      %dma_start3A_93 = tpu.memref_slice %arg12[%dma_start3A_88] : memref<5x!tpu.dma_semaphore, #tpu.memory_space<semaphore_mem>> -> memref<1x!tpu.dma_semaphore, #tpu.memory_space<semaphore_mem>>
      %dma_start3A_94 = tpu.memref_squeeze %dma_start3A_93 : memref<1x!tpu.dma_semaphore, #tpu.memory_space<semaphore_mem>> -> memref<!tpu.dma_semaphore, #tpu.memory_space<semaphore_mem>>
      %dma_start3A_95 = arith.constant 0 : i32
      %dma_start3A_96 = tpu.memref_slice %arg8[%dma_start3A_87, %dma_start3A_95] : memref<5x40xi32, #tpu.memory_space<vmem>> -> memref<1x40xi32, #tpu.memory_space<vmem>>
      %dma_start3A_97 = tpu.memref_squeeze %dma_start3A_96 : memref<1x40xi32, #tpu.memory_space<vmem>> -> memref<40xi32, #tpu.memory_space<vmem>>
      %dma_start3A_98 = tpu.memref_slice %arg4[%add3A_86] : memref<320000xi32, #tpu.memory_space<hbm>> -> memref<40xi32, #tpu.memory_space<hbm>>
      tpu.enqueue_dma source(%dma_start3A_98 : memref<40xi32, #tpu.memory_space<hbm>>) target(%dma_start3A_97 : memref<40xi32, #tpu.memory_space<vmem>>) target_semaphore(%dma_start3A_94 : memref<!tpu.dma_semaphore, #tpu.memory_space<semaphore_mem>>)
      %add3A_99 = arith.constant 0 : i32
      %add3A_100 = arith.addi %mul3A_24, %add3A_99 : i32
      %dma_start3A_101 = arith.constant 0 : i32
      %dma_start3A_102 = arith.constant 0 : i32
      %dma_start3A_103 = arith.constant 0 : i32
      %dma_start3A_104 = arith.constant 0 : i32
      %dma_start3A_105 = tpu.memref_slice %arg9[%dma_start3A_101, %dma_start3A_103, %dma_start3A_104] : memref<5x40x128xf32, #tpu.memory_space<vmem>> -> memref<1x40x128xf32, #tpu.memory_space<vmem>>
      %dma_start3A_106 = tpu.memref_squeeze %dma_start3A_105 : memref<1x40x128xf32, #tpu.memory_space<vmem>> -> memref<40x128xf32, #tpu.memory_space<vmem>>
      %dma_start3A_107 = tpu.memref_slice %arg7[%add3A_100] : memref<10000xi32, #tpu.memory_space<vmem>> -> memref<40xi32, #tpu.memory_space<vmem>>
      %dma_start3A_108 = arith.constant 0 : i32
      %dma_start3A_109 = arith.constant 0 : i32
      %dma_start3A_110 = tpu.memref_slice %arg2[%dma_start3A_108, %dma_start3A_109] : memref<10000x128xf32, #tpu.memory_space<hbm>> -> memref<10000x128xf32, #tpu.memory_space<hbm>>
      %dma_start3A_111 = tpu.memref_slice %arg10[%dma_start3A_102] : memref<5x!tpu.dma_semaphore, #tpu.memory_space<semaphore_mem>> -> memref<1x!tpu.dma_semaphore, #tpu.memory_space<semaphore_mem>>
      %dma_start3A_112 = tpu.memref_squeeze %dma_start3A_111 : memref<1x!tpu.dma_semaphore, #tpu.memory_space<semaphore_mem>> -> memref<!tpu.dma_semaphore, #tpu.memory_space<semaphore_mem>>
      tpu.enqueue_indirect_dma source(%dma_start3A_110 : memref<10000x128xf32, #tpu.memory_space<hbm>>) target(%dma_start3A_106 : memref<40x128xf32, #tpu.memory_space<vmem>>) offsets(%dma_start3A_107 : memref<40xi32, #tpu.memory_space<vmem>>) semaphore(%dma_start3A_112 : memref<!tpu.dma_semaphore, #tpu.memory_space<semaphore_mem>>)
      %add3A_113 = arith.constant 40 : i32
      %add3A_114 = arith.addi %mul3A_24, %add3A_113 : i32
      %dma_start3A_115 = arith.constant 1 : i32
      %dma_start3A_116 = arith.constant 1 : i32
      %dma_start3A_117 = arith.constant 0 : i32
      %dma_start3A_118 = arith.constant 0 : i32
      %dma_start3A_119 = tpu.memref_slice %arg9[%dma_start3A_115, %dma_start3A_117, %dma_start3A_118] : memref<5x40x128xf32, #tpu.memory_space<vmem>> -> memref<1x40x128xf32, #tpu.memory_space<vmem>>
      %dma_start3A_120 = tpu.memref_squeeze %dma_start3A_119 : memref<1x40x128xf32, #tpu.memory_space<vmem>> -> memref<40x128xf32, #tpu.memory_space<vmem>>
      %dma_start3A_121 = tpu.memref_slice %arg7[%add3A_114] : memref<10000xi32, #tpu.memory_space<vmem>> -> memref<40xi32, #tpu.memory_space<vmem>>
      %dma_start3A_122 = arith.constant 0 : i32
      %dma_start3A_123 = arith.constant 0 : i32
      %dma_start3A_124 = tpu.memref_slice %arg2[%dma_start3A_122, %dma_start3A_123] : memref<10000x128xf32, #tpu.memory_space<hbm>> -> memref<10000x128xf32, #tpu.memory_space<hbm>>
      %dma_start3A_125 = tpu.memref_slice %arg10[%dma_start3A_116] : memref<5x!tpu.dma_semaphore, #tpu.memory_space<semaphore_mem>> -> memref<1x!tpu.dma_semaphore, #tpu.memory_space<semaphore_mem>>
      %dma_start3A_126 = tpu.memref_squeeze %dma_start3A_125 : memref<1x!tpu.dma_semaphore, #tpu.memory_space<semaphore_mem>> -> memref<!tpu.dma_semaphore, #tpu.memory_space<semaphore_mem>>
      tpu.enqueue_indirect_dma source(%dma_start3A_124 : memref<10000x128xf32, #tpu.memory_space<hbm>>) target(%dma_start3A_120 : memref<40x128xf32, #tpu.memory_space<vmem>>) offsets(%dma_start3A_121 : memref<40xi32, #tpu.memory_space<vmem>>) semaphore(%dma_start3A_126 : memref<!tpu.dma_semaphore, #tpu.memory_space<semaphore_mem>>)
      %add3A_127 = arith.constant 80 : i32
      %add3A_128 = arith.addi %mul3A_24, %add3A_127 : i32
      %dma_start3A_129 = arith.constant 2 : i32
      %dma_start3A_130 = arith.constant 2 : i32
      %dma_start3A_131 = arith.constant 0 : i32
      %dma_start3A_132 = arith.constant 0 : i32
      %dma_start3A_133 = tpu.memref_slice %arg9[%dma_start3A_129, %dma_start3A_131, %dma_start3A_132] : memref<5x40x128xf32, #tpu.memory_space<vmem>> -> memref<1x40x128xf32, #tpu.memory_space<vmem>>
      %dma_start3A_134 = tpu.memref_squeeze %dma_start3A_133 : memref<1x40x128xf32, #tpu.memory_space<vmem>> -> memref<40x128xf32, #tpu.memory_space<vmem>>
      %dma_start3A_135 = tpu.memref_slice %arg7[%add3A_128] : memref<10000xi32, #tpu.memory_space<vmem>> -> memref<40xi32, #tpu.memory_space<vmem>>
      %dma_start3A_136 = arith.constant 0 : i32
      %dma_start3A_137 = arith.constant 0 : i32
      %dma_start3A_138 = tpu.memref_slice %arg2[%dma_start3A_136, %dma_start3A_137] : memref<10000x128xf32, #tpu.memory_space<hbm>> -> memref<10000x128xf32, #tpu.memory_space<hbm>>
      %dma_start3A_139 = tpu.memref_slice %arg10[%dma_start3A_130] : memref<5x!tpu.dma_semaphore, #tpu.memory_space<semaphore_mem>> -> memref<1x!tpu.dma_semaphore, #tpu.memory_space<semaphore_mem>>
      %dma_start3A_140 = tpu.memref_squeeze %dma_start3A_139 : memref<1x!tpu.dma_semaphore, #tpu.memory_space<semaphore_mem>> -> memref<!tpu.dma_semaphore, #tpu.memory_space<semaphore_mem>>
      tpu.enqueue_indirect_dma source(%dma_start3A_138 : memref<10000x128xf32, #tpu.memory_space<hbm>>) target(%dma_start3A_134 : memref<40x128xf32, #tpu.memory_space<vmem>>) offsets(%dma_start3A_135 : memref<40xi32, #tpu.memory_space<vmem>>) semaphore(%dma_start3A_140 : memref<!tpu.dma_semaphore, #tpu.memory_space<semaphore_mem>>)
      %add3A_141 = arith.constant 120 : i32
      %add3A_142 = arith.addi %mul3A_24, %add3A_141 : i32
      %dma_start3A_143 = arith.constant 3 : i32
      %dma_start3A_144 = arith.constant 3 : i32
      %dma_start3A_145 = arith.constant 0 : i32
      %dma_start3A_146 = arith.constant 0 : i32
      %dma_start3A_147 = tpu.memref_slice %arg9[%dma_start3A_143, %dma_start3A_145, %dma_start3A_146] : memref<5x40x128xf32, #tpu.memory_space<vmem>> -> memref<1x40x128xf32, #tpu.memory_space<vmem>>
      %dma_start3A_148 = tpu.memref_squeeze %dma_start3A_147 : memref<1x40x128xf32, #tpu.memory_space<vmem>> -> memref<40x128xf32, #tpu.memory_space<vmem>>
      %dma_start3A_149 = tpu.memref_slice %arg7[%add3A_142] : memref<10000xi32, #tpu.memory_space<vmem>> -> memref<40xi32, #tpu.memory_space<vmem>>
      %dma_start3A_150 = arith.constant 0 : i32
      %dma_start3A_151 = arith.constant 0 : i32
      %dma_start3A_152 = tpu.memref_slice %arg2[%dma_start3A_150, %dma_start3A_151] : memref<10000x128xf32, #tpu.memory_space<hbm>> -> memref<10000x128xf32, #tpu.memory_space<hbm>>
      %dma_start3A_153 = tpu.memref_slice %arg10[%dma_start3A_144] : memref<5x!tpu.dma_semaphore, #tpu.memory_space<semaphore_mem>> -> memref<1x!tpu.dma_semaphore, #tpu.memory_space<semaphore_mem>>
      %dma_start3A_154 = tpu.memref_squeeze %dma_start3A_153 : memref<1x!tpu.dma_semaphore, #tpu.memory_space<semaphore_mem>> -> memref<!tpu.dma_semaphore, #tpu.memory_space<semaphore_mem>>
      tpu.enqueue_indirect_dma source(%dma_start3A_152 : memref<10000x128xf32, #tpu.memory_space<hbm>>) target(%dma_start3A_148 : memref<40x128xf32, #tpu.memory_space<vmem>>) offsets(%dma_start3A_149 : memref<40xi32, #tpu.memory_space<vmem>>) semaphore(%dma_start3A_154 : memref<!tpu.dma_semaphore, #tpu.memory_space<semaphore_mem>>)
      %add3A_155 = arith.constant 160 : i32
      %add3A_156 = arith.addi %mul3A_24, %add3A_155 : i32
      %dma_start3A_157 = arith.constant 4 : i32
      %dma_start3A_158 = arith.constant 4 : i32
      %dma_start3A_159 = arith.constant 0 : i32
      %dma_start3A_160 = arith.constant 0 : i32
      %dma_start3A_161 = tpu.memref_slice %arg9[%dma_start3A_157, %dma_start3A_159, %dma_start3A_160] : memref<5x40x128xf32, #tpu.memory_space<vmem>> -> memref<1x40x128xf32, #tpu.memory_space<vmem>>
      %dma_start3A_162 = tpu.memref_squeeze %dma_start3A_161 : memref<1x40x128xf32, #tpu.memory_space<vmem>> -> memref<40x128xf32, #tpu.memory_space<vmem>>
      %dma_start3A_163 = tpu.memref_slice %arg7[%add3A_156] : memref<10000xi32, #tpu.memory_space<vmem>> -> memref<40xi32, #tpu.memory_space<vmem>>
      %dma_start3A_164 = arith.constant 0 : i32
      %dma_start3A_165 = arith.constant 0 : i32
      %dma_start3A_166 = tpu.memref_slice %arg2[%dma_start3A_164, %dma_start3A_165] : memref<10000x128xf32, #tpu.memory_space<hbm>> -> memref<10000x128xf32, #tpu.memory_space<hbm>>
      %dma_start3A_167 = tpu.memref_slice %arg10[%dma_start3A_158] : memref<5x!tpu.dma_semaphore, #tpu.memory_space<semaphore_mem>> -> memref<1x!tpu.dma_semaphore, #tpu.memory_space<semaphore_mem>>
      %dma_start3A_168 = tpu.memref_squeeze %dma_start3A_167 : memref<1x!tpu.dma_semaphore, #tpu.memory_space<semaphore_mem>> -> memref<!tpu.dma_semaphore, #tpu.memory_space<semaphore_mem>>
      tpu.enqueue_indirect_dma source(%dma_start3A_166 : memref<10000x128xf32, #tpu.memory_space<hbm>>) target(%dma_start3A_162 : memref<40x128xf32, #tpu.memory_space<vmem>>) offsets(%dma_start3A_163 : memref<40xi32, #tpu.memory_space<vmem>>) semaphore(%dma_start3A_168 : memref<!tpu.dma_semaphore, #tpu.memory_space<semaphore_mem>>)
      %dma_wait3A = arith.constant 0 : i32
      %dma_wait3A_169 = arith.constant 0 : i32
      %dma_wait3A_170 = arith.constant 0 : i32
      %dma_wait3A_171 = arith.constant 0 : i32
      %dma_wait3A_172 = tpu.memref_slice %arg9[%dma_wait3A, %dma_wait3A_170, %dma_wait3A_171] : memref<5x40x128xf32, #tpu.memory_space<vmem>> -> memref<1x40x128xf32, #tpu.memory_space<vmem>>
      %dma_wait3A_173 = tpu.memref_squeeze %dma_wait3A_172 : memref<1x40x128xf32, #tpu.memory_space<vmem>> -> memref<40x128xf32, #tpu.memory_space<vmem>>
      %dma_wait3A_174 = tpu.memref_slice %arg7[%add3A_100] : memref<10000xi32, #tpu.memory_space<vmem>> -> memref<40xi32, #tpu.memory_space<vmem>>
      %dma_wait3A_175 = arith.constant 0 : i32
      %dma_wait3A_176 = arith.constant 0 : i32
      %dma_wait3A_177 = tpu.memref_slice %arg2[%dma_wait3A_175, %dma_wait3A_176] : memref<10000x128xf32, #tpu.memory_space<hbm>> -> memref<10000x128xf32, #tpu.memory_space<hbm>>
      %dma_wait3A_178 = tpu.memref_slice %arg10[%dma_wait3A_169] : memref<5x!tpu.dma_semaphore, #tpu.memory_space<semaphore_mem>> -> memref<1x!tpu.dma_semaphore, #tpu.memory_space<semaphore_mem>>
      %dma_wait3A_179 = tpu.memref_squeeze %dma_wait3A_178 : memref<1x!tpu.dma_semaphore, #tpu.memory_space<semaphore_mem>> -> memref<!tpu.dma_semaphore, #tpu.memory_space<semaphore_mem>>
      tpu.wait_indirect_dma semaphore(%dma_wait3A_179 : memref<!tpu.dma_semaphore, #tpu.memory_space<semaphore_mem>>) src(%dma_wait3A_177 : memref<10000x128xf32, #tpu.memory_space<hbm>>) dst(%dma_wait3A_173 : memref<40x128xf32, #tpu.memory_space<vmem>>)
      %dma_wait3A_180 = arith.constant 0 : i32
      %dma_wait3A_181 = arith.constant 0 : i32
      %dma_wait3A_182 = arith.constant 0 : i32
      %dma_wait3A_183 = tpu.memref_slice %arg8[%dma_wait3A_180, %dma_wait3A_182] : memref<5x40xi32, #tpu.memory_space<vmem>> -> memref<1x40xi32, #tpu.memory_space<vmem>>
      %dma_wait3A_184 = tpu.memref_squeeze %dma_wait3A_183 : memref<1x40xi32, #tpu.memory_space<vmem>> -> memref<40xi32, #tpu.memory_space<vmem>>
      %dma_wait3A_185 = tpu.memref_slice %arg4[%add3A_27] : memref<320000xi32, #tpu.memory_space<hbm>> -> memref<40xi32, #tpu.memory_space<hbm>>
      %dma_wait3A_186 = tpu.memref_slice %arg12[%dma_wait3A_181] : memref<5x!tpu.dma_semaphore, #tpu.memory_space<semaphore_mem>> -> memref<1x!tpu.dma_semaphore, #tpu.memory_space<semaphore_mem>>
      %dma_wait3A_187 = tpu.memref_squeeze %dma_wait3A_186 : memref<1x!tpu.dma_semaphore, #tpu.memory_space<semaphore_mem>> -> memref<!tpu.dma_semaphore, #tpu.memory_space<semaphore_mem>>
      %dma_wait3A_188 = arith.constant 0 : i32
      %dma_wait3A_189 = tpu.memref_slice %arg8[%dma_wait3A_180, %dma_wait3A_188] : memref<5x40xi32, #tpu.memory_space<vmem>> -> memref<1x40xi32, #tpu.memory_space<vmem>>
      %dma_wait3A_190 = tpu.memref_squeeze %dma_wait3A_189 : memref<1x40xi32, #tpu.memory_space<vmem>> -> memref<40xi32, #tpu.memory_space<vmem>>
      %dma_wait3A_191 = tpu.memref_slice %arg4[%add3A_27] : memref<320000xi32, #tpu.memory_space<hbm>> -> memref<40xi32, #tpu.memory_space<hbm>>
      tpu.wait_dma2 semaphore(%dma_wait3A_187 : memref<!tpu.dma_semaphore, #tpu.memory_space<semaphore_mem>>) src(%dma_wait3A_191 : memref<40xi32, #tpu.memory_space<hbm>>) dst(%dma_wait3A_190 : memref<40xi32, #tpu.memory_space<vmem>>)
      %dma_start3A_192 = arith.constant 0 : i32
      %dma_start3A_193 = arith.constant 0 : i32
      %dma_start3A_194 = arith.constant 0 : i32
      %dma_start3A_195 = arith.constant 0 : i32
      %dma_start3A_196 = arith.constant 0 : i32
      %dma_start3A_197 = tpu.memref_slice %arg9[%dma_start3A_192, %dma_start3A_195, %dma_start3A_196] : memref<5x40x128xf32, #tpu.memory_space<vmem>> -> memref<1x40x128xf32, #tpu.memory_space<vmem>>
      %dma_start3A_198 = tpu.memref_squeeze %dma_start3A_197 : memref<1x40x128xf32, #tpu.memory_space<vmem>> -> memref<40x128xf32, #tpu.memory_space<vmem>>
      %dma_start3A_199 = arith.constant 0 : i32
      %dma_start3A_200 = tpu.memref_slice %arg8[%dma_start3A_193, %dma_start3A_199] : memref<5x40xi32, #tpu.memory_space<vmem>> -> memref<1x40xi32, #tpu.memory_space<vmem>>
      %dma_start3A_201 = tpu.memref_squeeze %dma_start3A_200 : memref<1x40xi32, #tpu.memory_space<vmem>> -> memref<40xi32, #tpu.memory_space<vmem>>
      %dma_start3A_202 = arith.constant 0 : i32
      %dma_start3A_203 = arith.constant 0 : i32
      %dma_start3A_204 = tpu.memref_slice %arg13[%dma_start3A_202, %dma_start3A_203] : memref<10000x128xf32, #tpu.memory_space<vmem_shared>> -> memref<10000x128xf32, #tpu.memory_space<vmem_shared>>
      %dma_start3A_205 = tpu.memref_slice %arg11[%dma_start3A_194] : memref<5x!tpu.dma_semaphore, #tpu.memory_space<semaphore_mem>> -> memref<1x!tpu.dma_semaphore, #tpu.memory_space<semaphore_mem>>
      %dma_start3A_206 = tpu.memref_squeeze %dma_start3A_205 : memref<1x!tpu.dma_semaphore, #tpu.memory_space<semaphore_mem>> -> memref<!tpu.dma_semaphore, #tpu.memory_space<semaphore_mem>>
      tpu.enqueue_indirect_dma source(%dma_start3A_198 : memref<40x128xf32, #tpu.memory_space<vmem>>) target(%dma_start3A_204 : memref<10000x128xf32, #tpu.memory_space<vmem_shared>>) offsets(%dma_start3A_201 : memref<40xi32, #tpu.memory_space<vmem>>) semaphore(%dma_start3A_206 : memref<!tpu.dma_semaphore, #tpu.memory_space<semaphore_mem>>) {add = true}
      %dma_wait3A_207 = arith.constant 1 : i32
      %dma_wait3A_208 = arith.constant 1 : i32
      %dma_wait3A_209 = arith.constant 0 : i32
      %dma_wait3A_210 = arith.constant 0 : i32
      %dma_wait3A_211 = tpu.memref_slice %arg9[%dma_wait3A_207, %dma_wait3A_209, %dma_wait3A_210] : memref<5x40x128xf32, #tpu.memory_space<vmem>> -> memref<1x40x128xf32, #tpu.memory_space<vmem>>
      %dma_wait3A_212 = tpu.memref_squeeze %dma_wait3A_211 : memref<1x40x128xf32, #tpu.memory_space<vmem>> -> memref<40x128xf32, #tpu.memory_space<vmem>>
      %dma_wait3A_213 = tpu.memref_slice %arg7[%add3A_114] : memref<10000xi32, #tpu.memory_space<vmem>> -> memref<40xi32, #tpu.memory_space<vmem>>
      %dma_wait3A_214 = arith.constant 0 : i32
      %dma_wait3A_215 = arith.constant 0 : i32
      %dma_wait3A_216 = tpu.memref_slice %arg2[%dma_wait3A_214, %dma_wait3A_215] : memref<10000x128xf32, #tpu.memory_space<hbm>> -> memref<10000x128xf32, #tpu.memory_space<hbm>>
      %dma_wait3A_217 = tpu.memref_slice %arg10[%dma_wait3A_208] : memref<5x!tpu.dma_semaphore, #tpu.memory_space<semaphore_mem>> -> memref<1x!tpu.dma_semaphore, #tpu.memory_space<semaphore_mem>>
      %dma_wait3A_218 = tpu.memref_squeeze %dma_wait3A_217 : memref<1x!tpu.dma_semaphore, #tpu.memory_space<semaphore_mem>> -> memref<!tpu.dma_semaphore, #tpu.memory_space<semaphore_mem>>
      tpu.wait_indirect_dma semaphore(%dma_wait3A_218 : memref<!tpu.dma_semaphore, #tpu.memory_space<semaphore_mem>>) src(%dma_wait3A_216 : memref<10000x128xf32, #tpu.memory_space<hbm>>) dst(%dma_wait3A_212 : memref<40x128xf32, #tpu.memory_space<vmem>>)
      %dma_wait3A_219 = arith.constant 1 : i32
      %dma_wait3A_220 = arith.constant 1 : i32
      %dma_wait3A_221 = arith.constant 0 : i32
      %dma_wait3A_222 = tpu.memref_slice %arg8[%dma_wait3A_219, %dma_wait3A_221] : memref<5x40xi32, #tpu.memory_space<vmem>> -> memref<1x40xi32, #tpu.memory_space<vmem>>
      %dma_wait3A_223 = tpu.memref_squeeze %dma_wait3A_222 : memref<1x40xi32, #tpu.memory_space<vmem>> -> memref<40xi32, #tpu.memory_space<vmem>>
      %dma_wait3A_224 = tpu.memref_slice %arg4[%add3A_41] : memref<320000xi32, #tpu.memory_space<hbm>> -> memref<40xi32, #tpu.memory_space<hbm>>
      %dma_wait3A_225 = tpu.memref_slice %arg12[%dma_wait3A_220] : memref<5x!tpu.dma_semaphore, #tpu.memory_space<semaphore_mem>> -> memref<1x!tpu.dma_semaphore, #tpu.memory_space<semaphore_mem>>
      %dma_wait3A_226 = tpu.memref_squeeze %dma_wait3A_225 : memref<1x!tpu.dma_semaphore, #tpu.memory_space<semaphore_mem>> -> memref<!tpu.dma_semaphore, #tpu.memory_space<semaphore_mem>>
      %dma_wait3A_227 = arith.constant 0 : i32
      %dma_wait3A_228 = tpu.memref_slice %arg8[%dma_wait3A_219, %dma_wait3A_227] : memref<5x40xi32, #tpu.memory_space<vmem>> -> memref<1x40xi32, #tpu.memory_space<vmem>>
      %dma_wait3A_229 = tpu.memref_squeeze %dma_wait3A_228 : memref<1x40xi32, #tpu.memory_space<vmem>> -> memref<40xi32, #tpu.memory_space<vmem>>
      %dma_wait3A_230 = tpu.memref_slice %arg4[%add3A_41] : memref<320000xi32, #tpu.memory_space<hbm>> -> memref<40xi32, #tpu.memory_space<hbm>>
      tpu.wait_dma2 semaphore(%dma_wait3A_226 : memref<!tpu.dma_semaphore, #tpu.memory_space<semaphore_mem>>) src(%dma_wait3A_230 : memref<40xi32, #tpu.memory_space<hbm>>) dst(%dma_wait3A_229 : memref<40xi32, #tpu.memory_space<vmem>>)
      %dma_start3A_231 = arith.constant 1 : i32
      %dma_start3A_232 = arith.constant 1 : i32
      %dma_start3A_233 = arith.constant 1 : i32
      %dma_start3A_234 = arith.constant 0 : i32
      %dma_start3A_235 = arith.constant 0 : i32
      %dma_start3A_236 = tpu.memref_slice %arg9[%dma_start3A_231, %dma_start3A_234, %dma_start3A_235] : memref<5x40x128xf32, #tpu.memory_space<vmem>> -> memref<1x40x128xf32, #tpu.memory_space<vmem>>
      %dma_start3A_237 = tpu.memref_squeeze %dma_start3A_236 : memref<1x40x128xf32, #tpu.memory_space<vmem>> -> memref<40x128xf32, #tpu.memory_space<vmem>>
      %dma_start3A_238 = arith.constant 0 : i32
      %dma_start3A_239 = tpu.memref_slice %arg8[%dma_start3A_232, %dma_start3A_238] : memref<5x40xi32, #tpu.memory_space<vmem>> -> memref<1x40xi32, #tpu.memory_space<vmem>>
      %dma_start3A_240 = tpu.memref_squeeze %dma_start3A_239 : memref<1x40xi32, #tpu.memory_space<vmem>> -> memref<40xi32, #tpu.memory_space<vmem>>
      %dma_start3A_241 = arith.constant 0 : i32
      %dma_start3A_242 = arith.constant 0 : i32
      %dma_start3A_243 = tpu.memref_slice %arg13[%dma_start3A_241, %dma_start3A_242] : memref<10000x128xf32, #tpu.memory_space<vmem_shared>> -> memref<10000x128xf32, #tpu.memory_space<vmem_shared>>
      %dma_start3A_244 = tpu.memref_slice %arg11[%dma_start3A_233] : memref<5x!tpu.dma_semaphore, #tpu.memory_space<semaphore_mem>> -> memref<1x!tpu.dma_semaphore, #tpu.memory_space<semaphore_mem>>
      %dma_start3A_245 = tpu.memref_squeeze %dma_start3A_244 : memref<1x!tpu.dma_semaphore, #tpu.memory_space<semaphore_mem>> -> memref<!tpu.dma_semaphore, #tpu.memory_space<semaphore_mem>>
      tpu.enqueue_indirect_dma source(%dma_start3A_237 : memref<40x128xf32, #tpu.memory_space<vmem>>) target(%dma_start3A_243 : memref<10000x128xf32, #tpu.memory_space<vmem_shared>>) offsets(%dma_start3A_240 : memref<40xi32, #tpu.memory_space<vmem>>) semaphore(%dma_start3A_245 : memref<!tpu.dma_semaphore, #tpu.memory_space<semaphore_mem>>) {add = true}
      %dma_wait3A_246 = arith.constant 2 : i32
      %dma_wait3A_247 = arith.constant 2 : i32
      %dma_wait3A_248 = arith.constant 0 : i32
      %dma_wait3A_249 = arith.constant 0 : i32
      %dma_wait3A_250 = tpu.memref_slice %arg9[%dma_wait3A_246, %dma_wait3A_248, %dma_wait3A_249] : memref<5x40x128xf32, #tpu.memory_space<vmem>> -> memref<1x40x128xf32, #tpu.memory_space<vmem>>
      %dma_wait3A_251 = tpu.memref_squeeze %dma_wait3A_250 : memref<1x40x128xf32, #tpu.memory_space<vmem>> -> memref<40x128xf32, #tpu.memory_space<vmem>>
      %dma_wait3A_252 = tpu.memref_slice %arg7[%add3A_128] : memref<10000xi32, #tpu.memory_space<vmem>> -> memref<40xi32, #tpu.memory_space<vmem>>
      %dma_wait3A_253 = arith.constant 0 : i32
      %dma_wait3A_254 = arith.constant 0 : i32
      %dma_wait3A_255 = tpu.memref_slice %arg2[%dma_wait3A_253, %dma_wait3A_254] : memref<10000x128xf32, #tpu.memory_space<hbm>> -> memref<10000x128xf32, #tpu.memory_space<hbm>>
      %dma_wait3A_256 = tpu.memref_slice %arg10[%dma_wait3A_247] : memref<5x!tpu.dma_semaphore, #tpu.memory_space<semaphore_mem>> -> memref<1x!tpu.dma_semaphore, #tpu.memory_space<semaphore_mem>>
      %dma_wait3A_257 = tpu.memref_squeeze %dma_wait3A_256 : memref<1x!tpu.dma_semaphore, #tpu.memory_space<semaphore_mem>> -> memref<!tpu.dma_semaphore, #tpu.memory_space<semaphore_mem>>
      tpu.wait_indirect_dma semaphore(%dma_wait3A_257 : memref<!tpu.dma_semaphore, #tpu.memory_space<semaphore_mem>>) src(%dma_wait3A_255 : memref<10000x128xf32, #tpu.memory_space<hbm>>) dst(%dma_wait3A_251 : memref<40x128xf32, #tpu.memory_space<vmem>>)
      %dma_wait3A_258 = arith.constant 2 : i32
      %dma_wait3A_259 = arith.constant 2 : i32
      %dma_wait3A_260 = arith.constant 0 : i32
      %dma_wait3A_261 = tpu.memref_slice %arg8[%dma_wait3A_258, %dma_wait3A_260] : memref<5x40xi32, #tpu.memory_space<vmem>> -> memref<1x40xi32, #tpu.memory_space<vmem>>
      %dma_wait3A_262 = tpu.memref_squeeze %dma_wait3A_261 : memref<1x40xi32, #tpu.memory_space<vmem>> -> memref<40xi32, #tpu.memory_space<vmem>>
      %dma_wait3A_263 = tpu.memref_slice %arg4[%add3A_56] : memref<320000xi32, #tpu.memory_space<hbm>> -> memref<40xi32, #tpu.memory_space<hbm>>
      %dma_wait3A_264 = tpu.memref_slice %arg12[%dma_wait3A_259] : memref<5x!tpu.dma_semaphore, #tpu.memory_space<semaphore_mem>> -> memref<1x!tpu.dma_semaphore, #tpu.memory_space<semaphore_mem>>
      %dma_wait3A_265 = tpu.memref_squeeze %dma_wait3A_264 : memref<1x!tpu.dma_semaphore, #tpu.memory_space<semaphore_mem>> -> memref<!tpu.dma_semaphore, #tpu.memory_space<semaphore_mem>>
      %dma_wait3A_266 = arith.constant 0 : i32
      %dma_wait3A_267 = tpu.memref_slice %arg8[%dma_wait3A_258, %dma_wait3A_266] : memref<5x40xi32, #tpu.memory_space<vmem>> -> memref<1x40xi32, #tpu.memory_space<vmem>>
      %dma_wait3A_268 = tpu.memref_squeeze %dma_wait3A_267 : memref<1x40xi32, #tpu.memory_space<vmem>> -> memref<40xi32, #tpu.memory_space<vmem>>
      %dma_wait3A_269 = tpu.memref_slice %arg4[%add3A_56] : memref<320000xi32, #tpu.memory_space<hbm>> -> memref<40xi32, #tpu.memory_space<hbm>>
      tpu.wait_dma2 semaphore(%dma_wait3A_265 : memref<!tpu.dma_semaphore, #tpu.memory_space<semaphore_mem>>) src(%dma_wait3A_269 : memref<40xi32, #tpu.memory_space<hbm>>) dst(%dma_wait3A_268 : memref<40xi32, #tpu.memory_space<vmem>>)
      %dma_start3A_270 = arith.constant 2 : i32
      %dma_start3A_271 = arith.constant 2 : i32
      %dma_start3A_272 = arith.constant 2 : i32
      %dma_start3A_273 = arith.constant 0 : i32
      %dma_start3A_274 = arith.constant 0 : i32
      %dma_start3A_275 = tpu.memref_slice %arg9[%dma_start3A_270, %dma_start3A_273, %dma_start3A_274] : memref<5x40x128xf32, #tpu.memory_space<vmem>> -> memref<1x40x128xf32, #tpu.memory_space<vmem>>
      %dma_start3A_276 = tpu.memref_squeeze %dma_start3A_275 : memref<1x40x128xf32, #tpu.memory_space<vmem>> -> memref<40x128xf32, #tpu.memory_space<vmem>>
      %dma_start3A_277 = arith.constant 0 : i32
      %dma_start3A_278 = tpu.memref_slice %arg8[%dma_start3A_271, %dma_start3A_277] : memref<5x40xi32, #tpu.memory_space<vmem>> -> memref<1x40xi32, #tpu.memory_space<vmem>>
      %dma_start3A_279 = tpu.memref_squeeze %dma_start3A_278 : memref<1x40xi32, #tpu.memory_space<vmem>> -> memref<40xi32, #tpu.memory_space<vmem>>
      %dma_start3A_280 = arith.constant 0 : i32
      %dma_start3A_281 = arith.constant 0 : i32
      %dma_start3A_282 = tpu.memref_slice %arg13[%dma_start3A_280, %dma_start3A_281] : memref<10000x128xf32, #tpu.memory_space<vmem_shared>> -> memref<10000x128xf32, #tpu.memory_space<vmem_shared>>
      %dma_start3A_283 = tpu.memref_slice %arg11[%dma_start3A_272] : memref<5x!tpu.dma_semaphore, #tpu.memory_space<semaphore_mem>> -> memref<1x!tpu.dma_semaphore, #tpu.memory_space<semaphore_mem>>
      %dma_start3A_284 = tpu.memref_squeeze %dma_start3A_283 : memref<1x!tpu.dma_semaphore, #tpu.memory_space<semaphore_mem>> -> memref<!tpu.dma_semaphore, #tpu.memory_space<semaphore_mem>>
      tpu.enqueue_indirect_dma source(%dma_start3A_276 : memref<40x128xf32, #tpu.memory_space<vmem>>) target(%dma_start3A_282 : memref<10000x128xf32, #tpu.memory_space<vmem_shared>>) offsets(%dma_start3A_279 : memref<40xi32, #tpu.memory_space<vmem>>) semaphore(%dma_start3A_284 : memref<!tpu.dma_semaphore, #tpu.memory_space<semaphore_mem>>) {add = true}
      %dma_wait3A_285 = arith.constant 3 : i32
      %dma_wait3A_286 = arith.constant 3 : i32
      %dma_wait3A_287 = arith.constant 0 : i32
      %dma_wait3A_288 = arith.constant 0 : i32
      %dma_wait3A_289 = tpu.memref_slice %arg9[%dma_wait3A_285, %dma_wait3A_287, %dma_wait3A_288] : memref<5x40x128xf32, #tpu.memory_space<vmem>> -> memref<1x40x128xf32, #tpu.memory_space<vmem>>
      %dma_wait3A_290 = tpu.memref_squeeze %dma_wait3A_289 : memref<1x40x128xf32, #tpu.memory_space<vmem>> -> memref<40x128xf32, #tpu.memory_space<vmem>>
      %dma_wait3A_291 = tpu.memref_slice %arg7[%add3A_142] : memref<10000xi32, #tpu.memory_space<vmem>> -> memref<40xi32, #tpu.memory_space<vmem>>
      %dma_wait3A_292 = arith.constant 0 : i32
      %dma_wait3A_293 = arith.constant 0 : i32
      %dma_wait3A_294 = tpu.memref_slice %arg2[%dma_wait3A_292, %dma_wait3A_293] : memref<10000x128xf32, #tpu.memory_space<hbm>> -> memref<10000x128xf32, #tpu.memory_space<hbm>>
      %dma_wait3A_295 = tpu.memref_slice %arg10[%dma_wait3A_286] : memref<5x!tpu.dma_semaphore, #tpu.memory_space<semaphore_mem>> -> memref<1x!tpu.dma_semaphore, #tpu.memory_space<semaphore_mem>>
      %dma_wait3A_296 = tpu.memref_squeeze %dma_wait3A_295 : memref<1x!tpu.dma_semaphore, #tpu.memory_space<semaphore_mem>> -> memref<!tpu.dma_semaphore, #tpu.memory_space<semaphore_mem>>
      tpu.wait_indirect_dma semaphore(%dma_wait3A_296 : memref<!tpu.dma_semaphore, #tpu.memory_space<semaphore_mem>>) src(%dma_wait3A_294 : memref<10000x128xf32, #tpu.memory_space<hbm>>) dst(%dma_wait3A_290 : memref<40x128xf32, #tpu.memory_space<vmem>>)
      %dma_wait3A_297 = arith.constant 3 : i32
      %dma_wait3A_298 = arith.constant 3 : i32
      %dma_wait3A_299 = arith.constant 0 : i32
      %dma_wait3A_300 = tpu.memref_slice %arg8[%dma_wait3A_297, %dma_wait3A_299] : memref<5x40xi32, #tpu.memory_space<vmem>> -> memref<1x40xi32, #tpu.memory_space<vmem>>
      %dma_wait3A_301 = tpu.memref_squeeze %dma_wait3A_300 : memref<1x40xi32, #tpu.memory_space<vmem>> -> memref<40xi32, #tpu.memory_space<vmem>>
      %dma_wait3A_302 = tpu.memref_slice %arg4[%add3A_71] : memref<320000xi32, #tpu.memory_space<hbm>> -> memref<40xi32, #tpu.memory_space<hbm>>
      %dma_wait3A_303 = tpu.memref_slice %arg12[%dma_wait3A_298] : memref<5x!tpu.dma_semaphore, #tpu.memory_space<semaphore_mem>> -> memref<1x!tpu.dma_semaphore, #tpu.memory_space<semaphore_mem>>
      %dma_wait3A_304 = tpu.memref_squeeze %dma_wait3A_303 : memref<1x!tpu.dma_semaphore, #tpu.memory_space<semaphore_mem>> -> memref<!tpu.dma_semaphore, #tpu.memory_space<semaphore_mem>>
      %dma_wait3A_305 = arith.constant 0 : i32
      %dma_wait3A_306 = tpu.memref_slice %arg8[%dma_wait3A_297, %dma_wait3A_305] : memref<5x40xi32, #tpu.memory_space<vmem>> -> memref<1x40xi32, #tpu.memory_space<vmem>>
      %dma_wait3A_307 = tpu.memref_squeeze %dma_wait3A_306 : memref<1x40xi32, #tpu.memory_space<vmem>> -> memref<40xi32, #tpu.memory_space<vmem>>
      %dma_wait3A_308 = tpu.memref_slice %arg4[%add3A_71] : memref<320000xi32, #tpu.memory_space<hbm>> -> memref<40xi32, #tpu.memory_space<hbm>>
      tpu.wait_dma2 semaphore(%dma_wait3A_304 : memref<!tpu.dma_semaphore, #tpu.memory_space<semaphore_mem>>) src(%dma_wait3A_308 : memref<40xi32, #tpu.memory_space<hbm>>) dst(%dma_wait3A_307 : memref<40xi32, #tpu.memory_space<vmem>>)
      %dma_start3A_309 = arith.constant 3 : i32
      %dma_start3A_310 = arith.constant 3 : i32
      %dma_start3A_311 = arith.constant 3 : i32
      %dma_start3A_312 = arith.constant 0 : i32
      %dma_start3A_313 = arith.constant 0 : i32
      %dma_start3A_314 = tpu.memref_slice %arg9[%dma_start3A_309, %dma_start3A_312, %dma_start3A_313] : memref<5x40x128xf32, #tpu.memory_space<vmem>> -> memref<1x40x128xf32, #tpu.memory_space<vmem>>
      %dma_start3A_315 = tpu.memref_squeeze %dma_start3A_314 : memref<1x40x128xf32, #tpu.memory_space<vmem>> -> memref<40x128xf32, #tpu.memory_space<vmem>>
      %dma_start3A_316 = arith.constant 0 : i32
      %dma_start3A_317 = tpu.memref_slice %arg8[%dma_start3A_310, %dma_start3A_316] : memref<5x40xi32, #tpu.memory_space<vmem>> -> memref<1x40xi32, #tpu.memory_space<vmem>>
      %dma_start3A_318 = tpu.memref_squeeze %dma_start3A_317 : memref<1x40xi32, #tpu.memory_space<vmem>> -> memref<40xi32, #tpu.memory_space<vmem>>
      %dma_start3A_319 = arith.constant 0 : i32
      %dma_start3A_320 = arith.constant 0 : i32
      %dma_start3A_321 = tpu.memref_slice %arg13[%dma_start3A_319, %dma_start3A_320] : memref<10000x128xf32, #tpu.memory_space<vmem_shared>> -> memref<10000x128xf32, #tpu.memory_space<vmem_shared>>
      %dma_start3A_322 = tpu.memref_slice %arg11[%dma_start3A_311] : memref<5x!tpu.dma_semaphore, #tpu.memory_space<semaphore_mem>> -> memref<1x!tpu.dma_semaphore, #tpu.memory_space<semaphore_mem>>
      %dma_start3A_323 = tpu.memref_squeeze %dma_start3A_322 : memref<1x!tpu.dma_semaphore, #tpu.memory_space<semaphore_mem>> -> memref<!tpu.dma_semaphore, #tpu.memory_space<semaphore_mem>>
      tpu.enqueue_indirect_dma source(%dma_start3A_315 : memref<40x128xf32, #tpu.memory_space<vmem>>) target(%dma_start3A_321 : memref<10000x128xf32, #tpu.memory_space<vmem_shared>>) offsets(%dma_start3A_318 : memref<40xi32, #tpu.memory_space<vmem>>) semaphore(%dma_start3A_323 : memref<!tpu.dma_semaphore, #tpu.memory_space<semaphore_mem>>) {add = true}
      %dma_wait3A_324 = arith.constant 4 : i32
      %dma_wait3A_325 = arith.constant 4 : i32
      %dma_wait3A_326 = arith.constant 0 : i32
      %dma_wait3A_327 = arith.constant 0 : i32
      %dma_wait3A_328 = tpu.memref_slice %arg9[%dma_wait3A_324, %dma_wait3A_326, %dma_wait3A_327] : memref<5x40x128xf32, #tpu.memory_space<vmem>> -> memref<1x40x128xf32, #tpu.memory_space<vmem>>
      %dma_wait3A_329 = tpu.memref_squeeze %dma_wait3A_328 : memref<1x40x128xf32, #tpu.memory_space<vmem>> -> memref<40x128xf32, #tpu.memory_space<vmem>>
      %dma_wait3A_330 = tpu.memref_slice %arg7[%add3A_156] : memref<10000xi32, #tpu.memory_space<vmem>> -> memref<40xi32, #tpu.memory_space<vmem>>
      %dma_wait3A_331 = arith.constant 0 : i32
      %dma_wait3A_332 = arith.constant 0 : i32
      %dma_wait3A_333 = tpu.memref_slice %arg2[%dma_wait3A_331, %dma_wait3A_332] : memref<10000x128xf32, #tpu.memory_space<hbm>> -> memref<10000x128xf32, #tpu.memory_space<hbm>>
      %dma_wait3A_334 = tpu.memref_slice %arg10[%dma_wait3A_325] : memref<5x!tpu.dma_semaphore, #tpu.memory_space<semaphore_mem>> -> memref<1x!tpu.dma_semaphore, #tpu.memory_space<semaphore_mem>>
      %dma_wait3A_335 = tpu.memref_squeeze %dma_wait3A_334 : memref<1x!tpu.dma_semaphore, #tpu.memory_space<semaphore_mem>> -> memref<!tpu.dma_semaphore, #tpu.memory_space<semaphore_mem>>
      tpu.wait_indirect_dma semaphore(%dma_wait3A_335 : memref<!tpu.dma_semaphore, #tpu.memory_space<semaphore_mem>>) src(%dma_wait3A_333 : memref<10000x128xf32, #tpu.memory_space<hbm>>) dst(%dma_wait3A_329 : memref<40x128xf32, #tpu.memory_space<vmem>>)
      %dma_wait3A_336 = arith.constant 4 : i32
      %dma_wait3A_337 = arith.constant 4 : i32
      %dma_wait3A_338 = arith.constant 0 : i32
      %dma_wait3A_339 = tpu.memref_slice %arg8[%dma_wait3A_336, %dma_wait3A_338] : memref<5x40xi32, #tpu.memory_space<vmem>> -> memref<1x40xi32, #tpu.memory_space<vmem>>
      %dma_wait3A_340 = tpu.memref_squeeze %dma_wait3A_339 : memref<1x40xi32, #tpu.memory_space<vmem>> -> memref<40xi32, #tpu.memory_space<vmem>>
      %dma_wait3A_341 = tpu.memref_slice %arg4[%add3A_86] : memref<320000xi32, #tpu.memory_space<hbm>> -> memref<40xi32, #tpu.memory_space<hbm>>
      %dma_wait3A_342 = tpu.memref_slice %arg12[%dma_wait3A_337] : memref<5x!tpu.dma_semaphore, #tpu.memory_space<semaphore_mem>> -> memref<1x!tpu.dma_semaphore, #tpu.memory_space<semaphore_mem>>
      %dma_wait3A_343 = tpu.memref_squeeze %dma_wait3A_342 : memref<1x!tpu.dma_semaphore, #tpu.memory_space<semaphore_mem>> -> memref<!tpu.dma_semaphore, #tpu.memory_space<semaphore_mem>>
      %dma_wait3A_344 = arith.constant 0 : i32
      %dma_wait3A_345 = tpu.memref_slice %arg8[%dma_wait3A_336, %dma_wait3A_344] : memref<5x40xi32, #tpu.memory_space<vmem>> -> memref<1x40xi32, #tpu.memory_space<vmem>>
      %dma_wait3A_346 = tpu.memref_squeeze %dma_wait3A_345 : memref<1x40xi32, #tpu.memory_space<vmem>> -> memref<40xi32, #tpu.memory_space<vmem>>
      %dma_wait3A_347 = tpu.memref_slice %arg4[%add3A_86] : memref<320000xi32, #tpu.memory_space<hbm>> -> memref<40xi32, #tpu.memory_space<hbm>>
      tpu.wait_dma2 semaphore(%dma_wait3A_343 : memref<!tpu.dma_semaphore, #tpu.memory_space<semaphore_mem>>) src(%dma_wait3A_347 : memref<40xi32, #tpu.memory_space<hbm>>) dst(%dma_wait3A_346 : memref<40xi32, #tpu.memory_space<vmem>>)
      %dma_start3A_348 = arith.constant 4 : i32
      %dma_start3A_349 = arith.constant 4 : i32
      %dma_start3A_350 = arith.constant 4 : i32
      %dma_start3A_351 = arith.constant 0 : i32
      %dma_start3A_352 = arith.constant 0 : i32
      %dma_start3A_353 = tpu.memref_slice %arg9[%dma_start3A_348, %dma_start3A_351, %dma_start3A_352] : memref<5x40x128xf32, #tpu.memory_space<vmem>> -> memref<1x40x128xf32, #tpu.memory_space<vmem>>
      %dma_start3A_354 = tpu.memref_squeeze %dma_start3A_353 : memref<1x40x128xf32, #tpu.memory_space<vmem>> -> memref<40x128xf32, #tpu.memory_space<vmem>>
      %dma_start3A_355 = arith.constant 0 : i32
      %dma_start3A_356 = tpu.memref_slice %arg8[%dma_start3A_349, %dma_start3A_355] : memref<5x40xi32, #tpu.memory_space<vmem>> -> memref<1x40xi32, #tpu.memory_space<vmem>>
      %dma_start3A_357 = tpu.memref_squeeze %dma_start3A_356 : memref<1x40xi32, #tpu.memory_space<vmem>> -> memref<40xi32, #tpu.memory_space<vmem>>
      %dma_start3A_358 = arith.constant 0 : i32
      %dma_start3A_359 = arith.constant 0 : i32
      %dma_start3A_360 = tpu.memref_slice %arg13[%dma_start3A_358, %dma_start3A_359] : memref<10000x128xf32, #tpu.memory_space<vmem_shared>> -> memref<10000x128xf32, #tpu.memory_space<vmem_shared>>
      %dma_start3A_361 = tpu.memref_slice %arg11[%dma_start3A_350] : memref<5x!tpu.dma_semaphore, #tpu.memory_space<semaphore_mem>> -> memref<1x!tpu.dma_semaphore, #tpu.memory_space<semaphore_mem>>
      %dma_start3A_362 = tpu.memref_squeeze %dma_start3A_361 : memref<1x!tpu.dma_semaphore, #tpu.memory_space<semaphore_mem>> -> memref<!tpu.dma_semaphore, #tpu.memory_space<semaphore_mem>>
      tpu.enqueue_indirect_dma source(%dma_start3A_354 : memref<40x128xf32, #tpu.memory_space<vmem>>) target(%dma_start3A_360 : memref<10000x128xf32, #tpu.memory_space<vmem_shared>>) offsets(%dma_start3A_357 : memref<40xi32, #tpu.memory_space<vmem>>) semaphore(%dma_start3A_362 : memref<!tpu.dma_semaphore, #tpu.memory_space<semaphore_mem>>) {add = true}
      %dma_wait3A_363 = arith.constant 0 : i32
      %dma_wait3A_364 = arith.constant 0 : i32
      %dma_wait3A_365 = arith.constant 0 : i32
      %dma_wait3A_366 = arith.constant 0 : i32
      %dma_wait3A_367 = arith.constant 0 : i32
      %dma_wait3A_368 = tpu.memref_slice %arg9[%dma_wait3A_363, %dma_wait3A_366, %dma_wait3A_367] : memref<5x40x128xf32, #tpu.memory_space<vmem>> -> memref<1x40x128xf32, #tpu.memory_space<vmem>>
      %dma_wait3A_369 = tpu.memref_squeeze %dma_wait3A_368 : memref<1x40x128xf32, #tpu.memory_space<vmem>> -> memref<40x128xf32, #tpu.memory_space<vmem>>
      %dma_wait3A_370 = arith.constant 0 : i32
      %dma_wait3A_371 = tpu.memref_slice %arg8[%dma_wait3A_364, %dma_wait3A_370] : memref<5x40xi32, #tpu.memory_space<vmem>> -> memref<1x40xi32, #tpu.memory_space<vmem>>
      %dma_wait3A_372 = tpu.memref_squeeze %dma_wait3A_371 : memref<1x40xi32, #tpu.memory_space<vmem>> -> memref<40xi32, #tpu.memory_space<vmem>>
      %dma_wait3A_373 = arith.constant 0 : i32
      %dma_wait3A_374 = arith.constant 0 : i32
      %dma_wait3A_375 = tpu.memref_slice %arg13[%dma_wait3A_373, %dma_wait3A_374] : memref<10000x128xf32, #tpu.memory_space<vmem_shared>> -> memref<10000x128xf32, #tpu.memory_space<vmem_shared>>
      %dma_wait3A_376 = tpu.memref_slice %arg11[%dma_wait3A_365] : memref<5x!tpu.dma_semaphore, #tpu.memory_space<semaphore_mem>> -> memref<1x!tpu.dma_semaphore, #tpu.memory_space<semaphore_mem>>
      %dma_wait3A_377 = tpu.memref_squeeze %dma_wait3A_376 : memref<1x!tpu.dma_semaphore, #tpu.memory_space<semaphore_mem>> -> memref<!tpu.dma_semaphore, #tpu.memory_space<semaphore_mem>>
      tpu.wait_indirect_dma semaphore(%dma_wait3A_377 : memref<!tpu.dma_semaphore, #tpu.memory_space<semaphore_mem>>) src(%dma_wait3A_369 : memref<40x128xf32, #tpu.memory_space<vmem>>) dst(%dma_wait3A_375 : memref<10000x128xf32, #tpu.memory_space<vmem_shared>>)
      %dma_wait3A_378 = arith.constant 1 : i32
      %dma_wait3A_379 = arith.constant 1 : i32
      %dma_wait3A_380 = arith.constant 1 : i32
      %dma_wait3A_381 = arith.constant 0 : i32
      %dma_wait3A_382 = arith.constant 0 : i32
      %dma_wait3A_383 = tpu.memref_slice %arg9[%dma_wait3A_378, %dma_wait3A_381, %dma_wait3A_382] : memref<5x40x128xf32, #tpu.memory_space<vmem>> -> memref<1x40x128xf32, #tpu.memory_space<vmem>>
      %dma_wait3A_384 = tpu.memref_squeeze %dma_wait3A_383 : memref<1x40x128xf32, #tpu.memory_space<vmem>> -> memref<40x128xf32, #tpu.memory_space<vmem>>
      %dma_wait3A_385 = arith.constant 0 : i32
      %dma_wait3A_386 = tpu.memref_slice %arg8[%dma_wait3A_379, %dma_wait3A_385] : memref<5x40xi32, #tpu.memory_space<vmem>> -> memref<1x40xi32, #tpu.memory_space<vmem>>
      %dma_wait3A_387 = tpu.memref_squeeze %dma_wait3A_386 : memref<1x40xi32, #tpu.memory_space<vmem>> -> memref<40xi32, #tpu.memory_space<vmem>>
      %dma_wait3A_388 = arith.constant 0 : i32
      %dma_wait3A_389 = arith.constant 0 : i32
      %dma_wait3A_390 = tpu.memref_slice %arg13[%dma_wait3A_388, %dma_wait3A_389] : memref<10000x128xf32, #tpu.memory_space<vmem_shared>> -> memref<10000x128xf32, #tpu.memory_space<vmem_shared>>
      %dma_wait3A_391 = tpu.memref_slice %arg11[%dma_wait3A_380] : memref<5x!tpu.dma_semaphore, #tpu.memory_space<semaphore_mem>> -> memref<1x!tpu.dma_semaphore, #tpu.memory_space<semaphore_mem>>
      %dma_wait3A_392 = tpu.memref_squeeze %dma_wait3A_391 : memref<1x!tpu.dma_semaphore, #tpu.memory_space<semaphore_mem>> -> memref<!tpu.dma_semaphore, #tpu.memory_space<semaphore_mem>>
      tpu.wait_indirect_dma semaphore(%dma_wait3A_392 : memref<!tpu.dma_semaphore, #tpu.memory_space<semaphore_mem>>) src(%dma_wait3A_384 : memref<40x128xf32, #tpu.memory_space<vmem>>) dst(%dma_wait3A_390 : memref<10000x128xf32, #tpu.memory_space<vmem_shared>>)
      %dma_wait3A_393 = arith.constant 2 : i32
      %dma_wait3A_394 = arith.constant 2 : i32
      %dma_wait3A_395 = arith.constant 2 : i32
      %dma_wait3A_396 = arith.constant 0 : i32
      %dma_wait3A_397 = arith.constant 0 : i32
      %dma_wait3A_398 = tpu.memref_slice %arg9[%dma_wait3A_393, %dma_wait3A_396, %dma_wait3A_397] : memref<5x40x128xf32, #tpu.memory_space<vmem>> -> memref<1x40x128xf32, #tpu.memory_space<vmem>>
      %dma_wait3A_399 = tpu.memref_squeeze %dma_wait3A_398 : memref<1x40x128xf32, #tpu.memory_space<vmem>> -> memref<40x128xf32, #tpu.memory_space<vmem>>
      %dma_wait3A_400 = arith.constant 0 : i32
      %dma_wait3A_401 = tpu.memref_slice %arg8[%dma_wait3A_394, %dma_wait3A_400] : memref<5x40xi32, #tpu.memory_space<vmem>> -> memref<1x40xi32, #tpu.memory_space<vmem>>
      %dma_wait3A_402 = tpu.memref_squeeze %dma_wait3A_401 : memref<1x40xi32, #tpu.memory_space<vmem>> -> memref<40xi32, #tpu.memory_space<vmem>>
      %dma_wait3A_403 = arith.constant 0 : i32
      %dma_wait3A_404 = arith.constant 0 : i32
      %dma_wait3A_405 = tpu.memref_slice %arg13[%dma_wait3A_403, %dma_wait3A_404] : memref<10000x128xf32, #tpu.memory_space<vmem_shared>> -> memref<10000x128xf32, #tpu.memory_space<vmem_shared>>
      %dma_wait3A_406 = tpu.memref_slice %arg11[%dma_wait3A_395] : memref<5x!tpu.dma_semaphore, #tpu.memory_space<semaphore_mem>> -> memref<1x!tpu.dma_semaphore, #tpu.memory_space<semaphore_mem>>
      %dma_wait3A_407 = tpu.memref_squeeze %dma_wait3A_406 : memref<1x!tpu.dma_semaphore, #tpu.memory_space<semaphore_mem>> -> memref<!tpu.dma_semaphore, #tpu.memory_space<semaphore_mem>>
      tpu.wait_indirect_dma semaphore(%dma_wait3A_407 : memref<!tpu.dma_semaphore, #tpu.memory_space<semaphore_mem>>) src(%dma_wait3A_399 : memref<40x128xf32, #tpu.memory_space<vmem>>) dst(%dma_wait3A_405 : memref<10000x128xf32, #tpu.memory_space<vmem_shared>>)
      %dma_wait3A_408 = arith.constant 3 : i32
      %dma_wait3A_409 = arith.constant 3 : i32
      %dma_wait3A_410 = arith.constant 3 : i32
      %dma_wait3A_411 = arith.constant 0 : i32
      %dma_wait3A_412 = arith.constant 0 : i32
      %dma_wait3A_413 = tpu.memref_slice %arg9[%dma_wait3A_408, %dma_wait3A_411, %dma_wait3A_412] : memref<5x40x128xf32, #tpu.memory_space<vmem>> -> memref<1x40x128xf32, #tpu.memory_space<vmem>>
      %dma_wait3A_414 = tpu.memref_squeeze %dma_wait3A_413 : memref<1x40x128xf32, #tpu.memory_space<vmem>> -> memref<40x128xf32, #tpu.memory_space<vmem>>
      %dma_wait3A_415 = arith.constant 0 : i32
      %dma_wait3A_416 = tpu.memref_slice %arg8[%dma_wait3A_409, %dma_wait3A_415] : memref<5x40xi32, #tpu.memory_space<vmem>> -> memref<1x40xi32, #tpu.memory_space<vmem>>
      %dma_wait3A_417 = tpu.memref_squeeze %dma_wait3A_416 : memref<1x40xi32, #tpu.memory_space<vmem>> -> memref<40xi32, #tpu.memory_space<vmem>>
      %dma_wait3A_418 = arith.constant 0 : i32
      %dma_wait3A_419 = arith.constant 0 : i32
      %dma_wait3A_420 = tpu.memref_slice %arg13[%dma_wait3A_418, %dma_wait3A_419] : memref<10000x128xf32, #tpu.memory_space<vmem_shared>> -> memref<10000x128xf32, #tpu.memory_space<vmem_shared>>
      %dma_wait3A_421 = tpu.memref_slice %arg11[%dma_wait3A_410] : memref<5x!tpu.dma_semaphore, #tpu.memory_space<semaphore_mem>> -> memref<1x!tpu.dma_semaphore, #tpu.memory_space<semaphore_mem>>
      %dma_wait3A_422 = tpu.memref_squeeze %dma_wait3A_421 : memref<1x!tpu.dma_semaphore, #tpu.memory_space<semaphore_mem>> -> memref<!tpu.dma_semaphore, #tpu.memory_space<semaphore_mem>>
      tpu.wait_indirect_dma semaphore(%dma_wait3A_422 : memref<!tpu.dma_semaphore, #tpu.memory_space<semaphore_mem>>) src(%dma_wait3A_414 : memref<40x128xf32, #tpu.memory_space<vmem>>) dst(%dma_wait3A_420 : memref<10000x128xf32, #tpu.memory_space<vmem_shared>>)
      %dma_wait3A_423 = arith.constant 4 : i32
      %dma_wait3A_424 = arith.constant 4 : i32
      %dma_wait3A_425 = arith.constant 4 : i32
      %dma_wait3A_426 = arith.constant 0 : i32
      %dma_wait3A_427 = arith.constant 0 : i32
      %dma_wait3A_428 = tpu.memref_slice %arg9[%dma_wait3A_423, %dma_wait3A_426, %dma_wait3A_427] : memref<5x40x128xf32, #tpu.memory_space<vmem>> -> memref<1x40x128xf32, #tpu.memory_space<vmem>>
      %dma_wait3A_429 = tpu.memref_squeeze %dma_wait3A_428 : memref<1x40x128xf32, #tpu.memory_space<vmem>> -> memref<40x128xf32, #tpu.memory_space<vmem>>
      %dma_wait3A_430 = arith.constant 0 : i32
      %dma_wait3A_431 = tpu.memref_slice %arg8[%dma_wait3A_424, %dma_wait3A_430] : memref<5x40xi32, #tpu.memory_space<vmem>> -> memref<1x40xi32, #tpu.memory_space<vmem>>
      %dma_wait3A_432 = tpu.memref_squeeze %dma_wait3A_431 : memref<1x40xi32, #tpu.memory_space<vmem>> -> memref<40xi32, #tpu.memory_space<vmem>>
      %dma_wait3A_433 = arith.constant 0 : i32
      %dma_wait3A_434 = arith.constant 0 : i32
      %dma_wait3A_435 = tpu.memref_slice %arg13[%dma_wait3A_433, %dma_wait3A_434] : memref<10000x128xf32, #tpu.memory_space<vmem_shared>> -> memref<10000x128xf32, #tpu.memory_space<vmem_shared>>
      %dma_wait3A_436 = tpu.memref_slice %arg11[%dma_wait3A_425] : memref<5x!tpu.dma_semaphore, #tpu.memory_space<semaphore_mem>> -> memref<1x!tpu.dma_semaphore, #tpu.memory_space<semaphore_mem>>
      %dma_wait3A_437 = tpu.memref_squeeze %dma_wait3A_436 : memref<1x!tpu.dma_semaphore, #tpu.memory_space<semaphore_mem>> -> memref<!tpu.dma_semaphore, #tpu.memory_space<semaphore_mem>>
      tpu.wait_indirect_dma semaphore(%dma_wait3A_437 : memref<!tpu.dma_semaphore, #tpu.memory_space<semaphore_mem>>) src(%dma_wait3A_429 : memref<40x128xf32, #tpu.memory_space<vmem>>) dst(%dma_wait3A_435 : memref<10000x128xf32, #tpu.memory_space<vmem_shared>>)
    }
    %scan3A_11 = arith.constant 50 : i32
    %barrier3A_12 = arith.constant 0 : index
    tpu.barrier barrier_id(%barrier3A_12)
    %mul3A_13 = arith.constant 624 : i32
    %mul3A_14 = arith.muli %arg1, %mul3A_13 : i32
    "tpu.region"() ({
      %run_scoped3A = tpu.sem_alloc : memref<!tpu.dma_semaphore, #tpu.memory_space<semaphore_mem>>
      %dma_start3A = arith.constant 0 : i32
      %dma_start3A_20 = arith.constant 0 : i32
      %dma_start3A_21 = tpu.memref_slice %arg6[%arg0, %dma_start3A, %dma_start3A_20] : memref<2x10000x128xf32, #tpu.memory_space<hbm>> -> memref<1x10000x128xf32, #tpu.memory_space<hbm>>
      %dma_start3A_22 = tpu.memref_squeeze %dma_start3A_21 : memref<1x10000x128xf32, #tpu.memory_space<hbm>> -> memref<10000x128xf32, #tpu.memory_space<hbm>>
      %dma_start3A_23 = arith.constant 0 : i32
      %dma_start3A_24 = tpu.memref_slice %dma_start3A_22[%mul3A_14, %dma_start3A_23] : memref<10000x128xf32, #tpu.memory_space<hbm>> -> memref<624x128xf32, #tpu.memory_space<hbm>>
      %dma_start3A_25 = arith.constant 0 : i32
      %dma_start3A_26 = tpu.memref_slice %arg13[%mul3A_14, %dma_start3A_25] : memref<10000x128xf32, #tpu.memory_space<vmem_shared>> -> memref<624x128xf32, #tpu.memory_space<vmem_shared>>
      tpu.enqueue_dma source(%dma_start3A_26 : memref<624x128xf32, #tpu.memory_space<vmem_shared>>) target(%dma_start3A_24 : memref<624x128xf32, #tpu.memory_space<hbm>>) target_semaphore(%run_scoped3A : memref<!tpu.dma_semaphore, #tpu.memory_space<semaphore_mem>>)
      %dma_wait3A = arith.constant 0 : i32
      %dma_wait3A_27 = arith.constant 0 : i32
      %dma_wait3A_28 = tpu.memref_slice %arg6[%arg0, %dma_wait3A, %dma_wait3A_27] : memref<2x10000x128xf32, #tpu.memory_space<hbm>> -> memref<1x10000x128xf32, #tpu.memory_space<hbm>>
      %dma_wait3A_29 = tpu.memref_squeeze %dma_wait3A_28 : memref<1x10000x128xf32, #tpu.memory_space<hbm>> -> memref<10000x128xf32, #tpu.memory_space<hbm>>
      %dma_wait3A_30 = arith.constant 0 : i32
      %dma_wait3A_31 = tpu.memref_slice %dma_wait3A_29[%mul3A_14, %dma_wait3A_30] : memref<10000x128xf32, #tpu.memory_space<hbm>> -> memref<624x128xf32, #tpu.memory_space<hbm>>
      %dma_wait3A_32 = arith.constant 0 : i32
      %dma_wait3A_33 = tpu.memref_slice %arg13[%mul3A_14, %dma_wait3A_32] : memref<10000x128xf32, #tpu.memory_space<vmem_shared>> -> memref<624x128xf32, #tpu.memory_space<vmem_shared>>
      tpu.wait_dma2 semaphore(%run_scoped3A : memref<!tpu.dma_semaphore, #tpu.memory_space<semaphore_mem>>) src(%dma_wait3A_33 : memref<624x128xf32, #tpu.memory_space<vmem_shared>>) dst(%dma_wait3A_31 : memref<624x128xf32, #tpu.memory_space<hbm>>)
      tpu.yield
    }) : () -> ()
    %eq3A_15 = arith.constant 15 : i32
    %eq3A_16 = arith.cmpi eq, %arg1, %eq3A_15 : i32
    %convert_element_type3A_17 = arith.extui %eq3A_16 : i1 to i32
    %cond3A_18 = arith.constant 0 : i32
    %cond3A_19 = arith.cmpi ne, %convert_element_type3A_17, %cond3A_18 : i32
    scf.if %cond3A_19 {
      "tpu.region"() ({
        %run_scoped3A = tpu.sem_alloc : memref<!tpu.dma_semaphore, #tpu.memory_space<semaphore_mem>>
        %dma_start3A = arith.constant 0 : i32
        %dma_start3A_20 = arith.constant 0 : i32
        %dma_start3A_21 = tpu.memref_slice %arg6[%arg0, %dma_start3A, %dma_start3A_20] : memref<2x10000x128xf32, #tpu.memory_space<hbm>> -> memref<1x10000x128xf32, #tpu.memory_space<hbm>>
        %dma_start3A_22 = tpu.memref_squeeze %dma_start3A_21 : memref<1x10000x128xf32, #tpu.memory_space<hbm>> -> memref<10000x128xf32, #tpu.memory_space<hbm>>
        %dma_start3A_23 = arith.constant 9984 : i32
        %dma_start3A_24 = arith.constant 0 : i32
        %dma_start3A_25 = tpu.memref_slice %dma_start3A_22[%dma_start3A_23, %dma_start3A_24] : memref<10000x128xf32, #tpu.memory_space<hbm>> -> memref<16x128xf32, #tpu.memory_space<hbm>>
        %dma_start3A_26 = arith.constant 9984 : i32
        %dma_start3A_27 = arith.constant 0 : i32
        %dma_start3A_28 = tpu.memref_slice %arg13[%dma_start3A_26, %dma_start3A_27] : memref<10000x128xf32, #tpu.memory_space<vmem_shared>> -> memref<16x128xf32, #tpu.memory_space<vmem_shared>>
        tpu.enqueue_dma source(%dma_start3A_28 : memref<16x128xf32, #tpu.memory_space<vmem_shared>>) target(%dma_start3A_25 : memref<16x128xf32, #tpu.memory_space<hbm>>) target_semaphore(%run_scoped3A : memref<!tpu.dma_semaphore, #tpu.memory_space<semaphore_mem>>)
        %dma_wait3A = arith.constant 0 : i32
        %dma_wait3A_29 = arith.constant 0 : i32
        %dma_wait3A_30 = tpu.memref_slice %arg6[%arg0, %dma_wait3A, %dma_wait3A_29] : memref<2x10000x128xf32, #tpu.memory_space<hbm>> -> memref<1x10000x128xf32, #tpu.memory_space<hbm>>
        %dma_wait3A_31 = tpu.memref_squeeze %dma_wait3A_30 : memref<1x10000x128xf32, #tpu.memory_space<hbm>> -> memref<10000x128xf32, #tpu.memory_space<hbm>>
        %dma_wait3A_32 = arith.constant 9984 : i32
        %dma_wait3A_33 = arith.constant 0 : i32
        %dma_wait3A_34 = tpu.memref_slice %dma_wait3A_31[%dma_wait3A_32, %dma_wait3A_33] : memref<10000x128xf32, #tpu.memory_space<hbm>> -> memref<16x128xf32, #tpu.memory_space<hbm>>
        %dma_wait3A_35 = arith.constant 9984 : i32
        %dma_wait3A_36 = arith.constant 0 : i32
        %dma_wait3A_37 = tpu.memref_slice %arg13[%dma_wait3A_35, %dma_wait3A_36] : memref<10000x128xf32, #tpu.memory_space<vmem_shared>> -> memref<16x128xf32, #tpu.memory_space<vmem_shared>>
        tpu.wait_dma2 semaphore(%run_scoped3A : memref<!tpu.dma_semaphore, #tpu.memory_space<semaphore_mem>>) src(%dma_wait3A_37 : memref<16x128xf32, #tpu.memory_space<vmem_shared>>) dst(%dma_wait3A_34 : memref<16x128xf32, #tpu.memory_space<hbm>>)
        tpu.yield
      }) : () -> ()
    } else {
    }
    return
  }
}

#map = affine_map<(d0, d1) -> (0, 0)>
#map1 = affine_map<(d0, d1) -> (0)>
#map2 = affine_map<(d0, d1) -> (0, 0, 0)>
module attributes {stable_mosaic.version = 14 : i64} {
  func.func @k(%arg0: i32, %arg1: i32, %arg2: memref<10000x128xf32, #tpu.memory_space<hbm>>, %arg3: memref<320000xi32, #tpu.memory_space<hbm>>, %arg4: memref<320000xi32, #tpu.memory_space<hbm>>, %arg5: memref<10000x128xf32, #tpu.memory_space<hbm>>, %arg6: memref<2x10000x128xf32, #tpu.memory_space<hbm>>, %arg7: memref<10000xi32, #tpu.memory_space<vmem>>, %arg8: memref<5x40xi32, #tpu.memory_space<vmem>>, %arg9: memref<5x40x128xf32, #tpu.memory_space<vmem>>, %arg10: memref<5x!tpu.dma_semaphore, #tpu.memory_space<semaphore_mem>>, %arg11: memref<5x!tpu.dma_semaphore, #tpu.memory_space<semaphore_mem>>, %arg12: memref<5x!tpu.dma_semaphore, #tpu.memory_space<semaphore_mem>>, %arg13: memref<10000x128xf32, #tpu.memory_space<vmem_shared>>) attributes {dimension_semantics = [#tpu.dimension_semantics<core_parallel>, #tpu.dimension_semantics<subcore_parallel>], iteration_bounds = array<i64: 2, 16>, scalar_prefetch = 0 : i64, scratch_operands = 7 : i64, tpu.core_type = #tpu.core_type<sc_vector_subcore>, window_params = [{transform_indices = #map}, {transform_indices = #map1}, {transform_indices = #map1}, {transform_indices = #map}, {transform_indices = #map2}]} {
    %mul3A = arith.constant 16 : i32
    %mul3A_0 = arith.muli %arg0, %mul3A : i32
    %add3A = arith.addi %mul3A_0, %arg1 : i32
    %mul3A_1 = arith.constant 10000 : i32
    %mul3A_2 = arith.muli %add3A, %mul3A_1 : i32
    "tpu.region"() ({
      %run_scoped3A = tpu.sem_alloc : memref<!tpu.dma_semaphore, #tpu.memory_space<semaphore_mem>>
      %dma_start3A = tpu.memref_slice %arg3[%mul3A_2] : memref<320000xi32, #tpu.memory_space<hbm>> -> memref<10000xi32, #tpu.memory_space<hbm>>
      %dma_start3A_20 = tpu.memref_slice %arg3[%mul3A_2] : memref<320000xi32, #tpu.memory_space<hbm>> -> memref<10000xi32, #tpu.memory_space<hbm>>
      tpu.enqueue_dma source(%dma_start3A_20 : memref<10000xi32, #tpu.memory_space<hbm>>) target(%arg7 : memref<10000xi32, #tpu.memory_space<vmem>>) target_semaphore(%run_scoped3A : memref<!tpu.dma_semaphore, #tpu.memory_space<semaphore_mem>>)
      %dma_wait3A = tpu.memref_slice %arg3[%mul3A_2] : memref<320000xi32, #tpu.memory_space<hbm>> -> memref<10000xi32, #tpu.memory_space<hbm>>
      %dma_wait3A_21 = tpu.memref_slice %arg3[%mul3A_2] : memref<320000xi32, #tpu.memory_space<hbm>> -> memref<10000xi32, #tpu.memory_space<hbm>>
      tpu.wait_dma2 semaphore(%run_scoped3A : memref<!tpu.dma_semaphore, #tpu.memory_space<semaphore_mem>>) src(%dma_wait3A_21 : memref<10000xi32, #tpu.memory_space<hbm>>) dst(%arg7 : memref<10000xi32, #tpu.memory_space<vmem>>)
      tpu.yield
    }) : () -> ()
    %mul3A_3 = arith.constant 624 : i32
    %mul3A_4 = arith.muli %arg1, %mul3A_3 : i32
    "tpu.region"() ({
      %run_scoped3A = tpu.sem_alloc : memref<!tpu.dma_semaphore, #tpu.memory_space<semaphore_mem>>
      %dma_start3A = arith.constant 0 : i32
      %dma_start3A_20 = tpu.memref_slice %arg13[%mul3A_4, %dma_start3A] : memref<10000x128xf32, #tpu.memory_space<vmem_shared>> -> memref<624x128xf32, #tpu.memory_space<vmem_shared>>
      %dma_start3A_21 = arith.constant 0 : i32
      %dma_start3A_22 = tpu.memref_slice %arg5[%mul3A_4, %dma_start3A_21] : memref<10000x128xf32, #tpu.memory_space<hbm>> -> memref<624x128xf32, #tpu.memory_space<hbm>>
      tpu.enqueue_dma source(%dma_start3A_22 : memref<624x128xf32, #tpu.memory_space<hbm>>) target(%dma_start3A_20 : memref<624x128xf32, #tpu.memory_space<vmem_shared>>) target_semaphore(%run_scoped3A : memref<!tpu.dma_semaphore, #tpu.memory_space<semaphore_mem>>)
      %dma_wait3A = arith.constant 0 : i32
      %dma_wait3A_23 = tpu.memref_slice %arg13[%mul3A_4, %dma_wait3A] : memref<10000x128xf32, #tpu.memory_space<vmem_shared>> -> memref<624x128xf32, #tpu.memory_space<vmem_shared>>
      %dma_wait3A_24 = arith.constant 0 : i32
      %dma_wait3A_25 = tpu.memref_slice %arg5[%mul3A_4, %dma_wait3A_24] : memref<10000x128xf32, #tpu.memory_space<hbm>> -> memref<624x128xf32, #tpu.memory_space<hbm>>
      tpu.wait_dma2 semaphore(%run_scoped3A : memref<!tpu.dma_semaphore, #tpu.memory_space<semaphore_mem>>) src(%dma_wait3A_25 : memref<624x128xf32, #tpu.memory_space<hbm>>) dst(%dma_wait3A_23 : memref<624x128xf32, #tpu.memory_space<vmem_shared>>)
      tpu.yield
    }) : () -> ()
    %eq3A = arith.constant 15 : i32
    %eq3A_5 = arith.cmpi eq, %arg1, %eq3A : i32
    %convert_element_type3A = arith.extui %eq3A_5 : i1 to i32
    %cond3A = arith.constant 0 : i32
    %cond3A_6 = arith.cmpi ne, %convert_element_type3A, %cond3A : i32
    scf.if %cond3A_6 {
      "tpu.region"() ({
        %run_scoped3A = tpu.sem_alloc : memref<!tpu.dma_semaphore, #tpu.memory_space<semaphore_mem>>
        %dma_start3A = arith.constant 9984 : i32
        %dma_start3A_20 = arith.constant 0 : i32
        %dma_start3A_21 = tpu.memref_slice %arg13[%dma_start3A, %dma_start3A_20] : memref<10000x128xf32, #tpu.memory_space<vmem_shared>> -> memref<16x128xf32, #tpu.memory_space<vmem_shared>>
        %dma_start3A_22 = arith.constant 9984 : i32
        %dma_start3A_23 = arith.constant 0 : i32
        %dma_start3A_24 = tpu.memref_slice %arg5[%dma_start3A_22, %dma_start3A_23] : memref<10000x128xf32, #tpu.memory_space<hbm>> -> memref<16x128xf32, #tpu.memory_space<hbm>>
        tpu.enqueue_dma source(%dma_start3A_24 : memref<16x128xf32, #tpu.memory_space<hbm>>) target(%dma_start3A_21 : memref<16x128xf32, #tpu.memory_space<vmem_shared>>) target_semaphore(%run_scoped3A : memref<!tpu.dma_semaphore, #tpu.memory_space<semaphore_mem>>)
        %dma_wait3A = arith.constant 9984 : i32
        %dma_wait3A_25 = arith.constant 0 : i32
        %dma_wait3A_26 = tpu.memref_slice %arg13[%dma_wait3A, %dma_wait3A_25] : memref<10000x128xf32, #tpu.memory_space<vmem_shared>> -> memref<16x128xf32, #tpu.memory_space<vmem_shared>>
        %dma_wait3A_27 = arith.constant 9984 : i32
        %dma_wait3A_28 = arith.constant 0 : i32
        %dma_wait3A_29 = tpu.memref_slice %arg5[%dma_wait3A_27, %dma_wait3A_28] : memref<10000x128xf32, #tpu.memory_space<hbm>> -> memref<16x128xf32, #tpu.memory_space<hbm>>
        tpu.wait_dma2 semaphore(%run_scoped3A : memref<!tpu.dma_semaphore, #tpu.memory_space<semaphore_mem>>) src(%dma_wait3A_29 : memref<16x128xf32, #tpu.memory_space<hbm>>) dst(%dma_wait3A_26 : memref<16x128xf32, #tpu.memory_space<vmem_shared>>)
        tpu.yield
      }) : () -> ()
    } else {
    }
    %barrier3A = arith.constant 0 : index
    tpu.barrier barrier_id(%barrier3A)
    %scan3A = arith.constant 0 : i32
    %scan3A_7 = arith.constant 0 : i32
    %scan3A_8 = arith.constant 50 : i32
    %scan3A_9 = arith.addi %scan3A_7, %scan3A_8 : i32
    %scan3A_10 = arith.constant 1 : i32
    scf.for %scan3A_20 = %scan3A_7 to %scan3A_9 step %scan3A_10  : i32 {
      %mul3A_21 = arith.constant 5 : i32
      %mul3A_22 = arith.muli %scan3A_20, %mul3A_21 : i32
      %mul3A_23 = arith.constant 40 : i32
      %mul3A_24 = arith.muli %mul3A_22, %mul3A_23 : i32
      %add3A_25 = arith.addi %mul3A_2, %mul3A_24 : i32
      %add3A_26 = arith.constant 0 : i32
      %add3A_27 = arith.addi %add3A_25, %add3A_26 : i32
      %dma_start3A = arith.constant 0 : i32
      %dma_start3A_28 = arith.constant 0 : i32
      %dma_start3A_29 = arith.constant 0 : i32
      %dma_start3A_30 = tpu.memref_slice %arg8[%dma_start3A, %dma_start3A_29] : memref<5x40xi32, #tpu.memory_space<vmem>> -> memref<1x40xi32, #tpu.memory_space<vmem>>
      %dma_start3A_31 = tpu.memref_squeeze %dma_start3A_30 : memref<1x40xi32, #tpu.memory_space<vmem>> -> memref<40xi32, #tpu.memory_space<vmem>>
      %dma_start3A_32 = tpu.memref_slice %arg4[%add3A_27] : memref<320000xi32, #tpu.memory_space<hbm>> -> memref<40xi32, #tpu.memory_space<hbm>>
      %dma_start3A_33 = tpu.memref_slice %arg12[%dma_start3A_28] : memref<5x!tpu.dma_semaphore, #tpu.memory_space<semaphore_mem>> -> memref<1x!tpu.dma_semaphore, #tpu.memory_space<semaphore_mem>>
      %dma_start3A_34 = tpu.memref_squeeze %dma_start3A_33 : memref<1x!tpu.dma_semaphore, #tpu.memory_space<semaphore_mem>> -> memref<!tpu.dma_semaphore, #tpu.memory_space<semaphore_mem>>
      %dma_start3A_35 = arith.constant 0 : i32
      %dma_start3A_36 = tpu.memref_slice %arg8[%dma_start3A, %dma_start3A_35] : memref<5x40xi32, #tpu.memory_space<vmem>> -> memref<1x40xi32, #tpu.memory_space<vmem>>
      %dma_start3A_37 = tpu.memref_squeeze %dma_start3A_36 : memref<1x40xi32, #tpu.memory_space<vmem>> -> memref<40xi32, #tpu.memory_space<vmem>>
      %dma_start3A_38 = tpu.memref_slice %arg4[%add3A_27] : memref<320000xi32, #tpu.memory_space<hbm>> -> memref<40xi32, #tpu.memory_space<hbm>>
      tpu.enqueue_dma source(%dma_start3A_38 : memref<40xi32, #tpu.memory_space<hbm>>) target(%dma_start3A_37 : memref<40xi32, #tpu.memory_space<vmem>>) target_semaphore(%dma_start3A_34 : memref<!tpu.dma_semaphore, #tpu.memory_space<semaphore_mem>>)
      %add3A_39 = arith.addi %mul3A_2, %mul3A_24 : i32
      %add3A_40 = arith.constant 40 : i32
      %add3A_41 = arith.addi %add3A_39, %add3A_40 : i32
      %dma_start3A_42 = arith.constant 1 : i32
      %dma_start3A_43 = arith.constant 1 : i32
      %dma_start3A_44 = arith.constant 0 : i32
      %dma_start3A_45 = tpu.memref_slice %arg8[%dma_start3A_42, %dma_start3A_44] : memref<5x40xi32, #tpu.memory_space<vmem>> -> memref<1x40xi32, #tpu.memory_space<vmem>>
      %dma_start3A_46 = tpu.memref_squeeze %dma_start3A_45 : memref<1x40xi32, #tpu.memory_space<vmem>> -> memref<40xi32, #tpu.memory_space<vmem>>
      %dma_start3A_47 = tpu.memref_slice %arg4[%add3A_41] : memref<320000xi32, #tpu.memory_space<hbm>> -> memref<40xi32, #tpu.memory_space<hbm>>
      %dma_start3A_48 = tpu.memref_slice %arg12[%dma_start3A_43] : memref<5x!tpu.dma_semaphore, #tpu.memory_space<semaphore_mem>> -> memref<1x!tpu.dma_semaphore, #tpu.memory_space<semaphore_mem>>
      %dma_start3A_49 = tpu.memref_squeeze %dma_start3A_48 : memref<1x!tpu.dma_semaphore, #tpu.memory_space<semaphore_mem>> -> memref<!tpu.dma_semaphore, #tpu.memory_space<semaphore_mem>>
      %dma_start3A_50 = arith.constant 0 : i32
      %dma_start3A_51 = tpu.memref_slice %arg8[%dma_start3A_42, %dma_start3A_50] : memref<5x40xi32, #tpu.memory_space<vmem>> -> memref<1x40xi32, #tpu.memory_space<vmem>>
      %dma_start3A_52 = tpu.memref_squeeze %dma_start3A_51 : memref<1x40xi32, #tpu.memory_space<vmem>> -> memref<40xi32, #tpu.memory_space<vmem>>
      %dma_start3A_53 = tpu.memref_slice %arg4[%add3A_41] : memref<320000xi32, #tpu.memory_space<hbm>> -> memref<40xi32, #tpu.memory_space<hbm>>
      tpu.enqueue_dma source(%dma_start3A_53 : memref<40xi32, #tpu.memory_space<hbm>>) target(%dma_start3A_52 : memref<40xi32, #tpu.memory_space<vmem>>) target_semaphore(%dma_start3A_49 : memref<!tpu.dma_semaphore, #tpu.memory_space<semaphore_mem>>)
      %add3A_54 = arith.addi %mul3A_2, %mul3A_24 : i32
      %add3A_55 = arith.constant 80 : i32
      %add3A_56 = arith.addi %add3A_54, %add3A_55 : i32
      %dma_start3A_57 = arith.constant 2 : i32
      %dma_start3A_58 = arith.constant 2 : i32
      %dma_start3A_59 = arith.constant 0 : i32
      %dma_start3A_60 = tpu.memref_slice %arg8[%dma_start3A_57, %dma_start3A_59] : memref<5x40xi32, #tpu.memory_space<vmem>> -> memref<1x40xi32, #tpu.memory_space<vmem>>
      %dma_start3A_61 = tpu.memref_squeeze %dma_start3A_60 : memref<1x40xi32, #tpu.memory_space<vmem>> -> memref<40xi32, #tpu.memory_space<vmem>>
      %dma_start3A_62 = tpu.memref_slice %arg4[%add3A_56] : memref<320000xi32, #tpu.memory_space<hbm>> -> memref<40xi32, #tpu.memory_space<hbm>>
      %dma_start3A_63 = tpu.memref_slice %arg12[%dma_start3A_58] : memref<5x!tpu.dma_semaphore, #tpu.memory_space<semaphore_mem>> -> memref<1x!tpu.dma_semaphore, #tpu.memory_space<semaphore_mem>>
      %dma_start3A_64 = tpu.memref_squeeze %dma_start3A_63 : memref<1x!tpu.dma_semaphore, #tpu.memory_space<semaphore_mem>> -> memref<!tpu.dma_semaphore, #tpu.memory_space<semaphore_mem>>
      %dma_start3A_65 = arith.constant 0 : i32
      %dma_start3A_66 = tpu.memref_slice %arg8[%dma_start3A_57, %dma_start3A_65] : memref<5x40xi32, #tpu.memory_space<vmem>> -> memref<1x40xi32, #tpu.memory_space<vmem>>
      %dma_start3A_67 = tpu.memref_squeeze %dma_start3A_66 : memref<1x40xi32, #tpu.memory_space<vmem>> -> memref<40xi32, #tpu.memory_space<vmem>>
      %dma_start3A_68 = tpu.memref_slice %arg4[%add3A_56] : memref<320000xi32, #tpu.memory_space<hbm>> -> memref<40xi32, #tpu.memory_space<hbm>>
      tpu.enqueue_dma source(%dma_start3A_68 : memref<40xi32, #tpu.memory_space<hbm>>) target(%dma_start3A_67 : memref<40xi32, #tpu.memory_space<vmem>>) target_semaphore(%dma_start3A_64 : memref<!tpu.dma_semaphore, #tpu.memory_space<semaphore_mem>>)
      %add3A_69 = arith.addi %mul3A_2, %mul3A_24 : i32
      %add3A_70 = arith.constant 120 : i32
      %add3A_71 = arith.addi %add3A_69, %add3A_70 : i32
      %dma_start3A_72 = arith.constant 3 : i32
      %dma_start3A_73 = arith.constant 3 : i32
      %dma_start3A_74 = arith.constant 0 : i32
      %dma_start3A_75 = tpu.memref_slice %arg8[%dma_start3A_72, %dma_start3A_74] : memref<5x40xi32, #tpu.memory_space<vmem>> -> memref<1x40xi32, #tpu.memory_space<vmem>>
      %dma_start3A_76 = tpu.memref_squeeze %dma_start3A_75 : memref<1x40xi32, #tpu.memory_space<vmem>> -> memref<40xi32, #tpu.memory_space<vmem>>
      %dma_start3A_77 = tpu.memref_slice %arg4[%add3A_71] : memref<320000xi32, #tpu.memory_space<hbm>> -> memref<40xi32, #tpu.memory_space<hbm>>
      %dma_start3A_78 = tpu.memref_slice %arg12[%dma_start3A_73] : memref<5x!tpu.dma_semaphore, #tpu.memory_space<semaphore_mem>> -> memref<1x!tpu.dma_semaphore, #tpu.memory_space<semaphore_mem>>
      %dma_start3A_79 = tpu.memref_squeeze %dma_start3A_78 : memref<1x!tpu.dma_semaphore, #tpu.memory_space<semaphore_mem>> -> memref<!tpu.dma_semaphore, #tpu.memory_space<semaphore_mem>>
      %dma_start3A_80 = arith.constant 0 : i32
      %dma_start3A_81 = tpu.memref_slice %arg8[%dma_start3A_72, %dma_start3A_80] : memref<5x40xi32, #tpu.memory_space<vmem>> -> memref<1x40xi32, #tpu.memory_space<vmem>>
      %dma_start3A_82 = tpu.memref_squeeze %dma_start3A_81 : memref<1x40xi32, #tpu.memory_space<vmem>> -> memref<40xi32, #tpu.memory_space<vmem>>
      %dma_start3A_83 = tpu.memref_slice %arg4[%add3A_71] : memref<320000xi32, #tpu.memory_space<hbm>> -> memref<40xi32, #tpu.memory_space<hbm>>
      tpu.enqueue_dma source(%dma_start3A_83 : memref<40xi32, #tpu.memory_space<hbm>>) target(%dma_start3A_82 : memref<40xi32, #tpu.memory_space<vmem>>) target_semaphore(%dma_start3A_79 : memref<!tpu.dma_semaphore, #tpu.memory_space<semaphore_mem>>)
      %add3A_84 = arith.addi %mul3A_2, %mul3A_24 : i32
      %add3A_85 = arith.constant 160 : i32
      %add3A_86 = arith.addi %add3A_84, %add3A_85 : i32
      %dma_start3A_87 = arith.constant 4 : i32
      %dma_start3A_88 = arith.constant 4 : i32
      %dma_start3A_89 = arith.constant 0 : i32
      %dma_start3A_90 = tpu.memref_slice %arg8[%dma_start3A_87, %dma_start3A_89] : memref<5x40xi32, #tpu.memory_space<vmem>> -> memref<1x40xi32, #tpu.memory_space<vmem>>
      %dma_start3A_91 = tpu.memref_squeeze %dma_start3A_90 : memref<1x40xi32, #tpu.memory_space<vmem>> -> memref<40xi32, #tpu.memory_space<vmem>>
      %dma_start3A_92 = tpu.memref_slice %arg4[%add3A_86] : memref<320000xi32, #tpu.memory_space<hbm>> -> memref<40xi32, #tpu.memory_space<hbm>>
      %dma_start3A_93 = tpu.memref_slice %arg12[%dma_start3A_88] : memref<5x!tpu.dma_semaphore, #tpu.memory_space<semaphore_mem>> -> memref<1x!tpu.dma_semaphore, #tpu.memory_space<semaphore_mem>>
      %dma_start3A_94 = tpu.memref_squeeze %dma_start3A_93 : memref<1x!tpu.dma_semaphore, #tpu.memory_space<semaphore_mem>> -> memref<!tpu.dma_semaphore, #tpu.memory_space<semaphore_mem>>
      %dma_start3A_95 = arith.constant 0 : i32
      %dma_start3A_96 = tpu.memref_slice %arg8[%dma_start3A_87, %dma_start3A_95] : memref<5x40xi32, #tpu.memory_space<vmem>> -> memref<1x40xi32, #tpu.memory_space<vmem>>
      %dma_start3A_97 = tpu.memref_squeeze %dma_start3A_96 : memref<1x40xi32, #tpu.memory_space<vmem>> -> memref<40xi32, #tpu.memory_space<vmem>>
      %dma_start3A_98 = tpu.memref_slice %arg4[%add3A_86] : memref<320000xi32, #tpu.memory_space<hbm>> -> memref<40xi32, #tpu.memory_space<hbm>>
      tpu.enqueue_dma source(%dma_start3A_98 : memref<40xi32, #tpu.memory_space<hbm>>) target(%dma_start3A_97 : memref<40xi32, #tpu.memory_space<vmem>>) target_semaphore(%dma_start3A_94 : memref<!tpu.dma_semaphore, #tpu.memory_space<semaphore_mem>>)
      %add3A_99 = arith.constant 0 : i32
      %add3A_100 = arith.addi %mul3A_24, %add3A_99 : i32
      %dma_start3A_101 = arith.constant 0 : i32
      %dma_start3A_102 = arith.constant 0 : i32
      %dma_start3A_103 = arith.constant 0 : i32
      %dma_start3A_104 = arith.constant 0 : i32
      %dma_start3A_105 = tpu.memref_slice %arg9[%dma_start3A_101, %dma_start3A_103, %dma_start3A_104] : memref<5x40x128xf32, #tpu.memory_space<vmem>> -> memref<1x40x128xf32, #tpu.memory_space<vmem>>
      %dma_start3A_106 = tpu.memref_squeeze %dma_start3A_105 : memref<1x40x128xf32, #tpu.memory_space<vmem>> -> memref<40x128xf32, #tpu.memory_space<vmem>>
      %dma_start3A_107 = tpu.memref_slice %arg7[%add3A_100] : memref<10000xi32, #tpu.memory_space<vmem>> -> memref<40xi32, #tpu.memory_space<vmem>>
      %dma_start3A_108 = arith.constant 0 : i32
      %dma_start3A_109 = arith.constant 0 : i32
      %dma_start3A_110 = tpu.memref_slice %arg2[%dma_start3A_108, %dma_start3A_109] : memref<10000x128xf32, #tpu.memory_space<hbm>> -> memref<10000x128xf32, #tpu.memory_space<hbm>>
      %dma_start3A_111 = tpu.memref_slice %arg10[%dma_start3A_102] : memref<5x!tpu.dma_semaphore, #tpu.memory_space<semaphore_mem>> -> memref<1x!tpu.dma_semaphore, #tpu.memory_space<semaphore_mem>>
      %dma_start3A_112 = tpu.memref_squeeze %dma_start3A_111 : memref<1x!tpu.dma_semaphore, #tpu.memory_space<semaphore_mem>> -> memref<!tpu.dma_semaphore, #tpu.memory_space<semaphore_mem>>
      tpu.enqueue_indirect_dma source(%dma_start3A_110 : memref<10000x128xf32, #tpu.memory_space<hbm>>) target(%dma_start3A_106 : memref<40x128xf32, #tpu.memory_space<vmem>>) offsets(%dma_start3A_107 : memref<40xi32, #tpu.memory_space<vmem>>) semaphore(%dma_start3A_112 : memref<!tpu.dma_semaphore, #tpu.memory_space<semaphore_mem>>)
      %add3A_113 = arith.constant 40 : i32
      %add3A_114 = arith.addi %mul3A_24, %add3A_113 : i32
      %dma_start3A_115 = arith.constant 1 : i32
      %dma_start3A_116 = arith.constant 1 : i32
      %dma_start3A_117 = arith.constant 0 : i32
      %dma_start3A_118 = arith.constant 0 : i32
      %dma_start3A_119 = tpu.memref_slice %arg9[%dma_start3A_115, %dma_start3A_117, %dma_start3A_118] : memref<5x40x128xf32, #tpu.memory_space<vmem>> -> memref<1x40x128xf32, #tpu.memory_space<vmem>>
      %dma_start3A_120 = tpu.memref_squeeze %dma_start3A_119 : memref<1x40x128xf32, #tpu.memory_space<vmem>> -> memref<40x128xf32, #tpu.memory_space<vmem>>
      %dma_start3A_121 = tpu.memref_slice %arg7[%add3A_114] : memref<10000xi32, #tpu.memory_space<vmem>> -> memref<40xi32, #tpu.memory_space<vmem>>
      %dma_start3A_122 = arith.constant 0 : i32
      %dma_start3A_123 = arith.constant 0 : i32
      %dma_start3A_124 = tpu.memref_slice %arg2[%dma_start3A_122, %dma_start3A_123] : memref<10000x128xf32, #tpu.memory_space<hbm>> -> memref<10000x128xf32, #tpu.memory_space<hbm>>
      %dma_start3A_125 = tpu.memref_slice %arg10[%dma_start3A_116] : memref<5x!tpu.dma_semaphore, #tpu.memory_space<semaphore_mem>> -> memref<1x!tpu.dma_semaphore, #tpu.memory_space<semaphore_mem>>
      %dma_start3A_126 = tpu.memref_squeeze %dma_start3A_125 : memref<1x!tpu.dma_semaphore, #tpu.memory_space<semaphore_mem>> -> memref<!tpu.dma_semaphore, #tpu.memory_space<semaphore_mem>>
      tpu.enqueue_indirect_dma source(%dma_start3A_124 : memref<10000x128xf32, #tpu.memory_space<hbm>>) target(%dma_start3A_120 : memref<40x128xf32, #tpu.memory_space<vmem>>) offsets(%dma_start3A_121 : memref<40xi32, #tpu.memory_space<vmem>>) semaphore(%dma_start3A_126 : memref<!tpu.dma_semaphore, #tpu.memory_space<semaphore_mem>>)
      %add3A_127 = arith.constant 80 : i32
      %add3A_128 = arith.addi %mul3A_24, %add3A_127 : i32
      %dma_start3A_129 = arith.constant 2 : i32
      %dma_start3A_130 = arith.constant 2 : i32
      %dma_start3A_131 = arith.constant 0 : i32
      %dma_start3A_132 = arith.constant 0 : i32
      %dma_start3A_133 = tpu.memref_slice %arg9[%dma_start3A_129, %dma_start3A_131, %dma_start3A_132] : memref<5x40x128xf32, #tpu.memory_space<vmem>> -> memref<1x40x128xf32, #tpu.memory_space<vmem>>
      %dma_start3A_134 = tpu.memref_squeeze %dma_start3A_133 : memref<1x40x128xf32, #tpu.memory_space<vmem>> -> memref<40x128xf32, #tpu.memory_space<vmem>>
      %dma_start3A_135 = tpu.memref_slice %arg7[%add3A_128] : memref<10000xi32, #tpu.memory_space<vmem>> -> memref<40xi32, #tpu.memory_space<vmem>>
      %dma_start3A_136 = arith.constant 0 : i32
      %dma_start3A_137 = arith.constant 0 : i32
      %dma_start3A_138 = tpu.memref_slice %arg2[%dma_start3A_136, %dma_start3A_137] : memref<10000x128xf32, #tpu.memory_space<hbm>> -> memref<10000x128xf32, #tpu.memory_space<hbm>>
      %dma_start3A_139 = tpu.memref_slice %arg10[%dma_start3A_130] : memref<5x!tpu.dma_semaphore, #tpu.memory_space<semaphore_mem>> -> memref<1x!tpu.dma_semaphore, #tpu.memory_space<semaphore_mem>>
      %dma_start3A_140 = tpu.memref_squeeze %dma_start3A_139 : memref<1x!tpu.dma_semaphore, #tpu.memory_space<semaphore_mem>> -> memref<!tpu.dma_semaphore, #tpu.memory_space<semaphore_mem>>
      tpu.enqueue_indirect_dma source(%dma_start3A_138 : memref<10000x128xf32, #tpu.memory_space<hbm>>) target(%dma_start3A_134 : memref<40x128xf32, #tpu.memory_space<vmem>>) offsets(%dma_start3A_135 : memref<40xi32, #tpu.memory_space<vmem>>) semaphore(%dma_start3A_140 : memref<!tpu.dma_semaphore, #tpu.memory_space<semaphore_mem>>)
      %add3A_141 = arith.constant 120 : i32
      %add3A_142 = arith.addi %mul3A_24, %add3A_141 : i32
      %dma_start3A_143 = arith.constant 3 : i32
      %dma_start3A_144 = arith.constant 3 : i32
      %dma_start3A_145 = arith.constant 0 : i32
      %dma_start3A_146 = arith.constant 0 : i32
      %dma_start3A_147 = tpu.memref_slice %arg9[%dma_start3A_143, %dma_start3A_145, %dma_start3A_146] : memref<5x40x128xf32, #tpu.memory_space<vmem>> -> memref<1x40x128xf32, #tpu.memory_space<vmem>>
      %dma_start3A_148 = tpu.memref_squeeze %dma_start3A_147 : memref<1x40x128xf32, #tpu.memory_space<vmem>> -> memref<40x128xf32, #tpu.memory_space<vmem>>
      %dma_start3A_149 = tpu.memref_slice %arg7[%add3A_142] : memref<10000xi32, #tpu.memory_space<vmem>> -> memref<40xi32, #tpu.memory_space<vmem>>
      %dma_start3A_150 = arith.constant 0 : i32
      %dma_start3A_151 = arith.constant 0 : i32
      %dma_start3A_152 = tpu.memref_slice %arg2[%dma_start3A_150, %dma_start3A_151] : memref<10000x128xf32, #tpu.memory_space<hbm>> -> memref<10000x128xf32, #tpu.memory_space<hbm>>
      %dma_start3A_153 = tpu.memref_slice %arg10[%dma_start3A_144] : memref<5x!tpu.dma_semaphore, #tpu.memory_space<semaphore_mem>> -> memref<1x!tpu.dma_semaphore, #tpu.memory_space<semaphore_mem>>
      %dma_start3A_154 = tpu.memref_squeeze %dma_start3A_153 : memref<1x!tpu.dma_semaphore, #tpu.memory_space<semaphore_mem>> -> memref<!tpu.dma_semaphore, #tpu.memory_space<semaphore_mem>>
      tpu.enqueue_indirect_dma source(%dma_start3A_152 : memref<10000x128xf32, #tpu.memory_space<hbm>>) target(%dma_start3A_148 : memref<40x128xf32, #tpu.memory_space<vmem>>) offsets(%dma_start3A_149 : memref<40xi32, #tpu.memory_space<vmem>>) semaphore(%dma_start3A_154 : memref<!tpu.dma_semaphore, #tpu.memory_space<semaphore_mem>>)
      %add3A_155 = arith.constant 160 : i32
      %add3A_156 = arith.addi %mul3A_24, %add3A_155 : i32
      %dma_start3A_157 = arith.constant 4 : i32
      %dma_start3A_158 = arith.constant 4 : i32
      %dma_start3A_159 = arith.constant 0 : i32
      %dma_start3A_160 = arith.constant 0 : i32
      %dma_start3A_161 = tpu.memref_slice %arg9[%dma_start3A_157, %dma_start3A_159, %dma_start3A_160] : memref<5x40x128xf32, #tpu.memory_space<vmem>> -> memref<1x40x128xf32, #tpu.memory_space<vmem>>
      %dma_start3A_162 = tpu.memref_squeeze %dma_start3A_161 : memref<1x40x128xf32, #tpu.memory_space<vmem>> -> memref<40x128xf32, #tpu.memory_space<vmem>>
      %dma_start3A_163 = tpu.memref_slice %arg7[%add3A_156] : memref<10000xi32, #tpu.memory_space<vmem>> -> memref<40xi32, #tpu.memory_space<vmem>>
      %dma_start3A_164 = arith.constant 0 : i32
      %dma_start3A_165 = arith.constant 0 : i32
      %dma_start3A_166 = tpu.memref_slice %arg2[%dma_start3A_164, %dma_start3A_165] : memref<10000x128xf32, #tpu.memory_space<hbm>> -> memref<10000x128xf32, #tpu.memory_space<hbm>>
      %dma_start3A_167 = tpu.memref_slice %arg10[%dma_start3A_158] : memref<5x!tpu.dma_semaphore, #tpu.memory_space<semaphore_mem>> -> memref<1x!tpu.dma_semaphore, #tpu.memory_space<semaphore_mem>>
      %dma_start3A_168 = tpu.memref_squeeze %dma_start3A_167 : memref<1x!tpu.dma_semaphore, #tpu.memory_space<semaphore_mem>> -> memref<!tpu.dma_semaphore, #tpu.memory_space<semaphore_mem>>
      tpu.enqueue_indirect_dma source(%dma_start3A_166 : memref<10000x128xf32, #tpu.memory_space<hbm>>) target(%dma_start3A_162 : memref<40x128xf32, #tpu.memory_space<vmem>>) offsets(%dma_start3A_163 : memref<40xi32, #tpu.memory_space<vmem>>) semaphore(%dma_start3A_168 : memref<!tpu.dma_semaphore, #tpu.memory_space<semaphore_mem>>)
      %dma_wait3A = arith.constant 0 : i32
      %dma_wait3A_169 = arith.constant 0 : i32
      %dma_wait3A_170 = arith.constant 0 : i32
      %dma_wait3A_171 = arith.constant 0 : i32
      %dma_wait3A_172 = tpu.memref_slice %arg9[%dma_wait3A, %dma_wait3A_170, %dma_wait3A_171] : memref<5x40x128xf32, #tpu.memory_space<vmem>> -> memref<1x40x128xf32, #tpu.memory_space<vmem>>
      %dma_wait3A_173 = tpu.memref_squeeze %dma_wait3A_172 : memref<1x40x128xf32, #tpu.memory_space<vmem>> -> memref<40x128xf32, #tpu.memory_space<vmem>>
      %dma_wait3A_174 = tpu.memref_slice %arg7[%add3A_100] : memref<10000xi32, #tpu.memory_space<vmem>> -> memref<40xi32, #tpu.memory_space<vmem>>
      %dma_wait3A_175 = arith.constant 0 : i32
      %dma_wait3A_176 = arith.constant 0 : i32
      %dma_wait3A_177 = tpu.memref_slice %arg2[%dma_wait3A_175, %dma_wait3A_176] : memref<10000x128xf32, #tpu.memory_space<hbm>> -> memref<10000x128xf32, #tpu.memory_space<hbm>>
      %dma_wait3A_178 = tpu.memref_slice %arg10[%dma_wait3A_169] : memref<5x!tpu.dma_semaphore, #tpu.memory_space<semaphore_mem>> -> memref<1x!tpu.dma_semaphore, #tpu.memory_space<semaphore_mem>>
      %dma_wait3A_179 = tpu.memref_squeeze %dma_wait3A_178 : memref<1x!tpu.dma_semaphore, #tpu.memory_space<semaphore_mem>> -> memref<!tpu.dma_semaphore, #tpu.memory_space<semaphore_mem>>
      tpu.wait_indirect_dma semaphore(%dma_wait3A_179 : memref<!tpu.dma_semaphore, #tpu.memory_space<semaphore_mem>>) src(%dma_wait3A_177 : memref<10000x128xf32, #tpu.memory_space<hbm>>) dst(%dma_wait3A_173 : memref<40x128xf32, #tpu.memory_space<vmem>>)
      %dma_wait3A_180 = arith.constant 0 : i32
      %dma_wait3A_181 = arith.constant 0 : i32
      %dma_wait3A_182 = arith.constant 0 : i32
      %dma_wait3A_183 = tpu.memref_slice %arg8[%dma_wait3A_180, %dma_wait3A_182] : memref<5x40xi32, #tpu.memory_space<vmem>> -> memref<1x40xi32, #tpu.memory_space<vmem>>
      %dma_wait3A_184 = tpu.memref_squeeze %dma_wait3A_183 : memref<1x40xi32, #tpu.memory_space<vmem>> -> memref<40xi32, #tpu.memory_space<vmem>>
      %dma_wait3A_185 = tpu.memref_slice %arg4[%add3A_27] : memref<320000xi32, #tpu.memory_space<hbm>> -> memref<40xi32, #tpu.memory_space<hbm>>
      %dma_wait3A_186 = tpu.memref_slice %arg12[%dma_wait3A_181] : memref<5x!tpu.dma_semaphore, #tpu.memory_space<semaphore_mem>> -> memref<1x!tpu.dma_semaphore, #tpu.memory_space<semaphore_mem>>
      %dma_wait3A_187 = tpu.memref_squeeze %dma_wait3A_186 : memref<1x!tpu.dma_semaphore, #tpu.memory_space<semaphore_mem>> -> memref<!tpu.dma_semaphore, #tpu.memory_space<semaphore_mem>>
      %dma_wait3A_188 = arith.constant 0 : i32
      %dma_wait3A_189 = tpu.memref_slice %arg8[%dma_wait3A_180, %dma_wait3A_188] : memref<5x40xi32, #tpu.memory_space<vmem>> -> memref<1x40xi32, #tpu.memory_space<vmem>>
      %dma_wait3A_190 = tpu.memref_squeeze %dma_wait3A_189 : memref<1x40xi32, #tpu.memory_space<vmem>> -> memref<40xi32, #tpu.memory_space<vmem>>
      %dma_wait3A_191 = tpu.memref_slice %arg4[%add3A_27] : memref<320000xi32, #tpu.memory_space<hbm>> -> memref<40xi32, #tpu.memory_space<hbm>>
      tpu.wait_dma2 semaphore(%dma_wait3A_187 : memref<!tpu.dma_semaphore, #tpu.memory_space<semaphore_mem>>) src(%dma_wait3A_191 : memref<40xi32, #tpu.memory_space<hbm>>) dst(%dma_wait3A_190 : memref<40xi32, #tpu.memory_space<vmem>>)
      %dma_start3A_192 = arith.constant 0 : i32
      %dma_start3A_193 = arith.constant 0 : i32
      %dma_start3A_194 = arith.constant 0 : i32
      %dma_start3A_195 = arith.constant 0 : i32
      %dma_start3A_196 = arith.constant 0 : i32
      %dma_start3A_197 = tpu.memref_slice %arg9[%dma_start3A_192, %dma_start3A_195, %dma_start3A_196] : memref<5x40x128xf32, #tpu.memory_space<vmem>> -> memref<1x40x128xf32, #tpu.memory_space<vmem>>
      %dma_start3A_198 = tpu.memref_squeeze %dma_start3A_197 : memref<1x40x128xf32, #tpu.memory_space<vmem>> -> memref<40x128xf32, #tpu.memory_space<vmem>>
      %dma_start3A_199 = arith.constant 0 : i32
      %dma_start3A_200 = tpu.memref_slice %arg8[%dma_start3A_193, %dma_start3A_199] : memref<5x40xi32, #tpu.memory_space<vmem>> -> memref<1x40xi32, #tpu.memory_space<vmem>>
      %dma_start3A_201 = tpu.memref_squeeze %dma_start3A_200 : memref<1x40xi32, #tpu.memory_space<vmem>> -> memref<40xi32, #tpu.memory_space<vmem>>
      %dma_start3A_202 = arith.constant 0 : i32
      %dma_start3A_203 = arith.constant 0 : i32
      %dma_start3A_204 = tpu.memref_slice %arg13[%dma_start3A_202, %dma_start3A_203] : memref<10000x128xf32, #tpu.memory_space<vmem_shared>> -> memref<10000x128xf32, #tpu.memory_space<vmem_shared>>
      %dma_start3A_205 = tpu.memref_slice %arg11[%dma_start3A_194] : memref<5x!tpu.dma_semaphore, #tpu.memory_space<semaphore_mem>> -> memref<1x!tpu.dma_semaphore, #tpu.memory_space<semaphore_mem>>
      %dma_start3A_206 = tpu.memref_squeeze %dma_start3A_205 : memref<1x!tpu.dma_semaphore, #tpu.memory_space<semaphore_mem>> -> memref<!tpu.dma_semaphore, #tpu.memory_space<semaphore_mem>>
      tpu.enqueue_indirect_dma source(%dma_start3A_198 : memref<40x128xf32, #tpu.memory_space<vmem>>) target(%dma_start3A_204 : memref<10000x128xf32, #tpu.memory_space<vmem_shared>>) offsets(%dma_start3A_201 : memref<40xi32, #tpu.memory_space<vmem>>) semaphore(%dma_start3A_206 : memref<!tpu.dma_semaphore, #tpu.memory_space<semaphore_mem>>) {add = true}
      %dma_wait3A_207 = arith.constant 1 : i32
      %dma_wait3A_208 = arith.constant 1 : i32
      %dma_wait3A_209 = arith.constant 0 : i32
      %dma_wait3A_210 = arith.constant 0 : i32
      %dma_wait3A_211 = tpu.memref_slice %arg9[%dma_wait3A_207, %dma_wait3A_209, %dma_wait3A_210] : memref<5x40x128xf32, #tpu.memory_space<vmem>> -> memref<1x40x128xf32, #tpu.memory_space<vmem>>
      %dma_wait3A_212 = tpu.memref_squeeze %dma_wait3A_211 : memref<1x40x128xf32, #tpu.memory_space<vmem>> -> memref<40x128xf32, #tpu.memory_space<vmem>>
      %dma_wait3A_213 = tpu.memref_slice %arg7[%add3A_114] : memref<10000xi32, #tpu.memory_space<vmem>> -> memref<40xi32, #tpu.memory_space<vmem>>
      %dma_wait3A_214 = arith.constant 0 : i32
      %dma_wait3A_215 = arith.constant 0 : i32
      %dma_wait3A_216 = tpu.memref_slice %arg2[%dma_wait3A_214, %dma_wait3A_215] : memref<10000x128xf32, #tpu.memory_space<hbm>> -> memref<10000x128xf32, #tpu.memory_space<hbm>>
      %dma_wait3A_217 = tpu.memref_slice %arg10[%dma_wait3A_208] : memref<5x!tpu.dma_semaphore, #tpu.memory_space<semaphore_mem>> -> memref<1x!tpu.dma_semaphore, #tpu.memory_space<semaphore_mem>>
      %dma_wait3A_218 = tpu.memref_squeeze %dma_wait3A_217 : memref<1x!tpu.dma_semaphore, #tpu.memory_space<semaphore_mem>> -> memref<!tpu.dma_semaphore, #tpu.memory_space<semaphore_mem>>
      tpu.wait_indirect_dma semaphore(%dma_wait3A_218 : memref<!tpu.dma_semaphore, #tpu.memory_space<semaphore_mem>>) src(%dma_wait3A_216 : memref<10000x128xf32, #tpu.memory_space<hbm>>) dst(%dma_wait3A_212 : memref<40x128xf32, #tpu.memory_space<vmem>>)
      %dma_wait3A_219 = arith.constant 1 : i32
      %dma_wait3A_220 = arith.constant 1 : i32
      %dma_wait3A_221 = arith.constant 0 : i32
      %dma_wait3A_222 = tpu.memref_slice %arg8[%dma_wait3A_219, %dma_wait3A_221] : memref<5x40xi32, #tpu.memory_space<vmem>> -> memref<1x40xi32, #tpu.memory_space<vmem>>
      %dma_wait3A_223 = tpu.memref_squeeze %dma_wait3A_222 : memref<1x40xi32, #tpu.memory_space<vmem>> -> memref<40xi32, #tpu.memory_space<vmem>>
      %dma_wait3A_224 = tpu.memref_slice %arg4[%add3A_41] : memref<320000xi32, #tpu.memory_space<hbm>> -> memref<40xi32, #tpu.memory_space<hbm>>
      %dma_wait3A_225 = tpu.memref_slice %arg12[%dma_wait3A_220] : memref<5x!tpu.dma_semaphore, #tpu.memory_space<semaphore_mem>> -> memref<1x!tpu.dma_semaphore, #tpu.memory_space<semaphore_mem>>
      %dma_wait3A_226 = tpu.memref_squeeze %dma_wait3A_225 : memref<1x!tpu.dma_semaphore, #tpu.memory_space<semaphore_mem>> -> memref<!tpu.dma_semaphore, #tpu.memory_space<semaphore_mem>>
      %dma_wait3A_227 = arith.constant 0 : i32
      %dma_wait3A_228 = tpu.memref_slice %arg8[%dma_wait3A_219, %dma_wait3A_227] : memref<5x40xi32, #tpu.memory_space<vmem>> -> memref<1x40xi32, #tpu.memory_space<vmem>>
      %dma_wait3A_229 = tpu.memref_squeeze %dma_wait3A_228 : memref<1x40xi32, #tpu.memory_space<vmem>> -> memref<40xi32, #tpu.memory_space<vmem>>
      %dma_wait3A_230 = tpu.memref_slice %arg4[%add3A_41] : memref<320000xi32, #tpu.memory_space<hbm>> -> memref<40xi32, #tpu.memory_space<hbm>>
      tpu.wait_dma2 semaphore(%dma_wait3A_226 : memref<!tpu.dma_semaphore, #tpu.memory_space<semaphore_mem>>) src(%dma_wait3A_230 : memref<40xi32, #tpu.memory_space<hbm>>) dst(%dma_wait3A_229 : memref<40xi32, #tpu.memory_space<vmem>>)
      %dma_start3A_231 = arith.constant 1 : i32
      %dma_start3A_232 = arith.constant 1 : i32
      %dma_start3A_233 = arith.constant 1 : i32
      %dma_start3A_234 = arith.constant 0 : i32
      %dma_start3A_235 = arith.constant 0 : i32
      %dma_start3A_236 = tpu.memref_slice %arg9[%dma_start3A_231, %dma_start3A_234, %dma_start3A_235] : memref<5x40x128xf32, #tpu.memory_space<vmem>> -> memref<1x40x128xf32, #tpu.memory_space<vmem>>
      %dma_start3A_237 = tpu.memref_squeeze %dma_start3A_236 : memref<1x40x128xf32, #tpu.memory_space<vmem>> -> memref<40x128xf32, #tpu.memory_space<vmem>>
      %dma_start3A_238 = arith.constant 0 : i32
      %dma_start3A_239 = tpu.memref_slice %arg8[%dma_start3A_232, %dma_start3A_238] : memref<5x40xi32, #tpu.memory_space<vmem>> -> memref<1x40xi32, #tpu.memory_space<vmem>>
      %dma_start3A_240 = tpu.memref_squeeze %dma_start3A_239 : memref<1x40xi32, #tpu.memory_space<vmem>> -> memref<40xi32, #tpu.memory_space<vmem>>
      %dma_start3A_241 = arith.constant 0 : i32
      %dma_start3A_242 = arith.constant 0 : i32
      %dma_start3A_243 = tpu.memref_slice %arg13[%dma_start3A_241, %dma_start3A_242] : memref<10000x128xf32, #tpu.memory_space<vmem_shared>> -> memref<10000x128xf32, #tpu.memory_space<vmem_shared>>
      %dma_start3A_244 = tpu.memref_slice %arg11[%dma_start3A_233] : memref<5x!tpu.dma_semaphore, #tpu.memory_space<semaphore_mem>> -> memref<1x!tpu.dma_semaphore, #tpu.memory_space<semaphore_mem>>
      %dma_start3A_245 = tpu.memref_squeeze %dma_start3A_244 : memref<1x!tpu.dma_semaphore, #tpu.memory_space<semaphore_mem>> -> memref<!tpu.dma_semaphore, #tpu.memory_space<semaphore_mem>>
      tpu.enqueue_indirect_dma source(%dma_start3A_237 : memref<40x128xf32, #tpu.memory_space<vmem>>) target(%dma_start3A_243 : memref<10000x128xf32, #tpu.memory_space<vmem_shared>>) offsets(%dma_start3A_240 : memref<40xi32, #tpu.memory_space<vmem>>) semaphore(%dma_start3A_245 : memref<!tpu.dma_semaphore, #tpu.memory_space<semaphore_mem>>) {add = true}
      %dma_wait3A_246 = arith.constant 2 : i32
      %dma_wait3A_247 = arith.constant 2 : i32
      %dma_wait3A_248 = arith.constant 0 : i32
      %dma_wait3A_249 = arith.constant 0 : i32
      %dma_wait3A_250 = tpu.memref_slice %arg9[%dma_wait3A_246, %dma_wait3A_248, %dma_wait3A_249] : memref<5x40x128xf32, #tpu.memory_space<vmem>> -> memref<1x40x128xf32, #tpu.memory_space<vmem>>
      %dma_wait3A_251 = tpu.memref_squeeze %dma_wait3A_250 : memref<1x40x128xf32, #tpu.memory_space<vmem>> -> memref<40x128xf32, #tpu.memory_space<vmem>>
      %dma_wait3A_252 = tpu.memref_slice %arg7[%add3A_128] : memref<10000xi32, #tpu.memory_space<vmem>> -> memref<40xi32, #tpu.memory_space<vmem>>
      %dma_wait3A_253 = arith.constant 0 : i32
      %dma_wait3A_254 = arith.constant 0 : i32
      %dma_wait3A_255 = tpu.memref_slice %arg2[%dma_wait3A_253, %dma_wait3A_254] : memref<10000x128xf32, #tpu.memory_space<hbm>> -> memref<10000x128xf32, #tpu.memory_space<hbm>>
      %dma_wait3A_256 = tpu.memref_slice %arg10[%dma_wait3A_247] : memref<5x!tpu.dma_semaphore, #tpu.memory_space<semaphore_mem>> -> memref<1x!tpu.dma_semaphore, #tpu.memory_space<semaphore_mem>>
      %dma_wait3A_257 = tpu.memref_squeeze %dma_wait3A_256 : memref<1x!tpu.dma_semaphore, #tpu.memory_space<semaphore_mem>> -> memref<!tpu.dma_semaphore, #tpu.memory_space<semaphore_mem>>
      tpu.wait_indirect_dma semaphore(%dma_wait3A_257 : memref<!tpu.dma_semaphore, #tpu.memory_space<semaphore_mem>>) src(%dma_wait3A_255 : memref<10000x128xf32, #tpu.memory_space<hbm>>) dst(%dma_wait3A_251 : memref<40x128xf32, #tpu.memory_space<vmem>>)
      %dma_wait3A_258 = arith.constant 2 : i32
      %dma_wait3A_259 = arith.constant 2 : i32
      %dma_wait3A_260 = arith.constant 0 : i32
      %dma_wait3A_261 = tpu.memref_slice %arg8[%dma_wait3A_258, %dma_wait3A_260] : memref<5x40xi32, #tpu.memory_space<vmem>> -> memref<1x40xi32, #tpu.memory_space<vmem>>
      %dma_wait3A_262 = tpu.memref_squeeze %dma_wait3A_261 : memref<1x40xi32, #tpu.memory_space<vmem>> -> memref<40xi32, #tpu.memory_space<vmem>>
      %dma_wait3A_263 = tpu.memref_slice %arg4[%add3A_56] : memref<320000xi32, #tpu.memory_space<hbm>> -> memref<40xi32, #tpu.memory_space<hbm>>
      %dma_wait3A_264 = tpu.memref_slice %arg12[%dma_wait3A_259] : memref<5x!tpu.dma_semaphore, #tpu.memory_space<semaphore_mem>> -> memref<1x!tpu.dma_semaphore, #tpu.memory_space<semaphore_mem>>
      %dma_wait3A_265 = tpu.memref_squeeze %dma_wait3A_264 : memref<1x!tpu.dma_semaphore, #tpu.memory_space<semaphore_mem>> -> memref<!tpu.dma_semaphore, #tpu.memory_space<semaphore_mem>>
      %dma_wait3A_266 = arith.constant 0 : i32
      %dma_wait3A_267 = tpu.memref_slice %arg8[%dma_wait3A_258, %dma_wait3A_266] : memref<5x40xi32, #tpu.memory_space<vmem>> -> memref<1x40xi32, #tpu.memory_space<vmem>>
      %dma_wait3A_268 = tpu.memref_squeeze %dma_wait3A_267 : memref<1x40xi32, #tpu.memory_space<vmem>> -> memref<40xi32, #tpu.memory_space<vmem>>
      %dma_wait3A_269 = tpu.memref_slice %arg4[%add3A_56] : memref<320000xi32, #tpu.memory_space<hbm>> -> memref<40xi32, #tpu.memory_space<hbm>>
      tpu.wait_dma2 semaphore(%dma_wait3A_265 : memref<!tpu.dma_semaphore, #tpu.memory_space<semaphore_mem>>) src(%dma_wait3A_269 : memref<40xi32, #tpu.memory_space<hbm>>) dst(%dma_wait3A_268 : memref<40xi32, #tpu.memory_space<vmem>>)
      %dma_start3A_270 = arith.constant 2 : i32
      %dma_start3A_271 = arith.constant 2 : i32
      %dma_start3A_272 = arith.constant 2 : i32
      %dma_start3A_273 = arith.constant 0 : i32
      %dma_start3A_274 = arith.constant 0 : i32
      %dma_start3A_275 = tpu.memref_slice %arg9[%dma_start3A_270, %dma_start3A_273, %dma_start3A_274] : memref<5x40x128xf32, #tpu.memory_space<vmem>> -> memref<1x40x128xf32, #tpu.memory_space<vmem>>
      %dma_start3A_276 = tpu.memref_squeeze %dma_start3A_275 : memref<1x40x128xf32, #tpu.memory_space<vmem>> -> memref<40x128xf32, #tpu.memory_space<vmem>>
      %dma_start3A_277 = arith.constant 0 : i32
      %dma_start3A_278 = tpu.memref_slice %arg8[%dma_start3A_271, %dma_start3A_277] : memref<5x40xi32, #tpu.memory_space<vmem>> -> memref<1x40xi32, #tpu.memory_space<vmem>>
      %dma_start3A_279 = tpu.memref_squeeze %dma_start3A_278 : memref<1x40xi32, #tpu.memory_space<vmem>> -> memref<40xi32, #tpu.memory_space<vmem>>
      %dma_start3A_280 = arith.constant 0 : i32
      %dma_start3A_281 = arith.constant 0 : i32
      %dma_start3A_282 = tpu.memref_slice %arg13[%dma_start3A_280, %dma_start3A_281] : memref<10000x128xf32, #tpu.memory_space<vmem_shared>> -> memref<10000x128xf32, #tpu.memory_space<vmem_shared>>
      %dma_start3A_283 = tpu.memref_slice %arg11[%dma_start3A_272] : memref<5x!tpu.dma_semaphore, #tpu.memory_space<semaphore_mem>> -> memref<1x!tpu.dma_semaphore, #tpu.memory_space<semaphore_mem>>
      %dma_start3A_284 = tpu.memref_squeeze %dma_start3A_283 : memref<1x!tpu.dma_semaphore, #tpu.memory_space<semaphore_mem>> -> memref<!tpu.dma_semaphore, #tpu.memory_space<semaphore_mem>>
      tpu.enqueue_indirect_dma source(%dma_start3A_276 : memref<40x128xf32, #tpu.memory_space<vmem>>) target(%dma_start3A_282 : memref<10000x128xf32, #tpu.memory_space<vmem_shared>>) offsets(%dma_start3A_279 : memref<40xi32, #tpu.memory_space<vmem>>) semaphore(%dma_start3A_284 : memref<!tpu.dma_semaphore, #tpu.memory_space<semaphore_mem>>) {add = true}
      %dma_wait3A_285 = arith.constant 3 : i32
      %dma_wait3A_286 = arith.constant 3 : i32
      %dma_wait3A_287 = arith.constant 0 : i32
      %dma_wait3A_288 = arith.constant 0 : i32
      %dma_wait3A_289 = tpu.memref_slice %arg9[%dma_wait3A_285, %dma_wait3A_287, %dma_wait3A_288] : memref<5x40x128xf32, #tpu.memory_space<vmem>> -> memref<1x40x128xf32, #tpu.memory_space<vmem>>
      %dma_wait3A_290 = tpu.memref_squeeze %dma_wait3A_289 : memref<1x40x128xf32, #tpu.memory_space<vmem>> -> memref<40x128xf32, #tpu.memory_space<vmem>>
      %dma_wait3A_291 = tpu.memref_slice %arg7[%add3A_142] : memref<10000xi32, #tpu.memory_space<vmem>> -> memref<40xi32, #tpu.memory_space<vmem>>
      %dma_wait3A_292 = arith.constant 0 : i32
      %dma_wait3A_293 = arith.constant 0 : i32
      %dma_wait3A_294 = tpu.memref_slice %arg2[%dma_wait3A_292, %dma_wait3A_293] : memref<10000x128xf32, #tpu.memory_space<hbm>> -> memref<10000x128xf32, #tpu.memory_space<hbm>>
      %dma_wait3A_295 = tpu.memref_slice %arg10[%dma_wait3A_286] : memref<5x!tpu.dma_semaphore, #tpu.memory_space<semaphore_mem>> -> memref<1x!tpu.dma_semaphore, #tpu.memory_space<semaphore_mem>>
      %dma_wait3A_296 = tpu.memref_squeeze %dma_wait3A_295 : memref<1x!tpu.dma_semaphore, #tpu.memory_space<semaphore_mem>> -> memref<!tpu.dma_semaphore, #tpu.memory_space<semaphore_mem>>
      tpu.wait_indirect_dma semaphore(%dma_wait3A_296 : memref<!tpu.dma_semaphore, #tpu.memory_space<semaphore_mem>>) src(%dma_wait3A_294 : memref<10000x128xf32, #tpu.memory_space<hbm>>) dst(%dma_wait3A_290 : memref<40x128xf32, #tpu.memory_space<vmem>>)
      %dma_wait3A_297 = arith.constant 3 : i32
      %dma_wait3A_298 = arith.constant 3 : i32
      %dma_wait3A_299 = arith.constant 0 : i32
      %dma_wait3A_300 = tpu.memref_slice %arg8[%dma_wait3A_297, %dma_wait3A_299] : memref<5x40xi32, #tpu.memory_space<vmem>> -> memref<1x40xi32, #tpu.memory_space<vmem>>
      %dma_wait3A_301 = tpu.memref_squeeze %dma_wait3A_300 : memref<1x40xi32, #tpu.memory_space<vmem>> -> memref<40xi32, #tpu.memory_space<vmem>>
      %dma_wait3A_302 = tpu.memref_slice %arg4[%add3A_71] : memref<320000xi32, #tpu.memory_space<hbm>> -> memref<40xi32, #tpu.memory_space<hbm>>
      %dma_wait3A_303 = tpu.memref_slice %arg12[%dma_wait3A_298] : memref<5x!tpu.dma_semaphore, #tpu.memory_space<semaphore_mem>> -> memref<1x!tpu.dma_semaphore, #tpu.memory_space<semaphore_mem>>
      %dma_wait3A_304 = tpu.memref_squeeze %dma_wait3A_303 : memref<1x!tpu.dma_semaphore, #tpu.memory_space<semaphore_mem>> -> memref<!tpu.dma_semaphore, #tpu.memory_space<semaphore_mem>>
      %dma_wait3A_305 = arith.constant 0 : i32
      %dma_wait3A_306 = tpu.memref_slice %arg8[%dma_wait3A_297, %dma_wait3A_305] : memref<5x40xi32, #tpu.memory_space<vmem>> -> memref<1x40xi32, #tpu.memory_space<vmem>>
      %dma_wait3A_307 = tpu.memref_squeeze %dma_wait3A_306 : memref<1x40xi32, #tpu.memory_space<vmem>> -> memref<40xi32, #tpu.memory_space<vmem>>
      %dma_wait3A_308 = tpu.memref_slice %arg4[%add3A_71] : memref<320000xi32, #tpu.memory_space<hbm>> -> memref<40xi32, #tpu.memory_space<hbm>>
      tpu.wait_dma2 semaphore(%dma_wait3A_304 : memref<!tpu.dma_semaphore, #tpu.memory_space<semaphore_mem>>) src(%dma_wait3A_308 : memref<40xi32, #tpu.memory_space<hbm>>) dst(%dma_wait3A_307 : memref<40xi32, #tpu.memory_space<vmem>>)
      %dma_start3A_309 = arith.constant 3 : i32
      %dma_start3A_310 = arith.constant 3 : i32
      %dma_start3A_311 = arith.constant 3 : i32
      %dma_start3A_312 = arith.constant 0 : i32
      %dma_start3A_313 = arith.constant 0 : i32
      %dma_start3A_314 = tpu.memref_slice %arg9[%dma_start3A_309, %dma_start3A_312, %dma_start3A_313] : memref<5x40x128xf32, #tpu.memory_space<vmem>> -> memref<1x40x128xf32, #tpu.memory_space<vmem>>
      %dma_start3A_315 = tpu.memref_squeeze %dma_start3A_314 : memref<1x40x128xf32, #tpu.memory_space<vmem>> -> memref<40x128xf32, #tpu.memory_space<vmem>>
      %dma_start3A_316 = arith.constant 0 : i32
      %dma_start3A_317 = tpu.memref_slice %arg8[%dma_start3A_310, %dma_start3A_316] : memref<5x40xi32, #tpu.memory_space<vmem>> -> memref<1x40xi32, #tpu.memory_space<vmem>>
      %dma_start3A_318 = tpu.memref_squeeze %dma_start3A_317 : memref<1x40xi32, #tpu.memory_space<vmem>> -> memref<40xi32, #tpu.memory_space<vmem>>
      %dma_start3A_319 = arith.constant 0 : i32
      %dma_start3A_320 = arith.constant 0 : i32
      %dma_start3A_321 = tpu.memref_slice %arg13[%dma_start3A_319, %dma_start3A_320] : memref<10000x128xf32, #tpu.memory_space<vmem_shared>> -> memref<10000x128xf32, #tpu.memory_space<vmem_shared>>
      %dma_start3A_322 = tpu.memref_slice %arg11[%dma_start3A_311] : memref<5x!tpu.dma_semaphore, #tpu.memory_space<semaphore_mem>> -> memref<1x!tpu.dma_semaphore, #tpu.memory_space<semaphore_mem>>
      %dma_start3A_323 = tpu.memref_squeeze %dma_start3A_322 : memref<1x!tpu.dma_semaphore, #tpu.memory_space<semaphore_mem>> -> memref<!tpu.dma_semaphore, #tpu.memory_space<semaphore_mem>>
      tpu.enqueue_indirect_dma source(%dma_start3A_315 : memref<40x128xf32, #tpu.memory_space<vmem>>) target(%dma_start3A_321 : memref<10000x128xf32, #tpu.memory_space<vmem_shared>>) offsets(%dma_start3A_318 : memref<40xi32, #tpu.memory_space<vmem>>) semaphore(%dma_start3A_323 : memref<!tpu.dma_semaphore, #tpu.memory_space<semaphore_mem>>) {add = true}
      %dma_wait3A_324 = arith.constant 4 : i32
      %dma_wait3A_325 = arith.constant 4 : i32
      %dma_wait3A_326 = arith.constant 0 : i32
      %dma_wait3A_327 = arith.constant 0 : i32
      %dma_wait3A_328 = tpu.memref_slice %arg9[%dma_wait3A_324, %dma_wait3A_326, %dma_wait3A_327] : memref<5x40x128xf32, #tpu.memory_space<vmem>> -> memref<1x40x128xf32, #tpu.memory_space<vmem>>
      %dma_wait3A_329 = tpu.memref_squeeze %dma_wait3A_328 : memref<1x40x128xf32, #tpu.memory_space<vmem>> -> memref<40x128xf32, #tpu.memory_space<vmem>>
      %dma_wait3A_330 = tpu.memref_slice %arg7[%add3A_156] : memref<10000xi32, #tpu.memory_space<vmem>> -> memref<40xi32, #tpu.memory_space<vmem>>
      %dma_wait3A_331 = arith.constant 0 : i32
      %dma_wait3A_332 = arith.constant 0 : i32
      %dma_wait3A_333 = tpu.memref_slice %arg2[%dma_wait3A_331, %dma_wait3A_332] : memref<10000x128xf32, #tpu.memory_space<hbm>> -> memref<10000x128xf32, #tpu.memory_space<hbm>>
      %dma_wait3A_334 = tpu.memref_slice %arg10[%dma_wait3A_325] : memref<5x!tpu.dma_semaphore, #tpu.memory_space<semaphore_mem>> -> memref<1x!tpu.dma_semaphore, #tpu.memory_space<semaphore_mem>>
      %dma_wait3A_335 = tpu.memref_squeeze %dma_wait3A_334 : memref<1x!tpu.dma_semaphore, #tpu.memory_space<semaphore_mem>> -> memref<!tpu.dma_semaphore, #tpu.memory_space<semaphore_mem>>
      tpu.wait_indirect_dma semaphore(%dma_wait3A_335 : memref<!tpu.dma_semaphore, #tpu.memory_space<semaphore_mem>>) src(%dma_wait3A_333 : memref<10000x128xf32, #tpu.memory_space<hbm>>) dst(%dma_wait3A_329 : memref<40x128xf32, #tpu.memory_space<vmem>>)
      %dma_wait3A_336 = arith.constant 4 : i32
      %dma_wait3A_337 = arith.constant 4 : i32
      %dma_wait3A_338 = arith.constant 0 : i32
      %dma_wait3A_339 = tpu.memref_slice %arg8[%dma_wait3A_336, %dma_wait3A_338] : memref<5x40xi32, #tpu.memory_space<vmem>> -> memref<1x40xi32, #tpu.memory_space<vmem>>
      %dma_wait3A_340 = tpu.memref_squeeze %dma_wait3A_339 : memref<1x40xi32, #tpu.memory_space<vmem>> -> memref<40xi32, #tpu.memory_space<vmem>>
      %dma_wait3A_341 = tpu.memref_slice %arg4[%add3A_86] : memref<320000xi32, #tpu.memory_space<hbm>> -> memref<40xi32, #tpu.memory_space<hbm>>
      %dma_wait3A_342 = tpu.memref_slice %arg12[%dma_wait3A_337] : memref<5x!tpu.dma_semaphore, #tpu.memory_space<semaphore_mem>> -> memref<1x!tpu.dma_semaphore, #tpu.memory_space<semaphore_mem>>
      %dma_wait3A_343 = tpu.memref_squeeze %dma_wait3A_342 : memref<1x!tpu.dma_semaphore, #tpu.memory_space<semaphore_mem>> -> memref<!tpu.dma_semaphore, #tpu.memory_space<semaphore_mem>>
      %dma_wait3A_344 = arith.constant 0 : i32
      %dma_wait3A_345 = tpu.memref_slice %arg8[%dma_wait3A_336, %dma_wait3A_344] : memref<5x40xi32, #tpu.memory_space<vmem>> -> memref<1x40xi32, #tpu.memory_space<vmem>>
      %dma_wait3A_346 = tpu.memref_squeeze %dma_wait3A_345 : memref<1x40xi32, #tpu.memory_space<vmem>> -> memref<40xi32, #tpu.memory_space<vmem>>
      %dma_wait3A_347 = tpu.memref_slice %arg4[%add3A_86] : memref<320000xi32, #tpu.memory_space<hbm>> -> memref<40xi32, #tpu.memory_space<hbm>>
      tpu.wait_dma2 semaphore(%dma_wait3A_343 : memref<!tpu.dma_semaphore, #tpu.memory_space<semaphore_mem>>) src(%dma_wait3A_347 : memref<40xi32, #tpu.memory_space<hbm>>) dst(%dma_wait3A_346 : memref<40xi32, #tpu.memory_space<vmem>>)
      %dma_start3A_348 = arith.constant 4 : i32
      %dma_start3A_349 = arith.constant 4 : i32
      %dma_start3A_350 = arith.constant 4 : i32
      %dma_start3A_351 = arith.constant 0 : i32
      %dma_start3A_352 = arith.constant 0 : i32
      %dma_start3A_353 = tpu.memref_slice %arg9[%dma_start3A_348, %dma_start3A_351, %dma_start3A_352] : memref<5x40x128xf32, #tpu.memory_space<vmem>> -> memref<1x40x128xf32, #tpu.memory_space<vmem>>
      %dma_start3A_354 = tpu.memref_squeeze %dma_start3A_353 : memref<1x40x128xf32, #tpu.memory_space<vmem>> -> memref<40x128xf32, #tpu.memory_space<vmem>>
      %dma_start3A_355 = arith.constant 0 : i32
      %dma_start3A_356 = tpu.memref_slice %arg8[%dma_start3A_349, %dma_start3A_355] : memref<5x40xi32, #tpu.memory_space<vmem>> -> memref<1x40xi32, #tpu.memory_space<vmem>>
      %dma_start3A_357 = tpu.memref_squeeze %dma_start3A_356 : memref<1x40xi32, #tpu.memory_space<vmem>> -> memref<40xi32, #tpu.memory_space<vmem>>
      %dma_start3A_358 = arith.constant 0 : i32
      %dma_start3A_359 = arith.constant 0 : i32
      %dma_start3A_360 = tpu.memref_slice %arg13[%dma_start3A_358, %dma_start3A_359] : memref<10000x128xf32, #tpu.memory_space<vmem_shared>> -> memref<10000x128xf32, #tpu.memory_space<vmem_shared>>
      %dma_start3A_361 = tpu.memref_slice %arg11[%dma_start3A_350] : memref<5x!tpu.dma_semaphore, #tpu.memory_space<semaphore_mem>> -> memref<1x!tpu.dma_semaphore, #tpu.memory_space<semaphore_mem>>
      %dma_start3A_362 = tpu.memref_squeeze %dma_start3A_361 : memref<1x!tpu.dma_semaphore, #tpu.memory_space<semaphore_mem>> -> memref<!tpu.dma_semaphore, #tpu.memory_space<semaphore_mem>>
      tpu.enqueue_indirect_dma source(%dma_start3A_354 : memref<40x128xf32, #tpu.memory_space<vmem>>) target(%dma_start3A_360 : memref<10000x128xf32, #tpu.memory_space<vmem_shared>>) offsets(%dma_start3A_357 : memref<40xi32, #tpu.memory_space<vmem>>) semaphore(%dma_start3A_362 : memref<!tpu.dma_semaphore, #tpu.memory_space<semaphore_mem>>) {add = true}
      %dma_wait3A_363 = arith.constant 0 : i32
      %dma_wait3A_364 = arith.constant 0 : i32
      %dma_wait3A_365 = arith.constant 0 : i32
      %dma_wait3A_366 = arith.constant 0 : i32
      %dma_wait3A_367 = arith.constant 0 : i32
      %dma_wait3A_368 = tpu.memref_slice %arg9[%dma_wait3A_363, %dma_wait3A_366, %dma_wait3A_367] : memref<5x40x128xf32, #tpu.memory_space<vmem>> -> memref<1x40x128xf32, #tpu.memory_space<vmem>>
      %dma_wait3A_369 = tpu.memref_squeeze %dma_wait3A_368 : memref<1x40x128xf32, #tpu.memory_space<vmem>> -> memref<40x128xf32, #tpu.memory_space<vmem>>
      %dma_wait3A_370 = arith.constant 0 : i32
      %dma_wait3A_371 = tpu.memref_slice %arg8[%dma_wait3A_364, %dma_wait3A_370] : memref<5x40xi32, #tpu.memory_space<vmem>> -> memref<1x40xi32, #tpu.memory_space<vmem>>
      %dma_wait3A_372 = tpu.memref_squeeze %dma_wait3A_371 : memref<1x40xi32, #tpu.memory_space<vmem>> -> memref<40xi32, #tpu.memory_space<vmem>>
      %dma_wait3A_373 = arith.constant 0 : i32
      %dma_wait3A_374 = arith.constant 0 : i32
      %dma_wait3A_375 = tpu.memref_slice %arg13[%dma_wait3A_373, %dma_wait3A_374] : memref<10000x128xf32, #tpu.memory_space<vmem_shared>> -> memref<10000x128xf32, #tpu.memory_space<vmem_shared>>
      %dma_wait3A_376 = tpu.memref_slice %arg11[%dma_wait3A_365] : memref<5x!tpu.dma_semaphore, #tpu.memory_space<semaphore_mem>> -> memref<1x!tpu.dma_semaphore, #tpu.memory_space<semaphore_mem>>
      %dma_wait3A_377 = tpu.memref_squeeze %dma_wait3A_376 : memref<1x!tpu.dma_semaphore, #tpu.memory_space<semaphore_mem>> -> memref<!tpu.dma_semaphore, #tpu.memory_space<semaphore_mem>>
      tpu.wait_indirect_dma semaphore(%dma_wait3A_377 : memref<!tpu.dma_semaphore, #tpu.memory_space<semaphore_mem>>) src(%dma_wait3A_369 : memref<40x128xf32, #tpu.memory_space<vmem>>) dst(%dma_wait3A_375 : memref<10000x128xf32, #tpu.memory_space<vmem_shared>>)
      %dma_wait3A_378 = arith.constant 1 : i32
      %dma_wait3A_379 = arith.constant 1 : i32
      %dma_wait3A_380 = arith.constant 1 : i32
      %dma_wait3A_381 = arith.constant 0 : i32
      %dma_wait3A_382 = arith.constant 0 : i32
      %dma_wait3A_383 = tpu.memref_slice %arg9[%dma_wait3A_378, %dma_wait3A_381, %dma_wait3A_382] : memref<5x40x128xf32, #tpu.memory_space<vmem>> -> memref<1x40x128xf32, #tpu.memory_space<vmem>>
      %dma_wait3A_384 = tpu.memref_squeeze %dma_wait3A_383 : memref<1x40x128xf32, #tpu.memory_space<vmem>> -> memref<40x128xf32, #tpu.memory_space<vmem>>
      %dma_wait3A_385 = arith.constant 0 : i32
      %dma_wait3A_386 = tpu.memref_slice %arg8[%dma_wait3A_379, %dma_wait3A_385] : memref<5x40xi32, #tpu.memory_space<vmem>> -> memref<1x40xi32, #tpu.memory_space<vmem>>
      %dma_wait3A_387 = tpu.memref_squeeze %dma_wait3A_386 : memref<1x40xi32, #tpu.memory_space<vmem>> -> memref<40xi32, #tpu.memory_space<vmem>>
      %dma_wait3A_388 = arith.constant 0 : i32
      %dma_wait3A_389 = arith.constant 0 : i32
      %dma_wait3A_390 = tpu.memref_slice %arg13[%dma_wait3A_388, %dma_wait3A_389] : memref<10000x128xf32, #tpu.memory_space<vmem_shared>> -> memref<10000x128xf32, #tpu.memory_space<vmem_shared>>
      %dma_wait3A_391 = tpu.memref_slice %arg11[%dma_wait3A_380] : memref<5x!tpu.dma_semaphore, #tpu.memory_space<semaphore_mem>> -> memref<1x!tpu.dma_semaphore, #tpu.memory_space<semaphore_mem>>
      %dma_wait3A_392 = tpu.memref_squeeze %dma_wait3A_391 : memref<1x!tpu.dma_semaphore, #tpu.memory_space<semaphore_mem>> -> memref<!tpu.dma_semaphore, #tpu.memory_space<semaphore_mem>>
      tpu.wait_indirect_dma semaphore(%dma_wait3A_392 : memref<!tpu.dma_semaphore, #tpu.memory_space<semaphore_mem>>) src(%dma_wait3A_384 : memref<40x128xf32, #tpu.memory_space<vmem>>) dst(%dma_wait3A_390 : memref<10000x128xf32, #tpu.memory_space<vmem_shared>>)
      %dma_wait3A_393 = arith.constant 2 : i32
      %dma_wait3A_394 = arith.constant 2 : i32
      %dma_wait3A_395 = arith.constant 2 : i32
      %dma_wait3A_396 = arith.constant 0 : i32
      %dma_wait3A_397 = arith.constant 0 : i32
      %dma_wait3A_398 = tpu.memref_slice %arg9[%dma_wait3A_393, %dma_wait3A_396, %dma_wait3A_397] : memref<5x40x128xf32, #tpu.memory_space<vmem>> -> memref<1x40x128xf32, #tpu.memory_space<vmem>>
      %dma_wait3A_399 = tpu.memref_squeeze %dma_wait3A_398 : memref<1x40x128xf32, #tpu.memory_space<vmem>> -> memref<40x128xf32, #tpu.memory_space<vmem>>
      %dma_wait3A_400 = arith.constant 0 : i32
      %dma_wait3A_401 = tpu.memref_slice %arg8[%dma_wait3A_394, %dma_wait3A_400] : memref<5x40xi32, #tpu.memory_space<vmem>> -> memref<1x40xi32, #tpu.memory_space<vmem>>
      %dma_wait3A_402 = tpu.memref_squeeze %dma_wait3A_401 : memref<1x40xi32, #tpu.memory_space<vmem>> -> memref<40xi32, #tpu.memory_space<vmem>>
      %dma_wait3A_403 = arith.constant 0 : i32
      %dma_wait3A_404 = arith.constant 0 : i32
      %dma_wait3A_405 = tpu.memref_slice %arg13[%dma_wait3A_403, %dma_wait3A_404] : memref<10000x128xf32, #tpu.memory_space<vmem_shared>> -> memref<10000x128xf32, #tpu.memory_space<vmem_shared>>
      %dma_wait3A_406 = tpu.memref_slice %arg11[%dma_wait3A_395] : memref<5x!tpu.dma_semaphore, #tpu.memory_space<semaphore_mem>> -> memref<1x!tpu.dma_semaphore, #tpu.memory_space<semaphore_mem>>
      %dma_wait3A_407 = tpu.memref_squeeze %dma_wait3A_406 : memref<1x!tpu.dma_semaphore, #tpu.memory_space<semaphore_mem>> -> memref<!tpu.dma_semaphore, #tpu.memory_space<semaphore_mem>>
      tpu.wait_indirect_dma semaphore(%dma_wait3A_407 : memref<!tpu.dma_semaphore, #tpu.memory_space<semaphore_mem>>) src(%dma_wait3A_399 : memref<40x128xf32, #tpu.memory_space<vmem>>) dst(%dma_wait3A_405 : memref<10000x128xf32, #tpu.memory_space<vmem_shared>>)
      %dma_wait3A_408 = arith.constant 3 : i32
      %dma_wait3A_409 = arith.constant 3 : i32
      %dma_wait3A_410 = arith.constant 3 : i32
      %dma_wait3A_411 = arith.constant 0 : i32
      %dma_wait3A_412 = arith.constant 0 : i32
      %dma_wait3A_413 = tpu.memref_slice %arg9[%dma_wait3A_408, %dma_wait3A_411, %dma_wait3A_412] : memref<5x40x128xf32, #tpu.memory_space<vmem>> -> memref<1x40x128xf32, #tpu.memory_space<vmem>>
      %dma_wait3A_414 = tpu.memref_squeeze %dma_wait3A_413 : memref<1x40x128xf32, #tpu.memory_space<vmem>> -> memref<40x128xf32, #tpu.memory_space<vmem>>
      %dma_wait3A_415 = arith.constant 0 : i32
      %dma_wait3A_416 = tpu.memref_slice %arg8[%dma_wait3A_409, %dma_wait3A_415] : memref<5x40xi32, #tpu.memory_space<vmem>> -> memref<1x40xi32, #tpu.memory_space<vmem>>
      %dma_wait3A_417 = tpu.memref_squeeze %dma_wait3A_416 : memref<1x40xi32, #tpu.memory_space<vmem>> -> memref<40xi32, #tpu.memory_space<vmem>>
      %dma_wait3A_418 = arith.constant 0 : i32
      %dma_wait3A_419 = arith.constant 0 : i32
      %dma_wait3A_420 = tpu.memref_slice %arg13[%dma_wait3A_418, %dma_wait3A_419] : memref<10000x128xf32, #tpu.memory_space<vmem_shared>> -> memref<10000x128xf32, #tpu.memory_space<vmem_shared>>
      %dma_wait3A_421 = tpu.memref_slice %arg11[%dma_wait3A_410] : memref<5x!tpu.dma_semaphore, #tpu.memory_space<semaphore_mem>> -> memref<1x!tpu.dma_semaphore, #tpu.memory_space<semaphore_mem>>
      %dma_wait3A_422 = tpu.memref_squeeze %dma_wait3A_421 : memref<1x!tpu.dma_semaphore, #tpu.memory_space<semaphore_mem>> -> memref<!tpu.dma_semaphore, #tpu.memory_space<semaphore_mem>>
      tpu.wait_indirect_dma semaphore(%dma_wait3A_422 : memref<!tpu.dma_semaphore, #tpu.memory_space<semaphore_mem>>) src(%dma_wait3A_414 : memref<40x128xf32, #tpu.memory_space<vmem>>) dst(%dma_wait3A_420 : memref<10000x128xf32, #tpu.memory_space<vmem_shared>>)
      %dma_wait3A_423 = arith.constant 4 : i32
      %dma_wait3A_424 = arith.constant 4 : i32
      %dma_wait3A_425 = arith.constant 4 : i32
      %dma_wait3A_426 = arith.constant 0 : i32
      %dma_wait3A_427 = arith.constant 0 : i32
      %dma_wait3A_428 = tpu.memref_slice %arg9[%dma_wait3A_423, %dma_wait3A_426, %dma_wait3A_427] : memref<5x40x128xf32, #tpu.memory_space<vmem>> -> memref<1x40x128xf32, #tpu.memory_space<vmem>>
      %dma_wait3A_429 = tpu.memref_squeeze %dma_wait3A_428 : memref<1x40x128xf32, #tpu.memory_space<vmem>> -> memref<40x128xf32, #tpu.memory_space<vmem>>
      %dma_wait3A_430 = arith.constant 0 : i32
      %dma_wait3A_431 = tpu.memref_slice %arg8[%dma_wait3A_424, %dma_wait3A_430] : memref<5x40xi32, #tpu.memory_space<vmem>> -> memref<1x40xi32, #tpu.memory_space<vmem>>
      %dma_wait3A_432 = tpu.memref_squeeze %dma_wait3A_431 : memref<1x40xi32, #tpu.memory_space<vmem>> -> memref<40xi32, #tpu.memory_space<vmem>>
      %dma_wait3A_433 = arith.constant 0 : i32
      %dma_wait3A_434 = arith.constant 0 : i32
      %dma_wait3A_435 = tpu.memref_slice %arg13[%dma_wait3A_433, %dma_wait3A_434] : memref<10000x128xf32, #tpu.memory_space<vmem_shared>> -> memref<10000x128xf32, #tpu.memory_space<vmem_shared>>
      %dma_wait3A_436 = tpu.memref_slice %arg11[%dma_wait3A_425] : memref<5x!tpu.dma_semaphore, #tpu.memory_space<semaphore_mem>> -> memref<1x!tpu.dma_semaphore, #tpu.memory_space<semaphore_mem>>
      %dma_wait3A_437 = tpu.memref_squeeze %dma_wait3A_436 : memref<1x!tpu.dma_semaphore, #tpu.memory_space<semaphore_mem>> -> memref<!tpu.dma_semaphore, #tpu.memory_space<semaphore_mem>>
      tpu.wait_indirect_dma semaphore(%dma_wait3A_437 : memref<!tpu.dma_semaphore, #tpu.memory_space<semaphore_mem>>) src(%dma_wait3A_429 : memref<40x128xf32, #tpu.memory_space<vmem>>) dst(%dma_wait3A_435 : memref<10000x128xf32, #tpu.memory_space<vmem_shared>>)
    }
    %scan3A_11 = arith.constant 50 : i32
    %barrier3A_12 = arith.constant 0 : index
    tpu.barrier barrier_id(%barrier3A_12)
    %mul3A_13 = arith.constant 624 : i32
    %mul3A_14 = arith.muli %arg1, %mul3A_13 : i32
    "tpu.region"() ({
      %run_scoped3A = tpu.sem_alloc : memref<!tpu.dma_semaphore, #tpu.memory_space<semaphore_mem>>
      %dma_start3A = arith.constant 0 : i32
      %dma_start3A_20 = arith.constant 0 : i32
      %dma_start3A_21 = tpu.memref_slice %arg6[%arg0, %dma_start3A, %dma_start3A_20] : memref<2x10000x128xf32, #tpu.memory_space<hbm>> -> memref<1x10000x128xf32, #tpu.memory_space<hbm>>
      %dma_start3A_22 = tpu.memref_squeeze %dma_start3A_21 : memref<1x10000x128xf32, #tpu.memory_space<hbm>> -> memref<10000x128xf32, #tpu.memory_space<hbm>>
      %dma_start3A_23 = arith.constant 0 : i32
      %dma_start3A_24 = tpu.memref_slice %dma_start3A_22[%mul3A_14, %dma_start3A_23] : memref<10000x128xf32, #tpu.memory_space<hbm>> -> memref<624x128xf32, #tpu.memory_space<hbm>>
      %dma_start3A_25 = arith.constant 0 : i32
      %dma_start3A_26 = tpu.memref_slice %arg13[%mul3A_14, %dma_start3A_25] : memref<10000x128xf32, #tpu.memory_space<vmem_shared>> -> memref<624x128xf32, #tpu.memory_space<vmem_shared>>
      tpu.enqueue_dma source(%dma_start3A_26 : memref<624x128xf32, #tpu.memory_space<vmem_shared>>) target(%dma_start3A_24 : memref<624x128xf32, #tpu.memory_space<hbm>>) target_semaphore(%run_scoped3A : memref<!tpu.dma_semaphore, #tpu.memory_space<semaphore_mem>>)
      %dma_wait3A = arith.constant 0 : i32
      %dma_wait3A_27 = arith.constant 0 : i32
      %dma_wait3A_28 = tpu.memref_slice %arg6[%arg0, %dma_wait3A, %dma_wait3A_27] : memref<2x10000x128xf32, #tpu.memory_space<hbm>> -> memref<1x10000x128xf32, #tpu.memory_space<hbm>>
      %dma_wait3A_29 = tpu.memref_squeeze %dma_wait3A_28 : memref<1x10000x128xf32, #tpu.memory_space<hbm>> -> memref<10000x128xf32, #tpu.memory_space<hbm>>
      %dma_wait3A_30 = arith.constant 0 : i32
      %dma_wait3A_31 = tpu.memref_slice %dma_wait3A_29[%mul3A_14, %dma_wait3A_30] : memref<10000x128xf32, #tpu.memory_space<hbm>> -> memref<624x128xf32, #tpu.memory_space<hbm>>
      %dma_wait3A_32 = arith.constant 0 : i32
      %dma_wait3A_33 = tpu.memref_slice %arg13[%mul3A_14, %dma_wait3A_32] : memref<10000x128xf32, #tpu.memory_space<vmem_shared>> -> memref<624x128xf32, #tpu.memory_space<vmem_shared>>
      tpu.wait_dma2 semaphore(%run_scoped3A : memref<!tpu.dma_semaphore, #tpu.memory_space<semaphore_mem>>) src(%dma_wait3A_33 : memref<624x128xf32, #tpu.memory_space<vmem_shared>>) dst(%dma_wait3A_31 : memref<624x128xf32, #tpu.memory_space<hbm>>)
      tpu.yield
    }) : () -> ()
    %eq3A_15 = arith.constant 15 : i32
    %eq3A_16 = arith.cmpi eq, %arg1, %eq3A_15 : i32
    %convert_element_type3A_17 = arith.extui %eq3A_16 : i1 to i32
    %cond3A_18 = arith.constant 0 : i32
    %cond3A_19 = arith.cmpi ne, %convert_element_type3A_17, %cond3A_18 : i32
    scf.if %cond3A_19 {
      "tpu.region"() ({
        %run_scoped3A = tpu.sem_alloc : memref<!tpu.dma_semaphore, #tpu.memory_space<semaphore_mem>>
        %dma_start3A = arith.constant 0 : i32
        %dma_start3A_20 = arith.constant 0 : i32
        %dma_start3A_21 = tpu.memref_slice %arg6[%arg0, %dma_start3A, %dma_start3A_20] : memref<2x10000x128xf32, #tpu.memory_space<hbm>> -> memref<1x10000x128xf32, #tpu.memory_space<hbm>>
        %dma_start3A_22 = tpu.memref_squeeze %dma_start3A_21 : memref<1x10000x128xf32, #tpu.memory_space<hbm>> -> memref<10000x128xf32, #tpu.memory_space<hbm>>
        %dma_start3A_23 = arith.constant 9984 : i32
        %dma_start3A_24 = arith.constant 0 : i32
        %dma_start3A_25 = tpu.memref_slice %dma_start3A_22[%dma_start3A_23, %dma_start3A_24] : memref<10000x128xf32, #tpu.memory_space<hbm>> -> memref<16x128xf32, #tpu.memory_space<hbm>>
        %dma_start3A_26 = arith.constant 9984 : i32
        %dma_start3A_27 = arith.constant 0 : i32
        %dma_start3A_28 = tpu.memref_slice %arg13[%dma_start3A_26, %dma_start3A_27] : memref<10000x128xf32, #tpu.memory_space<vmem_shared>> -> memref<16x128xf32, #tpu.memory_space<vmem_shared>>
        tpu.enqueue_dma source(%dma_start3A_28 : memref<16x128xf32, #tpu.memory_space<vmem_shared>>) target(%dma_start3A_25 : memref<16x128xf32, #tpu.memory_space<hbm>>) target_semaphore(%run_scoped3A : memref<!tpu.dma_semaphore, #tpu.memory_space<semaphore_mem>>)
        %dma_wait3A = arith.constant 0 : i32
        %dma_wait3A_29 = arith.constant 0 : i32
        %dma_wait3A_30 = tpu.memref_slice %arg6[%arg0, %dma_wait3A, %dma_wait3A_29] : memref<2x10000x128xf32, #tpu.memory_space<hbm>> -> memref<1x10000x128xf32, #tpu.memory_space<hbm>>
        %dma_wait3A_31 = tpu.memref_squeeze %dma_wait3A_30 : memref<1x10000x128xf32, #tpu.memory_space<hbm>> -> memref<10000x128xf32, #tpu.memory_space<hbm>>
        %dma_wait3A_32 = arith.constant 9984 : i32
        %dma_wait3A_33 = arith.constant 0 : i32
        %dma_wait3A_34 = tpu.memref_slice %dma_wait3A_31[%dma_wait3A_32, %dma_wait3A_33] : memref<10000x128xf32, #tpu.memory_space<hbm>> -> memref<16x128xf32, #tpu.memory_space<hbm>>
        %dma_wait3A_35 = arith.constant 9984 : i32
        %dma_wait3A_36 = arith.constant 0 : i32
        %dma_wait3A_37 = tpu.memref_slice %arg13[%dma_wait3A_35, %dma_wait3A_36] : memref<10000x128xf32, #tpu.memory_space<vmem_shared>> -> memref<16x128xf32, #tpu.memory_space<vmem_shared>>
        tpu.wait_dma2 semaphore(%run_scoped3A : memref<!tpu.dma_semaphore, #tpu.memory_space<semaphore_mem>>) src(%dma_wait3A_37 : memref<16x128xf32, #tpu.memory_space<vmem_shared>>) dst(%dma_wait3A_34 : memref<16x128xf32, #tpu.memory_space<hbm>>)
        tpu.yield
      }) : () -> ()
    } else {
    }
    return
  }
}

module attributes {stable_mosaic.version = 14 : i64} {
  func.func @body(%arg0: memref<2x16x10240xf32, #tpu.memory_space<vmem>>, %arg1: memref<10240xf32, #tpu.memory_space<vmem>>) attributes {dimension_semantics = [], scalar_prefetch = 0 : i64, scratch_operands = 0 : i64, tpu.core_type = #tpu.core_type<tc>} {
    %get3A = arith.constant 0 : index
    %get3A_0 = arith.constant 0 : index
    %get3A_1 = arith.constant 0 : index
    %get3A_2 = vector.load %arg0[%get3A, %get3A_0, %get3A_1] : memref<2x16x10240xf32, #tpu.memory_space<vmem>>, vector<2x16x10240xf32>
    %reduce_sum3A = arith.constant dense<0.000000e+00> : vector<10240xf32>
    %reduce_sum3A_3 = vector.multi_reduction <add>, %get3A_2, %reduce_sum3A [0, 1] : vector<2x16x10240xf32> to vector<10240xf32>
    %add3A = arith.constant 1.000000e+00 : f32
    %add3A_4 = vector.broadcast %add3A : f32 to vector<10240xf32>
    %add3A_5 = arith.addf %reduce_sum3A_3, %add3A_4 : vector<10240xf32>
    %rsqrt3A = math.rsqrt %add3A_5 : vector<10240xf32>
    %swap3A = arith.constant 0 : index
    %swap3A_6 = vector.load %arg1[%swap3A] : memref<10240xf32, #tpu.memory_space<vmem>>, vector<10240xf32>
    tpu.vector_store %arg1[%swap3A], %rsqrt3A {strides = array<i32>} : memref<10240xf32, #tpu.memory_space<vmem>>, vector<10240xf32>,
    return
  }
}

module attributes {stable_mosaic.version = 14 : i64} {
  func.func @body(%arg0: i32, %arg1: memref<1000x128xf32, #tpu.memory_space<vmem>>, %arg2: memref<128x128xf32, #tpu.memory_space<vmem>>, %arg3: memref<1000x1xf32, #tpu.memory_space<vmem>>, %arg4: memref<1000x128xf32, #tpu.memory_space<vmem>>) attributes {dimension_semantics = [#tpu.dimension_semantics<arbitrary>], iteration_bounds = array<i64: 10>, scalar_prefetch = 0 : i64, scratch_operands = 0 : i64, tpu.core_type = #tpu.core_type<tc>, window_params = [{transform_indices = @transform_0, window_bounds = array<i64: 1000, 128>}, {pipeline_mode = #tpu.pipeline_mode<synchronous>, transform_indices = @transform_1, window_bounds = array<i64: 128, 128>}, {transform_indices = @transform_2, window_bounds = array<i64: 1000, 1>}, {transform_indices = @transform_3, window_bounds = array<i64: 1000, 128>}]} {
    %get3A = arith.constant 0 : index
    %get3A_0 = arith.constant 0 : index
    %get3A_1 = vector.load %arg1[%get3A, %get3A_0] : memref<1000x128xf32, #tpu.memory_space<vmem>>, vector<1000x128xf32>
    %get3A_2 = arith.constant 0 : index
    %get3A_3 = arith.constant 0 : index
    %get3A_4 = vector.load %arg2[%get3A_2, %get3A_3] : memref<128x128xf32, #tpu.memory_space<vmem>>, vector<128x128xf32>
    %dot_general3A = arith.constant dense<0.000000e+00> : vector<1000x128xf32>
    %dot_general3A_5 = tpu.matmul %get3A_1, %get3A_4, %dot_general3A {dimension_numbers = #tpu.dot_dimension_numbers<[1], [0], [0], [1], [0, 0, 1, 1], [], []>, precision = #tpu.contract_precision<fp32>, transpose_lhs_hint = false} : vector<1000x128xf32>, vector<128x128xf32>, vector<1000x128xf32> -> vector<1000x128xf32>
    %get3A_6 = arith.constant 0 : index
    %get3A_7 = arith.constant 0 : index
    %get3A_8 = vector.load %arg3[%get3A_6, %get3A_7] : memref<1000x1xf32, #tpu.memory_space<vmem>>, vector<1000x1xf32>
    %mul3A = vector.broadcast %get3A_8 : vector<1000x1xf32> to vector<1000x128xf32>
    %mul3A_9 = arith.mulf %dot_general3A_5, %mul3A : vector<1000x128xf32>
    %swap3A = arith.constant 0 : index
    %swap3A_10 = arith.constant 0 : index
    %swap3A_11 = vector.load %arg4[%swap3A, %swap3A_10] : memref<1000x128xf32, #tpu.memory_space<vmem>>, vector<1000x128xf32>
    tpu.vector_store %arg4[%swap3A, %swap3A_10], %mul3A_9 {strides = array<i32>} : memref<1000x128xf32, #tpu.memory_space<vmem>>, vector<1000x128xf32>,
    return
  }
  func.func @transform_0(%arg0: i32) -> (i32, i32) {
    %c0_i32 = arith.constant 0 : i32
    %c0_i32_0 = arith.constant 0 : i32
    return %arg0, %c0_i32 : i32, i32
  }
  func.func @transform_1(%arg0: i32) -> (i32, i32) {
    %c0_i32 = arith.constant 0 : i32
    %c0_i32_0 = arith.constant 0 : i32
    %c0_i32_1 = arith.constant 0 : i32
    return %c0_i32, %c0_i32_0 : i32, i32
  }
  func.func @transform_2(%arg0: i32) -> (i32, i32) {
    %c0_i32 = arith.constant 0 : i32
    %c0_i32_0 = arith.constant 0 : i32
    return %arg0, %c0_i32 : i32, i32
  }
  func.func @transform_3(%arg0: i32) -> (i32, i32) {
    %c0_i32 = arith.constant 0 : i32
    %c0_i32_0 = arith.constant 0 : i32
    return %arg0, %c0_i32 : i32, i32
  }
}

module attributes {stable_mosaic.version = 14 : i64} {
  func.func @body(%arg0: i32, %arg1: memref<1000x128xf32, #tpu.memory_space<vmem>>, %arg2: memref<1000x128xf32, #tpu.memory_space<vmem>>, %arg3: memref<1000x128xf32, #tpu.memory_space<vmem>>, %arg4: memref<1000x1xf32, #tpu.memory_space<vmem>>, %arg5: memref<1x128xf32, #tpu.memory_space<vmem>>, %arg6: memref<128x64xf32, #tpu.memory_space<vmem>>, %arg7: memref<1000x64xf32, #tpu.memory_space<vmem>>) attributes {dimension_semantics = [#tpu.dimension_semantics<arbitrary>], iteration_bounds = array<i64: 10>, scalar_prefetch = 0 : i64, scratch_operands = 0 : i64, tpu.core_type = #tpu.core_type<tc>, window_params = [{transform_indices = @transform_0, window_bounds = array<i64: 1000, 128>}, {transform_indices = @transform_1, window_bounds = array<i64: 1000, 128>}, {transform_indices = @transform_2, window_bounds = array<i64: 1000, 128>}, {transform_indices = @transform_3, window_bounds = array<i64: 1000, 1>}, {pipeline_mode = #tpu.pipeline_mode<synchronous>, transform_indices = @transform_4, window_bounds = array<i64: 1, 128>}, {pipeline_mode = #tpu.pipeline_mode<synchronous>, transform_indices = @transform_5, window_bounds = array<i64: 128, 64>}, {transform_indices = @transform_6, window_bounds = array<i64: 1000, 64>}]} {
    %get3A = arith.constant 0 : index
    %get3A_0 = arith.constant 0 : index
    %get3A_1 = vector.load %arg4[%get3A, %get3A_0] : memref<1000x1xf32, #tpu.memory_space<vmem>>, vector<1000x1xf32>
    %get3A_2 = arith.constant 0 : index
    %get3A_3 = arith.constant 0 : index
    %get3A_4 = vector.load %arg1[%get3A_2, %get3A_3] : memref<1000x128xf32, #tpu.memory_space<vmem>>, vector<1000x128xf32>
    %get3A_5 = arith.constant 0 : index
    %get3A_6 = arith.constant 0 : index
    %get3A_7 = vector.load %arg2[%get3A_5, %get3A_6] : memref<1000x128xf32, #tpu.memory_space<vmem>>, vector<1000x128xf32>
    %add3A = arith.addf %get3A_4, %get3A_7 : vector<1000x128xf32>
    %get3A_8 = arith.constant 0 : index
    %get3A_9 = arith.constant 0 : index
    %get3A_10 = vector.load %arg3[%get3A_8, %get3A_9] : memref<1000x128xf32, #tpu.memory_space<vmem>>, vector<1000x128xf32>
    %add3A_11 = arith.addf %add3A, %get3A_10 : vector<1000x128xf32>
    %mul3A = vector.broadcast %get3A_1 : vector<1000x1xf32> to vector<1000x128xf32>
    %mul3A_12 = arith.mulf %mul3A, %add3A_11 : vector<1000x128xf32>
    %get3A_13 = arith.constant 0 : index
    %get3A_14 = arith.constant 0 : index
    %get3A_15 = vector.load %arg5[%get3A_13, %get3A_14] : memref<1x128xf32, #tpu.memory_space<vmem>>, vector<1x128xf32>
    %add3A_16 = vector.broadcast %get3A_15 : vector<1x128xf32> to vector<1000x128xf32>
    %add3A_17 = arith.addf %mul3A_12, %add3A_16 : vector<1000x128xf32>
    %get3A_18 = arith.constant 0 : index
    %get3A_19 = arith.constant 0 : index
    %get3A_20 = vector.load %arg6[%get3A_18, %get3A_19] : memref<128x64xf32, #tpu.memory_space<vmem>>, vector<128x64xf32>
    %dot_general3A = arith.constant dense<0.000000e+00> : vector<1000x64xf32>
    %dot_general3A_21 = tpu.matmul %add3A_17, %get3A_20, %dot_general3A {dimension_numbers = #tpu.dot_dimension_numbers<[1], [0], [0], [1], [0, 0, 1, 1], [], []>, precision = #tpu.contract_precision<fp32>, transpose_lhs_hint = false} : vector<1000x128xf32>, vector<128x64xf32>, vector<1000x64xf32> -> vector<1000x64xf32>
    %get3A_22 = arith.constant 0 : index
    %get3A_23 = arith.constant 0 : index
    %get3A_24 = vector.load %arg4[%get3A_22, %get3A_23] : memref<1000x1xf32, #tpu.memory_space<vmem>>, vector<1000x1xf32>
    %mul3A_25 = vector.broadcast %get3A_24 : vector<1000x1xf32> to vector<1000x64xf32>
    %mul3A_26 = arith.mulf %dot_general3A_21, %mul3A_25 : vector<1000x64xf32>
    %swap3A = arith.constant 0 : index
    %swap3A_27 = arith.constant 0 : index
    %swap3A_28 = vector.load %arg7[%swap3A, %swap3A_27] : memref<1000x64xf32, #tpu.memory_space<vmem>>, vector<1000x64xf32>
    tpu.vector_store %arg7[%swap3A, %swap3A_27], %mul3A_26 {strides = array<i32>} : memref<1000x64xf32, #tpu.memory_space<vmem>>, vector<1000x64xf32>,
    return
  }
  func.func @transform_0(%arg0: i32) -> (i32, i32) {
    %c0_i32 = arith.constant 0 : i32
    %c0_i32_0 = arith.constant 0 : i32
    return %arg0, %c0_i32 : i32, i32
  }
  func.func @transform_1(%arg0: i32) -> (i32, i32) {
    %c0_i32 = arith.constant 0 : i32
    %c0_i32_0 = arith.constant 0 : i32
    return %arg0, %c0_i32 : i32, i32
  }
  func.func @transform_2(%arg0: i32) -> (i32, i32) {
    %c0_i32 = arith.constant 0 : i32
    %c0_i32_0 = arith.constant 0 : i32
    return %arg0, %c0_i32 : i32, i32
  }
  func.func @transform_3(%arg0: i32) -> (i32, i32) {
    %c0_i32 = arith.constant 0 : i32
    %c0_i32_0 = arith.constant 0 : i32
    return %arg0, %c0_i32 : i32, i32
  }
  func.func @transform_4(%arg0: i32) -> (i32, i32) {
    %c0_i32 = arith.constant 0 : i32
    %c0_i32_0 = arith.constant 0 : i32
    %c0_i32_1 = arith.constant 0 : i32
    return %c0_i32, %c0_i32_0 : i32, i32
  }
  func.func @transform_5(%arg0: i32) -> (i32, i32) {
    %c0_i32 = arith.constant 0 : i32
    %c0_i32_0 = arith.constant 0 : i32
    %c0_i32_1 = arith.constant 0 : i32
    return %c0_i32, %c0_i32_0 : i32, i32
  }
  func.func @transform_6(%arg0: i32) -> (i32, i32) {
    %c0_i32 = arith.constant 0 : i32
    %c0_i32_0 = arith.constant 0 : i32
    return %arg0, %c0_i32 : i32, i32
  }
}

module attributes {stable_mosaic.version = 14 : i64} {
  func.func @body(%arg0: i32, %arg1: memref<1000x64xf32, #tpu.memory_space<vmem>>, %arg2: memref<1000x64xf32, #tpu.memory_space<vmem>>, %arg3: memref<1000x64xf32, #tpu.memory_space<vmem>>, %arg4: memref<1000x1xf32, #tpu.memory_space<vmem>>, %arg5: memref<1x64xf32, #tpu.memory_space<vmem>>, %arg6: memref<1000x32xf32, #tpu.memory_space<vmem>>, %arg7: memref<1000x64xf32, #tpu.memory_space<vmem>>, %arg8: memref<1000x32xf32, #tpu.memory_space<vmem>>) attributes {dimension_semantics = [#tpu.dimension_semantics<arbitrary>], iteration_bounds = array<i64: 10>, scalar_prefetch = 0 : i64, scratch_operands = 0 : i64, tpu.core_type = #tpu.core_type<tc>, window_params = [{transform_indices = @transform_0, window_bounds = array<i64: 1000, 64>}, {transform_indices = @transform_1, window_bounds = array<i64: 1000, 64>}, {transform_indices = @transform_2, window_bounds = array<i64: 1000, 64>}, {transform_indices = @transform_3, window_bounds = array<i64: 1000, 1>}, {pipeline_mode = #tpu.pipeline_mode<synchronous>, transform_indices = @transform_4, window_bounds = array<i64: 1, 64>}, {transform_indices = @transform_5, window_bounds = array<i64: 1000, 32>}, {transform_indices = @transform_6, window_bounds = array<i64: 1000, 64>}, {transform_indices = @transform_7, window_bounds = array<i64: 1000, 32>}]} {
    %get3A = arith.constant 0 : index
    %get3A_0 = arith.constant 0 : index
    %get3A_1 = vector.load %arg4[%get3A, %get3A_0] : memref<1000x1xf32, #tpu.memory_space<vmem>>, vector<1000x1xf32>
    %get3A_2 = arith.constant 0 : index
    %get3A_3 = arith.constant 0 : index
    %get3A_4 = vector.load %arg1[%get3A_2, %get3A_3] : memref<1000x64xf32, #tpu.memory_space<vmem>>, vector<1000x64xf32>
    %get3A_5 = arith.constant 0 : index
    %get3A_6 = arith.constant 0 : index
    %get3A_7 = vector.load %arg2[%get3A_5, %get3A_6] : memref<1000x64xf32, #tpu.memory_space<vmem>>, vector<1000x64xf32>
    %add3A = arith.addf %get3A_4, %get3A_7 : vector<1000x64xf32>
    %get3A_8 = arith.constant 0 : index
    %get3A_9 = arith.constant 0 : index
    %get3A_10 = vector.load %arg3[%get3A_8, %get3A_9] : memref<1000x64xf32, #tpu.memory_space<vmem>>, vector<1000x64xf32>
    %add3A_11 = arith.addf %add3A, %get3A_10 : vector<1000x64xf32>
    %mul3A = vector.broadcast %get3A_1 : vector<1000x1xf32> to vector<1000x64xf32>
    %mul3A_12 = arith.mulf %mul3A, %add3A_11 : vector<1000x64xf32>
    %get3A_13 = arith.constant 0 : index
    %get3A_14 = arith.constant 0 : index
    %get3A_15 = vector.load %arg5[%get3A_13, %get3A_14] : memref<1x64xf32, #tpu.memory_space<vmem>>, vector<1x64xf32>
    %add3A_16 = vector.broadcast %get3A_15 : vector<1x64xf32> to vector<1000x64xf32>
    %add3A_17 = arith.addf %mul3A_12, %add3A_16 : vector<1000x64xf32>
    %swap3A = arith.constant 0 : index
    %swap3A_18 = arith.constant 0 : index
    %swap3A_19 = vector.load %arg7[%swap3A, %swap3A_18] : memref<1000x64xf32, #tpu.memory_space<vmem>>, vector<1000x64xf32>
    tpu.vector_store %arg7[%swap3A, %swap3A_18], %add3A_17 {strides = array<i32>} : memref<1000x64xf32, #tpu.memory_space<vmem>>, vector<1000x64xf32>,
    %slice3A = vector.extract_strided_slice %add3A_17 {offsets = [0, 0], sizes = [1000, 32], strides = [1, 1]} : vector<1000x64xf32> to vector<1000x32xf32>
    %slice3A_20 = vector.extract_strided_slice %add3A_17 {offsets = [0, 32], sizes = [1000, 32], strides = [1, 1]} : vector<1000x64xf32> to vector<1000x32xf32>
    %get3A_21 = arith.constant 0 : index
    %get3A_22 = arith.constant 0 : index
    %get3A_23 = vector.load %arg6[%get3A_21, %get3A_22] : memref<1000x32xf32, #tpu.memory_space<vmem>>, vector<1000x32xf32>
    %mul3A_24 = arith.constant 5.000000e-01 : f32
    %mul3A_25 = vector.broadcast %mul3A_24 : f32 to vector<1000x32xf32>
    %mul3A_26 = arith.mulf %mul3A_25, %slice3A_20 : vector<1000x32xf32>
    %exp3A = math.exp %mul3A_26 : vector<1000x32xf32>
    %mul3A_27 = arith.mulf %get3A_23, %exp3A : vector<1000x32xf32>
    %add3A_28 = arith.addf %slice3A, %mul3A_27 : vector<1000x32xf32>
    %mul3A_29 = vector.broadcast %get3A_1 : vector<1000x1xf32> to vector<1000x32xf32>
    %mul3A_30 = arith.mulf %add3A_28, %mul3A_29 : vector<1000x32xf32>
    %swap3A_31 = arith.constant 0 : index
    %swap3A_32 = arith.constant 0 : index
    %swap3A_33 = vector.load %arg8[%swap3A_31, %swap3A_32] : memref<1000x32xf32, #tpu.memory_space<vmem>>, vector<1000x32xf32>
    tpu.vector_store %arg8[%swap3A_31, %swap3A_32], %mul3A_30 {strides = array<i32>} : memref<1000x32xf32, #tpu.memory_space<vmem>>, vector<1000x32xf32>,
    return
  }
  func.func @transform_0(%arg0: i32) -> (i32, i32) {
    %c0_i32 = arith.constant 0 : i32
    %c0_i32_0 = arith.constant 0 : i32
    return %arg0, %c0_i32 : i32, i32
  }
  func.func @transform_1(%arg0: i32) -> (i32, i32) {
    %c0_i32 = arith.constant 0 : i32
    %c0_i32_0 = arith.constant 0 : i32
    return %arg0, %c0_i32 : i32, i32
  }
  func.func @transform_2(%arg0: i32) -> (i32, i32) {
    %c0_i32 = arith.constant 0 : i32
    %c0_i32_0 = arith.constant 0 : i32
    return %arg0, %c0_i32 : i32, i32
  }
  func.func @transform_3(%arg0: i32) -> (i32, i32) {
    %c0_i32 = arith.constant 0 : i32
    %c0_i32_0 = arith.constant 0 : i32
    return %arg0, %c0_i32 : i32, i32
  }
  func.func @transform_4(%arg0: i32) -> (i32, i32) {
    %c0_i32 = arith.constant 0 : i32
    %c0_i32_0 = arith.constant 0 : i32
    %c0_i32_1 = arith.constant 0 : i32
    return %c0_i32, %c0_i32_0 : i32, i32
  }
  func.func @transform_5(%arg0: i32) -> (i32, i32) {
    %c0_i32 = arith.constant 0 : i32
    %c0_i32_0 = arith.constant 0 : i32
    return %arg0, %c0_i32 : i32, i32
  }
  func.func @transform_6(%arg0: i32) -> (i32, i32) {
    %c0_i32 = arith.constant 0 : i32
    %c0_i32_0 = arith.constant 0 : i32
    return %arg0, %c0_i32 : i32, i32
  }
  func.func @transform_7(%arg0: i32) -> (i32, i32) {
    %c0_i32 = arith.constant 0 : i32
    %c0_i32_0 = arith.constant 0 : i32
    return %arg0, %c0_i32 : i32, i32
  }
}

module attributes {stable_mosaic.version = 14 : i64} {
  func.func @body(%arg0: i32, %arg1: memref<1000x32xf32, #tpu.memory_space<vmem>>, %arg2: memref<1000x32xf32, #tpu.memory_space<vmem>>, %arg3: memref<1000x32xf32, #tpu.memory_space<vmem>>, %arg4: memref<1000x1xf32, #tpu.memory_space<vmem>>, %arg5: memref<32x128xf32, #tpu.memory_space<vmem>>, %arg6: memref<1x128xf32, #tpu.memory_space<vmem>>, %arg7: memref<128x128xf32, #tpu.memory_space<vmem>>, %arg8: memref<1000x128xf32, #tpu.memory_space<vmem>>) attributes {dimension_semantics = [#tpu.dimension_semantics<arbitrary>], iteration_bounds = array<i64: 10>, scalar_prefetch = 0 : i64, scratch_operands = 0 : i64, tpu.core_type = #tpu.core_type<tc>, window_params = [{transform_indices = @transform_0, window_bounds = array<i64: 1000, 32>}, {transform_indices = @transform_1, window_bounds = array<i64: 1000, 32>}, {transform_indices = @transform_2, window_bounds = array<i64: 1000, 32>}, {transform_indices = @transform_3, window_bounds = array<i64: 1000, 1>}, {pipeline_mode = #tpu.pipeline_mode<synchronous>, transform_indices = @transform_4, window_bounds = array<i64: 32, 128>}, {pipeline_mode = #tpu.pipeline_mode<synchronous>, transform_indices = @transform_5, window_bounds = array<i64: 1, 128>}, {pipeline_mode = #tpu.pipeline_mode<synchronous>, transform_indices = @transform_6, window_bounds = array<i64: 128, 128>}, {transform_indices = @transform_7, window_bounds = array<i64: 1000, 128>}]} {
    %get3A = arith.constant 0 : index
    %get3A_0 = arith.constant 0 : index
    %get3A_1 = vector.load %arg4[%get3A, %get3A_0] : memref<1000x1xf32, #tpu.memory_space<vmem>>, vector<1000x1xf32>
    %get3A_2 = arith.constant 0 : index
    %get3A_3 = arith.constant 0 : index
    %get3A_4 = vector.load %arg1[%get3A_2, %get3A_3] : memref<1000x32xf32, #tpu.memory_space<vmem>>, vector<1000x32xf32>
    %get3A_5 = arith.constant 0 : index
    %get3A_6 = arith.constant 0 : index
    %get3A_7 = vector.load %arg2[%get3A_5, %get3A_6] : memref<1000x32xf32, #tpu.memory_space<vmem>>, vector<1000x32xf32>
    %add3A = arith.addf %get3A_4, %get3A_7 : vector<1000x32xf32>
    %get3A_8 = arith.constant 0 : index
    %get3A_9 = arith.constant 0 : index
    %get3A_10 = vector.load %arg3[%get3A_8, %get3A_9] : memref<1000x32xf32, #tpu.memory_space<vmem>>, vector<1000x32xf32>
    %add3A_11 = arith.addf %add3A, %get3A_10 : vector<1000x32xf32>
    %mul3A = vector.broadcast %get3A_1 : vector<1000x1xf32> to vector<1000x32xf32>
    %mul3A_12 = arith.mulf %mul3A, %add3A_11 : vector<1000x32xf32>
    %get3A_13 = arith.constant 0 : index
    %get3A_14 = arith.constant 0 : index
    %get3A_15 = vector.load %arg5[%get3A_13, %get3A_14] : memref<32x128xf32, #tpu.memory_space<vmem>>, vector<32x128xf32>
    %dot_general3A = arith.constant dense<0.000000e+00> : vector<1000x128xf32>
    %dot_general3A_16 = tpu.matmul %mul3A_12, %get3A_15, %dot_general3A {dimension_numbers = #tpu.dot_dimension_numbers<[1], [0], [0], [1], [0, 0, 1, 1], [], []>, precision = #tpu.contract_precision<fp32>, transpose_lhs_hint = false} : vector<1000x32xf32>, vector<32x128xf32>, vector<1000x128xf32> -> vector<1000x128xf32>
    %get3A_17 = arith.constant 0 : index
    %get3A_18 = arith.constant 0 : index
    %get3A_19 = vector.load %arg6[%get3A_17, %get3A_18] : memref<1x128xf32, #tpu.memory_space<vmem>>, vector<1x128xf32>
    %add3A_20 = vector.broadcast %get3A_19 : vector<1x128xf32> to vector<1000x128xf32>
    %add3A_21 = arith.addf %dot_general3A_16, %add3A_20 : vector<1000x128xf32>
    %max3A = arith.constant 0.000000e+00 : f32
    %max3A_22 = vector.broadcast %max3A : f32 to vector<1000x128xf32>
    %max3A_23 = arith.maximumf %add3A_21, %max3A_22 : vector<1000x128xf32>
    %get3A_24 = arith.constant 0 : index
    %get3A_25 = arith.constant 0 : index
    %get3A_26 = vector.load %arg7[%get3A_24, %get3A_25] : memref<128x128xf32, #tpu.memory_space<vmem>>, vector<128x128xf32>
    %dot_general3A_27 = arith.constant dense<0.000000e+00> : vector<1000x128xf32>
    %dot_general3A_28 = tpu.matmul %max3A_23, %get3A_26, %dot_general3A_27 {dimension_numbers = #tpu.dot_dimension_numbers<[1], [0], [0], [1], [0, 0, 1, 1], [], []>, precision = #tpu.contract_precision<fp32>, transpose_lhs_hint = false} : vector<1000x128xf32>, vector<128x128xf32>, vector<1000x128xf32> -> vector<1000x128xf32>
    %mul3A_29 = vector.broadcast %get3A_1 : vector<1000x1xf32> to vector<1000x128xf32>
    %mul3A_30 = arith.mulf %dot_general3A_28, %mul3A_29 : vector<1000x128xf32>
    %swap3A = arith.constant 0 : index
    %swap3A_31 = arith.constant 0 : index
    %swap3A_32 = vector.load %arg8[%swap3A, %swap3A_31] : memref<1000x128xf32, #tpu.memory_space<vmem>>, vector<1000x128xf32>
    tpu.vector_store %arg8[%swap3A, %swap3A_31], %mul3A_30 {strides = array<i32>} : memref<1000x128xf32, #tpu.memory_space<vmem>>, vector<1000x128xf32>,
    return
  }
  func.func @transform_0(%arg0: i32) -> (i32, i32) {
    %c0_i32 = arith.constant 0 : i32
    %c0_i32_0 = arith.constant 0 : i32
    return %arg0, %c0_i32 : i32, i32
  }
  func.func @transform_1(%arg0: i32) -> (i32, i32) {
    %c0_i32 = arith.constant 0 : i32
    %c0_i32_0 = arith.constant 0 : i32
    return %arg0, %c0_i32 : i32, i32
  }
  func.func @transform_2(%arg0: i32) -> (i32, i32) {
    %c0_i32 = arith.constant 0 : i32
    %c0_i32_0 = arith.constant 0 : i32
    return %arg0, %c0_i32 : i32, i32
  }
  func.func @transform_3(%arg0: i32) -> (i32, i32) {
    %c0_i32 = arith.constant 0 : i32
    %c0_i32_0 = arith.constant 0 : i32
    return %arg0, %c0_i32 : i32, i32
  }
  func.func @transform_4(%arg0: i32) -> (i32, i32) {
    %c0_i32 = arith.constant 0 : i32
    %c0_i32_0 = arith.constant 0 : i32
    %c0_i32_1 = arith.constant 0 : i32
    return %c0_i32, %c0_i32_0 : i32, i32
  }
  func.func @transform_5(%arg0: i32) -> (i32, i32) {
    %c0_i32 = arith.constant 0 : i32
    %c0_i32_0 = arith.constant 0 : i32
    %c0_i32_1 = arith.constant 0 : i32
    return %c0_i32, %c0_i32_0 : i32, i32
  }
  func.func @transform_6(%arg0: i32) -> (i32, i32) {
    %c0_i32 = arith.constant 0 : i32
    %c0_i32_0 = arith.constant 0 : i32
    %c0_i32_1 = arith.constant 0 : i32
    return %c0_i32, %c0_i32_0 : i32, i32
  }
  func.func @transform_7(%arg0: i32) -> (i32, i32) {
    %c0_i32 = arith.constant 0 : i32
    %c0_i32_0 = arith.constant 0 : i32
    return %arg0, %c0_i32 : i32, i32
  }
}

module attributes {stable_mosaic.version = 14 : i64} {
  func.func @body(%arg0: i32, %arg1: memref<1000x128xf32, #tpu.memory_space<vmem>>, %arg2: memref<1000x128xf32, #tpu.memory_space<vmem>>, %arg3: memref<1000x128xf32, #tpu.memory_space<vmem>>, %arg4: memref<1000x1xf32, #tpu.memory_space<vmem>>, %arg5: memref<1x128xf32, #tpu.memory_space<vmem>>, %arg6: memref<1000x128xf32, #tpu.memory_space<vmem>>) attributes {dimension_semantics = [#tpu.dimension_semantics<arbitrary>], iteration_bounds = array<i64: 10>, scalar_prefetch = 0 : i64, scratch_operands = 0 : i64, tpu.core_type = #tpu.core_type<tc>, window_params = [{transform_indices = @transform_0, window_bounds = array<i64: 1000, 128>}, {transform_indices = @transform_1, window_bounds = array<i64: 1000, 128>}, {transform_indices = @transform_2, window_bounds = array<i64: 1000, 128>}, {transform_indices = @transform_3, window_bounds = array<i64: 1000, 1>}, {pipeline_mode = #tpu.pipeline_mode<synchronous>, transform_indices = @transform_4, window_bounds = array<i64: 1, 128>}, {transform_indices = @transform_5, window_bounds = array<i64: 1000, 128>}]} {
    %get3A = arith.constant 0 : index
    %get3A_0 = arith.constant 0 : index
    %get3A_1 = vector.load %arg4[%get3A, %get3A_0] : memref<1000x1xf32, #tpu.memory_space<vmem>>, vector<1000x1xf32>
    %get3A_2 = arith.constant 0 : index
    %get3A_3 = arith.constant 0 : index
    %get3A_4 = vector.load %arg1[%get3A_2, %get3A_3] : memref<1000x128xf32, #tpu.memory_space<vmem>>, vector<1000x128xf32>
    %get3A_5 = arith.constant 0 : index
    %get3A_6 = arith.constant 0 : index
    %get3A_7 = vector.load %arg2[%get3A_5, %get3A_6] : memref<1000x128xf32, #tpu.memory_space<vmem>>, vector<1000x128xf32>
    %add3A = arith.addf %get3A_4, %get3A_7 : vector<1000x128xf32>
    %get3A_8 = arith.constant 0 : index
    %get3A_9 = arith.constant 0 : index
    %get3A_10 = vector.load %arg3[%get3A_8, %get3A_9] : memref<1000x128xf32, #tpu.memory_space<vmem>>, vector<1000x128xf32>
    %add3A_11 = arith.addf %add3A, %get3A_10 : vector<1000x128xf32>
    %mul3A = vector.broadcast %get3A_1 : vector<1000x1xf32> to vector<1000x128xf32>
    %mul3A_12 = arith.mulf %mul3A, %add3A_11 : vector<1000x128xf32>
    %get3A_13 = arith.constant 0 : index
    %get3A_14 = arith.constant 0 : index
    %get3A_15 = vector.load %arg5[%get3A_13, %get3A_14] : memref<1x128xf32, #tpu.memory_space<vmem>>, vector<1x128xf32>
    %add3A_16 = vector.broadcast %get3A_15 : vector<1x128xf32> to vector<1000x128xf32>
    %add3A_17 = arith.addf %mul3A_12, %add3A_16 : vector<1000x128xf32>
    %swap3A = arith.constant 0 : index
    %swap3A_18 = arith.constant 0 : index
    %swap3A_19 = vector.load %arg6[%swap3A, %swap3A_18] : memref<1000x128xf32, #tpu.memory_space<vmem>>, vector<1000x128xf32>
    tpu.vector_store %arg6[%swap3A, %swap3A_18], %add3A_17 {strides = array<i32>} : memref<1000x128xf32, #tpu.memory_space<vmem>>, vector<1000x128xf32>,
    return
  }
  func.func @transform_0(%arg0: i32) -> (i32, i32) {
    %c0_i32 = arith.constant 0 : i32
    %c0_i32_0 = arith.constant 0 : i32
    return %arg0, %c0_i32 : i32, i32
  }
  func.func @transform_1(%arg0: i32) -> (i32, i32) {
    %c0_i32 = arith.constant 0 : i32
    %c0_i32_0 = arith.constant 0 : i32
    return %arg0, %c0_i32 : i32, i32
  }
  func.func @transform_2(%arg0: i32) -> (i32, i32) {
    %c0_i32 = arith.constant 0 : i32
    %c0_i32_0 = arith.constant 0 : i32
    return %arg0, %c0_i32 : i32, i32
  }
  func.func @transform_3(%arg0: i32) -> (i32, i32) {
    %c0_i32 = arith.constant 0 : i32
    %c0_i32_0 = arith.constant 0 : i32
    return %arg0, %c0_i32 : i32, i32
  }
  func.func @transform_4(%arg0: i32) -> (i32, i32) {
    %c0_i32 = arith.constant 0 : i32
    %c0_i32_0 = arith.constant 0 : i32
    %c0_i32_1 = arith.constant 0 : i32
    return %c0_i32, %c0_i32_0 : i32, i32
  }
  func.func @transform_5(%arg0: i32) -> (i32, i32) {
    %c0_i32 = arith.constant 0 : i32
    %c0_i32_0 = arith.constant 0 : i32
    return %arg0, %c0_i32 : i32, i32
  }
}

</mosaic_0001>

<sc_bundles>
// kernel: kernel.13.cloned.1.call-start
scs
__scs_entry_jumppad:
0x0: {  	(pc) =	sbr.rel $0x88, $3  }
0x1: {  	(tag) =	ssettag $0x0;
	lr =	simm.s32 $0x1  }
0x2: {  	[smem:$0x3F95] =	sst lr;
	_ =	strace $0xD0000000  }
0x3: {  	_ = 	snop  }
0x4: {  	_ = 	snop  }
0x5: {  	_ = 	snop  }
0x6: {  	_ = 	snop  }
0x7: {  	_ = 	snop  }
__scs_overlays_trampoline_lowered:
0x8: {  	[smem:$0x3FA4] =	sst s0  }
0x9: {  	[smem:$0x3FA5] =	sst s1  }
0xa: {  	[smem:$0x3FA6] =	sst s2  }
0xb: {  	[smem:$0x3FA7] =	sst s3  }
0xc: {  	[smem:$0x3FA8] =	sst s4  }
0xd: {  	[smem:$0x3FA9] =	sst s5  }
0xe: {  	[smem:$0x3FAA] =	sst s6  }
0xf: {  	[smem:$0x3FAB] =	sst s7  }
0x10: {  	[smem:$0x3FAC] =	sst s8  }
0x11: {  	[smem:$0x3FAD] =	sst s9;
	s0 =	simm.s32 @!p0 $0x0  }
0x12: {  	s1 =	sld [smem:$0x3F93];
	s0 =	simm.s32 @p0 $0x1  }
0x13: {  	[smem:$0x3FAE] =	sst s0;
	s0 =	simm.s32 @!p1 $0x0  }
0x14: {  	s2 =	sld [smem:$0x3F92];
	s0 =	simm.s32 @p1 $0x1  }
0x15: {  	[smem:$0x3FAF] =	sst s0;
	s0 =	simm.s32 @!p2 $0x0  }
0x16: {  	s3 =	sld [smem:$0x3FDB];
	s0 =	simm.s32 @p2 $0x1  }
0x17: {  	s4 =	simm.s32 $0x1BF5;
	[smem:$0x3FB1] =	sst s0  }
0x18: {  	s0 =	sld [smem:$0x3F94];
	_ =	swait.ge [sflag:s4], $0x0  }
0x19: {  	s7 =	sld [smem:$0x3F95]  }
0x1a: {  	s8 =	sadd.s32 $0xFFFFE003, lr  }
0x1b: {  	s9 =	sadd.s32 $0xFFFFFEF7, lr;
	s5 =	simm.s32 $0xFFFFFFFF;
	p2 =	slt.u32 s8, $0xFFFFF086  }
0x1c: {  	p1 =	slt.u32 s9, $0xF7A;
	s5 =	simm.s32 @!p2 $0x0  }
0x1d: {  	s5 =	simm.s32 @p1 $0x1;
	p0 =	seq.s32 s7, s2  }
0x1e: {  	s7 =	smul.u32 @!p0 $0xF7A, s2;
	p2 =	seq.s32 @!p0 s5, $0x0  }
0x1f: {  	s9 =	smul.u32 $0xF7A, s1;
	s8 =	simm.s32 @!p0 $0x1BF5;
	p2 =	por !p2, p0  }
0x20: {  	[sflag:s8] =	ssyncset.s32 @!p0 $0xFFFFF086;
	s6 =	sadd.s32 @!p0 s3, s7;
	s7 =	simm.s32 @!p0 $0x108  }
0x21: {  	s3 =	sadd.s32 s3, s9;
	s6 =	sadd.s32 @!p0 $0x88, s6;
	s7 =	simm.s32 @p2 $0x1082  }
0x22: {  	[simem:s7], [sflag:s8] =	dma.local @!p0 [hbm:s6], $0xF7A  }
0x23: {  	s9 =	sor.u32 $0xD0000000, s2;
	s6 =	simm.s32 $0x108;
	_ =	swait.ge @!p0 [sflag:s8], $0x0  }
0x24: {  	s3 =	sadd.s32 $0x88, s3;
	s6 =	simm.s32 @!p1 $0x1082;
	[sflag:s4] =	ssyncset.s32 $0xFFFFF086  }
0x25: {  	[simem:s6], [sflag:s4] =	dma.local [hbm:s3], $0xF7A  }
0x26: {  	[smem:$0x3F95] =	sst s1;
	(tag) =	ssettag s2;
	_ =	strace s9  }
0x27: {  	s1 =	sld [smem:$0x3FA5]  }
0x28: {  	s2 =	sld [smem:$0x3FA6]  }
0x29: {  	s4 =	sld [smem:$0x3FA8]  }
0x2a: {  	p0 =	seq.s32 s5, $0x0;
	s5 =	sld [smem:$0x3FA9]  }
0x2b: {  	s6 =	sld [smem:$0x3FAA]  }
0x2c: {  	s7 =	sld [smem:$0x3FAB]  }
0x2d: {  	s3 =	simm.s32 $0x108;
	s8 =	sld [smem:$0x3FAC]  }
0x2e: {  	s3 =	simm.s32 @!p0 $0x1082;
	s9 =	sld [smem:$0x3FAD]  }
0x2f: {  	lr =	sadd.s32 s0, s3;
	s0 =	sld [smem:$0x3FA4]  }
0x30: {  	s3 =	sld [smem:$0x3FA7]  }
0x31: {  	[smem:$0x3FB0] =	sst s10  }
0x32: {  	s10 =	sld [smem:$0x3FAE];
	_ =	sdelay $0x3  }
0x33: {  	p0 =	seq.s32 s10, $0x1;
	s10 =	sld [smem:$0x3FB0];
	_ =	sdelay $0x3  }
0x34: {  	[smem:$0x3FB0] =	sst s10  }
0x35: {  	s10 =	sld [smem:$0x3FAF];
	_ =	sdelay $0x3  }
0x36: {  	p1 =	seq.s32 s10, $0x1;
	s10 =	sld [smem:$0x3FB0];
	_ =	sdelay $0x3  }
0x37: {  	[smem:$0x3FB0] =	sst s10  }
0x38: {  	s10 =	sld [smem:$0x3FB1]  }
0x39: {  	_ = 	snop;
	(pc) =	sbr.ind lr, $3  }
0x3a: {  	_ = 	snop  }
0x3b: {  	_ = 	snop  }
0x3c: {  	p2 =	seq.s32 s10, $0x1;
	s10 =	sld [smem:$0x3FB0]  }
0x3d: {  	_ =	shalt  }
0x3e: {  	_ =	shalt  }
0x3f: {  	_ =	shalt  }
0x40: {  	_ =	shalt  }
0x41: {  	_ =	shalt  }
0x42: {  	_ =	shalt  }
0x43: {  	_ =	shalt  }
0x44: {  	_ =	shalt  }
0x45: {  	_ =	shalt  }
0x46: {  	_ =	shalt  }
0x47: {  	_ =	shalt  }
0x48: {  	_ =	shalt  }
0x49: {  	_ =	shalt  }
0x4a: {  	_ =	shalt  }
0x4b: {  	_ =	shalt  }
0x4c: {  	_ =	shalt  }
0x4d: {  	_ =	shalt  }
0x4e: {  	_ =	shalt  }
0x4f: {  	_ =	shalt  }
0x50: {  	_ =	shalt  }
0x51: {  	_ =	shalt  }
0x52: {  	_ =	shalt  }
0x53: {  	_ =	shalt  }
0x54: {  	_ =	shalt  }
0x55: {  	_ =	shalt  }
0x56: {  	_ =	shalt  }
0x57: {  	_ =	shalt  }
0x58: {  	_ =	shalt  }
0x59: {  	_ =	shalt  }
0x5a: {  	_ =	shalt  }
0x5b: {  	_ =	shalt  }
0x5c: {  	_ =	shalt  }
0x5d: {  	_ =	shalt  }
0x5e: {  	_ =	shalt  }
0x5f: {  	_ =	shalt  }
0x60: {  	_ =	shalt  }
0x61: {  	_ =	shalt  }
0x62: {  	_ =	shalt  }
0x63: {  	_ =	shalt  }
0x64: {  	_ =	shalt  }
0x65: {  	_ =	shalt  }
0x66: {  	_ =	shalt  }
0x67: {  	_ =	shalt  }
0x68: {  	_ =	shalt  }
0x69: {  	_ =	shalt  }
0x6a: {  	_ =	shalt  }
0x6b: {  	_ =	shalt  }
0x6c: {  	_ =	shalt  }
0x6d: {  	_ =	shalt  }
0x6e: {  	_ =	shalt  }
0x6f: {  	_ =	shalt  }
0x70: {  	_ =	shalt  }
0x71: {  	_ =	shalt  }
0x72: {  	_ =	shalt  }
0x73: {  	_ =	shalt  }
0x74: {  	_ =	shalt  }
0x75: {  	_ =	shalt  }
0x76: {  	_ =	shalt  }
0x77: {  	_ =	shalt  }
0x78: {  	_ =	shalt  }
0x79: {  	_ =	shalt  }
0x7a: {  	_ =	shalt  }
0x7b: {  	_ =	shalt  }
0x7c: {  	_ =	shalt  }
0x7d: {  	_ =	shalt  }
0x7e: {  	_ =	shalt  }
0x7f: {  	_ =	shalt  }
0x80: {  	_ =	shalt  }
0x81: {  	_ =	shalt  }
0x82: {  	_ =	shalt  }
0x83: {  	_ =	shalt  }
0x84: {  	_ =	shalt  }
0x85: {  	_ =	shalt  }
0x86: {  	_ =	shalt  }
0x87: {  	_ =	shalt  }
.Lfunc_end0:
.L_simem_size_0:
called_computation_lowered:
.L_overlay_start_0:
0x88: {  	s2 =	sld [smem:$0x3FD9]  }
0x89: {  	s3 =	sld [smem:$0x3FFE];
	_ =	sdelay $0x1  }
0x8a: {  	s1 =	srdreg.scid  }
0x8b: {  	s0 =	sand.u32 $0x1, s1  }
0x8c: {  	s14 =	sshll.u32 s0, $0xA;
	s2 =	sadd.s32 s3, s2  }
0x8d: {  	s2 =	sadd.s32 s2, s14  }
0x8e: {  	[smem:$0x3FBC] =	sst s2  }
0x8f: {  	_ = 	snop  }
0x90: {  	s2 =	sld [smem:$0x3FD0];
	_ =	sdelay $0x2  }
0x91: {  	s15 =	simm.s32 $0xA;
	s4 =	simm.s32 $0x10  }
0x92: {  	[smem:s4], [sflag:s15] =	dma.local [hbm:s2], $0x1  }
0x93: {  	_ =	swait.eq [sflag:s15], $0x1  }
0x94: {  	[sflag:s15] =	ssyncset.done $0x0  }
0x95: {  	s16 =	sld [smem:$0x10];
	[sflag:s15] =	ssyncadd.s32 $0xFFFFFFFF  }
0x96: {  	s17 =	sld [smem:$0x12];
	(tm) =	ssettm $0x1  }
0x97: {  	s18 =	sld [smem:$0x3FFB];
	_ =	sdelay $0x3  }
0x98: {  	_ =	strace s18  }
0x99: {  	s4 =	sld [smem:$0x3FFC];
	_ =	sdelay $0x3  }
0x9a: {  	_ =	strace s4  }
0x9b: {  	s4 =	sld [smem:$0x3FFD];
	_ =	sdelay $0x3  }
0x9c: {  	_ =	strace s4  }
0x9d: {  	_ =	strace $0x8FFFFFFF  }
0x9e: {  	s19 =	sld [smem:$0x3FDB];
	_ =	sdelay $0x1  }
0x9f: {  	s5 =	simm.s32 $_scs_section_size  }
0xa0: {  	s6 =	simm.s32 $_size__tile_overlayer_lowered;
	s7 =	simm.s32 $_tile_overlayer_lowered  }
0xa1: {  	s22 =	simm.s32 $0x1BFF;
	s21 =	sshll.u32 s7, $0x1;
	s4 =	sadd.s32 s5, s19  }
0xa2: {  	s8 =	simm.s32 $0x0;
	s20 =	sshll.u32 s6, $0x1;
	s6 =	sadd.s32 s21, s4  }
0xa3: {  	[timem:s8], [sflag:s22] =	dma.local [hbm:s6], s20  }
0xa4: {  	_ =	swait.ge [sflag:s22], s20  }
0xa5: {  	s5 =	ssub.s32 $0x0, s20;
	[sflag:s22] =	ssyncset.done $0x0  }
0xa6: {  	[sflag:s22] =	ssyncadd.s32 s5;
	_ =	sdelay $0x1  }
0xa7: {  	s23 =	simm.s32 $0x1B8B  }
0xa8: {  	_ =	swait.ge [sflag:s23], $0x1  }
0xa9: {  	[sflag:s23] =	ssyncset.done $0x0  }
0xaa: {  	s25 =	simm.s32 $0x1B8E;
	s24 =	sld [smem:$0x3FFE];
	[sflag:s23] =	ssyncadd.s32 $0xFFFFFFFF  }
0xab: {  	s26 =	simm.s32 $execute0_lowered;
	[smem:$0x3FD2] =	sst s25  }
0xac: {  	s6 =	sshll.u32 s26, $0x1;
	_ =	strace $0x80000046;
	[dreg:$0x1] =	wrdreg $0xFFFFFFFF  }
0xad: {  	s28 =	simm.s32 $_size_execute0_lowered;
	s4 =	sadd.s32 s4, s6;
	[dreg:$0x0] =	wrdreg $0x0  }
0xae: {  	s6 =	sshll.u32 s28, $0x1;
	[dreg:$0x2] =	wrdreg s4  }
0xaf: {  	[dreg:$0x3] =	wrdreg s6  }
0xb0: {  	[dreg:$0x4] =	wrdreg $0xC0  }
0xb1: {  	_ =	task [dreg:s8], $0x5FFFF  }
0xb2: {  	[dreg:$0x1] =	wrdreg $0xFFFFFFFF  }
0xb3: {  	[dreg:$0x0] =	wrdreg $0x60  }
0xb4: {  	[dreg:$0x2] =	wrdreg s16  }
0xb5: {  	[dreg:$0x3] =	wrdreg s17  }
0xb6: {  	[dreg:$0x4] =	wrdreg s24  }
0xb7: {  	[dreg:$0x5] =	wrdreg $0x9  }
0xb8: {  	_ =	task.clear_ibuf [dreg:s8], $0x6FFFF;
	_ =	strace $0x90000046  }
0xb9: {  	s29 =	simm.s32 $0x9;
	_ =	strace $0x80000048  }
0xba: {  	_ =	swait.ge [sflag:s29], $0x1  }
0xbb: {  	[sflag:s29] =	ssyncadd.s32 $0xFFFFFFFF  }
0xbc: {  	_ =	strace $0x90000048  }
0xbd: {  	_ =	sfence  }
0xbe: {  	s30 =	sld [smem:$0x0];
	_ =	sdelay $0x2  }
0xbf: {  	s31 =	sshll.u32 s1, $0xD;
	s1 =	sshrl.u32 s1, $0x2  }
0xc0: {  	s3 =	sand.u32 $0x4000, s31;
	s1 =	sadd.s32 s1, s30  }
0xc1: {  	s0 =	sor.u32 s3, s0;
	s1 =	sshll.u32 s1, $0x11  }
0xc2: {  	s0 =	sor.u32 s1, s0  }
0xc3: {  	s0 =	sadd.s32 $0x8F2B, s0  }
0xc4: {  	[sflag:s0] =	ssyncadd.remote.s32 $0x1  }
0xc5: {  	_ =	sfence.sel $0xFFFF  }
0xc6: {  	[dreg:$0x0] =	wrdreg $0xFFFFFFFF;
	(pc) =	sbr.abs _section_cstart, $3  }
0xc7: {  	[dreg:$0x1] =	wrdreg $0xFFFFFFFF  }
0xc8: {  	_ =	task.clear_ibuf [dreg:s8], $0x2FFFF;
	_ =	strace $0x9FFFFFFF  }
0xc9: {  	(tm) =	ssettm $0x7FFFFFFF  }
tec
execute0_lowered:
.L_overlay_start_1:
0x0: {  	(tag) =	ssettag $0x1  }
0x1: {  	s4 =	rddreg [dreg:$0x0]  }
0x2: {  	s1 =	srdreg.scid;
	s2 =	rddreg [dreg:$0x1]  }
0x3: {  	s0 =	stileid.u32;
	s7 =	rddreg [dreg:$0x2];
	s3 =	simm.s32 $0x0  }
0x4: {  	s10 =	simm.s32 $0x400;
	s11 =	simm.s32 $0x0;
	s5 =	sand.u32 $0x1, s1  }
0x5: {  	s26 =	sshrl.u32 s0, $0x3;
	s1 =	rddreg [dreg:$0x3];
	s6 =	smul.u32 $0x28000, s5  }
0x6: {  	s9 =	sshll.u32 s0, $0x7;
	[smem:$0x7FF] =	sst s3;
	s8 =	smul.u32 $0x14000, s26  }
0x7: {  	s30 =	sshll.u32 s0, $0xB;
	s28 =	sand.u32 $0x380, s9;
	_ =	strace $0x80000047  }
0x8: {  	s29 =	ssub.s32 $0x2, s5;
	s5 =	sshll.u32 s5, $0xF;
	s6 =	sadd.s32 s6, s8  }
0x9: {  	s4 =	sadd.s32 s4, s30;
	s9 =	simm.s32 $0x80;
	s6 =	sor.u32 s28, s6  }
0xa: {  	s31 =	sshrl.u32 s29, $0x1;
	s4 =	sadd.s32 s5, s4;
	s6 =	sshrl.u32 s6, $0x3  }
0xb: {  	s8 =	simm.s32 $0x1;
	s6 =	sadd.s32 s6, s7;
	s7 =	ssub.s32 s29, s31  }
0xc: {  	v0 =	vimm.f32 $1.000000000e+00;
	s5 =	sadd.s32 $0x19600, s6;
	s6 =	smax.u32 s7, $0x1;
	s7 =	simm.s32 $0x4000  }
.LBB2_1:
0xd: {  	[tilespmem:s7], [sflag:$0x1] =	stream.linear.gather [hbm4b:s2+s3], $0x2800, $0x38;
	[tilespmem:$0x6800] =	vst v63  }
0xe: {  	_ =	swait.ge [sflag:s8], $0x2800  }
0xf: {  	[sflag:s8] =	ssyncset.done $0x0  }
0x10: {  	[sflag:s8] =	ssyncadd.s32 $0xFFFFD800  }
0x11: {  	[tilespmem:s3], [sflag:$0x1] =	stream.linear.gather [hbm4b:s4+s3], $0x3E80, $0x38;
	[tilespmem:$0x6800] =	vst v63  }
0x12: {  	_ =	swait.ge [sflag:s8], $0x3E80  }
0x13: {  	[sflag:s8] =	ssyncset.done $0x0  }
0x14: {  	s12 =	simm.s32 $0x0;
	[sflag:s8] =	ssyncadd.s32 $0xFFFFC180  }
.LBB2_2:
0x15: {  	s13 =	sshra.s32 s12, $0x2  }
0x16: {  	v1 =	vld [tilespmem:s13+$0x0];
	_ =	sdelay $0x7  }
0x17: {  	[tilespmem:v1+s7+$0x0] =	vst.idx.add.f32.msk $0xffff, v0  }
0x18: {  	v1 =	vld [tilespmem:s13+$0x10];
	_ =	sdelay $0x7  }
0x19: {  	[tilespmem:v1+s7+$0x0] =	vst.idx.add.f32.msk $0xffff, v0  }
0x1a: {  	v1 =	vld [tilespmem:s13+$0x20];
	_ =	sdelay $0x7  }
0x1b: {  	[tilespmem:v1+s7+$0x0] =	vst.idx.add.f32.msk $0xffff, v0  }
0x1c: {  	v1 =	vld [tilespmem:s13+$0x30];
	_ =	sdelay $0x7  }
0x1d: {  	[tilespmem:v1+s7+$0x0] =	vst.idx.add.f32.msk $0xffff, v0  }
0x1e: {  	v1 =	vld [tilespmem:s13+$0x40];
	_ =	sdelay $0x2  }
0x1f: {  	p0 =	sne.s32 s12, $0xF800  }
.Ltmp0:
0x20: {  	_ = 	snop;
	(pc) =	sbr.rel @p0 .LBB2_2-.Ltmp0, $2  }
0x21: {  	_ =	sdelay $0x2  }
0x22: {  	s12 =	sadd.s32 $0x200, s12;
	[tilespmem:v1+s7+$0x0] =	vst.idx.add.f32.msk $0xffff, v0  }
0x23: {  	s11 =	sadd.s32 $0x1, s11  }
0x24: {  	p0 =	sne.s32 s11, s6  }
.Ltmp1:
0x25: {  	_ = 	snop;
	(pc) =	sbr.rel @p0 .LBB2_1-.Ltmp1, $4  }
0x26: {  	[hbm4b:s5+s9] =	stream.strided.scatter [tilespmem:s7], [sflag:$0x1], $0x2800, s10, s9, $0x38;
	[tilespmem:$0x6800] =	vst v63  }
0x27: {  	_ =	swait.ge [sflag:s8], $0x2800  }
0x28: {  	[sflag:s8] =	ssyncset.done $0x0  }
0x29: {  	[sflag:s8] =	ssyncadd.s32 $0xFFFFD800  }
0x2a: {  	_ =	sfence.sel $0x180000  }
0x2b: {  	[bflag:$0x0] =	sbarrier.arrive $0xFFFF  }
0x2c: {  	p0 =	sne.s32 s0, $0x0;
	_ =	strace $0x90000047  }
0x2d: {  	s0 =	sadd.s32 @!p0 $0x100000, s1;
	[bflag:$0x2] =	sbarrier.arrive $0xFFFF  }
0x2e: {  	[sflag:s0] =	ssyncadd.tile.s32 @!p0 $0x1;
	_ =	shalt  }
.Lfunc_end2:
_tile_overlayer_lowered:
.L_overlay_start_2:
0x2f: {  	(tag) =	ssettag $0x2  }
0x30: {  	s0 =	rddreg [dreg:$0x0];
	s2 =	stileid.u32  }
0x31: {  	s1 =	rddreg [dreg:$0x1];
	p0 =	sne.s32 s2, $0x0  }
0x32: {  	s3 =	rddreg [dreg:$0x2];
	[bflag:$0x3] =	sbarrier.arrive $0xFFFF;
	s2 =	simm.s32 @!p0 $0x1C01  }
0x33: {  	[timem:s3], [sflag:s2] =	dma.local @!p0 [hbm:s0], s1  }
0x34: {  	s0 =	simm.s32 @!p0 $0x1  }
0x35: {  	_ =	swait.ge @!p0 [sflag:s0], s1  }
0x36: {  	s1 =	ssub.s32 @!p0 $0x0, s1;
	[sflag:s0] =	ssyncset.done @!p0 $0x0  }
0x37: {  	[sflag:s0] =	ssyncadd.s32 @!p0 s1  }
0x38: {  	[bflag:$0x3] =	sbarrier.arrive $0xFFFF  }
0x39: {  	_ =	shalt  }

// kernel: kernel.16.cloned.1.call-start
scs
__scs_entry_jumppad:
0x0: {  	(pc) =	sbr.rel $0x88, $3  }
0x1: {  	(tag) =	ssettag $0x0;
	lr =	simm.s32 $0x1  }
0x2: {  	[smem:$0x3F95] =	sst lr;
	_ =	strace $0xD0000000  }
0x3: {  	_ = 	snop  }
0x4: {  	_ = 	snop  }
0x5: {  	_ = 	snop  }
0x6: {  	_ = 	snop  }
0x7: {  	_ = 	snop  }
__scs_overlays_trampoline_lowered:
0x8: {  	[smem:$0x3FA4] =	sst s0  }
0x9: {  	[smem:$0x3FA5] =	sst s1  }
0xa: {  	[smem:$0x3FA6] =	sst s2  }
0xb: {  	[smem:$0x3FA7] =	sst s3  }
0xc: {  	[smem:$0x3FA8] =	sst s4  }
0xd: {  	[smem:$0x3FA9] =	sst s5  }
0xe: {  	[smem:$0x3FAA] =	sst s6  }
0xf: {  	[smem:$0x3FAB] =	sst s7  }
0x10: {  	[smem:$0x3FAC] =	sst s8  }
0x11: {  	[smem:$0x3FAD] =	sst s9;
	s0 =	simm.s32 @!p0 $0x0  }
0x12: {  	s1 =	sld [smem:$0x3F93];
	s0 =	simm.s32 @p0 $0x1  }
0x13: {  	[smem:$0x3FAE] =	sst s0;
	s0 =	simm.s32 @!p1 $0x0  }
0x14: {  	s2 =	sld [smem:$0x3F92];
	s0 =	simm.s32 @p1 $0x1  }
0x15: {  	[smem:$0x3FAF] =	sst s0;
	s0 =	simm.s32 @!p2 $0x0  }
0x16: {  	s3 =	sld [smem:$0x3FDB];
	s0 =	simm.s32 @p2 $0x1  }
0x17: {  	s4 =	simm.s32 $0x1BF5;
	[smem:$0x3FB1] =	sst s0  }
0x18: {  	s0 =	sld [smem:$0x3F94];
	_ =	swait.ge [sflag:s4], $0x0  }
0x19: {  	s7 =	sld [smem:$0x3F95]  }
0x1a: {  	s8 =	sadd.s32 $0xFFFFE003, lr  }
0x1b: {  	s9 =	sadd.s32 $0xFFFFFEF7, lr;
	s5 =	simm.s32 $0xFFFFFFFF;
	p2 =	slt.u32 s8, $0xFFFFF086  }
0x1c: {  	p1 =	slt.u32 s9, $0xF7A;
	s5 =	simm.s32 @!p2 $0x0  }
0x1d: {  	s5 =	simm.s32 @p1 $0x1;
	p0 =	seq.s32 s7, s2  }
0x1e: {  	s7 =	smul.u32 @!p0 $0xF7A, s2;
	p2 =	seq.s32 @!p0 s5, $0x0  }
0x1f: {  	s9 =	smul.u32 $0xF7A, s1;
	s8 =	simm.s32 @!p0 $0x1BF5;
	p2 =	por !p2, p0  }
0x20: {  	[sflag:s8] =	ssyncset.s32 @!p0 $0xFFFFF086;
	s6 =	sadd.s32 @!p0 s3, s7;
	s7 =	simm.s32 @!p0 $0x108  }
0x21: {  	s3 =	sadd.s32 s3, s9;
	s6 =	sadd.s32 @!p0 $0x88, s6;
	s7 =	simm.s32 @p2 $0x1082  }
0x22: {  	[simem:s7], [sflag:s8] =	dma.local @!p0 [hbm:s6], $0xF7A  }
0x23: {  	s9 =	sor.u32 $0xD0000000, s2;
	s6 =	simm.s32 $0x108;
	_ =	swait.ge @!p0 [sflag:s8], $0x0  }
0x24: {  	s3 =	sadd.s32 $0x88, s3;
	s6 =	simm.s32 @!p1 $0x1082;
	[sflag:s4] =	ssyncset.s32 $0xFFFFF086  }
0x25: {  	[simem:s6], [sflag:s4] =	dma.local [hbm:s3], $0xF7A  }
0x26: {  	[smem:$0x3F95] =	sst s1;
	(tag) =	ssettag s2;
	_ =	strace s9  }
0x27: {  	s1 =	sld [smem:$0x3FA5]  }
0x28: {  	s2 =	sld [smem:$0x3FA6]  }
0x29: {  	s4 =	sld [smem:$0x3FA8]  }
0x2a: {  	p0 =	seq.s32 s5, $0x0;
	s5 =	sld [smem:$0x3FA9]  }
0x2b: {  	s6 =	sld [smem:$0x3FAA]  }
0x2c: {  	s7 =	sld [smem:$0x3FAB]  }
0x2d: {  	s3 =	simm.s32 $0x108;
	s8 =	sld [smem:$0x3FAC]  }
0x2e: {  	s3 =	simm.s32 @!p0 $0x1082;
	s9 =	sld [smem:$0x3FAD]  }
0x2f: {  	lr =	sadd.s32 s0, s3;
	s0 =	sld [smem:$0x3FA4]  }
0x30: {  	s3 =	sld [smem:$0x3FA7]  }
0x31: {  	[smem:$0x3FB0] =	sst s10  }
0x32: {  	s10 =	sld [smem:$0x3FAE];
	_ =	sdelay $0x3  }
0x33: {  	p0 =	seq.s32 s10, $0x1;
	s10 =	sld [smem:$0x3FB0];
	_ =	sdelay $0x3  }
0x34: {  	[smem:$0x3FB0] =	sst s10  }
0x35: {  	s10 =	sld [smem:$0x3FAF];
	_ =	sdelay $0x3  }
0x36: {  	p1 =	seq.s32 s10, $0x1;
	s10 =	sld [smem:$0x3FB0];
	_ =	sdelay $0x3  }
0x37: {  	[smem:$0x3FB0] =	sst s10  }
0x38: {  	s10 =	sld [smem:$0x3FB1]  }
0x39: {  	_ = 	snop;
	(pc) =	sbr.ind lr, $3  }
0x3a: {  	_ = 	snop  }
0x3b: {  	_ = 	snop  }
0x3c: {  	p2 =	seq.s32 s10, $0x1;
	s10 =	sld [smem:$0x3FB0]  }
0x3d: {  	_ =	shalt  }
0x3e: {  	_ =	shalt  }
0x3f: {  	_ =	shalt  }
0x40: {  	_ =	shalt  }
0x41: {  	_ =	shalt  }
0x42: {  	_ =	shalt  }
0x43: {  	_ =	shalt  }
0x44: {  	_ =	shalt  }
0x45: {  	_ =	shalt  }
0x46: {  	_ =	shalt  }
0x47: {  	_ =	shalt  }
0x48: {  	_ =	shalt  }
0x49: {  	_ =	shalt  }
0x4a: {  	_ =	shalt  }
0x4b: {  	_ =	shalt  }
0x4c: {  	_ =	shalt  }
0x4d: {  	_ =	shalt  }
0x4e: {  	_ =	shalt  }
0x4f: {  	_ =	shalt  }
0x50: {  	_ =	shalt  }
0x51: {  	_ =	shalt  }
0x52: {  	_ =	shalt  }
0x53: {  	_ =	shalt  }
0x54: {  	_ =	shalt  }
0x55: {  	_ =	shalt  }
0x56: {  	_ =	shalt  }
0x57: {  	_ =	shalt  }
0x58: {  	_ =	shalt  }
0x59: {  	_ =	shalt  }
0x5a: {  	_ =	shalt  }
0x5b: {  	_ =	shalt  }
0x5c: {  	_ =	shalt  }
0x5d: {  	_ =	shalt  }
0x5e: {  	_ =	shalt  }
0x5f: {  	_ =	shalt  }
0x60: {  	_ =	shalt  }
0x61: {  	_ =	shalt  }
0x62: {  	_ =	shalt  }
0x63: {  	_ =	shalt  }
0x64: {  	_ =	shalt  }
0x65: {  	_ =	shalt  }
0x66: {  	_ =	shalt  }
0x67: {  	_ =	shalt  }
0x68: {  	_ =	shalt  }
0x69: {  	_ =	shalt  }
0x6a: {  	_ =	shalt  }
0x6b: {  	_ =	shalt  }
0x6c: {  	_ =	shalt  }
0x6d: {  	_ =	shalt  }
0x6e: {  	_ =	shalt  }
0x6f: {  	_ =	shalt  }
0x70: {  	_ =	shalt  }
0x71: {  	_ =	shalt  }
0x72: {  	_ =	shalt  }
0x73: {  	_ =	shalt  }
0x74: {  	_ =	shalt  }
0x75: {  	_ =	shalt  }
0x76: {  	_ =	shalt  }
0x77: {  	_ =	shalt  }
0x78: {  	_ =	shalt  }
0x79: {  	_ =	shalt  }
0x7a: {  	_ =	shalt  }
0x7b: {  	_ =	shalt  }
0x7c: {  	_ =	shalt  }
0x7d: {  	_ =	shalt  }
0x7e: {  	_ =	shalt  }
0x7f: {  	_ =	shalt  }
0x80: {  	_ =	shalt  }
0x81: {  	_ =	shalt  }
0x82: {  	_ =	shalt  }
0x83: {  	_ =	shalt  }
0x84: {  	_ =	shalt  }
0x85: {  	_ =	shalt  }
0x86: {  	_ =	shalt  }
0x87: {  	_ =	shalt  }
.Lfunc_end0:
.L_simem_size_0:
called_computation.1_lowered:
.L_overlay_start_0:
0x88: {  	s2 =	sld [smem:$0x3FD9]  }
0x89: {  	s3 =	sld [smem:$0x3FFE];
	_ =	sdelay $0x1  }
0x8a: {  	s1 =	srdreg.scid  }
0x8b: {  	s0 =	sand.u32 $0x1, s1  }
0x8c: {  	s14 =	sshll.u32 s0, $0xA;
	s2 =	sadd.s32 s3, s2  }
0x8d: {  	s2 =	sadd.s32 s2, s14  }
0x8e: {  	[smem:$0x3FBC] =	sst s2  }
0x8f: {  	_ = 	snop  }
0x90: {  	s2 =	sld [smem:$0x3FD0];
	_ =	sdelay $0x2  }
0x91: {  	s15 =	simm.s32 $0xA;
	s4 =	simm.s32 $0x10  }
0x92: {  	[smem:s4], [sflag:s15] =	dma.local [hbm:s2], $0x1  }
0x93: {  	_ =	swait.eq [sflag:s15], $0x1  }
0x94: {  	[sflag:s15] =	ssyncset.done $0x0  }
0x95: {  	[sflag:s15] =	ssyncadd.s32 $0xFFFFFFFF  }
0x96: {  	s16 =	sld [smem:$0x10];
	(tm) =	ssettm $0x1  }
0x97: {  	s17 =	sld [smem:$0x3FFB];
	_ =	sdelay $0x3  }
0x98: {  	_ =	strace s17  }
0x99: {  	s3 =	sld [smem:$0x3FFC];
	_ =	sdelay $0x3  }
0x9a: {  	_ =	strace s3  }
0x9b: {  	s3 =	sld [smem:$0x3FFD];
	_ =	sdelay $0x3  }
0x9c: {  	_ =	strace s3  }
0x9d: {  	_ =	strace $0x8FFFFFFF  }
0x9e: {  	s18 =	sld [smem:$0x3FDB];
	_ =	sdelay $0x1  }
0x9f: {  	s19 =	simm.s32 $_scs_section_size  }
0xa0: {  	s5 =	simm.s32 $_size__tile_overlayer_lowered;
	s6 =	simm.s32 $_tile_overlayer_lowered  }
0xa1: {  	s22 =	simm.s32 $0x1BFF;
	s21 =	sshll.u32 s6, $0x1;
	s3 =	sadd.s32 s19, s18  }
0xa2: {  	s7 =	simm.s32 $0x0;
	s20 =	sshll.u32 s5, $0x1;
	s5 =	sadd.s32 s21, s3  }
0xa3: {  	[timem:s7], [sflag:s22] =	dma.local [hbm:s5], s20  }
0xa4: {  	_ =	swait.ge [sflag:s22], s20  }
0xa5: {  	s4 =	ssub.s32 $0x0, s20;
	[sflag:s22] =	ssyncset.done $0x0  }
0xa6: {  	[sflag:s22] =	ssyncadd.s32 s4;
	_ =	sdelay $0x1  }
0xa7: {  	s23 =	simm.s32 $0x1B8B  }
0xa8: {  	_ =	swait.ge [sflag:s23], $0x1  }
0xa9: {  	[sflag:s23] =	ssyncset.done $0x0  }
0xaa: {  	s25 =	simm.s32 $0x1B8E;
	s24 =	sld [smem:$0x3FFE];
	[sflag:s23] =	ssyncadd.s32 $0xFFFFFFFF  }
0xab: {  	s26 =	simm.s32 $execute0_lowered;
	[smem:$0x3FD2] =	sst s25  }
0xac: {  	s5 =	sshll.u32 s26, $0x1;
	_ =	strace $0x80000049;
	[dreg:$0x1] =	wrdreg $0xFFFFFFFF  }
0xad: {  	s28 =	simm.s32 $_size_execute0_lowered;
	s3 =	sadd.s32 s3, s5;
	[dreg:$0x0] =	wrdreg $0x0  }
0xae: {  	s5 =	sshll.u32 s28, $0x1;
	[dreg:$0x2] =	wrdreg s3  }
0xaf: {  	[dreg:$0x3] =	wrdreg s5  }
0xb0: {  	[dreg:$0x4] =	wrdreg $0xC0  }
0xb1: {  	_ =	task [dreg:s7], $0x5FFFF  }
0xb2: {  	[dreg:$0x1] =	wrdreg $0xFFFFFFFF  }
0xb3: {  	[dreg:$0x0] =	wrdreg $0x60  }
0xb4: {  	[dreg:$0x2] =	wrdreg s16  }
0xb5: {  	[dreg:$0x3] =	wrdreg s24  }
0xb6: {  	[dreg:$0x4] =	wrdreg $0x8F800  }
0xb7: {  	[dreg:$0x5] =	wrdreg $0x9  }
0xb8: {  	_ =	task.clear_ibuf [dreg:s7], $0x6FFFF;
	_ =	strace $0x90000049  }
0xb9: {  	s29 =	simm.s32 $0x9;
	_ =	strace $0x8000004B  }
0xba: {  	_ =	swait.ge [sflag:s29], $0x1  }
0xbb: {  	[sflag:s29] =	ssyncadd.s32 $0xFFFFFFFF  }
0xbc: {  	_ =	strace $0x9000004B  }
0xbd: {  	_ =	sfence  }
0xbe: {  	s30 =	sld [smem:$0x0];
	_ =	sdelay $0x2  }
0xbf: {  	s31 =	sshll.u32 s1, $0xD;
	s1 =	sshrl.u32 s1, $0x2  }
0xc0: {  	s3 =	sand.u32 $0x4000, s31;
	s1 =	sadd.s32 s1, s30  }
0xc1: {  	s0 =	sor.u32 s3, s0;
	s1 =	sshll.u32 s1, $0x11  }
0xc2: {  	s0 =	sor.u32 s1, s0  }
0xc3: {  	s0 =	sadd.s32 $0x8F2B, s0  }
0xc4: {  	[sflag:s0] =	ssyncadd.remote.s32 $0x1  }
0xc5: {  	_ =	sfence.sel $0xFFFF  }
0xc6: {  	[dreg:$0x0] =	wrdreg $0xFFFFFFFF;
	(pc) =	sbr.abs _section_cstart, $3  }
0xc7: {  	[dreg:$0x1] =	wrdreg $0xFFFFFFFF  }
0xc8: {  	_ =	task.clear_ibuf [dreg:s7], $0x2FFFF;
	_ =	strace $0x9FFFFFFF  }
0xc9: {  	(tm) =	ssettm $0x7FFFFFFF  }
tec
execute0_lowered:
.L_overlay_start_1:
0x0: {  	(tag) =	ssettag $0x1  }
0x1: {  	s0 =	srdreg.scid;
	s1 =	rddreg [dreg:$0x0]  }
0x2: {  	s2 =	rddreg [dreg:$0x1];
	s13 =	stileid.u32  }
0x3: {  	s3 =	rddreg [dreg:$0x2];
	s14 =	simm.s32 $0x7;
	s15 =	simm.s32 $0x8  }
0x4: {  	s18 =	simm.s32 $0x9;
	s28 =	simm.s32 $0x0;
	s8 =	smul.u32 $0x2700, s13  }
0x5: {  	s0 =	sand.u32 $0x1, s0;
	s6 =	sadd.s32 $0xF800, s2;
	s9 =	smul.u32 $0x4E000, s13  }
0x6: {  	s12 =	smul.u32 $0x2710, s13;
	p0 =	sne.s32 s13, $0xF;
	s31 =	sshll.u32 s13, $0x6  }
0x7: {  	s4 =	sshll.u32 s0, $0x4;
	s7 =	smul.u32 $0x27100, s0;
	s0 =	ssub.s32 $0x2, s0  }
0x8: {  	s5 =	sor.u32 s13, s4;
	s4 =	simm.s32 $0x0;
	s11 =	sshrl.u32 s0, $0x1  }
0x9: {  	s19 =	sshrl.u32 s9, $0x2;
	s9 =	simm.s32 $0x4;
	s13 =	simm.s32 $0x6  }
0xa: {  	s5 =	smul.u32 $0x2710, s5;
	[smem:$0x7FF] =	sst s4;
	s10 =	sadd.s32 s7, s2  }
0xb: {  	s0 =	ssub.s32 s0, s11;
	s7 =	sadd.s32 s12, s7;
	s11 =	simm.s32 $0x5  }
0xc: {  	s12 =	simm.s32 $0xF;
	_ =	strace $0x8000004A;
	[dreg:$0x4] =	wrdreg s8  }
0xd: {  	s8 =	sadd.s32 s8, s2;
	s20 =	sadd.s32 $0xA0, s7;
	s21 =	sadd.s32 $0x67A00, s10  }
0xe: {  	s22 =	sshrl.u32 s7, $0x3;
	s0 =	smax.u32 s0, $0x1;
	s25 =	sadd.s32 $0x78, s7  }
0xf: {  	s26 =	sadd.s32 $0x50, s7;
	s7 =	sadd.s32 $0x28, s7;
	s10 =	simm.s32 $0xE  }
0x10: {  	s5 =	sshrl.u32 s5, $0x3;
	s8 =	sadd.s32 $0x40800, s8;
	[dreg:$0x8] =	wrdreg s21  }
0x11: {  	[dreg:$0x9] =	wrdreg s0;
	s23 =	sadd.s32 s22, s6;
	s0 =	sshrl.u32 s25, $0x3  }
0x12: {  	s7 =	sshrl.u32 s7, $0x3;
	s21 =	sor.u32 $0x1C10, s31;
	[dreg:$0x6] =	wrdreg s8  }
0x13: {  	s25 =	simm.s32 $0x28;
	s5 =	sadd.s32 s5, s2;
	[dreg:$0xa] =	wrdreg s23  }
0x14: {  	s8 =	sadd.s32 $0x138000, s3;
	s2 =	sadd.s32 $0x67800, s2;
	[dreg:$0xf] =	wrdreg s21  }
0x15: {  	s0 =	sadd.s32 s0, s6;
	s30 =	sadd.s32 s7, s6;
	[dreg:$0x7] =	wrdreg s2  }
0x16: {  	s7 =	simm.s32 $0x3;
	s5 =	sadd.s32 $0x5A00, s5;
	[dreg:$0xc] =	wrdreg s0  }
0x17: {  	s2 =	sshrl.u32 s20, $0x3;
	[dreg:$0xe] =	wrdreg s30;
	s20 =	simm.s32 $0x10  }
0x18: {  	s23 =	sshrl.u32 @!p0 s8, $0x3;
	s0 =	simm.s32 $0x1;
	s8 =	simm.s32 $0xD  }
0x19: {  	[dreg:$0x5] =	wrdreg s5;
	s5 =	sadd.s32 s19, s3;
	s24 =	sadd.s32 s2, s6  }
0x1a: {  	s2 =	sshrl.u32 s26, $0x3;
	s26 =	simm.s32 $0x2800;
	[dreg:$0x11] =	wrdreg s23  }
0x1b: {  	[dreg:$0xb] =	wrdreg s24;
	s29 =	sadd.s32 s2, s6;
	s22 =	sshrl.u32 s5, $0x3  }
0x1c: {  	s24 =	simm.s32 $0x2780;
	s2 =	simm.s32 $0xB;
	[dreg:$0xd] =	wrdreg s29  }
0x1d: {  	s5 =	simm.s32 $0x2;
	s6 =	simm.s32 $0xC;
	[dreg:$0x10] =	wrdreg s22  }
.LBB2_1:
0x1e: {  	[dreg:$0x12] =	wrdreg s28  }
0x1f: {  	s16 =	rddreg [dreg:$0x5]  }
0x20: {  	[tilespmem:s4], [sflag:$0x10] =	stream.linear.gather [hbm4b:s16+s4], $0x2710, $0x38;
	[tilespmem:$0x1C800] =	vst v63  }
0x21: {  	_ =	swait.ge [sflag:s20], $0x2710  }
0x22: {  	[sflag:s20] =	ssyncset.done $0x0  }
0x23: {  	s19 =	rddreg [dreg:$0x6];
	[sflag:s20] =	ssyncadd.s32 $0xFFFFD8F0  }
0x24: {  	[spmem:s22], [sflag:s21] =	dma.local [hbm:s19], $0x2700  }
0x25: {  	_ =	swait.ge [sflag:s20], $0x2700  }
0x26: {  	[sflag:s20] =	ssyncset.done $0x0  }
0x27: {  	s16 =	rddreg [dreg:$0x7];
	[sflag:s20] =	ssyncadd.s32 $0xFFFFD900  }
0x28: {  	[spmem:s23], [sflag:s21] =	dma.local @!p0 [hbm:s16], $0x100  }
0x29: {  	s16 =	simm.s32 @!p0 $0x10  }
0x2a: {  	_ =	swait.ge @!p0 [sflag:s16], $0x100  }
0x2b: {  	[sflag:s16] =	ssyncset.done @!p0 $0x0  }
0x2c: {  	[sflag:s16] =	ssyncadd.s32 @!p0 $0xFFFFFF00  }
0x2d: {  	[bflag:$0x0] =	sbarrier.arrive $0xFFFF  }
0x2e: {  	s28 =	rddreg [dreg:$0xa]  }
0x2f: {  	[tilespmem:s24], [sflag:$0xB] =	stream.linear.gather [hbm4b:s28+s4], $0x28, $0x38;
	[tilespmem:$0x1C800] =	vst v63  }
0x30: {  	s21 =	rddreg [dreg:$0xe]  }
0x31: {  	[tilespmem:s26], [sflag:$0xC] =	stream.linear.gather [hbm4b:s21+s4], $0x28, $0x38;
	[tilespmem:$0x1C800] =	vst v63  }
0x32: {  	s29 =	simm.s32 $0x2880;
	s22 =	rddreg [dreg:$0xd]  }
0x33: {  	[tilespmem:s29], [sflag:$0xD] =	stream.linear.gather [hbm4b:s22+s4], $0x28, $0x38;
	[tilespmem:$0x1C800] =	vst v63  }
0x34: {  	s23 =	simm.s32 $0x2900;
	s20 =	rddreg [dreg:$0xc]  }
0x35: {  	[tilespmem:s23], [sflag:$0xE] =	stream.linear.gather [hbm4b:s20+s4], $0x28, $0x38;
	[tilespmem:$0x1C800] =	vst v63  }
0x36: {  	s30 =	simm.s32 $0x2980;
	s23 =	rddreg [dreg:$0xb]  }
0x37: {  	[tilespmem:s30], [sflag:$0xF] =	stream.linear.gather [hbm4b:s23+s4], $0x28, $0x38;
	[tilespmem:$0x1C800] =	vst v63  }
0x38: {  	s31 =	simm.s32 $0x0;
	s17 =	simm.s32 $0x2B80  }
0x39: {  	[tilespmem:s17], [sflag:$0x1] =	stream.indirect.gather [hbm4b:s1+s25], $0x80, s31, s25, $0xb8;
	[tilespmem:$0x1C800] =	vst v63  }
0x3a: {  	s4 =	simm.s32 $0x28;
	s31 =	simm.s32 $0x3F80  }
0x3b: {  	[tilespmem:s31], [sflag:$0x2] =	stream.indirect.gather [hbm4b:s1+s25], $0x80, s4, s25, $0xb8;
	[tilespmem:$0x1C800] =	vst v63  }
0x3c: {  	s19 =	simm.s32 $0x50;
	s4 =	simm.s32 $0x5380  }
0x3d: {  	[tilespmem:s4], [sflag:$0x3] =	stream.indirect.gather [hbm4b:s1+s25], $0x80, s19, s25, $0xb8;
	[tilespmem:$0x1C800] =	vst v63  }
0x3e: {  	s30 =	simm.s32 $0x78;
	s19 =	simm.s32 $0x6780  }
0x3f: {  	[tilespmem:s19], [sflag:$0x4] =	stream.indirect.gather [hbm4b:s1+s25], $0x80, s30, s25, $0xb8;
	[tilespmem:$0x1C800] =	vst v63  }
0x40: {  	s16 =	simm.s32 $0xA0;
	s30 =	simm.s32 $0x7B80  }
0x41: {  	[tilespmem:s30], [sflag:$0x5] =	stream.indirect.gather [hbm4b:s1+s25], $0x80, s16, s25, $0xb8;
	[tilespmem:$0x1C800] =	vst v63  }
0x42: {  	_ =	swait.ge [sflag:s0], $0x1400  }
0x43: {  	[sflag:s0] =	ssyncset.done $0x0  }
0x44: {  	[sflag:s0] =	ssyncadd.s32 $0xFFFFEC00  }
0x45: {  	_ =	swait.ge [sflag:s2], $0x28  }
0x46: {  	[sflag:s2] =	ssyncset.done $0x0  }
0x47: {  	[sflag:s2] =	ssyncadd.s32 $0xFFFFFFD8  }
0x48: {  	[spmem:s3] =	stream.indirect.scatter.add.f32 [tilespmem:s17], [sflag:$0x6], $0x80, s24, s25, $0xb8;
	[tilespmem:$0x1C800] =	vst v63  }
0x49: {  	_ =	swait.ge [sflag:s5], $0x1400  }
0x4a: {  	[sflag:s5] =	ssyncset.done $0x0  }
0x4b: {  	[sflag:s5] =	ssyncadd.s32 $0xFFFFEC00  }
0x4c: {  	_ =	swait.ge [sflag:s6], $0x28  }
0x4d: {  	[sflag:s6] =	ssyncset.done $0x0  }
0x4e: {  	[sflag:s6] =	ssyncadd.s32 $0xFFFFFFD8  }
0x4f: {  	[spmem:s3] =	stream.indirect.scatter.add.f32 [tilespmem:s31], [sflag:$0x7], $0x80, s26, s25, $0xb8;
	[tilespmem:$0x1C800] =	vst v63  }
0x50: {  	_ =	swait.ge [sflag:s7], $0x1400  }
0x51: {  	[sflag:s7] =	ssyncset.done $0x0  }
0x52: {  	[sflag:s7] =	ssyncadd.s32 $0xFFFFEC00  }
0x53: {  	_ =	swait.ge [sflag:s8], $0x28  }
0x54: {  	[sflag:s8] =	ssyncset.done $0x0  }
0x55: {  	[sflag:s8] =	ssyncadd.s32 $0xFFFFFFD8  }
0x56: {  	[spmem:s3] =	stream.indirect.scatter.add.f32 [tilespmem:s4], [sflag:$0x8], $0x80, s29, s25, $0xb8;
	[tilespmem:$0x1C800] =	vst v63  }
0x57: {  	_ =	swait.ge [sflag:s9], $0x1400  }
0x58: {  	[sflag:s9] =	ssyncset.done $0x0  }
0x59: {  	[sflag:s9] =	ssyncadd.s32 $0xFFFFEC00  }
0x5a: {  	_ =	swait.ge [sflag:s10], $0x28  }
0x5b: {  	[sflag:s10] =	ssyncset.done $0x0  }
0x5c: {  	s17 =	simm.s32 $0x2900;
	[sflag:s10] =	ssyncadd.s32 $0xFFFFFFD8  }
0x5d: {  	[spmem:s3] =	stream.indirect.scatter.add.f32 [tilespmem:s19], [sflag:$0x9], $0x80, s17, s25, $0xb8;
	[tilespmem:$0x1C800] =	vst v63  }
0x5e: {  	_ =	swait.ge [sflag:s11], $0x1400  }
0x5f: {  	[sflag:s11] =	ssyncset.done $0x0  }
0x60: {  	[sflag:s11] =	ssyncadd.s32 $0xFFFFEC00  }
0x61: {  	_ =	swait.ge [sflag:s12], $0x28  }
0x62: {  	[sflag:s12] =	ssyncset.done $0x0  }
0x63: {  	s29 =	simm.s32 $0x2980;
	[sflag:s12] =	ssyncadd.s32 $0xFFFFFFD8  }
0x64: {  	[spmem:s3] =	stream.indirect.scatter.add.f32 [tilespmem:s30], [sflag:$0xA], $0x80, s29, s25, $0xb8;
	[tilespmem:$0x1C800] =	vst v63  }
0x65: {  	_ =	swait.ge [sflag:s13], $0x1400  }
0x66: {  	[sflag:s13] =	ssyncset.done $0x0  }
0x67: {  	[sflag:s13] =	ssyncadd.s32 $0xFFFFEC00  }
0x68: {  	_ =	swait.ge [sflag:s14], $0x1400  }
0x69: {  	[sflag:s14] =	ssyncset.done $0x0  }
0x6a: {  	[sflag:s14] =	ssyncadd.s32 $0xFFFFEC00  }
0x6b: {  	s20 =	sadd.s32 $0x19, s20;
	s16 =	simm.s32 $0x320;
	_ =	swait.ge [sflag:s15], $0x1400  }
0x6c: {  	s0 =	simm.s32 $0x0;
	s31 =	simm.s32 $0xA;
	[sflag:s15] =	ssyncset.done $0x0  }
0x6d: {  	s8 =	simm.s32 $0x3;
	s9 =	simm.s32 $0x4;
	[sflag:s15] =	ssyncadd.s32 $0xFFFFEC00  }
0x6e: {  	s17 =	sadd.s32 $0x19, s21;
	s21 =	sadd.s32 $0x19, s22;
	_ =	swait.ge [sflag:s18], $0x1400  }
0x6f: {  	s22 =	smov.u32 s28;
	s19 =	simm.s32 $0x9;
	[sflag:s18] =	ssyncset.done $0x0  }
0x70: {  	s11 =	simm.s32 $0xE;
	s12 =	simm.s32 $0x5;
	[sflag:s18] =	ssyncadd.s32 $0xFFFFEC00  }
0x71: {  	s13 =	simm.s32 $0xF;
	s14 =	simm.s32 $0x6;
	_ =	swait.ge [sflag:s31], $0x1400  }
0x72: {  	s15 =	simm.s32 $0x7;
	s18 =	simm.s32 $0x8;
	[sflag:s31] =	ssyncset.done $0x0  }
.LBB2_2:
0x73: {  	s4 =	simm.s32 $0xA  }
0x74: {  	s22 =	sadd.s32 $0x19, s22;
	s23 =	sadd.s32 $0x19, s23;
	[sflag:s4] =	ssyncadd.s32 $0xFFFFEC00  }
0x75: {  	[tilespmem:s24], [sflag:$0xB] =	stream.linear.gather [hbm4b:s22+s0], $0x28, $0x38;
	[tilespmem:$0x1C800] =	vst v63  }
0x76: {  	p1 =	sne.s32 s16, $0x9920;
	s24 =	smov.u32 s16;
	s16 =	sadd.s32 $0x320, s16  }
0x77: {  	[tilespmem:s26], [sflag:$0xC] =	stream.linear.gather [hbm4b:s17+s0], $0x28, $0x38;
	[tilespmem:$0x1C800] =	vst v63  }
0x78: {  	s28 =	simm.s32 $0x2880  }
0x79: {  	[tilespmem:s28], [sflag:$0xD] =	stream.linear.gather [hbm4b:s21+s0], $0x28, $0x38;
	[tilespmem:$0x1C800] =	vst v63  }
0x7a: {  	s29 =	simm.s32 $0x2900  }
0x7b: {  	[tilespmem:s29], [sflag:$0xE] =	stream.linear.gather [hbm4b:s20+s0], $0x28, $0x38;
	[tilespmem:$0x1C800] =	vst v63  }
0x7c: {  	s30 =	simm.s32 $0x2980  }
0x7d: {  	[tilespmem:s30], [sflag:$0xF] =	stream.linear.gather [hbm4b:s23+s0], $0x28, $0x38;
	[tilespmem:$0x1C800] =	vst v63  }
0x7e: {  	s31 =	simm.s32 $0x2B80;
	s24 =	sshra.s32 s24, $0x2  }
0x7f: {  	[tilespmem:s31], [sflag:$0x1] =	stream.indirect.gather [hbm4b:s1+s25], $0x80, s24, s25, $0xb8;
	[tilespmem:$0x1C800] =	vst v63  }
0x80: {  	s2 =	simm.s32 $0x3F80;
	s26 =	sadd.s32 $0x28, s24  }
0x81: {  	[tilespmem:s2], [sflag:$0x2] =	stream.indirect.gather [hbm4b:s1+s25], $0x80, s26, s25, $0xb8;
	[tilespmem:$0x1C800] =	vst v63  }
0x82: {  	s5 =	simm.s32 $0x5380;
	s26 =	sadd.s32 $0x50, s24  }
0x83: {  	[tilespmem:s5], [sflag:$0x3] =	stream.indirect.gather [hbm4b:s1+s25], $0x80, s26, s25, $0xb8;
	[tilespmem:$0x1C800] =	vst v63  }
0x84: {  	s7 =	simm.s32 $0x6780;
	s26 =	sadd.s32 $0x78, s24  }
0x85: {  	[tilespmem:s7], [sflag:$0x4] =	stream.indirect.gather [hbm4b:s1+s25], $0x80, s26, s25, $0xb8;
	[tilespmem:$0x1C800] =	vst v63  }
0x86: {  	s26 =	simm.s32 $0x2800  }
0x87: {  	s10 =	simm.s32 $0x7B80;
	s24 =	sadd.s32 $0xA0, s24  }
0x88: {  	[tilespmem:s10], [sflag:$0x5] =	stream.indirect.gather [hbm4b:s1+s25], $0x80, s24, s25, $0xb8;
	[tilespmem:$0x1C800] =	vst v63  }
0x89: {  	s6 =	simm.s32 $0x1;
	s24 =	simm.s32 $0x2780  }
0x8a: {  	_ =	swait.ge [sflag:s6], $0x1400  }
0x8b: {  	[sflag:s6] =	ssyncset.done $0x0  }
0x8c: {  	[sflag:s6] =	ssyncadd.s32 $0xFFFFEC00;
	s6 =	simm.s32 $0xB  }
0x8d: {  	_ =	swait.ge [sflag:s6], $0x28  }
0x8e: {  	[sflag:s6] =	ssyncset.done $0x0  }
0x8f: {  	[sflag:s6] =	ssyncadd.s32 $0xFFFFFFD8;
	s6 =	simm.s32 $0x2  }
0x90: {  	[spmem:s3] =	stream.indirect.scatter.add.f32 [tilespmem:s31], [sflag:$0x6], $0x80, s24, s25, $0xb8;
	[tilespmem:$0x1C800] =	vst v63  }
0x91: {  	_ =	swait.ge [sflag:s6], $0x1400  }
0x92: {  	[sflag:s6] =	ssyncset.done $0x0  }
0x93: {  	[sflag:s6] =	ssyncadd.s32 $0xFFFFEC00;
	s6 =	simm.s32 $0xC  }
0x94: {  	_ =	swait.ge [sflag:s6], $0x28  }
0x95: {  	[sflag:s6] =	ssyncset.done $0x0  }
0x96: {  	[sflag:s6] =	ssyncadd.s32 $0xFFFFFFD8  }
0x97: {  	[spmem:s3] =	stream.indirect.scatter.add.f32 [tilespmem:s2], [sflag:$0x7], $0x80, s26, s25, $0xb8;
	[tilespmem:$0x1C800] =	vst v63  }
0x98: {  	_ =	swait.ge [sflag:s8], $0x1400  }
0x99: {  	[sflag:s8] =	ssyncset.done $0x0  }
0x9a: {  	s2 =	simm.s32 $0xD;
	[sflag:s8] =	ssyncadd.s32 $0xFFFFEC00  }
0x9b: {  	_ =	swait.ge [sflag:s2], $0x28  }
0x9c: {  	[sflag:s2] =	ssyncset.done $0x0  }
0x9d: {  	[sflag:s2] =	ssyncadd.s32 $0xFFFFFFD8  }
0x9e: {  	[spmem:s3] =	stream.indirect.scatter.add.f32 [tilespmem:s5], [sflag:$0x8], $0x80, s28, s25, $0xb8;
	[tilespmem:$0x1C800] =	vst v63  }
0x9f: {  	_ =	swait.ge [sflag:s9], $0x1400  }
0xa0: {  	[sflag:s9] =	ssyncset.done $0x0  }
0xa1: {  	[sflag:s9] =	ssyncadd.s32 $0xFFFFEC00  }
0xa2: {  	_ =	swait.ge [sflag:s11], $0x28  }
0xa3: {  	[sflag:s11] =	ssyncset.done $0x0  }
0xa4: {  	[sflag:s11] =	ssyncadd.s32 $0xFFFFFFD8  }
0xa5: {  	[spmem:s3] =	stream.indirect.scatter.add.f32 [tilespmem:s7], [sflag:$0x9], $0x80, s29, s25, $0xb8;
	[tilespmem:$0x1C800] =	vst v63  }
0xa6: {  	_ =	swait.ge [sflag:s12], $0x1400  }
0xa7: {  	[sflag:s12] =	ssyncset.done $0x0  }
0xa8: {  	[sflag:s12] =	ssyncadd.s32 $0xFFFFEC00  }
0xa9: {  	_ =	swait.ge [sflag:s13], $0x28  }
0xaa: {  	[sflag:s13] =	ssyncset.done $0x0  }
0xab: {  	[sflag:s13] =	ssyncadd.s32 $0xFFFFFFD8  }
0xac: {  	[spmem:s3] =	stream.indirect.scatter.add.f32 [tilespmem:s10], [sflag:$0xA], $0x80, s30, s25, $0xb8;
	[tilespmem:$0x1C800] =	vst v63  }
0xad: {  	_ =	swait.ge [sflag:s14], $0x1400  }
0xae: {  	[sflag:s14] =	ssyncset.done $0x0  }
0xaf: {  	[sflag:s14] =	ssyncadd.s32 $0xFFFFEC00  }
0xb0: {  	_ =	swait.ge [sflag:s15], $0x1400  }
0xb1: {  	[sflag:s15] =	ssyncset.done $0x0  }
0xb2: {  	[sflag:s15] =	ssyncadd.s32 $0xFFFFEC00  }
0xb3: {  	_ =	swait.ge [sflag:s18], $0x1400  }
0xb4: {  	[sflag:s18] =	ssyncset.done $0x0  }
0xb5: {  	[sflag:s18] =	ssyncadd.s32 $0xFFFFEC00  }
.Ltmp0:
0xb6: {  	_ =	swait.ge [sflag:s19], $0x1400;
	(pc) =	sbr.rel @p1 .LBB2_2-.Ltmp0, $4  }
0xb7: {  	[sflag:s19] =	ssyncset.done $0x0  }
0xb8: {  	[sflag:s19] =	ssyncadd.s32 $0xFFFFEC00  }
0xb9: {  	s17 =	sadd.s32 $0x19, s17;
	s21 =	sadd.s32 $0x19, s21;
	_ =	swait.ge [sflag:s4], $0x1400  }
0xba: {  	s20 =	sadd.s32 $0x19, s20;
	s2 =	simm.s32 $0xA;
	[sflag:s4] =	ssyncset.done $0x0  }
0xbb: {  	[sflag:s2] =	ssyncadd.s32 $0xFFFFEC00  }
0xbc: {  	[bflag:$0x0] =	sbarrier.arrive $0xFFFF  }
0xbd: {  	s16 =	rddreg [dreg:$0x4]  }
0xbe: {  	s17 =	rddreg [dreg:$0x8]  }
0xbf: {  	s21 =	rddreg [dreg:$0xf]  }
0xc0: {  	s20 =	simm.s32 $0x10;
	s22 =	rddreg [dreg:$0x10];
	s16 =	sadd.s32 s16, s17  }
0xc1: {  	[hbm:s16], [sflag:s21] =	dma.local [spmem:s22], $0x2700  }
0xc2: {  	_ =	swait.ge [sflag:s20], $0x2700  }
0xc3: {  	[sflag:s20] =	ssyncset.done $0x0  }
0xc4: {  	s16 =	sadd.s32 @!p0 $0x27000, s17;
	s23 =	rddreg [dreg:$0x11];
	[sflag:s20] =	ssyncadd.s32 $0xFFFFD900  }
0xc5: {  	[hbm:s16], [sflag:s21] =	dma.local @!p0 [spmem:s23], $0x100  }
0xc6: {  	s16 =	simm.s32 @!p0 $0x10  }
0xc7: {  	_ =	swait.ge @!p0 [sflag:s16], $0x100  }
0xc8: {  	s28 =	rddreg [dreg:$0x12]  }
0xc9: {  	s0 =	simm.s32 $0x1;
	s31 =	rddreg [dreg:$0x9];
	s28 =	sadd.s32 $0x1, s28  }
0xca: {  	s2 =	simm.s32 $0xB;
	s5 =	simm.s32 $0x2;
	p1 =	sne.s32 s28, s31  }
.Ltmp1:
0xcb: {  	s6 =	simm.s32 $0xC;
	s7 =	simm.s32 $0x3;
	(pc) =	sbr.rel @p1 .LBB2_1-.Ltmp1, $4  }
0xcc: {  	s8 =	simm.s32 $0xD;
	s9 =	simm.s32 $0x4;
	s10 =	simm.s32 $0xE  }
0xcd: {  	s11 =	simm.s32 $0x5;
	s12 =	simm.s32 $0xF;
	s13 =	simm.s32 $0x6  }
0xce: {  	s14 =	simm.s32 $0x7;
	s15 =	simm.s32 $0x8;
	[sflag:s16] =	ssyncset.done @!p0 $0x0  }
0xcf: {  	s18 =	simm.s32 $0x9;
	s4 =	simm.s32 $0x0;
	[sflag:s16] =	ssyncadd.s32 @!p0 $0xFFFFFF00  }
0xd0: {  	_ =	sfence.sel $0x180000  }
0xd1: {  	[bflag:$0x0] =	sbarrier.arrive $0xFFFF  }
0xd2: {  	_ =	strace $0x9000004A  }
0xd3: {  	s0 =	stileid.u32;
	[bflag:$0x2] =	sbarrier.arrive $0xFFFF  }
0xd4: {  	p0 =	sne.s32 s0, $0x0;
	s0 =	rddreg [dreg:$0x3]  }
0xd5: {  	s0 =	sadd.s32 @!p0 $0x100000, s0  }
0xd6: {  	[sflag:s0] =	ssyncadd.tile.s32 @!p0 $0x1;
	_ =	shalt  }
.Lfunc_end2:
_tile_overlayer_lowered:
.L_overlay_start_2:
0xd7: {  	(tag) =	ssettag $0x2  }
0xd8: {  	s0 =	rddreg [dreg:$0x0];
	s2 =	stileid.u32  }
0xd9: {  	s1 =	rddreg [dreg:$0x1];
	p0 =	sne.s32 s2, $0x0  }
0xda: {  	s3 =	rddreg [dreg:$0x2];
	[bflag:$0x3] =	sbarrier.arrive $0xFFFF;
	s2 =	simm.s32 @!p0 $0x1C10  }
0xdb: {  	[timem:s3], [sflag:s2] =	dma.local @!p0 [hbm:s0], s1  }
0xdc: {  	s0 =	simm.s32 @!p0 $0x10  }
0xdd: {  	_ =	swait.ge @!p0 [sflag:s0], s1  }
0xde: {  	s1 =	ssub.s32 @!p0 $0x0, s1;
	[sflag:s0] =	ssyncset.done @!p0 $0x0  }
0xdf: {  	[sflag:s0] =	ssyncadd.s32 @!p0 s1  }
0xe0: {  	[bflag:$0x3] =	sbarrier.arrive $0xFFFF  }
0xe1: {  	_ =	shalt  }

// kernel: kernel.19.cloned.1.call-start
scs
__scs_entry_jumppad:
0x0: {  	(pc) =	sbr.rel $0x88, $3  }
0x1: {  	(tag) =	ssettag $0x0;
	lr =	simm.s32 $0x1  }
0x2: {  	[smem:$0x3F95] =	sst lr;
	_ =	strace $0xD0000000  }
0x3: {  	_ = 	snop  }
0x4: {  	_ = 	snop  }
0x5: {  	_ = 	snop  }
0x6: {  	_ = 	snop  }
0x7: {  	_ = 	snop  }
__scs_overlays_trampoline_lowered:
0x8: {  	[smem:$0x3FA4] =	sst s0  }
0x9: {  	[smem:$0x3FA5] =	sst s1  }
0xa: {  	[smem:$0x3FA6] =	sst s2  }
0xb: {  	[smem:$0x3FA7] =	sst s3  }
0xc: {  	[smem:$0x3FA8] =	sst s4  }
0xd: {  	[smem:$0x3FA9] =	sst s5  }
0xe: {  	[smem:$0x3FAA] =	sst s6  }
0xf: {  	[smem:$0x3FAB] =	sst s7  }
0x10: {  	[smem:$0x3FAC] =	sst s8  }
0x11: {  	[smem:$0x3FAD] =	sst s9;
	s0 =	simm.s32 @!p0 $0x0  }
0x12: {  	s1 =	sld [smem:$0x3F93];
	s0 =	simm.s32 @p0 $0x1  }
0x13: {  	[smem:$0x3FAE] =	sst s0;
	s0 =	simm.s32 @!p1 $0x0  }
0x14: {  	s2 =	sld [smem:$0x3F92];
	s0 =	simm.s32 @p1 $0x1  }
0x15: {  	[smem:$0x3FAF] =	sst s0;
	s0 =	simm.s32 @!p2 $0x0  }
0x16: {  	s3 =	sld [smem:$0x3FDB];
	s0 =	simm.s32 @p2 $0x1  }
0x17: {  	s4 =	simm.s32 $0x1BF5;
	[smem:$0x3FB1] =	sst s0  }
0x18: {  	s0 =	sld [smem:$0x3F94];
	_ =	swait.ge [sflag:s4], $0x0  }
0x19: {  	s7 =	sld [smem:$0x3F95]  }
0x1a: {  	s8 =	sadd.s32 $0xFFFFE003, lr  }
0x1b: {  	s9 =	sadd.s32 $0xFFFFFEF7, lr;
	s5 =	simm.s32 $0xFFFFFFFF;
	p2 =	slt.u32 s8, $0xFFFFF086  }
0x1c: {  	p1 =	slt.u32 s9, $0xF7A;
	s5 =	simm.s32 @!p2 $0x0  }
0x1d: {  	s5 =	simm.s32 @p1 $0x1;
	p0 =	seq.s32 s7, s2  }
0x1e: {  	s7 =	smul.u32 @!p0 $0xF7A, s2;
	p2 =	seq.s32 @!p0 s5, $0x0  }
0x1f: {  	s9 =	smul.u32 $0xF7A, s1;
	s8 =	simm.s32 @!p0 $0x1BF5;
	p2 =	por !p2, p0  }
0x20: {  	[sflag:s8] =	ssyncset.s32 @!p0 $0xFFFFF086;
	s6 =	sadd.s32 @!p0 s3, s7;
	s7 =	simm.s32 @!p0 $0x108  }
0x21: {  	s3 =	sadd.s32 s3, s9;
	s6 =	sadd.s32 @!p0 $0x88, s6;
	s7 =	simm.s32 @p2 $0x1082  }
0x22: {  	[simem:s7], [sflag:s8] =	dma.local @!p0 [hbm:s6], $0xF7A  }
0x23: {  	s9 =	sor.u32 $0xD0000000, s2;
	s6 =	simm.s32 $0x108;
	_ =	swait.ge @!p0 [sflag:s8], $0x0  }
0x24: {  	s3 =	sadd.s32 $0x88, s3;
	s6 =	simm.s32 @!p1 $0x1082;
	[sflag:s4] =	ssyncset.s32 $0xFFFFF086  }
0x25: {  	[simem:s6], [sflag:s4] =	dma.local [hbm:s3], $0xF7A  }
0x26: {  	[smem:$0x3F95] =	sst s1;
	(tag) =	ssettag s2;
	_ =	strace s9  }
0x27: {  	s1 =	sld [smem:$0x3FA5]  }
0x28: {  	s2 =	sld [smem:$0x3FA6]  }
0x29: {  	s4 =	sld [smem:$0x3FA8]  }
0x2a: {  	p0 =	seq.s32 s5, $0x0;
	s5 =	sld [smem:$0x3FA9]  }
0x2b: {  	s6 =	sld [smem:$0x3FAA]  }
0x2c: {  	s7 =	sld [smem:$0x3FAB]  }
0x2d: {  	s3 =	simm.s32 $0x108;
	s8 =	sld [smem:$0x3FAC]  }
0x2e: {  	s3 =	simm.s32 @!p0 $0x1082;
	s9 =	sld [smem:$0x3FAD]  }
0x2f: {  	lr =	sadd.s32 s0, s3;
	s0 =	sld [smem:$0x3FA4]  }
0x30: {  	s3 =	sld [smem:$0x3FA7]  }
0x31: {  	[smem:$0x3FB0] =	sst s10  }
0x32: {  	s10 =	sld [smem:$0x3FAE];
	_ =	sdelay $0x3  }
0x33: {  	p0 =	seq.s32 s10, $0x1;
	s10 =	sld [smem:$0x3FB0];
	_ =	sdelay $0x3  }
0x34: {  	[smem:$0x3FB0] =	sst s10  }
0x35: {  	s10 =	sld [smem:$0x3FAF];
	_ =	sdelay $0x3  }
0x36: {  	p1 =	seq.s32 s10, $0x1;
	s10 =	sld [smem:$0x3FB0];
	_ =	sdelay $0x3  }
0x37: {  	[smem:$0x3FB0] =	sst s10  }
0x38: {  	s10 =	sld [smem:$0x3FB1]  }
0x39: {  	_ = 	snop;
	(pc) =	sbr.ind lr, $3  }
0x3a: {  	_ = 	snop  }
0x3b: {  	_ = 	snop  }
0x3c: {  	p2 =	seq.s32 s10, $0x1;
	s10 =	sld [smem:$0x3FB0]  }
0x3d: {  	_ =	shalt  }
0x3e: {  	_ =	shalt  }
0x3f: {  	_ =	shalt  }
0x40: {  	_ =	shalt  }
0x41: {  	_ =	shalt  }
0x42: {  	_ =	shalt  }
0x43: {  	_ =	shalt  }
0x44: {  	_ =	shalt  }
0x45: {  	_ =	shalt  }
0x46: {  	_ =	shalt  }
0x47: {  	_ =	shalt  }
0x48: {  	_ =	shalt  }
0x49: {  	_ =	shalt  }
0x4a: {  	_ =	shalt  }
0x4b: {  	_ =	shalt  }
0x4c: {  	_ =	shalt  }
0x4d: {  	_ =	shalt  }
0x4e: {  	_ =	shalt  }
0x4f: {  	_ =	shalt  }
0x50: {  	_ =	shalt  }
0x51: {  	_ =	shalt  }
0x52: {  	_ =	shalt  }
0x53: {  	_ =	shalt  }
0x54: {  	_ =	shalt  }
0x55: {  	_ =	shalt  }
0x56: {  	_ =	shalt  }
0x57: {  	_ =	shalt  }
0x58: {  	_ =	shalt  }
0x59: {  	_ =	shalt  }
0x5a: {  	_ =	shalt  }
0x5b: {  	_ =	shalt  }
0x5c: {  	_ =	shalt  }
0x5d: {  	_ =	shalt  }
0x5e: {  	_ =	shalt  }
0x5f: {  	_ =	shalt  }
0x60: {  	_ =	shalt  }
0x61: {  	_ =	shalt  }
0x62: {  	_ =	shalt  }
0x63: {  	_ =	shalt  }
0x64: {  	_ =	shalt  }
0x65: {  	_ =	shalt  }
0x66: {  	_ =	shalt  }
0x67: {  	_ =	shalt  }
0x68: {  	_ =	shalt  }
0x69: {  	_ =	shalt  }
0x6a: {  	_ =	shalt  }
0x6b: {  	_ =	shalt  }
0x6c: {  	_ =	shalt  }
0x6d: {  	_ =	shalt  }
0x6e: {  	_ =	shalt  }
0x6f: {  	_ =	shalt  }
0x70: {  	_ =	shalt  }
0x71: {  	_ =	shalt  }
0x72: {  	_ =	shalt  }
0x73: {  	_ =	shalt  }
0x74: {  	_ =	shalt  }
0x75: {  	_ =	shalt  }
0x76: {  	_ =	shalt  }
0x77: {  	_ =	shalt  }
0x78: {  	_ =	shalt  }
0x79: {  	_ =	shalt  }
0x7a: {  	_ =	shalt  }
0x7b: {  	_ =	shalt  }
0x7c: {  	_ =	shalt  }
0x7d: {  	_ =	shalt  }
0x7e: {  	_ =	shalt  }
0x7f: {  	_ =	shalt  }
0x80: {  	_ =	shalt  }
0x81: {  	_ =	shalt  }
0x82: {  	_ =	shalt  }
0x83: {  	_ =	shalt  }
0x84: {  	_ =	shalt  }
0x85: {  	_ =	shalt  }
0x86: {  	_ =	shalt  }
0x87: {  	_ =	shalt  }
.Lfunc_end0:
.L_simem_size_0:
called_computation.2_lowered:
.L_overlay_start_0:
0x88: {  	s2 =	sld [smem:$0x3FD9]  }
0x89: {  	s3 =	sld [smem:$0x3FFE];
	_ =	sdelay $0x1  }
0x8a: {  	s1 =	srdreg.scid  }
0x8b: {  	s0 =	sand.u32 $0x1, s1  }
0x8c: {  	s16 =	sshll.u32 s0, $0xA;
	s2 =	sadd.s32 s3, s2  }
0x8d: {  	s2 =	sadd.s32 s2, s16  }
0x8e: {  	[smem:$0x3FBC] =	sst s2  }
0x8f: {  	_ = 	snop  }
0x90: {  	(tm) =	ssettm $0x1  }
0x91: {  	s17 =	sld [smem:$0x3FFB];
	_ =	sdelay $0x3  }
0x92: {  	_ =	strace s17  }
0x93: {  	s2 =	sld [smem:$0x3FFC];
	_ =	sdelay $0x3  }
0x94: {  	_ =	strace s2  }
0x95: {  	s2 =	sld [smem:$0x3FFD];
	_ =	sdelay $0x3  }
0x96: {  	_ =	strace s2  }
0x97: {  	_ =	strace $0x8FFFFFFF  }
0x98: {  	s18 =	sld [smem:$0x3FDB];
	_ =	sdelay $0x1  }
0x99: {  	s19 =	simm.s32 $_scs_section_size  }
0x9a: {  	s4 =	simm.s32 $_size__tile_overlayer_lowered;
	s5 =	simm.s32 $_tile_overlayer_lowered  }
0x9b: {  	s22 =	simm.s32 $0x1BFF;
	s21 =	sshll.u32 s5, $0x1;
	s2 =	sadd.s32 s19, s18  }
0x9c: {  	s6 =	simm.s32 $0x0;
	s20 =	sshll.u32 s4, $0x1;
	s4 =	sadd.s32 s21, s2  }
0x9d: {  	[timem:s6], [sflag:s22] =	dma.local [hbm:s4], s20  }
0x9e: {  	_ =	swait.ge [sflag:s22], s20  }
0x9f: {  	s3 =	ssub.s32 $0x0, s20;
	[sflag:s22] =	ssyncset.done $0x0  }
0xa0: {  	[sflag:s22] =	ssyncadd.s32 s3;
	_ =	sdelay $0x1  }
0xa1: {  	s23 =	simm.s32 $0x1B8B  }
0xa2: {  	_ =	swait.ge [sflag:s23], $0x1  }
0xa3: {  	[sflag:s23] =	ssyncset.done $0x0  }
0xa4: {  	s25 =	simm.s32 $0x1B8E;
	s24 =	sld [smem:$0x3FFE];
	[sflag:s23] =	ssyncadd.s32 $0xFFFFFFFF  }
0xa5: {  	s26 =	simm.s32 $execute0_lowered;
	[smem:$0x3FD2] =	sst s25  }
0xa6: {  	s4 =	sshll.u32 s26, $0x1;
	_ =	strace $0x8000004C;
	[dreg:$0x1] =	wrdreg $0xFFFFFFFF  }
0xa7: {  	s28 =	simm.s32 $_size_execute0_lowered;
	s2 =	sadd.s32 s2, s4;
	[dreg:$0x0] =	wrdreg $0x0  }
0xa8: {  	s4 =	sshll.u32 s28, $0x1;
	[dreg:$0x2] =	wrdreg s2  }
0xa9: {  	[dreg:$0x3] =	wrdreg s4  }
0xaa: {  	[dreg:$0x4] =	wrdreg $0xC0  }
0xab: {  	_ =	task [dreg:s6], $0x5FFFF  }
0xac: {  	[dreg:$0x1] =	wrdreg $0xFFFFFFFF  }
0xad: {  	[dreg:$0x0] =	wrdreg $0x60  }
0xae: {  	[dreg:$0x2] =	wrdreg s24  }
0xaf: {  	[dreg:$0x3] =	wrdreg $0x59D80  }
0xb0: {  	[dreg:$0x4] =	wrdreg $0x9  }
0xb1: {  	_ =	task.clear_ibuf [dreg:s6], $0x5FFFF;
	_ =	strace $0x9000004C  }
0xb2: {  	s29 =	simm.s32 $0x9;
	_ =	strace $0x8000004E  }
0xb3: {  	_ =	swait.ge [sflag:s29], $0x1  }
0xb4: {  	[sflag:s29] =	ssyncadd.s32 $0xFFFFFFFF  }
0xb5: {  	_ =	strace $0x9000004E  }
0xb6: {  	_ =	sfence  }
0xb7: {  	s30 =	sld [smem:$0x0];
	_ =	sdelay $0x2  }
0xb8: {  	s31 =	sshll.u32 s1, $0xD;
	s1 =	sshrl.u32 s1, $0x2  }
0xb9: {  	s3 =	sand.u32 $0x4000, s31;
	s1 =	sadd.s32 s1, s30  }
0xba: {  	s0 =	sor.u32 s3, s0;
	s1 =	sshll.u32 s1, $0x11  }
0xbb: {  	s0 =	sor.u32 s1, s0  }
0xbc: {  	s0 =	sadd.s32 $0x8F2B, s0  }
0xbd: {  	[sflag:s0] =	ssyncadd.remote.s32 $0x1  }
0xbe: {  	_ =	sfence.sel $0xFFFF  }
0xbf: {  	[dreg:$0x0] =	wrdreg $0xFFFFFFFF;
	(pc) =	sbr.abs _section_cstart, $3  }
0xc0: {  	[dreg:$0x1] =	wrdreg $0xFFFFFFFF  }
0xc1: {  	_ =	task.clear_ibuf [dreg:s6], $0x2FFFF;
	_ =	strace $0x9FFFFFFF  }
0xc2: {  	(tm) =	ssettm $0x7FFFFFFF  }
0xc3: {  	_ =	shalt  }
tec
execute0_lowered:
.L_overlay_start_1:
0x0: {  	(tag) =	ssettag $0x1  }
0x1: {  	s0 =	srdreg.scid;
	s1 =	rddreg [dreg:$0x0]  }
0x2: {  	s2 =	rddreg [dreg:$0x1];
	s13 =	stileid.u32  }
0x3: {  	s3 =	simm.s32 $0x0;
	s20 =	simm.s32 $0x10;
	s14 =	simm.s32 $0x7  }
0x4: {  	s15 =	simm.s32 $0x8;
	s18 =	simm.s32 $0x9;
	s28 =	simm.s32 $0x0  }
0x5: {  	s0 =	sand.u32 $0x1, s0;
	[smem:$0x7FF] =	sst s3;
	s6 =	smul.u32 $0x9C00, s13  }
0x6: {  	s7 =	sadd.s32 $0xF800, s1;
	s12 =	smul.u32 $0x2710, s13;
	p0 =	sne.s32 s13, $0xF  }
0x7: {  	s31 =	sshll.u32 s13, $0x6;
	s4 =	sshll.u32 s0, $0x4;
	s8 =	smul.u32 $0x13880, s0  }
0x8: {  	_ =	strace $0x8000004D;
	s9 =	ssub.s32 $0x2, s0;
	s0 =	smul.u32 $0x27100, s0  }
0x9: {  	s21 =	sor.u32 $0x1C10, s31;
	s4 =	sor.u32 s13, s4;
	s10 =	sshrl.u32 s6, $0x3  }
0xa: {  	s11 =	sshrl.u32 s9, $0x1;
	s22 =	sadd.s32 s6, s2;
	s6 =	sadd.s32 $0x9C000, s2  }
0xb: {  	s13 =	simm.s32 $0x6;
	[dreg:$0xe] =	wrdreg s21;
	s5 =	smul.u32 $0x2710, s4  }
0xc: {  	s4 =	sadd.s32 $0x67A00, s1;
	[dreg:$0x3] =	wrdreg s10;
	s10 =	sadd.s32 s10, s1  }
0xd: {  	s8 =	sadd.s32 s8, s1;
	s9 =	ssub.s32 s9, s11;
	s0 =	sadd.s32 s12, s0  }
0xe: {  	s22 =	sshrl.u32 s22, $0x3;
	s11 =	simm.s32 $0x5;
	s12 =	simm.s32 $0xF  }
0xf: {  	s23 =	sadd.s32 $0x7B400, s10;
	s24 =	sadd.s32 $0xA0, s0;
	s8 =	sadd.s32 $0x8EE00, s8  }
0x10: {  	s25 =	sshrl.u32 s0, $0x3;
	s9 =	smax.u32 s9, $0x1;
	[dreg:$0xf] =	wrdreg s22  }
0x11: {  	s26 =	sadd.s32 $0x78, s0;
	s29 =	sadd.s32 $0x50, s0;
	[dreg:$0x5] =	wrdreg s23  }
0x12: {  	s0 =	sadd.s32 $0x28, s0;
	s10 =	simm.s32 $0xE;
	[dreg:$0x7] =	wrdreg s8  }
0x13: {  	s5 =	sshrl.u32 s5, $0x3;
	[dreg:$0x8] =	wrdreg s9;
	s8 =	sadd.s32 s25, s7  }
0x14: {  	s0 =	sshrl.u32 s0, $0x3;
	s23 =	sshrl.u32 @!p0 s6, $0x3;
	s25 =	simm.s32 $0x28  }
0x15: {  	s6 =	simm.s32 $0xC;
	s9 =	simm.s32 $0x4;
	[dreg:$0x9] =	wrdreg s8  }
0x16: {  	s5 =	sadd.s32 s5, s1;
	s1 =	sadd.s32 $0x8EC00, s1;
	[dreg:$0x10] =	wrdreg s23  }
0x17: {  	s8 =	sshrl.u32 s29, $0x3;
	s0 =	sadd.s32 s0, s7;
	[dreg:$0x6] =	wrdreg s1  }
0x18: {  	s5 =	sadd.s32 $0x5A00, s5;
	s1 =	sshrl.u32 s24, $0x3;
	[dreg:$0xd] =	wrdreg s0  }
0x19: {  	s30 =	sadd.s32 s8, s7;
	s24 =	simm.s32 $0x2710;
	[dreg:$0x4] =	wrdreg s5  }
0x1a: {  	s0 =	simm.s32 $0x1;
	s1 =	sadd.s32 s1, s7;
	[dreg:$0xc] =	wrdreg s30  }
0x1b: {  	s8 =	simm.s32 $0xD;
	[dreg:$0xa] =	wrdreg s1;
	s1 =	sshrl.u32 s26, $0x3  }
0x1c: {  	s5 =	simm.s32 $0x2;
	s26 =	simm.s32 $0x2738;
	s1 =	sadd.s32 s1, s7  }
0x1d: {  	s7 =	simm.s32 $0x3;
	[dreg:$0xb] =	wrdreg s1;
	s1 =	simm.s32 $0xB  }
.LBB2_1:
0x1e: {  	[dreg:$0x11] =	wrdreg s28  }
0x1f: {  	s16 =	rddreg [dreg:$0x4]  }
0x20: {  	[tilespmem:s3], [sflag:$0x10] =	stream.linear.gather [hbm4b:s16+s3], $0x2710, $0x38;
	[tilespmem:$0xF618] =	vst v63  }
0x21: {  	_ =	swait.ge [sflag:s20], $0x2710  }
0x22: {  	[sflag:s20] =	ssyncset.done $0x0  }
0x23: {  	s19 =	rddreg [dreg:$0x5];
	[sflag:s20] =	ssyncadd.s32 $0xFFFFD8F0  }
0x24: {  	[spmem:s22], [sflag:s21] =	dma.local [hbm:s19], $0x1380  }
0x25: {  	_ =	swait.ge [sflag:s20], $0x1380  }
0x26: {  	[sflag:s20] =	ssyncset.done $0x0  }
0x27: {  	s16 =	rddreg [dreg:$0x6];
	[sflag:s20] =	ssyncadd.s32 $0xFFFFEC80  }
0x28: {  	[spmem:s23], [sflag:s21] =	dma.local @!p0 [hbm:s16], $0x80  }
0x29: {  	s16 =	simm.s32 @!p0 $0x10  }
0x2a: {  	_ =	swait.ge @!p0 [sflag:s16], $0x80  }
0x2b: {  	[sflag:s16] =	ssyncset.done @!p0 $0x0  }
0x2c: {  	[sflag:s16] =	ssyncadd.s32 @!p0 $0xFFFFFF80  }
0x2d: {  	[bflag:$0x0] =	sbarrier.arrive $0xFFFF  }
0x2e: {  	s28 =	rddreg [dreg:$0x9]  }
0x2f: {  	[tilespmem:s24], [sflag:$0xB] =	stream.linear.gather [hbm4b:s28+s3], $0x28, $0x38;
	[tilespmem:$0xF618] =	vst v63  }
0x30: {  	s21 =	rddreg [dreg:$0xd]  }
0x31: {  	[tilespmem:s26], [sflag:$0xC] =	stream.linear.gather [hbm4b:s21+s3], $0x28, $0x38;
	[tilespmem:$0xF618] =	vst v63  }
0x32: {  	s29 =	simm.s32 $0x2760;
	s22 =	rddreg [dreg:$0xc]  }
0x33: {  	[tilespmem:s29], [sflag:$0xD] =	stream.linear.gather [hbm4b:s22+s3], $0x28, $0x38;
	[tilespmem:$0xF618] =	vst v63  }
0x34: {  	s23 =	simm.s32 $0x2788;
	s20 =	rddreg [dreg:$0xb]  }
0x35: {  	[tilespmem:s23], [sflag:$0xE] =	stream.linear.gather [hbm4b:s20+s3], $0x28, $0x38;
	[tilespmem:$0xF618] =	vst v63  }
0x36: {  	s30 =	simm.s32 $0x27B0;
	s23 =	rddreg [dreg:$0xa]  }
0x37: {  	[tilespmem:s30], [sflag:$0xF] =	stream.linear.gather [hbm4b:s23+s3], $0x28, $0x38;
	[tilespmem:$0xF618] =	vst v63  }
0x38: {  	s31 =	simm.s32 $0x0;
	s17 =	simm.s32 $0x27D8  }
0x39: {  	[tilespmem:s17], [sflag:$0x1] =	stream.indirect.gather [hbm4b:s4+s25], $0x40, s31, s25, $0xb8;
	[tilespmem:$0xF618] =	vst v63  }
0x3a: {  	s3 =	simm.s32 $0x28;
	s31 =	simm.s32 $0x31D8  }
0x3b: {  	[tilespmem:s31], [sflag:$0x2] =	stream.indirect.gather [hbm4b:s4+s25], $0x40, s3, s25, $0xb8;
	[tilespmem:$0xF618] =	vst v63  }
0x3c: {  	s19 =	simm.s32 $0x50;
	s3 =	simm.s32 $0x3BD8  }
0x3d: {  	[tilespmem:s3], [sflag:$0x3] =	stream.indirect.gather [hbm4b:s4+s25], $0x40, s19, s25, $0xb8;
	[tilespmem:$0xF618] =	vst v63  }
0x3e: {  	s30 =	simm.s32 $0x78;
	s19 =	simm.s32 $0x45D8  }
0x3f: {  	[tilespmem:s19], [sflag:$0x4] =	stream.indirect.gather [hbm4b:s4+s25], $0x40, s30, s25, $0xb8;
	[tilespmem:$0xF618] =	vst v63  }
0x40: {  	s16 =	simm.s32 $0xA0;
	s30 =	simm.s32 $0x4FD8  }
0x41: {  	[tilespmem:s30], [sflag:$0x5] =	stream.indirect.gather [hbm4b:s4+s25], $0x40, s16, s25, $0xb8;
	[tilespmem:$0xF618] =	vst v63  }
0x42: {  	_ =	swait.ge [sflag:s0], $0xA00  }
0x43: {  	[sflag:s0] =	ssyncset.done $0x0  }
0x44: {  	[sflag:s0] =	ssyncadd.s32 $0xFFFFF600  }
0x45: {  	_ =	swait.ge [sflag:s1], $0x28  }
0x46: {  	[sflag:s1] =	ssyncset.done $0x0  }
0x47: {  	[sflag:s1] =	ssyncadd.s32 $0xFFFFFFD8  }
0x48: {  	[spmem:s2] =	stream.indirect.scatter.add.f32 [tilespmem:s17], [sflag:$0x6], $0x40, s24, s25, $0xb8;
	[tilespmem:$0xF618] =	vst v63  }
0x49: {  	_ =	swait.ge [sflag:s5], $0xA00  }
0x4a: {  	[sflag:s5] =	ssyncset.done $0x0  }
0x4b: {  	[sflag:s5] =	ssyncadd.s32 $0xFFFFF600  }
0x4c: {  	_ =	swait.ge [sflag:s6], $0x28  }
0x4d: {  	[sflag:s6] =	ssyncset.done $0x0  }
0x4e: {  	[sflag:s6] =	ssyncadd.s32 $0xFFFFFFD8  }
0x4f: {  	[spmem:s2] =	stream.indirect.scatter.add.f32 [tilespmem:s31], [sflag:$0x7], $0x40, s26, s25, $0xb8;
	[tilespmem:$0xF618] =	vst v63  }
0x50: {  	_ =	swait.ge [sflag:s7], $0xA00  }
0x51: {  	[sflag:s7] =	ssyncset.done $0x0  }
0x52: {  	[sflag:s7] =	ssyncadd.s32 $0xFFFFF600  }
0x53: {  	_ =	swait.ge [sflag:s8], $0x28  }
0x54: {  	[sflag:s8] =	ssyncset.done $0x0  }
0x55: {  	[sflag:s8] =	ssyncadd.s32 $0xFFFFFFD8  }
0x56: {  	[spmem:s2] =	stream.indirect.scatter.add.f32 [tilespmem:s3], [sflag:$0x8], $0x40, s29, s25, $0xb8;
	[tilespmem:$0xF618] =	vst v63  }
0x57: {  	_ =	swait.ge [sflag:s9], $0xA00  }
0x58: {  	[sflag:s9] =	ssyncset.done $0x0  }
0x59: {  	[sflag:s9] =	ssyncadd.s32 $0xFFFFF600  }
0x5a: {  	_ =	swait.ge [sflag:s10], $0x28  }
0x5b: {  	[sflag:s10] =	ssyncset.done $0x0  }
0x5c: {  	s17 =	simm.s32 $0x2788;
	[sflag:s10] =	ssyncadd.s32 $0xFFFFFFD8  }
0x5d: {  	[spmem:s2] =	stream.indirect.scatter.add.f32 [tilespmem:s19], [sflag:$0x9], $0x40, s17, s25, $0xb8;
	[tilespmem:$0xF618] =	vst v63  }
0x5e: {  	_ =	swait.ge [sflag:s11], $0xA00  }
0x5f: {  	[sflag:s11] =	ssyncset.done $0x0  }
0x60: {  	[sflag:s11] =	ssyncadd.s32 $0xFFFFF600  }
0x61: {  	_ =	swait.ge [sflag:s12], $0x28  }
0x62: {  	[sflag:s12] =	ssyncset.done $0x0  }
0x63: {  	s29 =	simm.s32 $0x27B0;
	[sflag:s12] =	ssyncadd.s32 $0xFFFFFFD8  }
0x64: {  	[spmem:s2] =	stream.indirect.scatter.add.f32 [tilespmem:s30], [sflag:$0xA], $0x40, s29, s25, $0xb8;
	[tilespmem:$0xF618] =	vst v63  }
0x65: {  	_ =	swait.ge [sflag:s13], $0xA00  }
0x66: {  	[sflag:s13] =	ssyncset.done $0x0  }
0x67: {  	[sflag:s13] =	ssyncadd.s32 $0xFFFFF600  }
0x68: {  	_ =	swait.ge [sflag:s14], $0xA00  }
0x69: {  	[sflag:s14] =	ssyncset.done $0x0  }
0x6a: {  	[sflag:s14] =	ssyncadd.s32 $0xFFFFF600  }
0x6b: {  	s20 =	sadd.s32 $0x19, s20;
	s16 =	simm.s32 $0x320;
	_ =	swait.ge [sflag:s15], $0xA00  }
0x6c: {  	s6 =	simm.s32 $0x0;
	s31 =	simm.s32 $0xA;
	[sflag:s15] =	ssyncset.done $0x0  }
0x6d: {  	s8 =	simm.s32 $0x3;
	s9 =	simm.s32 $0x4;
	[sflag:s15] =	ssyncadd.s32 $0xFFFFF600  }
0x6e: {  	s17 =	sadd.s32 $0x19, s21;
	s21 =	sadd.s32 $0x19, s22;
	_ =	swait.ge [sflag:s18], $0xA00  }
0x6f: {  	s22 =	smov.u32 s28;
	s19 =	simm.s32 $0x9;
	[sflag:s18] =	ssyncset.done $0x0  }
0x70: {  	s11 =	simm.s32 $0xE;
	s12 =	simm.s32 $0x5;
	[sflag:s18] =	ssyncadd.s32 $0xFFFFF600  }
0x71: {  	s13 =	simm.s32 $0xF;
	s14 =	simm.s32 $0x6;
	_ =	swait.ge [sflag:s31], $0xA00  }
0x72: {  	s15 =	simm.s32 $0x7;
	s18 =	simm.s32 $0x8;
	[sflag:s31] =	ssyncset.done $0x0  }
.LBB2_2:
0x73: {  	s3 =	simm.s32 $0xA  }
0x74: {  	s22 =	sadd.s32 $0x19, s22;
	s23 =	sadd.s32 $0x19, s23;
	[sflag:s3] =	ssyncadd.s32 $0xFFFFF600  }
0x75: {  	[tilespmem:s24], [sflag:$0xB] =	stream.linear.gather [hbm4b:s22+s6], $0x28, $0x38;
	[tilespmem:$0xF618] =	vst v63  }
0x76: {  	p1 =	sne.s32 s16, $0x9920;
	s24 =	smov.u32 s16;
	s16 =	sadd.s32 $0x320, s16  }
0x77: {  	[tilespmem:s26], [sflag:$0xC] =	stream.linear.gather [hbm4b:s17+s6], $0x28, $0x38;
	[tilespmem:$0xF618] =	vst v63  }
0x78: {  	s28 =	simm.s32 $0x2760  }
0x79: {  	[tilespmem:s28], [sflag:$0xD] =	stream.linear.gather [hbm4b:s21+s6], $0x28, $0x38;
	[tilespmem:$0xF618] =	vst v63  }
0x7a: {  	s29 =	simm.s32 $0x2788  }
0x7b: {  	[tilespmem:s29], [sflag:$0xE] =	stream.linear.gather [hbm4b:s20+s6], $0x28, $0x38;
	[tilespmem:$0xF618] =	vst v63  }
0x7c: {  	s30 =	simm.s32 $0x27B0  }
0x7d: {  	[tilespmem:s30], [sflag:$0xF] =	stream.linear.gather [hbm4b:s23+s6], $0x28, $0x38;
	[tilespmem:$0xF618] =	vst v63  }
0x7e: {  	s31 =	simm.s32 $0x27D8;
	s24 =	sshra.s32 s24, $0x2  }
0x7f: {  	[tilespmem:s31], [sflag:$0x1] =	stream.indirect.gather [hbm4b:s4+s25], $0x40, s24, s25, $0xb8;
	[tilespmem:$0xF618] =	vst v63  }
0x80: {  	s0 =	simm.s32 $0x31D8;
	s26 =	sadd.s32 $0x28, s24  }
0x81: {  	[tilespmem:s0], [sflag:$0x2] =	stream.indirect.gather [hbm4b:s4+s25], $0x40, s26, s25, $0xb8;
	[tilespmem:$0xF618] =	vst v63  }
0x82: {  	s1 =	simm.s32 $0x3BD8;
	s26 =	sadd.s32 $0x50, s24  }
0x83: {  	[tilespmem:s1], [sflag:$0x3] =	stream.indirect.gather [hbm4b:s4+s25], $0x40, s26, s25, $0xb8;
	[tilespmem:$0xF618] =	vst v63  }
0x84: {  	s5 =	simm.s32 $0x45D8;
	s26 =	sadd.s32 $0x78, s24  }
0x85: {  	[tilespmem:s5], [sflag:$0x4] =	stream.indirect.gather [hbm4b:s4+s25], $0x40, s26, s25, $0xb8;
	[tilespmem:$0xF618] =	vst v63  }
0x86: {  	s26 =	simm.s32 $0x2738  }
0x87: {  	s7 =	simm.s32 $0x4FD8;
	s24 =	sadd.s32 $0xA0, s24  }
0x88: {  	[tilespmem:s7], [sflag:$0x5] =	stream.indirect.gather [hbm4b:s4+s25], $0x40, s24, s25, $0xb8;
	[tilespmem:$0xF618] =	vst v63  }
0x89: {  	s10 =	simm.s32 $0x1;
	s24 =	simm.s32 $0x2710  }
0x8a: {  	_ =	swait.ge [sflag:s10], $0xA00  }
0x8b: {  	[sflag:s10] =	ssyncset.done $0x0  }
0x8c: {  	[sflag:s10] =	ssyncadd.s32 $0xFFFFF600;
	s10 =	simm.s32 $0xB  }
0x8d: {  	_ =	swait.ge [sflag:s10], $0x28  }
0x8e: {  	[sflag:s10] =	ssyncset.done $0x0  }
0x8f: {  	[sflag:s10] =	ssyncadd.s32 $0xFFFFFFD8  }
0x90: {  	[spmem:s2] =	stream.indirect.scatter.add.f32 [tilespmem:s31], [sflag:$0x6], $0x40, s24, s25, $0xb8;
	[tilespmem:$0xF618] =	vst v63  }
0x91: {  	s31 =	simm.s32 $0x2  }
0x92: {  	_ =	swait.ge [sflag:s31], $0xA00  }
0x93: {  	[sflag:s31] =	ssyncset.done $0x0  }
0x94: {  	[sflag:s31] =	ssyncadd.s32 $0xFFFFF600;
	s31 =	simm.s32 $0xC  }
0x95: {  	_ =	swait.ge [sflag:s31], $0x28  }
0x96: {  	[sflag:s31] =	ssyncset.done $0x0  }
0x97: {  	[sflag:s31] =	ssyncadd.s32 $0xFFFFFFD8  }
0x98: {  	[spmem:s2] =	stream.indirect.scatter.add.f32 [tilespmem:s0], [sflag:$0x7], $0x40, s26, s25, $0xb8;
	[tilespmem:$0xF618] =	vst v63  }
0x99: {  	_ =	swait.ge [sflag:s8], $0xA00  }
0x9a: {  	[sflag:s8] =	ssyncset.done $0x0  }
0x9b: {  	s0 =	simm.s32 $0xD;
	[sflag:s8] =	ssyncadd.s32 $0xFFFFF600  }
0x9c: {  	_ =	swait.ge [sflag:s0], $0x28  }
0x9d: {  	[sflag:s0] =	ssyncset.done $0x0  }
0x9e: {  	[sflag:s0] =	ssyncadd.s32 $0xFFFFFFD8  }
0x9f: {  	[spmem:s2] =	stream.indirect.scatter.add.f32 [tilespmem:s1], [sflag:$0x8], $0x40, s28, s25, $0xb8;
	[tilespmem:$0xF618] =	vst v63  }
0xa0: {  	_ =	swait.ge [sflag:s9], $0xA00  }
0xa1: {  	[sflag:s9] =	ssyncset.done $0x0  }
0xa2: {  	[sflag:s9] =	ssyncadd.s32 $0xFFFFF600  }
0xa3: {  	_ =	swait.ge [sflag:s11], $0x28  }
0xa4: {  	[sflag:s11] =	ssyncset.done $0x0  }
0xa5: {  	[sflag:s11] =	ssyncadd.s32 $0xFFFFFFD8  }
0xa6: {  	[spmem:s2] =	stream.indirect.scatter.add.f32 [tilespmem:s5], [sflag:$0x9], $0x40, s29, s25, $0xb8;
	[tilespmem:$0xF618] =	vst v63  }
0xa7: {  	_ =	swait.ge [sflag:s12], $0xA00  }
0xa8: {  	[sflag:s12] =	ssyncset.done $0x0  }
0xa9: {  	[sflag:s12] =	ssyncadd.s32 $0xFFFFF600  }
0xaa: {  	_ =	swait.ge [sflag:s13], $0x28  }
0xab: {  	[sflag:s13] =	ssyncset.done $0x0  }
0xac: {  	[sflag:s13] =	ssyncadd.s32 $0xFFFFFFD8  }
0xad: {  	[spmem:s2] =	stream.indirect.scatter.add.f32 [tilespmem:s7], [sflag:$0xA], $0x40, s30, s25, $0xb8;
	[tilespmem:$0xF618] =	vst v63  }
0xae: {  	_ =	swait.ge [sflag:s14], $0xA00  }
0xaf: {  	[sflag:s14] =	ssyncset.done $0x0  }
0xb0: {  	[sflag:s14] =	ssyncadd.s32 $0xFFFFF600  }
0xb1: {  	_ =	swait.ge [sflag:s15], $0xA00  }
0xb2: {  	[sflag:s15] =	ssyncset.done $0x0  }
0xb3: {  	[sflag:s15] =	ssyncadd.s32 $0xFFFFF600  }
0xb4: {  	_ =	swait.ge [sflag:s18], $0xA00  }
0xb5: {  	[sflag:s18] =	ssyncset.done $0x0  }
0xb6: {  	[sflag:s18] =	ssyncadd.s32 $0xFFFFF600  }
.Ltmp0:
0xb7: {  	_ =	swait.ge [sflag:s19], $0xA00;
	(pc) =	sbr.rel @p1 .LBB2_2-.Ltmp0, $4  }
0xb8: {  	[sflag:s19] =	ssyncset.done $0x0  }
0xb9: {  	[sflag:s19] =	ssyncadd.s32 $0xFFFFF600  }
0xba: {  	s17 =	sadd.s32 $0x19, s17;
	s21 =	sadd.s32 $0x19, s21;
	_ =	swait.ge [sflag:s3], $0xA00  }
0xbb: {  	s20 =	sadd.s32 $0x19, s20;
	s0 =	simm.s32 $0xA;
	[sflag:s3] =	ssyncset.done $0x0  }
0xbc: {  	[sflag:s0] =	ssyncadd.s32 $0xFFFFF600  }
0xbd: {  	[bflag:$0x0] =	sbarrier.arrive $0xFFFF  }
0xbe: {  	s16 =	rddreg [dreg:$0x3]  }
0xbf: {  	s17 =	rddreg [dreg:$0x7]  }
0xc0: {  	s21 =	rddreg [dreg:$0xe]  }
0xc1: {  	s20 =	simm.s32 $0x10;
	s22 =	rddreg [dreg:$0xf];
	s16 =	sadd.s32 s16, s17  }
0xc2: {  	[hbm:s16], [sflag:s21] =	dma.local [spmem:s22], $0x1380  }
0xc3: {  	_ =	swait.ge [sflag:s20], $0x1380  }
0xc4: {  	[sflag:s20] =	ssyncset.done $0x0  }
0xc5: {  	s16 =	sadd.s32 @!p0 $0x13800, s17;
	s23 =	rddreg [dreg:$0x10];
	[sflag:s20] =	ssyncadd.s32 $0xFFFFEC80  }
0xc6: {  	[hbm:s16], [sflag:s21] =	dma.local @!p0 [spmem:s23], $0x80  }
0xc7: {  	s16 =	simm.s32 @!p0 $0x10  }
0xc8: {  	_ =	swait.ge @!p0 [sflag:s16], $0x80  }
0xc9: {  	s28 =	rddreg [dreg:$0x11]  }
0xca: {  	s0 =	simm.s32 $0x1;
	s31 =	rddreg [dreg:$0x8];
	s28 =	sadd.s32 $0x1, s28  }
0xcb: {  	s1 =	simm.s32 $0xB;
	s5 =	simm.s32 $0x2;
	p1 =	sne.s32 s28, s31  }
.Ltmp1:
0xcc: {  	s6 =	simm.s32 $0xC;
	s7 =	simm.s32 $0x3;
	(pc) =	sbr.rel @p1 .LBB2_1-.Ltmp1, $4  }
0xcd: {  	s8 =	simm.s32 $0xD;
	s9 =	simm.s32 $0x4;
	s10 =	simm.s32 $0xE  }
0xce: {  	s11 =	simm.s32 $0x5;
	s12 =	simm.s32 $0xF;
	s13 =	simm.s32 $0x6  }
0xcf: {  	s14 =	simm.s32 $0x7;
	s15 =	simm.s32 $0x8;
	[sflag:s16] =	ssyncset.done @!p0 $0x0  }
0xd0: {  	s18 =	simm.s32 $0x9;
	s3 =	simm.s32 $0x0;
	[sflag:s16] =	ssyncadd.s32 @!p0 $0xFFFFFF80  }
0xd1: {  	_ =	sfence.sel $0x180000  }
0xd2: {  	[bflag:$0x0] =	sbarrier.arrive $0xFFFF  }
0xd3: {  	_ =	strace $0x9000004D  }
0xd4: {  	s0 =	stileid.u32;
	[bflag:$0x2] =	sbarrier.arrive $0xFFFF  }
0xd5: {  	p0 =	sne.s32 s0, $0x0;
	s0 =	rddreg [dreg:$0x2]  }
0xd6: {  	s0 =	sadd.s32 @!p0 $0x100000, s0  }
0xd7: {  	[sflag:s0] =	ssyncadd.tile.s32 @!p0 $0x1;
	_ =	shalt  }
.Lfunc_end2:
_tile_overlayer_lowered:
.L_overlay_start_2:
0xd8: {  	(tag) =	ssettag $0x2  }
0xd9: {  	s0 =	rddreg [dreg:$0x0];
	s2 =	stileid.u32  }
0xda: {  	s1 =	rddreg [dreg:$0x1];
	p0 =	sne.s32 s2, $0x0  }
0xdb: {  	s3 =	rddreg [dreg:$0x2];
	[bflag:$0x3] =	sbarrier.arrive $0xFFFF;
	s2 =	simm.s32 @!p0 $0x1C10  }
0xdc: {  	[timem:s3], [sflag:s2] =	dma.local @!p0 [hbm:s0], s1  }
0xdd: {  	s0 =	simm.s32 @!p0 $0x10  }
0xde: {  	_ =	swait.ge @!p0 [sflag:s0], s1  }
0xdf: {  	s1 =	ssub.s32 @!p0 $0x0, s1;
	[sflag:s0] =	ssyncset.done @!p0 $0x0  }
0xe0: {  	[sflag:s0] =	ssyncadd.s32 @!p0 s1  }
0xe1: {  	[bflag:$0x3] =	sbarrier.arrive $0xFFFF  }
0xe2: {  	_ =	shalt  }

// kernel: kernel.22.cloned.1.call-start
scs
__scs_entry_jumppad:
0x0: {  	(pc) =	sbr.rel $0x88, $3  }
0x1: {  	(tag) =	ssettag $0x0;
	lr =	simm.s32 $0x1  }
0x2: {  	[smem:$0x3F95] =	sst lr;
	_ =	strace $0xD0000000  }
0x3: {  	_ = 	snop  }
0x4: {  	_ = 	snop  }
0x5: {  	_ = 	snop  }
0x6: {  	_ = 	snop  }
0x7: {  	_ = 	snop  }
__scs_overlays_trampoline_lowered:
0x8: {  	[smem:$0x3FA4] =	sst s0  }
0x9: {  	[smem:$0x3FA5] =	sst s1  }
0xa: {  	[smem:$0x3FA6] =	sst s2  }
0xb: {  	[smem:$0x3FA7] =	sst s3  }
0xc: {  	[smem:$0x3FA8] =	sst s4  }
0xd: {  	[smem:$0x3FA9] =	sst s5  }
0xe: {  	[smem:$0x3FAA] =	sst s6  }
0xf: {  	[smem:$0x3FAB] =	sst s7  }
0x10: {  	[smem:$0x3FAC] =	sst s8  }
0x11: {  	[smem:$0x3FAD] =	sst s9;
	s0 =	simm.s32 @!p0 $0x0  }
0x12: {  	s1 =	sld [smem:$0x3F93];
	s0 =	simm.s32 @p0 $0x1  }
0x13: {  	[smem:$0x3FAE] =	sst s0;
	s0 =	simm.s32 @!p1 $0x0  }
0x14: {  	s2 =	sld [smem:$0x3F92];
	s0 =	simm.s32 @p1 $0x1  }
0x15: {  	[smem:$0x3FAF] =	sst s0;
	s0 =	simm.s32 @!p2 $0x0  }
0x16: {  	s3 =	sld [smem:$0x3FDB];
	s0 =	simm.s32 @p2 $0x1  }
0x17: {  	s4 =	simm.s32 $0x1BF5;
	[smem:$0x3FB1] =	sst s0  }
0x18: {  	s0 =	sld [smem:$0x3F94];
	_ =	swait.ge [sflag:s4], $0x0  }
0x19: {  	s7 =	sld [smem:$0x3F95]  }
0x1a: {  	s8 =	sadd.s32 $0xFFFFE003, lr  }
0x1b: {  	s9 =	sadd.s32 $0xFFFFFEF7, lr;
	s5 =	simm.s32 $0xFFFFFFFF;
	p2 =	slt.u32 s8, $0xFFFFF086  }
0x1c: {  	p1 =	slt.u32 s9, $0xF7A;
	s5 =	simm.s32 @!p2 $0x0  }
0x1d: {  	s5 =	simm.s32 @p1 $0x1;
	p0 =	seq.s32 s7, s2  }
0x1e: {  	s7 =	smul.u32 @!p0 $0xF7A, s2;
	p2 =	seq.s32 @!p0 s5, $0x0  }
0x1f: {  	s9 =	smul.u32 $0xF7A, s1;
	s8 =	simm.s32 @!p0 $0x1BF5;
	p2 =	por !p2, p0  }
0x20: {  	[sflag:s8] =	ssyncset.s32 @!p0 $0xFFFFF086;
	s6 =	sadd.s32 @!p0 s3, s7;
	s7 =	simm.s32 @!p0 $0x108  }
0x21: {  	s3 =	sadd.s32 s3, s9;
	s6 =	sadd.s32 @!p0 $0x88, s6;
	s7 =	simm.s32 @p2 $0x1082  }
0x22: {  	[simem:s7], [sflag:s8] =	dma.local @!p0 [hbm:s6], $0xF7A  }
0x23: {  	s9 =	sor.u32 $0xD0000000, s2;
	s6 =	simm.s32 $0x108;
	_ =	swait.ge @!p0 [sflag:s8], $0x0  }
0x24: {  	s3 =	sadd.s32 $0x88, s3;
	s6 =	simm.s32 @!p1 $0x1082;
	[sflag:s4] =	ssyncset.s32 $0xFFFFF086  }
0x25: {  	[simem:s6], [sflag:s4] =	dma.local [hbm:s3], $0xF7A  }
0x26: {  	[smem:$0x3F95] =	sst s1;
	(tag) =	ssettag s2;
	_ =	strace s9  }
0x27: {  	s1 =	sld [smem:$0x3FA5]  }
0x28: {  	s2 =	sld [smem:$0x3FA6]  }
0x29: {  	s4 =	sld [smem:$0x3FA8]  }
0x2a: {  	p0 =	seq.s32 s5, $0x0;
	s5 =	sld [smem:$0x3FA9]  }
0x2b: {  	s6 =	sld [smem:$0x3FAA]  }
0x2c: {  	s7 =	sld [smem:$0x3FAB]  }
0x2d: {  	s3 =	simm.s32 $0x108;
	s8 =	sld [smem:$0x3FAC]  }
0x2e: {  	s3 =	simm.s32 @!p0 $0x1082;
	s9 =	sld [smem:$0x3FAD]  }
0x2f: {  	lr =	sadd.s32 s0, s3;
	s0 =	sld [smem:$0x3FA4]  }
0x30: {  	s3 =	sld [smem:$0x3FA7]  }
0x31: {  	[smem:$0x3FB0] =	sst s10  }
0x32: {  	s10 =	sld [smem:$0x3FAE];
	_ =	sdelay $0x3  }
0x33: {  	p0 =	seq.s32 s10, $0x1;
	s10 =	sld [smem:$0x3FB0];
	_ =	sdelay $0x3  }
0x34: {  	[smem:$0x3FB0] =	sst s10  }
0x35: {  	s10 =	sld [smem:$0x3FAF];
	_ =	sdelay $0x3  }
0x36: {  	p1 =	seq.s32 s10, $0x1;
	s10 =	sld [smem:$0x3FB0];
	_ =	sdelay $0x3  }
0x37: {  	[smem:$0x3FB0] =	sst s10  }
0x38: {  	s10 =	sld [smem:$0x3FB1]  }
0x39: {  	_ = 	snop;
	(pc) =	sbr.ind lr, $3  }
0x3a: {  	_ = 	snop  }
0x3b: {  	_ = 	snop  }
0x3c: {  	p2 =	seq.s32 s10, $0x1;
	s10 =	sld [smem:$0x3FB0]  }
0x3d: {  	_ =	shalt  }
0x3e: {  	_ =	shalt  }
0x3f: {  	_ =	shalt  }
0x40: {  	_ =	shalt  }
0x41: {  	_ =	shalt  }
0x42: {  	_ =	shalt  }
0x43: {  	_ =	shalt  }
0x44: {  	_ =	shalt  }
0x45: {  	_ =	shalt  }
0x46: {  	_ =	shalt  }
0x47: {  	_ =	shalt  }
0x48: {  	_ =	shalt  }
0x49: {  	_ =	shalt  }
0x4a: {  	_ =	shalt  }
0x4b: {  	_ =	shalt  }
0x4c: {  	_ =	shalt  }
0x4d: {  	_ =	shalt  }
0x4e: {  	_ =	shalt  }
0x4f: {  	_ =	shalt  }
0x50: {  	_ =	shalt  }
0x51: {  	_ =	shalt  }
0x52: {  	_ =	shalt  }
0x53: {  	_ =	shalt  }
0x54: {  	_ =	shalt  }
0x55: {  	_ =	shalt  }
0x56: {  	_ =	shalt  }
0x57: {  	_ =	shalt  }
0x58: {  	_ =	shalt  }
0x59: {  	_ =	shalt  }
0x5a: {  	_ =	shalt  }
0x5b: {  	_ =	shalt  }
0x5c: {  	_ =	shalt  }
0x5d: {  	_ =	shalt  }
0x5e: {  	_ =	shalt  }
0x5f: {  	_ =	shalt  }
0x60: {  	_ =	shalt  }
0x61: {  	_ =	shalt  }
0x62: {  	_ =	shalt  }
0x63: {  	_ =	shalt  }
0x64: {  	_ =	shalt  }
0x65: {  	_ =	shalt  }
0x66: {  	_ =	shalt  }
0x67: {  	_ =	shalt  }
0x68: {  	_ =	shalt  }
0x69: {  	_ =	shalt  }
0x6a: {  	_ =	shalt  }
0x6b: {  	_ =	shalt  }
0x6c: {  	_ =	shalt  }
0x6d: {  	_ =	shalt  }
0x6e: {  	_ =	shalt  }
0x6f: {  	_ =	shalt  }
0x70: {  	_ =	shalt  }
0x71: {  	_ =	shalt  }
0x72: {  	_ =	shalt  }
0x73: {  	_ =	shalt  }
0x74: {  	_ =	shalt  }
0x75: {  	_ =	shalt  }
0x76: {  	_ =	shalt  }
0x77: {  	_ =	shalt  }
0x78: {  	_ =	shalt  }
0x79: {  	_ =	shalt  }
0x7a: {  	_ =	shalt  }
0x7b: {  	_ =	shalt  }
0x7c: {  	_ =	shalt  }
0x7d: {  	_ =	shalt  }
0x7e: {  	_ =	shalt  }
0x7f: {  	_ =	shalt  }
0x80: {  	_ =	shalt  }
0x81: {  	_ =	shalt  }
0x82: {  	_ =	shalt  }
0x83: {  	_ =	shalt  }
0x84: {  	_ =	shalt  }
0x85: {  	_ =	shalt  }
0x86: {  	_ =	shalt  }
0x87: {  	_ =	shalt  }
.Lfunc_end0:
.L_simem_size_0:
called_computation.3_lowered:
.L_overlay_start_0:
0x88: {  	s2 =	sld [smem:$0x3FD9]  }
0x89: {  	s3 =	sld [smem:$0x3FFE];
	_ =	sdelay $0x1  }
0x8a: {  	s1 =	srdreg.scid  }
0x8b: {  	s0 =	sand.u32 $0x1, s1  }
0x8c: {  	s14 =	sshll.u32 s0, $0xA;
	s2 =	sadd.s32 s3, s2  }
0x8d: {  	s2 =	sadd.s32 s2, s14  }
0x8e: {  	[smem:$0x3FBC] =	sst s2  }
0x8f: {  	_ = 	snop  }
0x90: {  	s2 =	sld [smem:$0x3FD0];
	_ =	sdelay $0x2  }
0x91: {  	s15 =	simm.s32 $0xA;
	s4 =	simm.s32 $0x10  }
0x92: {  	[smem:s4], [sflag:s15] =	dma.local [hbm:s2], $0x1  }
0x93: {  	_ =	swait.eq [sflag:s15], $0x1  }
0x94: {  	s16 =	sld [smem:$0x10];
	[sflag:s15] =	ssyncset.done $0x0  }
0x95: {  	s17 =	sld [smem:$0x11];
	[sflag:s15] =	ssyncadd.s32 $0xFFFFFFFF  }
0x96: {  	s18 =	sld [smem:$0x12];
	(tm) =	ssettm $0x1  }
0x97: {  	s5 =	sld [smem:$0x3FFB];
	_ =	sdelay $0x3  }
0x98: {  	_ =	strace s5  }
0x99: {  	s5 =	sld [smem:$0x3FFC];
	_ =	sdelay $0x3  }
0x9a: {  	_ =	strace s5  }
0x9b: {  	s5 =	sld [smem:$0x3FFD];
	_ =	sdelay $0x3  }
0x9c: {  	_ =	strace s5  }
0x9d: {  	_ =	strace $0x8FFFFFFF  }
0x9e: {  	s19 =	sld [smem:$0x3FDB];
	_ =	sdelay $0x1  }
0x9f: {  	s6 =	simm.s32 $_scs_section_size  }
0xa0: {  	s7 =	simm.s32 $_size__tile_overlayer_lowered;
	s8 =	simm.s32 $_tile_overlayer_lowered  }
0xa1: {  	s22 =	simm.s32 $0x1BFF;
	s21 =	sshll.u32 s8, $0x1;
	s5 =	sadd.s32 s6, s19  }
0xa2: {  	s9 =	simm.s32 $0x0;
	s20 =	sshll.u32 s7, $0x1;
	s7 =	sadd.s32 s21, s5  }
0xa3: {  	[timem:s9], [sflag:s22] =	dma.local [hbm:s7], s20  }
0xa4: {  	_ =	swait.ge [sflag:s22], s20  }
0xa5: {  	s6 =	ssub.s32 $0x0, s20;
	[sflag:s22] =	ssyncset.done $0x0  }
0xa6: {  	[sflag:s22] =	ssyncadd.s32 s6;
	_ =	sdelay $0x1  }
0xa7: {  	s23 =	simm.s32 $0x1B8B  }
0xa8: {  	_ =	swait.ge [sflag:s23], $0x1  }
0xa9: {  	[sflag:s23] =	ssyncset.done $0x0  }
0xaa: {  	s25 =	simm.s32 $0x1B8E;
	s24 =	sld [smem:$0x3FFE];
	[sflag:s23] =	ssyncadd.s32 $0xFFFFFFFF  }
0xab: {  	s26 =	simm.s32 $execute0_lowered;
	[smem:$0x3FD2] =	sst s25  }
0xac: {  	s7 =	sshll.u32 s26, $0x1;
	_ =	strace $0x8000004F;
	[dreg:$0x1] =	wrdreg $0xFFFFFFFF  }
0xad: {  	s28 =	simm.s32 $_size_execute0_lowered;
	s5 =	sadd.s32 s5, s7;
	[dreg:$0x0] =	wrdreg $0x0  }
0xae: {  	s7 =	sshll.u32 s28, $0x1;
	[dreg:$0x2] =	wrdreg s5  }
0xaf: {  	[dreg:$0x3] =	wrdreg s7  }
0xb0: {  	[dreg:$0x4] =	wrdreg $0xC0  }
0xb1: {  	_ =	task [dreg:s9], $0x5FFFF  }
0xb2: {  	[dreg:$0x1] =	wrdreg $0xFFFFFFFF  }
0xb3: {  	[dreg:$0x0] =	wrdreg $0x60  }
0xb4: {  	[dreg:$0x2] =	wrdreg s18  }
0xb5: {  	[dreg:$0x3] =	wrdreg s24  }
0xb6: {  	[dreg:$0x4] =	wrdreg s17  }
0xb7: {  	[dreg:$0x5] =	wrdreg s16  }
0xb8: {  	[dreg:$0x6] =	wrdreg $0x40D80  }
0xb9: {  	[dreg:$0x7] =	wrdreg $0x9  }
0xba: {  	_ =	task.clear_ibuf [dreg:s9], $0x8FFFF;
	_ =	strace $0x9000004F  }
0xbb: {  	s29 =	simm.s32 $0x9;
	_ =	strace $0x80000051  }
0xbc: {  	_ =	swait.ge [sflag:s29], $0x1  }
0xbd: {  	[sflag:s29] =	ssyncadd.s32 $0xFFFFFFFF  }
0xbe: {  	_ =	strace $0x90000051  }
0xbf: {  	_ =	sfence  }
0xc0: {  	s30 =	sld [smem:$0x0];
	_ =	sdelay $0x2  }
0xc1: {  	s31 =	sshll.u32 s1, $0xD;
	s1 =	sshrl.u32 s1, $0x2  }
0xc2: {  	s3 =	sand.u32 $0x4000, s31;
	s1 =	sadd.s32 s1, s30  }
0xc3: {  	s0 =	sor.u32 s3, s0;
	s1 =	sshll.u32 s1, $0x11  }
0xc4: {  	s0 =	sor.u32 s1, s0  }
0xc5: {  	s0 =	sadd.s32 $0x8F2B, s0  }
0xc6: {  	[sflag:s0] =	ssyncadd.remote.s32 $0x1  }
0xc7: {  	_ =	sfence.sel $0xFFFF  }
0xc8: {  	[dreg:$0x0] =	wrdreg $0xFFFFFFFF;
	(pc) =	sbr.abs _section_cstart, $3  }
0xc9: {  	[dreg:$0x1] =	wrdreg $0xFFFFFFFF  }
0xca: {  	_ =	task.clear_ibuf [dreg:s9], $0x2FFFF;
	_ =	strace $0x9FFFFFFF  }
0xcb: {  	(tm) =	ssettm $0x7FFFFFFF  }
tec
execute0_lowered:
.L_overlay_start_1:
0x0: {  	(tag) =	ssettag $0x1  }
0x1: {  	s0 =	rddreg [dreg:$0x0]  }
0x2: {  	s1 =	rddreg [dreg:$0x1]  }
0x3: {  	s2 =	rddreg [dreg:$0x2]  }
0x4: {  	s3 =	srdreg.scid;
	s5 =	rddreg [dreg:$0x3]  }
0x5: {  	s4 =	rddreg [dreg:$0x4];
	s12 =	stileid.u32  }
0x6: {  	s20 =	simm.s32 $0x10;
	s13 =	simm.s32 $0x6;
	s14 =	simm.s32 $0x7  }
0x7: {  	s15 =	simm.s32 $0x8;
	s28 =	simm.s32 $0x0;
	s9 =	smul.u32 $0x4E00, s12  }
0x8: {  	s6 =	sand.u32 $0x1, s3;
	s3 =	simm.s32 $0x0;
	s18 =	smul.u32 $0x2710, s12  }
0x9: {  	p0 =	sne.s32 s12, $0xF;
	s31 =	sshll.u32 s12, $0x6;
	s7 =	sshll.u32 s6, $0x4  }
0xa: {  	[smem:$0x7FF] =	sst s3;
	s8 =	ssub.s32 $0x2, s6;
	s11 =	smul.u32 $0x27100, s6  }
0xb: {  	s6 =	smul.u32 $0x9C40, s6;
	s7 =	sor.u32 s12, s7;
	_ =	strace $0x80000050  }
0xc: {  	s10 =	sshrl.u32 s8, $0x1;
	s19 =	sadd.s32 s9, s4;
	s9 =	sshrl.u32 s9, $0x3  }
0xd: {  	s12 =	simm.s32 $0xF;
	s7 =	smul.u32 $0x2710, s7;
	s8 =	ssub.s32 s8, s10  }
0xe: {  	[dreg:$0x7] =	wrdreg s9;
	s9 =	sadd.s32 s2, s9;
	s21 =	sadd.s32 s18, s11  }
0xf: {  	s10 =	sadd.s32 $0x4E000, s4;
	s2 =	sadd.s32 $0x9C00, s2;
	[dreg:$0x8] =	wrdreg s9  }
0x10: {  	s5 =	sadd.s32 s5, s6;
	s11 =	simm.s32 $0x5;
	[dreg:$0x9] =	wrdreg s2  }
0x11: {  	s18 =	simm.s32 $0x9;
	s22 =	sadd.s32 $0xA0, s21;
	[dreg:$0xa] =	wrdreg s5  }
0x12: {  	s23 =	sshrl.u32 s21, $0x3;
	s24 =	smax.u32 s8, $0x1;
	s25 =	sadd.s32 $0x78, s21  }
0x13: {  	s26 =	sadd.s32 $0x50, s21;
	s29 =	sadd.s32 $0x28, s21;
	s21 =	sor.u32 $0x1C10, s31  }
0x14: {  	s8 =	simm.s32 $0xD;
	s9 =	simm.s32 $0x4;
	s7 =	sshrl.u32 s7, $0x3  }
0x15: {  	s2 =	sshrl.u32 s22, $0x3;
	[dreg:$0xb] =	wrdreg s24;
	s6 =	sshrl.u32 s29, $0x3  }
0x16: {  	s22 =	sshrl.u32 s19, $0x3;
	[dreg:$0x11] =	wrdreg s21;
	s7 =	sadd.s32 s7, s1  }
0x17: {  	s1 =	sadd.s32 $0xF800, s1;
	[dreg:$0x12] =	wrdreg s22;
	s7 =	sadd.s32 $0x5A00, s7  }
0x18: {  	s24 =	simm.s32 $0x2710;
	s5 =	sadd.s32 s23, s1;
	[dreg:$0x6] =	wrdreg s7  }
0x19: {  	s2 =	sadd.s32 s2, s1;
	s23 =	sshrl.u32 @!p0 s10, $0x3;
	[dreg:$0xc] =	wrdreg s5  }
0x1a: {  	s10 =	simm.s32 $0xE;
	[dreg:$0xd] =	wrdreg s2;
	s2 =	sshrl.u32 s25, $0x3  }
0x1b: {  	s5 =	sshrl.u32 s26, $0x3;
	s26 =	simm.s32 $0x2738;
	s25 =	simm.s32 $0x28  }
0x1c: {  	s7 =	simm.s32 $0xC;
	[dreg:$0x13] =	wrdreg s23;
	s2 =	sadd.s32 s2, s1  }
0x1d: {  	s30 =	sadd.s32 s5, s1;
	s1 =	sadd.s32 s6, s1;
	[dreg:$0xe] =	wrdreg s2  }
0x1e: {  	s5 =	simm.s32 $0x2;
	s6 =	simm.s32 $0x3;
	[dreg:$0xf] =	wrdreg s30  }
0x1f: {  	[dreg:$0x10] =	wrdreg s1;
	s1 =	simm.s32 $0x1;
	s2 =	simm.s32 $0xB  }
.LBB2_1:
0x20: {  	[dreg:$0x14] =	wrdreg s28  }
0x21: {  	s16 =	rddreg [dreg:$0x6]  }
0x22: {  	[tilespmem:s3], [sflag:$0x10] =	stream.linear.gather [hbm4b:s16+s3], $0x2710, $0x38;
	[tilespmem:$0x8EF8] =	vst v63  }
0x23: {  	_ =	swait.ge [sflag:s20], $0x2710  }
0x24: {  	[sflag:s20] =	ssyncset.done $0x0  }
0x25: {  	s19 =	rddreg [dreg:$0x8];
	[sflag:s20] =	ssyncadd.s32 $0xFFFFD8F0  }
0x26: {  	[spmem:s22], [sflag:s21] =	dma.local [hbm:s19], $0x9C0  }
0x27: {  	_ =	swait.ge [sflag:s20], $0x9C0  }
0x28: {  	[sflag:s20] =	ssyncset.done $0x0  }
0x29: {  	s16 =	rddreg [dreg:$0x9];
	[sflag:s20] =	ssyncadd.s32 $0xFFFFF640  }
0x2a: {  	[spmem:s23], [sflag:s21] =	dma.local @!p0 [hbm:s16], $0x40  }
0x2b: {  	s16 =	simm.s32 @!p0 $0x10  }
0x2c: {  	_ =	swait.ge @!p0 [sflag:s16], $0x40  }
0x2d: {  	[sflag:s16] =	ssyncset.done @!p0 $0x0  }
0x2e: {  	[sflag:s16] =	ssyncadd.s32 @!p0 $0xFFFFFFC0  }
0x2f: {  	[bflag:$0x0] =	sbarrier.arrive $0xFFFF  }
0x30: {  	s28 =	rddreg [dreg:$0xc]  }
0x31: {  	[tilespmem:s24], [sflag:$0xB] =	stream.linear.gather [hbm4b:s28+s3], $0x28, $0x38;
	[tilespmem:$0x8EF8] =	vst v63  }
0x32: {  	s21 =	rddreg [dreg:$0x10]  }
0x33: {  	[tilespmem:s26], [sflag:$0xC] =	stream.linear.gather [hbm4b:s21+s3], $0x28, $0x38;
	[tilespmem:$0x8EF8] =	vst v63  }
0x34: {  	s29 =	simm.s32 $0x2760;
	s22 =	rddreg [dreg:$0xf]  }
0x35: {  	[tilespmem:s29], [sflag:$0xD] =	stream.linear.gather [hbm4b:s22+s3], $0x28, $0x38;
	[tilespmem:$0x8EF8] =	vst v63  }
0x36: {  	s23 =	simm.s32 $0x2788;
	s20 =	rddreg [dreg:$0xe]  }
0x37: {  	[tilespmem:s23], [sflag:$0xE] =	stream.linear.gather [hbm4b:s20+s3], $0x28, $0x38;
	[tilespmem:$0x8EF8] =	vst v63  }
0x38: {  	s30 =	simm.s32 $0x27B0;
	s23 =	rddreg [dreg:$0xd]  }
0x39: {  	[tilespmem:s30], [sflag:$0xF] =	stream.linear.gather [hbm4b:s23+s3], $0x28, $0x38;
	[tilespmem:$0x8EF8] =	vst v63  }
0x3a: {  	s31 =	simm.s32 $0x0;
	s17 =	simm.s32 $0x27D8  }
0x3b: {  	[tilespmem:s17], [sflag:$0x1] =	stream.indirect.gather [hbm4b:s0+s25], $0x20, s31, s25, $0xb8;
	[tilespmem:$0x8EF8] =	vst v63  }
0x3c: {  	s3 =	simm.s32 $0x28;
	s31 =	simm.s32 $0x2CD8  }
0x3d: {  	[tilespmem:s31], [sflag:$0x2] =	stream.indirect.gather [hbm4b:s0+s25], $0x20, s3, s25, $0xb8;
	[tilespmem:$0x8EF8] =	vst v63  }
0x3e: {  	s19 =	simm.s32 $0x50;
	s3 =	simm.s32 $0x31D8  }
0x3f: {  	[tilespmem:s3], [sflag:$0x3] =	stream.indirect.gather [hbm4b:s0+s25], $0x20, s19, s25, $0xb8;
	[tilespmem:$0x8EF8] =	vst v63  }
0x40: {  	s30 =	simm.s32 $0x78;
	s19 =	simm.s32 $0x36D8  }
0x41: {  	[tilespmem:s19], [sflag:$0x4] =	stream.indirect.gather [hbm4b:s0+s25], $0x20, s30, s25, $0xb8;
	[tilespmem:$0x8EF8] =	vst v63  }
0x42: {  	s16 =	simm.s32 $0xA0;
	s30 =	simm.s32 $0x3BD8  }
0x43: {  	[tilespmem:s30], [sflag:$0x5] =	stream.indirect.gather [hbm4b:s0+s25], $0x20, s16, s25, $0xb8;
	[tilespmem:$0x8EF8] =	vst v63  }
0x44: {  	_ =	swait.ge [sflag:s1], $0x500  }
0x45: {  	[sflag:s1] =	ssyncset.done $0x0  }
0x46: {  	[sflag:s1] =	ssyncadd.s32 $0xFFFFFB00  }
0x47: {  	_ =	swait.ge [sflag:s2], $0x28  }
0x48: {  	[sflag:s2] =	ssyncset.done $0x0  }
0x49: {  	[sflag:s2] =	ssyncadd.s32 $0xFFFFFFD8  }
0x4a: {  	[spmem:s4] =	stream.indirect.scatter.add.f32 [tilespmem:s17], [sflag:$0x6], $0x20, s24, s25, $0xb8;
	[tilespmem:$0x8EF8] =	vst v63  }
0x4b: {  	_ =	swait.ge [sflag:s5], $0x500  }
0x4c: {  	[sflag:s5] =	ssyncset.done $0x0  }
0x4d: {  	[sflag:s5] =	ssyncadd.s32 $0xFFFFFB00  }
0x4e: {  	_ =	swait.ge [sflag:s7], $0x28  }
0x4f: {  	[sflag:s7] =	ssyncset.done $0x0  }
0x50: {  	[sflag:s7] =	ssyncadd.s32 $0xFFFFFFD8  }
0x51: {  	[spmem:s4] =	stream.indirect.scatter.add.f32 [tilespmem:s31], [sflag:$0x7], $0x20, s26, s25, $0xb8;
	[tilespmem:$0x8EF8] =	vst v63  }
0x52: {  	_ =	swait.ge [sflag:s6], $0x500  }
0x53: {  	[sflag:s6] =	ssyncset.done $0x0  }
0x54: {  	[sflag:s6] =	ssyncadd.s32 $0xFFFFFB00  }
0x55: {  	_ =	swait.ge [sflag:s8], $0x28  }
0x56: {  	[sflag:s8] =	ssyncset.done $0x0  }
0x57: {  	[sflag:s8] =	ssyncadd.s32 $0xFFFFFFD8  }
0x58: {  	[spmem:s4] =	stream.indirect.scatter.add.f32 [tilespmem:s3], [sflag:$0x8], $0x20, s29, s25, $0xb8;
	[tilespmem:$0x8EF8] =	vst v63  }
0x59: {  	_ =	swait.ge [sflag:s9], $0x500  }
0x5a: {  	[sflag:s9] =	ssyncset.done $0x0  }
0x5b: {  	[sflag:s9] =	ssyncadd.s32 $0xFFFFFB00  }
0x5c: {  	_ =	swait.ge [sflag:s10], $0x28  }
0x5d: {  	[sflag:s10] =	ssyncset.done $0x0  }
0x5e: {  	s17 =	simm.s32 $0x2788;
	[sflag:s10] =	ssyncadd.s32 $0xFFFFFFD8  }
0x5f: {  	[spmem:s4] =	stream.indirect.scatter.add.f32 [tilespmem:s19], [sflag:$0x9], $0x20, s17, s25, $0xb8;
	[tilespmem:$0x8EF8] =	vst v63  }
0x60: {  	_ =	swait.ge [sflag:s11], $0x500  }
0x61: {  	[sflag:s11] =	ssyncset.done $0x0  }
0x62: {  	[sflag:s11] =	ssyncadd.s32 $0xFFFFFB00  }
0x63: {  	_ =	swait.ge [sflag:s12], $0x28  }
0x64: {  	[sflag:s12] =	ssyncset.done $0x0  }
0x65: {  	s29 =	simm.s32 $0x27B0;
	[sflag:s12] =	ssyncadd.s32 $0xFFFFFFD8  }
0x66: {  	[spmem:s4] =	stream.indirect.scatter.add.f32 [tilespmem:s30], [sflag:$0xA], $0x20, s29, s25, $0xb8;
	[tilespmem:$0x8EF8] =	vst v63  }
0x67: {  	_ =	swait.ge [sflag:s13], $0x500  }
0x68: {  	[sflag:s13] =	ssyncset.done $0x0  }
0x69: {  	[sflag:s13] =	ssyncadd.s32 $0xFFFFFB00  }
0x6a: {  	_ =	swait.ge [sflag:s14], $0x500  }
0x6b: {  	[sflag:s14] =	ssyncset.done $0x0  }
0x6c: {  	s20 =	sadd.s32 $0x19, s20;
	[sflag:s14] =	ssyncadd.s32 $0xFFFFFB00  }
0x6d: {  	s16 =	simm.s32 $0x320;
	s5 =	simm.s32 $0x0;
	_ =	swait.ge [sflag:s15], $0x500  }
0x6e: {  	s31 =	simm.s32 $0xA;
	s3 =	smov.u32 s0;
	[sflag:s15] =	ssyncset.done $0x0  }
0x6f: {  	s9 =	simm.s32 $0x4;
	s10 =	simm.s32 $0xD;
	[sflag:s15] =	ssyncadd.s32 $0xFFFFFB00  }
0x70: {  	s17 =	sadd.s32 $0x19, s21;
	s21 =	sadd.s32 $0x19, s22;
	_ =	swait.ge [sflag:s18], $0x500  }
0x71: {  	s22 =	smov.u32 s28;
	s19 =	simm.s32 $0x9;
	[sflag:s18] =	ssyncset.done $0x0  }
0x72: {  	s11 =	simm.s32 $0xE;
	s12 =	simm.s32 $0x5;
	[sflag:s18] =	ssyncadd.s32 $0xFFFFFB00  }
0x73: {  	s13 =	simm.s32 $0xF;
	s14 =	simm.s32 $0x6;
	_ =	swait.ge [sflag:s31], $0x500  }
0x74: {  	s15 =	simm.s32 $0x7;
	s18 =	simm.s32 $0x8;
	[sflag:s31] =	ssyncset.done $0x0  }
.LBB2_2:
0x75: {  	s0 =	simm.s32 $0xA  }
0x76: {  	s22 =	sadd.s32 $0x19, s22;
	s23 =	sadd.s32 $0x19, s23;
	[sflag:s0] =	ssyncadd.s32 $0xFFFFFB00  }
0x77: {  	[tilespmem:s24], [sflag:$0xB] =	stream.linear.gather [hbm4b:s22+s5], $0x28, $0x38;
	[tilespmem:$0x8EF8] =	vst v63  }
0x78: {  	p1 =	sne.s32 s16, $0x9920;
	s24 =	smov.u32 s16;
	s16 =	sadd.s32 $0x320, s16  }
0x79: {  	[tilespmem:s26], [sflag:$0xC] =	stream.linear.gather [hbm4b:s17+s5], $0x28, $0x38;
	[tilespmem:$0x8EF8] =	vst v63  }
0x7a: {  	s28 =	simm.s32 $0x2760  }
0x7b: {  	[tilespmem:s28], [sflag:$0xD] =	stream.linear.gather [hbm4b:s21+s5], $0x28, $0x38;
	[tilespmem:$0x8EF8] =	vst v63  }
0x7c: {  	s29 =	simm.s32 $0x2788  }
0x7d: {  	[tilespmem:s29], [sflag:$0xE] =	stream.linear.gather [hbm4b:s20+s5], $0x28, $0x38;
	[tilespmem:$0x8EF8] =	vst v63  }
0x7e: {  	s30 =	simm.s32 $0x27B0  }
0x7f: {  	[tilespmem:s30], [sflag:$0xF] =	stream.linear.gather [hbm4b:s23+s5], $0x28, $0x38;
	[tilespmem:$0x8EF8] =	vst v63  }
0x80: {  	s31 =	simm.s32 $0x27D8;
	s24 =	sshra.s32 s24, $0x2  }
0x81: {  	[tilespmem:s31], [sflag:$0x1] =	stream.indirect.gather [hbm4b:s3+s25], $0x20, s24, s25, $0xb8;
	[tilespmem:$0x8EF8] =	vst v63  }
0x82: {  	s1 =	simm.s32 $0x2CD8;
	s26 =	sadd.s32 $0x28, s24  }
0x83: {  	[tilespmem:s1], [sflag:$0x2] =	stream.indirect.gather [hbm4b:s3+s25], $0x20, s26, s25, $0xb8;
	[tilespmem:$0x8EF8] =	vst v63  }
0x84: {  	s8 =	simm.s32 $0x31D8;
	s26 =	sadd.s32 $0x50, s24  }
0x85: {  	[tilespmem:s8], [sflag:$0x3] =	stream.indirect.gather [hbm4b:s3+s25], $0x20, s26, s25, $0xb8;
	[tilespmem:$0x8EF8] =	vst v63  }
0x86: {  	s2 =	simm.s32 $0x36D8;
	s26 =	sadd.s32 $0x78, s24  }
0x87: {  	[tilespmem:s2], [sflag:$0x4] =	stream.indirect.gather [hbm4b:s3+s25], $0x20, s26, s25, $0xb8;
	[tilespmem:$0x8EF8] =	vst v63  }
0x88: {  	s26 =	simm.s32 $0x2738  }
0x89: {  	s6 =	simm.s32 $0x3BD8;
	s24 =	sadd.s32 $0xA0, s24  }
0x8a: {  	[tilespmem:s6], [sflag:$0x5] =	stream.indirect.gather [hbm4b:s3+s25], $0x20, s24, s25, $0xb8;
	[tilespmem:$0x8EF8] =	vst v63  }
0x8b: {  	s7 =	simm.s32 $0x1;
	s24 =	simm.s32 $0x2710  }
0x8c: {  	_ =	swait.ge [sflag:s7], $0x500  }
0x8d: {  	[sflag:s7] =	ssyncset.done $0x0  }
0x8e: {  	[sflag:s7] =	ssyncadd.s32 $0xFFFFFB00;
	s7 =	simm.s32 $0xB  }
0x8f: {  	_ =	swait.ge [sflag:s7], $0x28  }
0x90: {  	[sflag:s7] =	ssyncset.done $0x0  }
0x91: {  	[sflag:s7] =	ssyncadd.s32 $0xFFFFFFD8;
	s7 =	simm.s32 $0x2  }
0x92: {  	[spmem:s4] =	stream.indirect.scatter.add.f32 [tilespmem:s31], [sflag:$0x6], $0x20, s24, s25, $0xb8;
	[tilespmem:$0x8EF8] =	vst v63  }
0x93: {  	_ =	swait.ge [sflag:s7], $0x500  }
0x94: {  	[sflag:s7] =	ssyncset.done $0x0  }
0x95: {  	s31 =	simm.s32 $0xC;
	[sflag:s7] =	ssyncadd.s32 $0xFFFFFB00  }
0x96: {  	_ =	swait.ge [sflag:s31], $0x28  }
0x97: {  	[sflag:s31] =	ssyncset.done $0x0  }
0x98: {  	[sflag:s31] =	ssyncadd.s32 $0xFFFFFFD8  }
0x99: {  	[spmem:s4] =	stream.indirect.scatter.add.f32 [tilespmem:s1], [sflag:$0x7], $0x20, s26, s25, $0xb8;
	[tilespmem:$0x8EF8] =	vst v63  }
0x9a: {  	s1 =	simm.s32 $0x3  }
0x9b: {  	_ =	swait.ge [sflag:s1], $0x500  }
0x9c: {  	[sflag:s1] =	ssyncset.done $0x0  }
0x9d: {  	[sflag:s1] =	ssyncadd.s32 $0xFFFFFB00  }
0x9e: {  	_ =	swait.ge [sflag:s10], $0x28  }
0x9f: {  	[sflag:s10] =	ssyncset.done $0x0  }
0xa0: {  	[sflag:s10] =	ssyncadd.s32 $0xFFFFFFD8  }
0xa1: {  	[spmem:s4] =	stream.indirect.scatter.add.f32 [tilespmem:s8], [sflag:$0x8], $0x20, s28, s25, $0xb8;
	[tilespmem:$0x8EF8] =	vst v63  }
0xa2: {  	_ =	swait.ge [sflag:s9], $0x500  }
0xa3: {  	[sflag:s9] =	ssyncset.done $0x0  }
0xa4: {  	[sflag:s9] =	ssyncadd.s32 $0xFFFFFB00  }
0xa5: {  	_ =	swait.ge [sflag:s11], $0x28  }
0xa6: {  	[sflag:s11] =	ssyncset.done $0x0  }
0xa7: {  	[sflag:s11] =	ssyncadd.s32 $0xFFFFFFD8  }
0xa8: {  	[spmem:s4] =	stream.indirect.scatter.add.f32 [tilespmem:s2], [sflag:$0x9], $0x20, s29, s25, $0xb8;
	[tilespmem:$0x8EF8] =	vst v63  }
0xa9: {  	_ =	swait.ge [sflag:s12], $0x500  }
0xaa: {  	[sflag:s12] =	ssyncset.done $0x0  }
0xab: {  	[sflag:s12] =	ssyncadd.s32 $0xFFFFFB00  }
0xac: {  	_ =	swait.ge [sflag:s13], $0x28  }
0xad: {  	[sflag:s13] =	ssyncset.done $0x0  }
0xae: {  	[sflag:s13] =	ssyncadd.s32 $0xFFFFFFD8  }
0xaf: {  	[spmem:s4] =	stream.indirect.scatter.add.f32 [tilespmem:s6], [sflag:$0xA], $0x20, s30, s25, $0xb8;
	[tilespmem:$0x8EF8] =	vst v63  }
0xb0: {  	_ =	swait.ge [sflag:s14], $0x500  }
0xb1: {  	[sflag:s14] =	ssyncset.done $0x0  }
0xb2: {  	[sflag:s14] =	ssyncadd.s32 $0xFFFFFB00  }
0xb3: {  	_ =	swait.ge [sflag:s15], $0x500  }
0xb4: {  	[sflag:s15] =	ssyncset.done $0x0  }
0xb5: {  	[sflag:s15] =	ssyncadd.s32 $0xFFFFFB00  }
0xb6: {  	_ =	swait.ge [sflag:s18], $0x500  }
0xb7: {  	[sflag:s18] =	ssyncset.done $0x0  }
0xb8: {  	[sflag:s18] =	ssyncadd.s32 $0xFFFFFB00  }
.Ltmp0:
0xb9: {  	_ =	swait.ge [sflag:s19], $0x500;
	(pc) =	sbr.rel @p1 .LBB2_2-.Ltmp0, $4  }
0xba: {  	[sflag:s19] =	ssyncset.done $0x0  }
0xbb: {  	[sflag:s19] =	ssyncadd.s32 $0xFFFFFB00  }
0xbc: {  	s17 =	sadd.s32 $0x19, s17;
	s21 =	sadd.s32 $0x19, s21;
	_ =	swait.ge [sflag:s0], $0x500  }
0xbd: {  	s20 =	sadd.s32 $0x19, s20;
	s1 =	simm.s32 $0xA;
	[sflag:s0] =	ssyncset.done $0x0  }
0xbe: {  	[sflag:s1] =	ssyncadd.s32 $0xFFFFFB00  }
0xbf: {  	[bflag:$0x0] =	sbarrier.arrive $0xFFFF  }
0xc0: {  	s16 =	rddreg [dreg:$0x7]  }
0xc1: {  	s17 =	rddreg [dreg:$0xa]  }
0xc2: {  	s21 =	rddreg [dreg:$0x11]  }
0xc3: {  	s20 =	simm.s32 $0x10;
	s22 =	rddreg [dreg:$0x12];
	s16 =	sadd.s32 s16, s17  }
0xc4: {  	[hbm:s16], [sflag:s21] =	dma.local [spmem:s22], $0x9C0  }
0xc5: {  	_ =	swait.ge [sflag:s20], $0x9C0  }
0xc6: {  	[sflag:s20] =	ssyncset.done $0x0  }
0xc7: {  	s16 =	sadd.s32 @!p0 $0x9C00, s17;
	s23 =	rddreg [dreg:$0x13];
	[sflag:s20] =	ssyncadd.s32 $0xFFFFF640  }
0xc8: {  	[hbm:s16], [sflag:s21] =	dma.local @!p0 [spmem:s23], $0x40  }
0xc9: {  	s16 =	simm.s32 @!p0 $0x10  }
0xca: {  	_ =	swait.ge @!p0 [sflag:s16], $0x40  }
0xcb: {  	s1 =	simm.s32 $0x1;
	s28 =	rddreg [dreg:$0x14]  }
0xcc: {  	s2 =	simm.s32 $0xB;
	s31 =	rddreg [dreg:$0xb];
	s28 =	sadd.s32 $0x1, s28  }
0xcd: {  	s5 =	simm.s32 $0x2;
	s7 =	simm.s32 $0xC;
	p1 =	sne.s32 s28, s31  }
.Ltmp1:
0xce: {  	s6 =	simm.s32 $0x3;
	s8 =	simm.s32 $0xD;
	(pc) =	sbr.rel @p1 .LBB2_1-.Ltmp1, $4  }
0xcf: {  	s9 =	simm.s32 $0x4;
	s10 =	simm.s32 $0xE;
	s11 =	simm.s32 $0x5  }
0xd0: {  	s12 =	simm.s32 $0xF;
	s13 =	simm.s32 $0x6;
	s14 =	simm.s32 $0x7  }
0xd1: {  	s15 =	simm.s32 $0x8;
	s18 =	simm.s32 $0x9;
	[sflag:s16] =	ssyncset.done @!p0 $0x0  }
0xd2: {  	s0 =	smov.u32 s3;
	s3 =	simm.s32 $0x0;
	[sflag:s16] =	ssyncadd.s32 @!p0 $0xFFFFFFC0  }
0xd3: {  	_ =	sfence.sel $0x180000  }
0xd4: {  	[bflag:$0x0] =	sbarrier.arrive $0xFFFF  }
0xd5: {  	_ =	strace $0x90000050  }
0xd6: {  	s0 =	stileid.u32;
	[bflag:$0x2] =	sbarrier.arrive $0xFFFF  }
0xd7: {  	p0 =	sne.s32 s0, $0x0;
	s0 =	rddreg [dreg:$0x5]  }
0xd8: {  	s0 =	sadd.s32 @!p0 $0x100000, s0  }
0xd9: {  	[sflag:s0] =	ssyncadd.tile.s32 @!p0 $0x1;
	_ =	shalt  }
.Lfunc_end2:
_tile_overlayer_lowered:
.L_overlay_start_2:
0xda: {  	(tag) =	ssettag $0x2  }
0xdb: {  	s0 =	rddreg [dreg:$0x0];
	s2 =	stileid.u32  }
0xdc: {  	s1 =	rddreg [dreg:$0x1];
	p0 =	sne.s32 s2, $0x0  }
0xdd: {  	s3 =	rddreg [dreg:$0x2];
	[bflag:$0x3] =	sbarrier.arrive $0xFFFF;
	s2 =	simm.s32 @!p0 $0x1C10  }
0xde: {  	[timem:s3], [sflag:s2] =	dma.local @!p0 [hbm:s0], s1  }
0xdf: {  	s0 =	simm.s32 @!p0 $0x10  }
0xe0: {  	_ =	swait.ge @!p0 [sflag:s0], s1  }
0xe1: {  	s1 =	ssub.s32 @!p0 $0x0, s1;
	[sflag:s0] =	ssyncset.done @!p0 $0x0  }
0xe2: {  	[sflag:s0] =	ssyncadd.s32 @!p0 s1  }
0xe3: {  	[bflag:$0x3] =	sbarrier.arrive $0xFFFF  }
0xe4: {  	_ =	shalt  }

// kernel: kernel.25.cloned.1.call-start
scs
__scs_entry_jumppad:
0x0: {  	(pc) =	sbr.rel $0x88, $3  }
0x1: {  	(tag) =	ssettag $0x0;
	lr =	simm.s32 $0x1  }
0x2: {  	[smem:$0x3F95] =	sst lr;
	_ =	strace $0xD0000000  }
0x3: {  	_ = 	snop  }
0x4: {  	_ = 	snop  }
0x5: {  	_ = 	snop  }
0x6: {  	_ = 	snop  }
0x7: {  	_ = 	snop  }
__scs_overlays_trampoline_lowered:
0x8: {  	[smem:$0x3FA4] =	sst s0  }
0x9: {  	[smem:$0x3FA5] =	sst s1  }
0xa: {  	[smem:$0x3FA6] =	sst s2  }
0xb: {  	[smem:$0x3FA7] =	sst s3  }
0xc: {  	[smem:$0x3FA8] =	sst s4  }
0xd: {  	[smem:$0x3FA9] =	sst s5  }
0xe: {  	[smem:$0x3FAA] =	sst s6  }
0xf: {  	[smem:$0x3FAB] =	sst s7  }
0x10: {  	[smem:$0x3FAC] =	sst s8  }
0x11: {  	[smem:$0x3FAD] =	sst s9;
	s0 =	simm.s32 @!p0 $0x0  }
0x12: {  	s1 =	sld [smem:$0x3F93];
	s0 =	simm.s32 @p0 $0x1  }
0x13: {  	[smem:$0x3FAE] =	sst s0;
	s0 =	simm.s32 @!p1 $0x0  }
0x14: {  	s2 =	sld [smem:$0x3F92];
	s0 =	simm.s32 @p1 $0x1  }
0x15: {  	[smem:$0x3FAF] =	sst s0;
	s0 =	simm.s32 @!p2 $0x0  }
0x16: {  	s3 =	sld [smem:$0x3FDB];
	s0 =	simm.s32 @p2 $0x1  }
0x17: {  	s4 =	simm.s32 $0x1BF5;
	[smem:$0x3FB1] =	sst s0  }
0x18: {  	s0 =	sld [smem:$0x3F94];
	_ =	swait.ge [sflag:s4], $0x0  }
0x19: {  	s7 =	sld [smem:$0x3F95]  }
0x1a: {  	s8 =	sadd.s32 $0xFFFFE003, lr  }
0x1b: {  	s9 =	sadd.s32 $0xFFFFFEF7, lr;
	s5 =	simm.s32 $0xFFFFFFFF;
	p2 =	slt.u32 s8, $0xFFFFF086  }
0x1c: {  	p1 =	slt.u32 s9, $0xF7A;
	s5 =	simm.s32 @!p2 $0x0  }
0x1d: {  	s5 =	simm.s32 @p1 $0x1;
	p0 =	seq.s32 s7, s2  }
0x1e: {  	s7 =	smul.u32 @!p0 $0xF7A, s2;
	p2 =	seq.s32 @!p0 s5, $0x0  }
0x1f: {  	s9 =	smul.u32 $0xF7A, s1;
	s8 =	simm.s32 @!p0 $0x1BF5;
	p2 =	por !p2, p0  }
0x20: {  	[sflag:s8] =	ssyncset.s32 @!p0 $0xFFFFF086;
	s6 =	sadd.s32 @!p0 s3, s7;
	s7 =	simm.s32 @!p0 $0x108  }
0x21: {  	s3 =	sadd.s32 s3, s9;
	s6 =	sadd.s32 @!p0 $0x88, s6;
	s7 =	simm.s32 @p2 $0x1082  }
0x22: {  	[simem:s7], [sflag:s8] =	dma.local @!p0 [hbm:s6], $0xF7A  }
0x23: {  	s9 =	sor.u32 $0xD0000000, s2;
	s6 =	simm.s32 $0x108;
	_ =	swait.ge @!p0 [sflag:s8], $0x0  }
0x24: {  	s3 =	sadd.s32 $0x88, s3;
	s6 =	simm.s32 @!p1 $0x1082;
	[sflag:s4] =	ssyncset.s32 $0xFFFFF086  }
0x25: {  	[simem:s6], [sflag:s4] =	dma.local [hbm:s3], $0xF7A  }
0x26: {  	[smem:$0x3F95] =	sst s1;
	(tag) =	ssettag s2;
	_ =	strace s9  }
0x27: {  	s1 =	sld [smem:$0x3FA5]  }
0x28: {  	s2 =	sld [smem:$0x3FA6]  }
0x29: {  	s4 =	sld [smem:$0x3FA8]  }
0x2a: {  	p0 =	seq.s32 s5, $0x0;
	s5 =	sld [smem:$0x3FA9]  }
0x2b: {  	s6 =	sld [smem:$0x3FAA]  }
0x2c: {  	s7 =	sld [smem:$0x3FAB]  }
0x2d: {  	s3 =	simm.s32 $0x108;
	s8 =	sld [smem:$0x3FAC]  }
0x2e: {  	s3 =	simm.s32 @!p0 $0x1082;
	s9 =	sld [smem:$0x3FAD]  }
0x2f: {  	lr =	sadd.s32 s0, s3;
	s0 =	sld [smem:$0x3FA4]  }
0x30: {  	s3 =	sld [smem:$0x3FA7]  }
0x31: {  	[smem:$0x3FB0] =	sst s10  }
0x32: {  	s10 =	sld [smem:$0x3FAE];
	_ =	sdelay $0x3  }
0x33: {  	p0 =	seq.s32 s10, $0x1;
	s10 =	sld [smem:$0x3FB0];
	_ =	sdelay $0x3  }
0x34: {  	[smem:$0x3FB0] =	sst s10  }
0x35: {  	s10 =	sld [smem:$0x3FAF];
	_ =	sdelay $0x3  }
0x36: {  	p1 =	seq.s32 s10, $0x1;
	s10 =	sld [smem:$0x3FB0];
	_ =	sdelay $0x3  }
0x37: {  	[smem:$0x3FB0] =	sst s10  }
0x38: {  	s10 =	sld [smem:$0x3FB1]  }
0x39: {  	_ = 	snop;
	(pc) =	sbr.ind lr, $3  }
0x3a: {  	_ = 	snop  }
0x3b: {  	_ = 	snop  }
0x3c: {  	p2 =	seq.s32 s10, $0x1;
	s10 =	sld [smem:$0x3FB0]  }
0x3d: {  	_ =	shalt  }
0x3e: {  	_ =	shalt  }
0x3f: {  	_ =	shalt  }
0x40: {  	_ =	shalt  }
0x41: {  	_ =	shalt  }
0x42: {  	_ =	shalt  }
0x43: {  	_ =	shalt  }
0x44: {  	_ =	shalt  }
0x45: {  	_ =	shalt  }
0x46: {  	_ =	shalt  }
0x47: {  	_ =	shalt  }
0x48: {  	_ =	shalt  }
0x49: {  	_ =	shalt  }
0x4a: {  	_ =	shalt  }
0x4b: {  	_ =	shalt  }
0x4c: {  	_ =	shalt  }
0x4d: {  	_ =	shalt  }
0x4e: {  	_ =	shalt  }
0x4f: {  	_ =	shalt  }
0x50: {  	_ =	shalt  }
0x51: {  	_ =	shalt  }
0x52: {  	_ =	shalt  }
0x53: {  	_ =	shalt  }
0x54: {  	_ =	shalt  }
0x55: {  	_ =	shalt  }
0x56: {  	_ =	shalt  }
0x57: {  	_ =	shalt  }
0x58: {  	_ =	shalt  }
0x59: {  	_ =	shalt  }
0x5a: {  	_ =	shalt  }
0x5b: {  	_ =	shalt  }
0x5c: {  	_ =	shalt  }
0x5d: {  	_ =	shalt  }
0x5e: {  	_ =	shalt  }
0x5f: {  	_ =	shalt  }
0x60: {  	_ =	shalt  }
0x61: {  	_ =	shalt  }
0x62: {  	_ =	shalt  }
0x63: {  	_ =	shalt  }
0x64: {  	_ =	shalt  }
0x65: {  	_ =	shalt  }
0x66: {  	_ =	shalt  }
0x67: {  	_ =	shalt  }
0x68: {  	_ =	shalt  }
0x69: {  	_ =	shalt  }
0x6a: {  	_ =	shalt  }
0x6b: {  	_ =	shalt  }
0x6c: {  	_ =	shalt  }
0x6d: {  	_ =	shalt  }
0x6e: {  	_ =	shalt  }
0x6f: {  	_ =	shalt  }
0x70: {  	_ =	shalt  }
0x71: {  	_ =	shalt  }
0x72: {  	_ =	shalt  }
0x73: {  	_ =	shalt  }
0x74: {  	_ =	shalt  }
0x75: {  	_ =	shalt  }
0x76: {  	_ =	shalt  }
0x77: {  	_ =	shalt  }
0x78: {  	_ =	shalt  }
0x79: {  	_ =	shalt  }
0x7a: {  	_ =	shalt  }
0x7b: {  	_ =	shalt  }
0x7c: {  	_ =	shalt  }
0x7d: {  	_ =	shalt  }
0x7e: {  	_ =	shalt  }
0x7f: {  	_ =	shalt  }
0x80: {  	_ =	shalt  }
0x81: {  	_ =	shalt  }
0x82: {  	_ =	shalt  }
0x83: {  	_ =	shalt  }
0x84: {  	_ =	shalt  }
0x85: {  	_ =	shalt  }
0x86: {  	_ =	shalt  }
0x87: {  	_ =	shalt  }
.Lfunc_end0:
.L_simem_size_0:
called_computation.4_lowered:
.L_overlay_start_0:
0x88: {  	s2 =	sld [smem:$0x3FD9]  }
0x89: {  	s3 =	sld [smem:$0x3FFE];
	_ =	sdelay $0x1  }
0x8a: {  	s1 =	srdreg.scid  }
0x8b: {  	s0 =	sand.u32 $0x1, s1  }
0x8c: {  	s14 =	sshll.u32 s0, $0xA;
	s2 =	sadd.s32 s3, s2  }
0x8d: {  	s2 =	sadd.s32 s2, s14  }
0x8e: {  	[smem:$0x3FBC] =	sst s2  }
0x8f: {  	_ = 	snop  }
0x90: {  	s2 =	sld [smem:$0x3FD0];
	_ =	sdelay $0x2  }
0x91: {  	s15 =	simm.s32 $0xA;
	s4 =	simm.s32 $0x10  }
0x92: {  	[smem:s4], [sflag:s15] =	dma.local [hbm:s2], $0x1  }
0x93: {  	_ =	swait.eq [sflag:s15], $0x1  }
0x94: {  	[sflag:s15] =	ssyncset.done $0x0  }
0x95: {  	[sflag:s15] =	ssyncadd.s32 $0xFFFFFFFF  }
0x96: {  	s16 =	sld [smem:$0x10];
	(tm) =	ssettm $0x1  }
0x97: {  	s17 =	sld [smem:$0x3FFB];
	_ =	sdelay $0x3  }
0x98: {  	_ =	strace s17  }
0x99: {  	s3 =	sld [smem:$0x3FFC];
	_ =	sdelay $0x3  }
0x9a: {  	_ =	strace s3  }
0x9b: {  	s3 =	sld [smem:$0x3FFD];
	_ =	sdelay $0x3  }
0x9c: {  	_ =	strace s3  }
0x9d: {  	_ =	strace $0x8FFFFFFF  }
0x9e: {  	s18 =	sld [smem:$0x3FDB];
	_ =	sdelay $0x1  }
0x9f: {  	s19 =	simm.s32 $_scs_section_size  }
0xa0: {  	s5 =	simm.s32 $_size__tile_overlayer_lowered;
	s6 =	simm.s32 $_tile_overlayer_lowered  }
0xa1: {  	s22 =	simm.s32 $0x1BFF;
	s21 =	sshll.u32 s6, $0x1;
	s3 =	sadd.s32 s19, s18  }
0xa2: {  	s7 =	simm.s32 $0x0;
	s20 =	sshll.u32 s5, $0x1;
	s5 =	sadd.s32 s21, s3  }
0xa3: {  	[timem:s7], [sflag:s22] =	dma.local [hbm:s5], s20  }
0xa4: {  	_ =	swait.ge [sflag:s22], s20  }
0xa5: {  	s4 =	ssub.s32 $0x0, s20;
	[sflag:s22] =	ssyncset.done $0x0  }
0xa6: {  	[sflag:s22] =	ssyncadd.s32 s4;
	_ =	sdelay $0x1  }
0xa7: {  	s23 =	simm.s32 $0x1B8B  }
0xa8: {  	_ =	swait.ge [sflag:s23], $0x1  }
0xa9: {  	[sflag:s23] =	ssyncset.done $0x0  }
0xaa: {  	s25 =	simm.s32 $0x1B8E;
	s24 =	sld [smem:$0x3FFE];
	[sflag:s23] =	ssyncadd.s32 $0xFFFFFFFF  }
0xab: {  	s26 =	simm.s32 $execute0_lowered;
	[smem:$0x3FD2] =	sst s25  }
0xac: {  	s5 =	sshll.u32 s26, $0x1;
	_ =	strace $0x80000052;
	[dreg:$0x1] =	wrdreg $0xFFFFFFFF  }
0xad: {  	s28 =	simm.s32 $_size_execute0_lowered;
	s3 =	sadd.s32 s3, s5;
	[dreg:$0x0] =	wrdreg $0x0  }
0xae: {  	s5 =	sshll.u32 s28, $0x1;
	[dreg:$0x2] =	wrdreg s3  }
0xaf: {  	[dreg:$0x3] =	wrdreg s5  }
0xb0: {  	[dreg:$0x4] =	wrdreg $0xC0  }
0xb1: {  	_ =	task [dreg:s7], $0x5FFFF  }
0xb2: {  	[dreg:$0x1] =	wrdreg $0xFFFFFFFF  }
0xb3: {  	[dreg:$0x0] =	wrdreg $0x60  }
0xb4: {  	[dreg:$0x2] =	wrdreg s16  }
0xb5: {  	[dreg:$0x3] =	wrdreg s24  }
0xb6: {  	[dreg:$0x4] =	wrdreg $0x8F800  }
0xb7: {  	[dreg:$0x5] =	wrdreg $0x9  }
0xb8: {  	_ =	task.clear_ibuf [dreg:s7], $0x6FFFF;
	_ =	strace $0x90000052  }
0xb9: {  	s29 =	simm.s32 $0x9;
	_ =	strace $0x80000054  }
0xba: {  	_ =	swait.ge [sflag:s29], $0x1  }
0xbb: {  	[sflag:s29] =	ssyncadd.s32 $0xFFFFFFFF  }
0xbc: {  	_ =	strace $0x90000054  }
0xbd: {  	_ =	sfence  }
0xbe: {  	s30 =	sld [smem:$0x0];
	_ =	sdelay $0x2  }
0xbf: {  	s31 =	sshll.u32 s1, $0xD;
	s1 =	sshrl.u32 s1, $0x2  }
0xc0: {  	s3 =	sand.u32 $0x4000, s31;
	s1 =	sadd.s32 s1, s30  }
0xc1: {  	s0 =	sor.u32 s3, s0;
	s1 =	sshll.u32 s1, $0x11  }
0xc2: {  	s0 =	sor.u32 s1, s0  }
0xc3: {  	s0 =	sadd.s32 $0x8F2B, s0  }
0xc4: {  	[sflag:s0] =	ssyncadd.remote.s32 $0x1  }
0xc5: {  	_ =	sfence.sel $0xFFFF  }
0xc6: {  	[dreg:$0x0] =	wrdreg $0xFFFFFFFF;
	(pc) =	sbr.abs _section_cstart, $3  }
0xc7: {  	[dreg:$0x1] =	wrdreg $0xFFFFFFFF  }
0xc8: {  	_ =	task.clear_ibuf [dreg:s7], $0x2FFFF;
	_ =	strace $0x9FFFFFFF  }
0xc9: {  	(tm) =	ssettm $0x7FFFFFFF  }
tec
execute0_lowered:
.L_overlay_start_1:
0x0: {  	(tag) =	ssettag $0x1  }
0x1: {  	s0 =	srdreg.scid;
	s1 =	rddreg [dreg:$0x0]  }
0x2: {  	s2 =	rddreg [dreg:$0x1];
	s13 =	stileid.u32  }
0x3: {  	s3 =	rddreg [dreg:$0x2];
	s14 =	simm.s32 $0x7;
	s15 =	simm.s32 $0x8  }
0x4: {  	s18 =	simm.s32 $0x9;
	s28 =	simm.s32 $0x0;
	s8 =	smul.u32 $0x2700, s13  }
0x5: {  	s0 =	sand.u32 $0x1, s0;
	s6 =	sadd.s32 $0xF800, s2;
	s9 =	smul.u32 $0x4E000, s13  }
0x6: {  	s12 =	smul.u32 $0x2710, s13;
	p0 =	sne.s32 s13, $0xF;
	s31 =	sshll.u32 s13, $0x6  }
0x7: {  	s4 =	sshll.u32 s0, $0x4;
	s7 =	smul.u32 $0x27100, s0;
	s0 =	ssub.s32 $0x2, s0  }
0x8: {  	s5 =	sor.u32 s13, s4;
	s4 =	simm.s32 $0x0;
	s11 =	sshrl.u32 s0, $0x1  }
0x9: {  	s19 =	sshrl.u32 s9, $0x2;
	s9 =	simm.s32 $0x4;
	s13 =	simm.s32 $0x6  }
0xa: {  	s5 =	smul.u32 $0x2710, s5;
	[smem:$0x7FF] =	sst s4;
	s10 =	sadd.s32 s7, s2  }
0xb: {  	s0 =	ssub.s32 s0, s11;
	s7 =	sadd.s32 s12, s7;
	s11 =	simm.s32 $0x5  }
0xc: {  	s12 =	simm.s32 $0xF;
	_ =	strace $0x80000053;
	[dreg:$0x4] =	wrdreg s8  }
0xd: {  	s8 =	sadd.s32 s8, s2;
	s20 =	sadd.s32 $0xA0, s7;
	s21 =	sadd.s32 $0x67A00, s10  }
0xe: {  	s22 =	sshrl.u32 s7, $0x3;
	s0 =	smax.u32 s0, $0x1;
	s25 =	sadd.s32 $0x78, s7  }
0xf: {  	s26 =	sadd.s32 $0x50, s7;
	s7 =	sadd.s32 $0x28, s7;
	s10 =	simm.s32 $0xE  }
0x10: {  	s5 =	sshrl.u32 s5, $0x3;
	s8 =	sadd.s32 $0x40800, s8;
	[dreg:$0x8] =	wrdreg s21  }
0x11: {  	[dreg:$0x9] =	wrdreg s0;
	s23 =	sadd.s32 s22, s6;
	s0 =	sshrl.u32 s25, $0x3  }
0x12: {  	s7 =	sshrl.u32 s7, $0x3;
	s21 =	sor.u32 $0x1C10, s31;
	[dreg:$0x6] =	wrdreg s8  }
0x13: {  	s25 =	simm.s32 $0x28;
	s5 =	sadd.s32 s5, s2;
	[dreg:$0xa] =	wrdreg s23  }
0x14: {  	s8 =	sadd.s32 $0x138000, s3;
	s2 =	sadd.s32 $0x67800, s2;
	[dreg:$0xf] =	wrdreg s21  }
0x15: {  	s0 =	sadd.s32 s0, s6;
	s30 =	sadd.s32 s7, s6;
	[dreg:$0x7] =	wrdreg s2  }
0x16: {  	s7 =	simm.s32 $0x3;
	s5 =	sadd.s32 $0x5A00, s5;
	[dreg:$0xc] =	wrdreg s0  }
0x17: {  	s2 =	sshrl.u32 s20, $0x3;
	[dreg:$0xe] =	wrdreg s30;
	s20 =	simm.s32 $0x10  }
0x18: {  	s23 =	sshrl.u32 @!p0 s8, $0x3;
	s0 =	simm.s32 $0x1;
	s8 =	simm.s32 $0xD  }
0x19: {  	[dreg:$0x5] =	wrdreg s5;
	s5 =	sadd.s32 s19, s3;
	s24 =	sadd.s32 s2, s6  }
0x1a: {  	s2 =	sshrl.u32 s26, $0x3;
	s26 =	simm.s32 $0x2800;
	[dreg:$0x11] =	wrdreg s23  }
0x1b: {  	[dreg:$0xb] =	wrdreg s24;
	s29 =	sadd.s32 s2, s6;
	s22 =	sshrl.u32 s5, $0x3  }
0x1c: {  	s24 =	simm.s32 $0x2780;
	s2 =	simm.s32 $0xB;
	[dreg:$0xd] =	wrdreg s29  }
0x1d: {  	s5 =	simm.s32 $0x2;
	s6 =	simm.s32 $0xC;
	[dreg:$0x10] =	wrdreg s22  }
.LBB2_1:
0x1e: {  	[dreg:$0x12] =	wrdreg s28  }
0x1f: {  	s16 =	rddreg [dreg:$0x5]  }
0x20: {  	[tilespmem:s4], [sflag:$0x10] =	stream.linear.gather [hbm4b:s16+s4], $0x2710, $0x38;
	[tilespmem:$0x1C800] =	vst v63  }
0x21: {  	_ =	swait.ge [sflag:s20], $0x2710  }
0x22: {  	[sflag:s20] =	ssyncset.done $0x0  }
0x23: {  	s19 =	rddreg [dreg:$0x6];
	[sflag:s20] =	ssyncadd.s32 $0xFFFFD8F0  }
0x24: {  	[spmem:s22], [sflag:s21] =	dma.local [hbm:s19], $0x2700  }
0x25: {  	_ =	swait.ge [sflag:s20], $0x2700  }
0x26: {  	[sflag:s20] =	ssyncset.done $0x0  }
0x27: {  	s16 =	rddreg [dreg:$0x7];
	[sflag:s20] =	ssyncadd.s32 $0xFFFFD900  }
0x28: {  	[spmem:s23], [sflag:s21] =	dma.local @!p0 [hbm:s16], $0x100  }
0x29: {  	s16 =	simm.s32 @!p0 $0x10  }
0x2a: {  	_ =	swait.ge @!p0 [sflag:s16], $0x100  }
0x2b: {  	[sflag:s16] =	ssyncset.done @!p0 $0x0  }
0x2c: {  	[sflag:s16] =	ssyncadd.s32 @!p0 $0xFFFFFF00  }
0x2d: {  	[bflag:$0x0] =	sbarrier.arrive $0xFFFF  }
0x2e: {  	s28 =	rddreg [dreg:$0xa]  }
0x2f: {  	[tilespmem:s24], [sflag:$0xB] =	stream.linear.gather [hbm4b:s28+s4], $0x28, $0x38;
	[tilespmem:$0x1C800] =	vst v63  }
0x30: {  	s21 =	rddreg [dreg:$0xe]  }
0x31: {  	[tilespmem:s26], [sflag:$0xC] =	stream.linear.gather [hbm4b:s21+s4], $0x28, $0x38;
	[tilespmem:$0x1C800] =	vst v63  }
0x32: {  	s29 =	simm.s32 $0x2880;
	s22 =	rddreg [dreg:$0xd]  }
0x33: {  	[tilespmem:s29], [sflag:$0xD] =	stream.linear.gather [hbm4b:s22+s4], $0x28, $0x38;
	[tilespmem:$0x1C800] =	vst v63  }
0x34: {  	s23 =	simm.s32 $0x2900;
	s20 =	rddreg [dreg:$0xc]  }
0x35: {  	[tilespmem:s23], [sflag:$0xE] =	stream.linear.gather [hbm4b:s20+s4], $0x28, $0x38;
	[tilespmem:$0x1C800] =	vst v63  }
0x36: {  	s30 =	simm.s32 $0x2980;
	s23 =	rddreg [dreg:$0xb]  }
0x37: {  	[tilespmem:s30], [sflag:$0xF] =	stream.linear.gather [hbm4b:s23+s4], $0x28, $0x38;
	[tilespmem:$0x1C800] =	vst v63  }
0x38: {  	s31 =	simm.s32 $0x0;
	s17 =	simm.s32 $0x2B80  }
0x39: {  	[tilespmem:s17], [sflag:$0x1] =	stream.indirect.gather [hbm4b:s1+s25], $0x80, s31, s25, $0xb8;
	[tilespmem:$0x1C800] =	vst v63  }
0x3a: {  	s4 =	simm.s32 $0x28;
	s31 =	simm.s32 $0x3F80  }
0x3b: {  	[tilespmem:s31], [sflag:$0x2] =	stream.indirect.gather [hbm4b:s1+s25], $0x80, s4, s25, $0xb8;
	[tilespmem:$0x1C800] =	vst v63  }
0x3c: {  	s19 =	simm.s32 $0x50;
	s4 =	simm.s32 $0x5380  }
0x3d: {  	[tilespmem:s4], [sflag:$0x3] =	stream.indirect.gather [hbm4b:s1+s25], $0x80, s19, s25, $0xb8;
	[tilespmem:$0x1C800] =	vst v63  }
0x3e: {  	s30 =	simm.s32 $0x78;
	s19 =	simm.s32 $0x6780  }
0x3f: {  	[tilespmem:s19], [sflag:$0x4] =	stream.indirect.gather [hbm4b:s1+s25], $0x80, s30, s25, $0xb8;
	[tilespmem:$0x1C800] =	vst v63  }
0x40: {  	s16 =	simm.s32 $0xA0;
	s30 =	simm.s32 $0x7B80  }
0x41: {  	[tilespmem:s30], [sflag:$0x5] =	stream.indirect.gather [hbm4b:s1+s25], $0x80, s16, s25, $0xb8;
	[tilespmem:$0x1C800] =	vst v63  }
0x42: {  	_ =	swait.ge [sflag:s0], $0x1400  }
0x43: {  	[sflag:s0] =	ssyncset.done $0x0  }
0x44: {  	[sflag:s0] =	ssyncadd.s32 $0xFFFFEC00  }
0x45: {  	_ =	swait.ge [sflag:s2], $0x28  }
0x46: {  	[sflag:s2] =	ssyncset.done $0x0  }
0x47: {  	[sflag:s2] =	ssyncadd.s32 $0xFFFFFFD8  }
0x48: {  	[spmem:s3] =	stream.indirect.scatter.add.f32 [tilespmem:s17], [sflag:$0x6], $0x80, s24, s25, $0xb8;
	[tilespmem:$0x1C800] =	vst v63  }
0x49: {  	_ =	swait.ge [sflag:s5], $0x1400  }
0x4a: {  	[sflag:s5] =	ssyncset.done $0x0  }
0x4b: {  	[sflag:s5] =	ssyncadd.s32 $0xFFFFEC00  }
0x4c: {  	_ =	swait.ge [sflag:s6], $0x28  }
0x4d: {  	[sflag:s6] =	ssyncset.done $0x0  }
0x4e: {  	[sflag:s6] =	ssyncadd.s32 $0xFFFFFFD8  }
0x4f: {  	[spmem:s3] =	stream.indirect.scatter.add.f32 [tilespmem:s31], [sflag:$0x7], $0x80, s26, s25, $0xb8;
	[tilespmem:$0x1C800] =	vst v63  }
0x50: {  	_ =	swait.ge [sflag:s7], $0x1400  }
0x51: {  	[sflag:s7] =	ssyncset.done $0x0  }
0x52: {  	[sflag:s7] =	ssyncadd.s32 $0xFFFFEC00  }
0x53: {  	_ =	swait.ge [sflag:s8], $0x28  }
0x54: {  	[sflag:s8] =	ssyncset.done $0x0  }
0x55: {  	[sflag:s8] =	ssyncadd.s32 $0xFFFFFFD8  }
0x56: {  	[spmem:s3] =	stream.indirect.scatter.add.f32 [tilespmem:s4], [sflag:$0x8], $0x80, s29, s25, $0xb8;
	[tilespmem:$0x1C800] =	vst v63  }
0x57: {  	_ =	swait.ge [sflag:s9], $0x1400  }
0x58: {  	[sflag:s9] =	ssyncset.done $0x0  }
0x59: {  	[sflag:s9] =	ssyncadd.s32 $0xFFFFEC00  }
0x5a: {  	_ =	swait.ge [sflag:s10], $0x28  }
0x5b: {  	[sflag:s10] =	ssyncset.done $0x0  }
0x5c: {  	s17 =	simm.s32 $0x2900;
	[sflag:s10] =	ssyncadd.s32 $0xFFFFFFD8  }
0x5d: {  	[spmem:s3] =	stream.indirect.scatter.add.f32 [tilespmem:s19], [sflag:$0x9], $0x80, s17, s25, $0xb8;
	[tilespmem:$0x1C800] =	vst v63  }
0x5e: {  	_ =	swait.ge [sflag:s11], $0x1400  }
0x5f: {  	[sflag:s11] =	ssyncset.done $0x0  }
0x60: {  	[sflag:s11] =	ssyncadd.s32 $0xFFFFEC00  }
0x61: {  	_ =	swait.ge [sflag:s12], $0x28  }
0x62: {  	[sflag:s12] =	ssyncset.done $0x0  }
0x63: {  	s29 =	simm.s32 $0x2980;
	[sflag:s12] =	ssyncadd.s32 $0xFFFFFFD8  }
0x64: {  	[spmem:s3] =	stream.indirect.scatter.add.f32 [tilespmem:s30], [sflag:$0xA], $0x80, s29, s25, $0xb8;
	[tilespmem:$0x1C800] =	vst v63  }
0x65: {  	_ =	swait.ge [sflag:s13], $0x1400  }
0x66: {  	[sflag:s13] =	ssyncset.done $0x0  }
0x67: {  	[sflag:s13] =	ssyncadd.s32 $0xFFFFEC00  }
0x68: {  	_ =	swait.ge [sflag:s14], $0x1400  }
0x69: {  	[sflag:s14] =	ssyncset.done $0x0  }
0x6a: {  	[sflag:s14] =	ssyncadd.s32 $0xFFFFEC00  }
0x6b: {  	s20 =	sadd.s32 $0x19, s20;
	s16 =	simm.s32 $0x320;
	_ =	swait.ge [sflag:s15], $0x1400  }
0x6c: {  	s0 =	simm.s32 $0x0;
	s31 =	simm.s32 $0xA;
	[sflag:s15] =	ssyncset.done $0x0  }
0x6d: {  	s8 =	simm.s32 $0x3;
	s9 =	simm.s32 $0x4;
	[sflag:s15] =	ssyncadd.s32 $0xFFFFEC00  }
0x6e: {  	s17 =	sadd.s32 $0x19, s21;
	s21 =	sadd.s32 $0x19, s22;
	_ =	swait.ge [sflag:s18], $0x1400  }
0x6f: {  	s22 =	smov.u32 s28;
	s19 =	simm.s32 $0x9;
	[sflag:s18] =	ssyncset.done $0x0  }
0x70: {  	s11 =	simm.s32 $0xE;
	s12 =	simm.s32 $0x5;
	[sflag:s18] =	ssyncadd.s32 $0xFFFFEC00  }
0x71: {  	s13 =	simm.s32 $0xF;
	s14 =	simm.s32 $0x6;
	_ =	swait.ge [sflag:s31], $0x1400  }
0x72: {  	s15 =	simm.s32 $0x7;
	s18 =	simm.s32 $0x8;
	[sflag:s31] =	ssyncset.done $0x0  }
.LBB2_2:
0x73: {  	s4 =	simm.s32 $0xA  }
0x74: {  	s22 =	sadd.s32 $0x19, s22;
	s23 =	sadd.s32 $0x19, s23;
	[sflag:s4] =	ssyncadd.s32 $0xFFFFEC00  }
0x75: {  	[tilespmem:s24], [sflag:$0xB] =	stream.linear.gather [hbm4b:s22+s0], $0x28, $0x38;
	[tilespmem:$0x1C800] =	vst v63  }
0x76: {  	p1 =	sne.s32 s16, $0x9920;
	s24 =	smov.u32 s16;
	s16 =	sadd.s32 $0x320, s16  }
0x77: {  	[tilespmem:s26], [sflag:$0xC] =	stream.linear.gather [hbm4b:s17+s0], $0x28, $0x38;
	[tilespmem:$0x1C800] =	vst v63  }
0x78: {  	s28 =	simm.s32 $0x2880  }
0x79: {  	[tilespmem:s28], [sflag:$0xD] =	stream.linear.gather [hbm4b:s21+s0], $0x28, $0x38;
	[tilespmem:$0x1C800] =	vst v63  }
0x7a: {  	s29 =	simm.s32 $0x2900  }
0x7b: {  	[tilespmem:s29], [sflag:$0xE] =	stream.linear.gather [hbm4b:s20+s0], $0x28, $0x38;
	[tilespmem:$0x1C800] =	vst v63  }
0x7c: {  	s30 =	simm.s32 $0x2980  }
0x7d: {  	[tilespmem:s30], [sflag:$0xF] =	stream.linear.gather [hbm4b:s23+s0], $0x28, $0x38;
	[tilespmem:$0x1C800] =	vst v63  }
0x7e: {  	s31 =	simm.s32 $0x2B80;
	s24 =	sshra.s32 s24, $0x2  }
0x7f: {  	[tilespmem:s31], [sflag:$0x1] =	stream.indirect.gather [hbm4b:s1+s25], $0x80, s24, s25, $0xb8;
	[tilespmem:$0x1C800] =	vst v63  }
0x80: {  	s2 =	simm.s32 $0x3F80;
	s26 =	sadd.s32 $0x28, s24  }
0x81: {  	[tilespmem:s2], [sflag:$0x2] =	stream.indirect.gather [hbm4b:s1+s25], $0x80, s26, s25, $0xb8;
	[tilespmem:$0x1C800] =	vst v63  }
0x82: {  	s5 =	simm.s32 $0x5380;
	s26 =	sadd.s32 $0x50, s24  }
0x83: {  	[tilespmem:s5], [sflag:$0x3] =	stream.indirect.gather [hbm4b:s1+s25], $0x80, s26, s25, $0xb8;
	[tilespmem:$0x1C800] =	vst v63  }
0x84: {  	s7 =	simm.s32 $0x6780;
	s26 =	sadd.s32 $0x78, s24  }
0x85: {  	[tilespmem:s7], [sflag:$0x4] =	stream.indirect.gather [hbm4b:s1+s25], $0x80, s26, s25, $0xb8;
	[tilespmem:$0x1C800] =	vst v63  }
0x86: {  	s26 =	simm.s32 $0x2800  }
0x87: {  	s10 =	simm.s32 $0x7B80;
	s24 =	sadd.s32 $0xA0, s24  }
0x88: {  	[tilespmem:s10], [sflag:$0x5] =	stream.indirect.gather [hbm4b:s1+s25], $0x80, s24, s25, $0xb8;
	[tilespmem:$0x1C800] =	vst v63  }
0x89: {  	s6 =	simm.s32 $0x1;
	s24 =	simm.s32 $0x2780  }
0x8a: {  	_ =	swait.ge [sflag:s6], $0x1400  }
0x8b: {  	[sflag:s6] =	ssyncset.done $0x0  }
0x8c: {  	[sflag:s6] =	ssyncadd.s32 $0xFFFFEC00;
	s6 =	simm.s32 $0xB  }
0x8d: {  	_ =	swait.ge [sflag:s6], $0x28  }
0x8e: {  	[sflag:s6] =	ssyncset.done $0x0  }
0x8f: {  	[sflag:s6] =	ssyncadd.s32 $0xFFFFFFD8;
	s6 =	simm.s32 $0x2  }
0x90: {  	[spmem:s3] =	stream.indirect.scatter.add.f32 [tilespmem:s31], [sflag:$0x6], $0x80, s24, s25, $0xb8;
	[tilespmem:$0x1C800] =	vst v63  }
0x91: {  	_ =	swait.ge [sflag:s6], $0x1400  }
0x92: {  	[sflag:s6] =	ssyncset.done $0x0  }
0x93: {  	[sflag:s6] =	ssyncadd.s32 $0xFFFFEC00;
	s6 =	simm.s32 $0xC  }
0x94: {  	_ =	swait.ge [sflag:s6], $0x28  }
0x95: {  	[sflag:s6] =	ssyncset.done $0x0  }
0x96: {  	[sflag:s6] =	ssyncadd.s32 $0xFFFFFFD8  }
0x97: {  	[spmem:s3] =	stream.indirect.scatter.add.f32 [tilespmem:s2], [sflag:$0x7], $0x80, s26, s25, $0xb8;
	[tilespmem:$0x1C800] =	vst v63  }
0x98: {  	_ =	swait.ge [sflag:s8], $0x1400  }
0x99: {  	[sflag:s8] =	ssyncset.done $0x0  }
0x9a: {  	s2 =	simm.s32 $0xD;
	[sflag:s8] =	ssyncadd.s32 $0xFFFFEC00  }
0x9b: {  	_ =	swait.ge [sflag:s2], $0x28  }
0x9c: {  	[sflag:s2] =	ssyncset.done $0x0  }
0x9d: {  	[sflag:s2] =	ssyncadd.s32 $0xFFFFFFD8  }
0x9e: {  	[spmem:s3] =	stream.indirect.scatter.add.f32 [tilespmem:s5], [sflag:$0x8], $0x80, s28, s25, $0xb8;
	[tilespmem:$0x1C800] =	vst v63  }
0x9f: {  	_ =	swait.ge [sflag:s9], $0x1400  }
0xa0: {  	[sflag:s9] =	ssyncset.done $0x0  }
0xa1: {  	[sflag:s9] =	ssyncadd.s32 $0xFFFFEC00  }
0xa2: {  	_ =	swait.ge [sflag:s11], $0x28  }
0xa3: {  	[sflag:s11] =	ssyncset.done $0x0  }
0xa4: {  	[sflag:s11] =	ssyncadd.s32 $0xFFFFFFD8  }
0xa5: {  	[spmem:s3] =	stream.indirect.scatter.add.f32 [tilespmem:s7], [sflag:$0x9], $0x80, s29, s25, $0xb8;
	[tilespmem:$0x1C800] =	vst v63  }
0xa6: {  	_ =	swait.ge [sflag:s12], $0x1400  }
0xa7: {  	[sflag:s12] =	ssyncset.done $0x0  }
0xa8: {  	[sflag:s12] =	ssyncadd.s32 $0xFFFFEC00  }
0xa9: {  	_ =	swait.ge [sflag:s13], $0x28  }
0xaa: {  	[sflag:s13] =	ssyncset.done $0x0  }
0xab: {  	[sflag:s13] =	ssyncadd.s32 $0xFFFFFFD8  }
0xac: {  	[spmem:s3] =	stream.indirect.scatter.add.f32 [tilespmem:s10], [sflag:$0xA], $0x80, s30, s25, $0xb8;
	[tilespmem:$0x1C800] =	vst v63  }
0xad: {  	_ =	swait.ge [sflag:s14], $0x1400  }
0xae: {  	[sflag:s14] =	ssyncset.done $0x0  }
0xaf: {  	[sflag:s14] =	ssyncadd.s32 $0xFFFFEC00  }
0xb0: {  	_ =	swait.ge [sflag:s15], $0x1400  }
0xb1: {  	[sflag:s15] =	ssyncset.done $0x0  }
0xb2: {  	[sflag:s15] =	ssyncadd.s32 $0xFFFFEC00  }
0xb3: {  	_ =	swait.ge [sflag:s18], $0x1400  }
0xb4: {  	[sflag:s18] =	ssyncset.done $0x0  }
0xb5: {  	[sflag:s18] =	ssyncadd.s32 $0xFFFFEC00  }
.Ltmp0:
0xb6: {  	_ =	swait.ge [sflag:s19], $0x1400;
	(pc) =	sbr.rel @p1 .LBB2_2-.Ltmp0, $4  }
0xb7: {  	[sflag:s19] =	ssyncset.done $0x0  }
0xb8: {  	[sflag:s19] =	ssyncadd.s32 $0xFFFFEC00  }
0xb9: {  	s17 =	sadd.s32 $0x19, s17;
	s21 =	sadd.s32 $0x19, s21;
	_ =	swait.ge [sflag:s4], $0x1400  }
0xba: {  	s20 =	sadd.s32 $0x19, s20;
	s2 =	simm.s32 $0xA;
	[sflag:s4] =	ssyncset.done $0x0  }
0xbb: {  	[sflag:s2] =	ssyncadd.s32 $0xFFFFEC00  }
0xbc: {  	[bflag:$0x0] =	sbarrier.arrive $0xFFFF  }
0xbd: {  	s16 =	rddreg [dreg:$0x4]  }
0xbe: {  	s17 =	rddreg [dreg:$0x8]  }
0xbf: {  	s21 =	rddreg [dreg:$0xf]  }
0xc0: {  	s20 =	simm.s32 $0x10;
	s22 =	rddreg [dreg:$0x10];
	s16 =	sadd.s32 s16, s17  }
0xc1: {  	[hbm:s16], [sflag:s21] =	dma.local [spmem:s22], $0x2700  }
0xc2: {  	_ =	swait.ge [sflag:s20], $0x2700  }
0xc3: {  	[sflag:s20] =	ssyncset.done $0x0  }
0xc4: {  	s16 =	sadd.s32 @!p0 $0x27000, s17;
	s23 =	rddreg [dreg:$0x11];
	[sflag:s20] =	ssyncadd.s32 $0xFFFFD900  }
0xc5: {  	[hbm:s16], [sflag:s21] =	dma.local @!p0 [spmem:s23], $0x100  }
0xc6: {  	s16 =	simm.s32 @!p0 $0x10  }
0xc7: {  	_ =	swait.ge @!p0 [sflag:s16], $0x100  }
0xc8: {  	s28 =	rddreg [dreg:$0x12]  }
0xc9: {  	s0 =	simm.s32 $0x1;
	s31 =	rddreg [dreg:$0x9];
	s28 =	sadd.s32 $0x1, s28  }
0xca: {  	s2 =	simm.s32 $0xB;
	s5 =	simm.s32 $0x2;
	p1 =	sne.s32 s28, s31  }
.Ltmp1:
0xcb: {  	s6 =	simm.s32 $0xC;
	s7 =	simm.s32 $0x3;
	(pc) =	sbr.rel @p1 .LBB2_1-.Ltmp1, $4  }
0xcc: {  	s8 =	simm.s32 $0xD;
	s9 =	simm.s32 $0x4;
	s10 =	simm.s32 $0xE  }
0xcd: {  	s11 =	simm.s32 $0x5;
	s12 =	simm.s32 $0xF;
	s13 =	simm.s32 $0x6  }
0xce: {  	s14 =	simm.s32 $0x7;
	s15 =	simm.s32 $0x8;
	[sflag:s16] =	ssyncset.done @!p0 $0x0  }
0xcf: {  	s18 =	simm.s32 $0x9;
	s4 =	simm.s32 $0x0;
	[sflag:s16] =	ssyncadd.s32 @!p0 $0xFFFFFF00  }
0xd0: {  	_ =	sfence.sel $0x180000  }
0xd1: {  	[bflag:$0x0] =	sbarrier.arrive $0xFFFF  }
0xd2: {  	_ =	strace $0x90000053  }
0xd3: {  	s0 =	stileid.u32;
	[bflag:$0x2] =	sbarrier.arrive $0xFFFF  }
0xd4: {  	p0 =	sne.s32 s0, $0x0;
	s0 =	rddreg [dreg:$0x3]  }
0xd5: {  	s0 =	sadd.s32 @!p0 $0x100000, s0  }
0xd6: {  	[sflag:s0] =	ssyncadd.tile.s32 @!p0 $0x1;
	_ =	shalt  }
.Lfunc_end2:
_tile_overlayer_lowered:
.L_overlay_start_2:
0xd7: {  	(tag) =	ssettag $0x2  }
0xd8: {  	s0 =	rddreg [dreg:$0x0];
	s2 =	stileid.u32  }
0xd9: {  	s1 =	rddreg [dreg:$0x1];
	p0 =	sne.s32 s2, $0x0  }
0xda: {  	s3 =	rddreg [dreg:$0x2];
	[bflag:$0x3] =	sbarrier.arrive $0xFFFF;
	s2 =	simm.s32 @!p0 $0x1C10  }
0xdb: {  	[timem:s3], [sflag:s2] =	dma.local @!p0 [hbm:s0], s1  }
0xdc: {  	s0 =	simm.s32 @!p0 $0x10  }
0xdd: {  	_ =	swait.ge @!p0 [sflag:s0], s1  }
0xde: {  	s1 =	ssub.s32 @!p0 $0x0, s1;
	[sflag:s0] =	ssyncset.done @!p0 $0x0  }
0xdf: {  	[sflag:s0] =	ssyncadd.s32 @!p0 s1  }
0xe0: {  	[bflag:$0x3] =	sbarrier.arrive $0xFFFF  }
0xe1: {  	_ =	shalt  }

</sc_bundles>
